<compile_context>
chip_gen: v7x
topology: tpu7x:2x2x1
jax: 0.10.2.dev20260603
libtpu: 0.0.44.dev20260713+nightly
codegen_flags: <defaults>
</compile_context>

<pallas_src>
import functools

import jax
import jax.numpy as jnp
from jax import lax
from jax.experimental import pallas as pl
from jax.experimental.pallas import tpu as pltpu
from jax.experimental.pallas import tpu_sc as plsc

N = 10000
NP = 10240
E = 320000
EP = 327680
ER = EP // 128
D = 128
KC = 9
B = 32

NC = 2
NS = 16
NW = NC * NS
RPW = ER // NW
CH = 2
NCHUNK = RPW // CH
RT = NP // NS
ROWS0 = 144
ROWS1 = ER // NS - ROWS0
RBLK = 512
F32 = jnp.float32


@functools.lru_cache(maxsize=None)
def _sc_kernels():
    mesh = plsc.VectorSubcoreMesh(
        core_axis_name="c", subcore_axis_name="s", num_cores=NC, num_subcores=NS
    )
    deg = _make_deg_kernel(mesh)
    msg = _make_msg_kernel(mesh)
    return deg, msg


def _make_deg_kernel(mesh):
    return functools.partial(
        pl.kernel,
        out_type=jax.ShapeDtypeStruct((NC, NP, 16), F32),
        mesh=mesh,
        scratch_types=[
            pltpu.VMEM((CH, 128), jnp.int32),
            pltpu.VMEM((128, 16), F32),
            pltpu.VMEM((128, 16), F32),
            pltpu.VMEM_SHARED((NP, 16), F32),
        ],
    )(_deg_body)


def _deg_body(dst_hbm, out_hbm, idx_v, e0_v, buf_v, deg_sh):
    c = lax.axis_index("c")
    s = lax.axis_index("s")
    wid = s * NC + c
    lane = lax.broadcasted_iota(jnp.int32, (16,), 0)
    e0 = jnp.where(lane == 0, 1.0, 0.0).astype(F32)
    zero16 = jnp.zeros((16,), F32)

    def fill_body(i, _):
        e0_v[i, :] = e0
        buf_v[i, :] = zero16
        return 0

    lax.fori_loop(0, 128, fill_body, 0)
    r0 = s * RT

    def zspm(k, _):
        pltpu.sync_copy(buf_v, deg_sh.at[pl.ds(r0 + k * 128, 128)])
        return 0

    lax.fori_loop(0, RT // 128, zspm, 0)
    plsc.subcore_barrier()

    def chunk(i, _):
        rb = wid * RPW + i * CH
        pltpu.sync_copy(dst_hbm.at[pl.ds(rb, CH)], idx_v)
        for j in range(CH):
            pltpu.sync_copy(e0_v, deg_sh.at[idx_v.at[j]], add=True)
        return 0

    lax.fori_loop(0, NCHUNK, chunk, 0)
    plsc.subcore_barrier()
    for k in range(RT // 128):
        pltpu.sync_copy(deg_sh.at[pl.ds(r0 + k * 128, 128)], buf_v)

        @pl.when(c == 0)
        def _():
            pltpu.sync_copy(buf_v, out_hbm.at[0, pl.ds(r0 + k * 128, 128)])

        @pl.when(c == 1)
        def _():
            pltpu.sync_copy(buf_v, out_hbm.at[1, pl.ds(r0 + k * 128, 128)])


def _make_msg_kernel(mesh):
    return functools.partial(
        pl.kernel,
        out_type=jax.ShapeDtypeStruct((NC, NP, D), F32),
        mesh=mesh,
        scratch_types=[
            pltpu.VMEM((8, 128), jnp.int32),
            pltpu.VMEM((8, 128), jnp.int32),
            pltpu.VMEM((2 * 128, D), F32),
            pltpu.VMEM((64, D), F32),
            pltpu.VMEM_SHARED((NP, D), F32),
            pltpu.SemaphoreType.DMA,
            pltpu.SemaphoreType.DMA,
        ],
    )(_msg_body)


def _msg_body(g_hbm, src_hbm, dst_hbm, out_hbm, srcv, dstv, rows_v, zb_v, acc_sh,
              sem0, sem1):
    c = lax.axis_index("c")
    s = lax.axis_index("s")
    zero16 = jnp.zeros((16,), F32)
    sems = (sem0, sem1)

    def zb_body(i, _):
        for j in range(D // 16):
            zb_v[i, pl.ds(j * 16, 16)] = zero16
        return 0

    lax.fori_loop(0, 64, zb_body, 0)
    r0 = s * RT
    for k in range(RT // 64):
        pltpu.async_copy(zb_v, acc_sh.at[pl.ds(r0 + k * 64, 64)], sems[0])
    for k in range(RT // 64):
        pltpu.make_async_copy(zb_v, acc_sh.at[pl.ds(r0, 64)], sems[0]).wait()
    plsc.subcore_barrier()

    base = jnp.where(c == 0, s * ROWS0, NS * ROWS0 + s * ROWS1)
    nch = jnp.where(c == 0, ROWS0 // CH, ROWS1 // CH)

    def chunk(i, _):
        rb = base + i * CH
        pltpu.sync_copy(src_hbm.at[pl.ds(rb, CH)], srcv.at[pl.ds(0, CH)])
        pltpu.sync_copy(dst_hbm.at[pl.ds(rb, CH)], dstv.at[pl.ds(0, CH)])
        cps = [
            pltpu.async_copy(
                g_hbm.at[srcv.at[j]], rows_v.at[pl.ds(j * 128, 128)], sems[0]
            )
            for j in range(CH)
        ]
        for cp in cps:
            cp.wait()
        for j in range(CH):
            pltpu.sync_copy(
                rows_v.at[pl.ds(j * 128, 128)], acc_sh.at[dstv.at[j]], add=True
            )
        return 0

    lax.fori_loop(0, nch, chunk, 0)
    plsc.subcore_barrier()
    for off, nout in ((0, 256), (256, 256), (512, 128)):
        pltpu.sync_copy(acc_sh.at[pl.ds(r0 + off, nout)], rows_v.at[pl.ds(0, nout)])

        @pl.when(c == 0)
        def _():
            pltpu.sync_copy(
                rows_v.at[pl.ds(0, nout)], out_hbm.at[0, pl.ds(r0 + off, nout)]
            )

        @pl.when(c == 1)
        def _():
            pltpu.sync_copy(
                rows_v.at[pl.ds(0, nout)], out_hbm.at[1, pl.ds(r0 + off, nout)]
            )


def _tc_ab_body(x_ref, w1_ref, d0_ref, d1_ref, h_ref, g_ref, dinv_ref, deg_ref):
    h = jnp.dot(x_ref[...], w1_ref[...], preferred_element_type=F32)
    degr = d0_ref[:, :1] + d1_ref[:, :1]
    dinv = lax.rsqrt(degr + 1.0)
    h_ref[...] = h
    g_ref[...] = h * dinv
    dinv_ref[...] = dinv
    deg_ref[...] = degr


def _tc_c_body(h_ref, a0_ref, a1_ref, dinv_ref, b1_ref, wp_ref, bp_ref,
               hout_ref, sraw_ref, spad_ref):
    dinv = dinv_ref[...]
    pre = (a0_ref[...] + a1_ref[...]) * dinv + h_ref[...] * (dinv * dinv) + b1_ref[...]
    hout = jnp.maximum(pre, 0.0)
    hout_ref[...] = hout
    sr16 = jnp.dot(hout, wp_ref[...], preferred_element_type=F32) + bp_ref[...]
    col = lax.broadcasted_iota(jnp.int32, sr16.shape, 1)
    srm = jnp.where(col < KC, sr16, -3e38)
    m = jnp.max(srm, axis=1, keepdims=True)
    e = jnp.exp(srm - m)
    spad_ref[...] = e / jnp.sum(e, axis=1, keepdims=True)
    sraw_ref[...] = sr16[:, :KC]


def _tc_d_body(hout_ref, spad_ref, p0_ref, p1_ref, deg_ref, batch_ref,
               xp_ref, ss_ref, adj_ref, den_ref):
    i = pl.program_id(0)
    s9 = spad_ref[:, :KC]
    bvec = batch_ref[...]
    ohb = (bvec == lax.broadcasted_iota(jnp.int32, (RBLK, B), 1)).astype(F32)
    colc = lax.broadcasted_iota(jnp.int32, (RBLK, B * KC), 1)
    oh9 = (bvec == colc // KC).astype(F32)
    selk = (
        lax.broadcasted_iota(jnp.int32, (KC, B * KC), 0)
        == lax.broadcasted_iota(jnp.int32, (KC, B * KC), 1) % KC
    ).astype(F32)
    s9t = jnp.dot(s9, selk, preferred_element_type=F32)
    t = oh9 * s9t
    cdim = (((0,), (0,)), ((), ()))
    xp = lax.dot_general(t, hout_ref[...], cdim, preferred_element_type=F32)
    ssp = lax.dot_general(t, s9, cdim, preferred_element_type=F32)
    p9 = p0_ref[:, :KC] + p1_ref[:, :KC]
    adjp = lax.dot_general(t, p9, cdim, preferred_element_type=F32)
    vv = deg_ref[...] * jnp.sum(s9 * s9, axis=1, keepdims=True)
    denp = lax.dot_general(ohb, vv, cdim, preferred_element_type=F32)

    @pl.when(i == 0)
    def _():
        xp_ref[...] = xp
        ss_ref[...] = ssp
        adj_ref[...] = adjp
        den_ref[...] = denp

    @pl.when(i != 0)
    def _():
        xp_ref[...] += xp
        ss_ref[...] += ssp
        adj_ref[...] += adjp
        den_ref[...] += denp


def _tc_e_body(xp_ref, ss_ref, adj_ref, den_ref, lsm_ref, mc_ref, o_ref, adjn_ref):
    r = B * KC
    rows_k = lax.broadcasted_iota(jnp.int32, (r, KC), 0) % KC
    mask = (rows_k == lax.broadcasted_iota(jnp.int32, (r, KC), 1)).astype(F32)
    grp = (
        lax.broadcasted_iota(jnp.int32, (r, B), 0) // KC
        == lax.broadcasted_iota(jnp.int32, (r, B), 1)
    ).astype(F32)
    cdim = (((0,), (0,)), ((), ()))
    adj = adj_ref[...]
    den = den_ref[...]
    trrow = jnp.sum(adj * mask, axis=1, keepdims=True)
    num = lax.dot_general(grp, trrow, cdim, preferred_element_type=F32)
    mc_ref[...] = jnp.reshape(-jnp.sum(num / (den + 1e-10)) / B, (1, 1))
    ss = ss_ref[...]
    sq = jnp.sum(ss * ss, axis=1, keepdims=True)
    ssn = jnp.sqrt(lax.dot_general(grp, sq, cdim, preferred_element_type=F32))
    ssn_rows = jnp.dot(grp, ssn, preferred_element_type=F32)
    normed = ss / (ssn_rows + 1e-10) - mask / 3.0
    fro = jnp.sqrt(
        lax.dot_general(grp, jnp.sum(normed * normed, axis=1, keepdims=True), cdim,
                        preferred_element_type=F32)
    )
    o_ref[...] = jnp.reshape(jnp.sum(fro) / B, (1, 1))
    a0 = adj * (1.0 - mask)
    rs = jnp.sum(a0, axis=1, keepdims=True)
    ddf = jnp.sqrt(rs + 1e-10)
    ddgrp = lax.dot_general(grp, mask * ddf, cdim, preferred_element_type=F32)
    ddl = jnp.dot(grp, ddgrp, preferred_element_type=F32)
    adjn_ref[...] = a0 / ddl / ddf
    xp = xp_ref[...]
    m = jnp.max(xp, axis=1, keepdims=True)
    z = xp - m
    lse = jnp.log(jnp.sum(jnp.exp(z), axis=1, keepdims=True))
    lsm_ref[...] = z - lse


def _row_spec(w):
    return pl.BlockSpec((RBLK, w), lambda i: (i, 0))


def _full_spec(h, w):
    return pl.BlockSpec((h, w), lambda i: (0, 0))


_ab_call = pl.pallas_call(
    _tc_ab_body,
    grid=(NP // RBLK,),
    in_specs=[_row_spec(D), _full_spec(D, D), _row_spec(16), _row_spec(16)],
    out_specs=[_row_spec(D), _row_spec(D), _row_spec(1), _row_spec(1)],
    out_shape=[
        jax.ShapeDtypeStruct((NP, D), F32),
        jax.ShapeDtypeStruct((NP, D), F32),
        jax.ShapeDtypeStruct((NP, 1), F32),
        jax.ShapeDtypeStruct((NP, 1), F32),
    ],
)

_c_call = pl.pallas_call(
    _tc_c_body,
    grid=(NP // RBLK,),
    in_specs=[
        _row_spec(D), _row_spec(D), _row_spec(D), _row_spec(1),
        _full_spec(1, D), _full_spec(D, D), _full_spec(1, D),
    ],
    out_specs=[_row_spec(D), _row_spec(KC), _row_spec(D)],
    out_shape=[
        jax.ShapeDtypeStruct((NP, D), F32),
        jax.ShapeDtypeStruct((NP, KC), F32),
        jax.ShapeDtypeStruct((NP, D), F32),
    ],
)

_d_call = pl.pallas_call(
    _tc_d_body,
    grid=(NP // RBLK,),
    in_specs=[
        _row_spec(D), _row_spec(D), _row_spec(D), _row_spec(D),
        _row_spec(1), _row_spec(1),
    ],
    out_specs=[
        _full_spec(B * KC, D), _full_spec(B * KC, KC),
        _full_spec(B * KC, KC), _full_spec(B, 1),
    ],
    out_shape=[
        jax.ShapeDtypeStruct((B * KC, D), F32),
        jax.ShapeDtypeStruct((B * KC, KC), F32),
        jax.ShapeDtypeStruct((B * KC, KC), F32),
        jax.ShapeDtypeStruct((B, 1), F32),
    ],
)

_e_call = pl.pallas_call(
    _tc_e_body,
    grid=(1,),
    in_specs=[
        _full_spec(B * KC, D), _full_spec(B * KC, KC),
        _full_spec(B * KC, KC), _full_spec(B, 1),
    ],
    out_specs=[
        _full_spec(B * KC, D), _full_spec(1, 1), _full_spec(1, 1),
        _full_spec(B * KC, KC),
    ],
    out_shape=[
        jax.ShapeDtypeStruct((B * KC, D), F32),
        jax.ShapeDtypeStruct((1, 1), F32),
        jax.ShapeDtypeStruct((1, 1), F32),
        jax.ShapeDtypeStruct((B * KC, KC), F32),
    ],
)


def kernel(x, edge_index, batch, W1, b1, Wp, bp):
    x_pad = jnp.zeros((NP, D), F32).at[:N].set(x)
    pad_idx = jnp.full((EP - E,), N, jnp.int32)
    src = jnp.concatenate([edge_index[0], pad_idx]).reshape(ER, 128)
    dst = jnp.concatenate([edge_index[1], pad_idx]).reshape(ER, 128)
    batch_pad = jnp.concatenate(
        [batch, jnp.full((NP - N,), B, jnp.int32)]
    ).reshape(NP, 1)
    wp128 = jnp.zeros((D, D), F32).at[:, :KC].set(Wp)
    bp128 = jnp.zeros((1, D), F32).at[0, :KC].set(bp)
    b1r = b1.reshape(1, D)

    deg_kernel, msg_kernel = _sc_kernels()
    degs = deg_kernel(dst)
    h, g, dinv, degreal = _ab_call(x_pad, W1, degs[0], degs[1])
    accs = msg_kernel(g, src, dst)
    hout, sraw, spad = _c_call(h, accs[0], accs[1], dinv, b1r, wp128, bp128)
    ps = msg_kernel(spad, dst, src)
    xp_f, ss_f, adj_f, den = _d_call(hout, spad, ps[0], ps[1], degreal, batch_pad)
    lsm_f, mc, o, adjn_f = _e_call(xp_f, ss_f, adj_f, den)
    return (
        lsm_f.reshape(B, KC, D),
        mc[0, 0],
        o[0, 0],
        sraw[:N],
        adjn_f.reshape(B, KC, KC),
    )

# --- scband reference (transcript-rebuilt; emitter-appended) ---
"""Pipeline reference for scband-net-2284922601976 (READ-ONLY COPY).

The authoritative reference and input builder live on the scoring server;
editing this copy changes nothing except your own understanding.
"""

import jax, jax.numpy as jnp
import numpy as np

NUM_GRAPHS = 32
NUM_NODES = 10000
NUM_EDGES = 320000
D_IN = 128
HIDDEN = 128
K = 9


def gcn_conv(x, edge_index, W, b):
    N = x.shape[0]
    src, dst = edge_index[0], edge_index[1]
    sl = jnp.arange(N, dtype=src.dtype)
    src2 = jnp.concatenate([src, sl])
    dst2 = jnp.concatenate([dst, sl])
    deg = jax.ops.segment_sum(jnp.ones(src2.shape[0], dtype=x.dtype), dst2, num_segments=N)
    dinv = jnp.where(deg > 0, 1.0 / jnp.sqrt(deg), 0.0)
    norm = dinv[src2] * dinv[dst2]
    h = x @ W
    msg = h[src2] * norm[:, None]
    agg = jax.ops.segment_sum(msg, dst2, num_segments=N)
    return agg + b


def sparse_mincut_pool_batch(x, edge_index, s_raw, batch, num_graphs):
    s = jax.nn.softmax(s_raw, axis=-1)
    B = num_graphs
    Kc = s.shape[1]
    src, dst = edge_index[0], edge_index[1]
    # pooled node features: x_pool[b] = S_b^T X_b
    xp = jax.ops.segment_sum(s[:, :, None] * x[:, None, :], batch, num_segments=B)
    # pooled adjacency: adj_pool[b] = S_b^T A_b S_b (edge weight 1)
    e_outer = s[src][:, :, None] * s[dst][:, None, :]
    adj = jax.ops.segment_sum(e_outer, batch[src], num_segments=B)
    # mincut loss: -mean_b Tr(S^T A S) / Tr(S^T D S)
    num = jax.ops.segment_sum(jnp.sum(s[src] * s[dst], axis=-1), batch[src], num_segments=B)
    deg = jax.ops.segment_sum(jnp.ones(src.shape[0], dtype=x.dtype), dst, num_segments=x.shape[0])
    den = jax.ops.segment_sum(deg * jnp.sum(s * s, axis=-1), batch, num_segments=B)
    mincut_loss = -jnp.mean(num / (den + 1e-10))
    # orthogonality loss
    ss = jax.ops.segment_sum(s[:, :, None] * s[:, None, :], batch, num_segments=B)
    ss_norm = jnp.linalg.norm(ss, axis=(1, 2), keepdims=True)
    eye = jnp.eye(Kc, dtype=x.dtype) / jnp.sqrt(jnp.asarray(Kc, dtype=x.dtype))
    ortho_loss = jnp.mean(jnp.linalg.norm(ss / (ss_norm + 1e-10) - eye[None], axis=(1, 2)))
    # zero diagonal and symmetrically normalize pooled adjacency
    idx = jnp.arange(Kc)
    adj = adj.at[:, idx, idx].set(0.0)
    dd = jnp.sqrt(jnp.sum(adj, axis=-1) + 1e-10)
    adj = adj / dd[:, None, :] / dd[:, :, None]
    return xp, adj, mincut_loss, ortho_loss


def setup_inputs(seed: int = 0):
    key = jax.random.key(seed)
    k1, k2, k3, k4, k5 = jax.random.split(key, 5)
    x = jax.random.normal(k1, (NUM_NODES, D_IN), dtype=jnp.float32)
    edge_index = jax.random.randint(k2, (2, NUM_EDGES), 0, NUM_NODES, dtype=jnp.int32)
    batch = jnp.sort(jax.random.randint(k3, (NUM_NODES,), 0, NUM_GRAPHS, dtype=jnp.int32))
    W1 = jax.random.normal(k4, (D_IN, HIDDEN), dtype=jnp.float32) * (1.0 / np.sqrt(D_IN))
    b1 = jnp.zeros((HIDDEN,), dtype=jnp.float32)
    Wp = jax.random.normal(k5, (HIDDEN, K), dtype=jnp.float32) * (1.0 / np.sqrt(HIDDEN))
    bp = jnp.zeros((K,), dtype=jnp.float32)
    return {"x": x, "edge_index": edge_index, "batch": batch, "W1": W1, "b1": b1, "Wp": Wp, "bp": bp}


def reference(x, edge_index, batch, W1, b1, Wp, bp):
    h = jax.nn.relu(gcn_conv(x, edge_index, W1, b1))
    s_raw = h @ Wp + bp
    x_pool, adj_pool, mc1, o1 = sparse_mincut_pool_batch(h, edge_index, s_raw, batch, NUM_GRAPHS)
    return (jax.nn.log_softmax(x_pool, axis=-1), mc1, o1, s_raw, adj_pool)

if __name__ == "__main__":
    import jax
    _d = setup_inputs()
    print(jax.jit(kernel)(*tuple(_d.values())))

</pallas_src>

<mosaic_0001>
#map = affine_map<(d0, d1) -> (0, 0)>
#map1 = affine_map<(d0, d1) -> (0, 0, 0)>
module attributes {stable_mosaic.version = 14 : i64} {
  func.func @_deg_body(%arg0: i32, %arg1: i32, %arg2: memref<2560x128xi32, #tpu.memory_space<hbm>>, %arg3: memref<2x10240x16xf32, #tpu.memory_space<hbm>>, %arg4: memref<2x128xi32, #tpu.memory_space<vmem>>, %arg5: memref<128x16xf32, #tpu.memory_space<vmem>>, %arg6: memref<128x16xf32, #tpu.memory_space<vmem>>, %arg7: memref<10240x16xf32, #tpu.memory_space<vmem_shared>>) attributes {dimension_semantics = [#tpu.dimension_semantics<core_parallel>, #tpu.dimension_semantics<subcore_parallel>], iteration_bounds = array<i64: 2, 16>, scalar_prefetch = 0 : i64, scratch_operands = 4 : i64, tpu.core_type = #tpu.core_type<sc_vector_subcore>, window_params = [{transform_indices = #map}, {transform_indices = #map1}]} {
    %mul3A = arith.constant 2 : i32
    %mul3A_0 = arith.muli %arg1, %mul3A : i32
    %add3A = arith.addi %mul3A_0, %arg0 : i32
    %iota3A = tpu.iota {dimensions = array<i32: 0>} : vector<16xi32>
    %eq3A = arith.constant 0 : i32
    %eq3A_1 = vector.broadcast %eq3A : i32 to vector<16xi32>
    %eq3A_2 = arith.cmpi eq, %iota3A, %eq3A_1 : vector<16xi32>
    %jit3A = arith.constant 1.000000e+00 : f32
    %jit3A_3 = arith.constant 0.000000e+00 : f32
    %broadcast_in_dim3A = vector.broadcast %jit3A : f32 to vector<16xf32>
    %broadcast_in_dim3A_4 = vector.broadcast %jit3A_3 : f32 to vector<16xf32>
    %select_n3A = arith.select %eq3A_2, %broadcast_in_dim3A, %broadcast_in_dim3A_4 : vector<16xi1>, vector<16xf32>
    %broadcast_in_dim3A_5 = arith.constant 0.000000e+00 : f32
    %broadcast_in_dim3A_6 = vector.broadcast %broadcast_in_dim3A_5 : f32 to vector<16xf32>
    %scan3A = arith.constant 0 : i32
    %scan3A_7 = arith.constant 0 : i32
    %scan3A_8 = arith.constant 128 : i32
    %scan3A_9 = arith.addi %scan3A_7, %scan3A_8 : i32
    %scan3A_10 = arith.constant 1 : i32
    %scan3A_11 = scf.for %scan3A_88 = %scan3A_7 to %scan3A_9 step %scan3A_10 iter_args(%scan3A_89 = %scan3A) -> (i32)  : i32 {
      %swap3A = arith.index_cast %scan3A_88 : i32 to index
      %swap3A_90 = arith.constant 0 : index
      %swap3A_91 = tpu.vector_load %arg5[%swap3A, %swap3A_90] {strides = array<i32>} : memref<128x16xf32, #tpu.memory_space<vmem>>, vector<1x16xf32>,
      %swap3A_92 = vector.shape_cast %swap3A_91 : vector<1x16xf32> to vector<16xf32>
      %swap3A_93 = vector.shape_cast %select_n3A : vector<16xf32> to vector<1x16xf32>
      tpu.vector_store %arg5[%swap3A, %swap3A_90], %swap3A_93 {strides = array<i32>} : memref<128x16xf32, #tpu.memory_space<vmem>>, vector<1x16xf32>,
      %swap3A_94 = arith.index_cast %scan3A_88 : i32 to index
      %swap3A_95 = arith.constant 0 : index
      %swap3A_96 = tpu.vector_load %arg6[%swap3A_94, %swap3A_95] {strides = array<i32>} : memref<128x16xf32, #tpu.memory_space<vmem>>, vector<1x16xf32>,
      %swap3A_97 = vector.shape_cast %swap3A_96 : vector<1x16xf32> to vector<16xf32>
      %swap3A_98 = vector.shape_cast %broadcast_in_dim3A_6 : vector<16xf32> to vector<1x16xf32>
      tpu.vector_store %arg6[%swap3A_94, %swap3A_95], %swap3A_98 {strides = array<i32>} : memref<128x16xf32, #tpu.memory_space<vmem>>, vector<1x16xf32>,
      %scan3A_99 = arith.constant 0 : i32
      scf.yield %scan3A_99 : i32
    }
    %scan3A_12 = arith.constant 128 : i32
    %mul3A_13 = arith.constant 640 : i32
    %mul3A_14 = arith.muli %arg1, %mul3A_13 : i32
    %scan3A_15 = arith.constant 0 : i32
    %scan3A_16 = arith.constant 0 : i32
    %scan3A_17 = arith.constant 5 : i32
    %scan3A_18 = arith.addi %scan3A_16, %scan3A_17 : i32
    %scan3A_19 = arith.constant 1 : i32
    %scan3A_20 = scf.for %scan3A_88 = %scan3A_16 to %scan3A_18 step %scan3A_19 iter_args(%scan3A_89 = %scan3A_15) -> (i32)  : i32 {
      %mul3A_90 = arith.constant 128 : i32
      %mul3A_91 = arith.muli %scan3A_88, %mul3A_90 : i32
      %add3A_92 = arith.addi %mul3A_14, %mul3A_91 : i32
      "tpu.region"() ({
        %run_scoped3A = tpu.sem_alloc : memref<!tpu.dma_semaphore, #tpu.memory_space<semaphore_mem>>
        %dma_start3A = arith.constant 0 : i32
        %dma_start3A_94 = tpu.memref_slice %arg7[%add3A_92, %dma_start3A] : memref<10240x16xf32, #tpu.memory_space<vmem_shared>> -> memref<128x16xf32, #tpu.memory_space<vmem_shared>>
        %dma_start3A_95 = arith.constant 0 : i32
        %dma_start3A_96 = tpu.memref_slice %arg7[%add3A_92, %dma_start3A_95] : memref<10240x16xf32, #tpu.memory_space<vmem_shared>> -> memref<128x16xf32, #tpu.memory_space<vmem_shared>>
        tpu.enqueue_dma source(%arg6 : memref<128x16xf32, #tpu.memory_space<vmem>>) target(%dma_start3A_96 : memref<128x16xf32, #tpu.memory_space<vmem_shared>>) target_semaphore(%run_scoped3A : memref<!tpu.dma_semaphore, #tpu.memory_space<semaphore_mem>>)
        %dma_wait3A = arith.constant 0 : i32
        %dma_wait3A_97 = tpu.memref_slice %arg7[%add3A_92, %dma_wait3A] : memref<10240x16xf32, #tpu.memory_space<vmem_shared>> -> memref<128x16xf32, #tpu.memory_space<vmem_shared>>
        %dma_wait3A_98 = arith.constant 0 : i32
        %dma_wait3A_99 = tpu.memref_slice %arg7[%add3A_92, %dma_wait3A_98] : memref<10240x16xf32, #tpu.memory_space<vmem_shared>> -> memref<128x16xf32, #tpu.memory_space<vmem_shared>>
        tpu.wait_dma2 semaphore(%run_scoped3A : memref<!tpu.dma_semaphore, #tpu.memory_space<semaphore_mem>>) src(%arg6 : memref<128x16xf32, #tpu.memory_space<vmem>>) dst(%dma_wait3A_99 : memref<128x16xf32, #tpu.memory_space<vmem_shared>>)
        tpu.yield
      }) : () -> ()
      %scan3A_93 = arith.constant 0 : i32
      scf.yield %scan3A_93 : i32
    }
    %scan3A_21 = arith.constant 5 : i32
    %barrier3A = arith.constant 0 : index
    tpu.barrier barrier_id(%barrier3A)
    %scan3A_22 = arith.constant 0 : i32
    %scan3A_23 = arith.constant 0 : i32
    %scan3A_24 = arith.constant 40 : i32
    %scan3A_25 = arith.addi %scan3A_23, %scan3A_24 : i32
    %scan3A_26 = arith.constant 1 : i32
    %scan3A_27 = scf.for %scan3A_88 = %scan3A_23 to %scan3A_25 step %scan3A_26 iter_args(%scan3A_89 = %scan3A_22) -> (i32)  : i32 {
      %mul3A_90 = arith.constant 80 : i32
      %mul3A_91 = arith.muli %add3A, %mul3A_90 : i32
      %mul3A_92 = arith.constant 2 : i32
      %mul3A_93 = arith.muli %scan3A_88, %mul3A_92 : i32
      %add3A_94 = arith.addi %mul3A_91, %mul3A_93 : i32
      "tpu.region"() ({
        %run_scoped3A_97 = tpu.sem_alloc : memref<!tpu.dma_semaphore, #tpu.memory_space<semaphore_mem>>
        %dma_start3A = arith.constant 0 : i32
        %dma_start3A_98 = tpu.memref_slice %arg2[%add3A_94, %dma_start3A] : memref<2560x128xi32, #tpu.memory_space<hbm>> -> memref<2x128xi32, #tpu.memory_space<hbm>>
        %dma_start3A_99 = arith.constant 0 : i32
        %dma_start3A_100 = tpu.memref_slice %arg2[%add3A_94, %dma_start3A_99] : memref<2560x128xi32, #tpu.memory_space<hbm>> -> memref<2x128xi32, #tpu.memory_space<hbm>>
        tpu.enqueue_dma source(%dma_start3A_100 : memref<2x128xi32, #tpu.memory_space<hbm>>) target(%arg4 : memref<2x128xi32, #tpu.memory_space<vmem>>) target_semaphore(%run_scoped3A_97 : memref<!tpu.dma_semaphore, #tpu.memory_space<semaphore_mem>>)
        %dma_wait3A = arith.constant 0 : i32
        %dma_wait3A_101 = tpu.memref_slice %arg2[%add3A_94, %dma_wait3A] : memref<2560x128xi32, #tpu.memory_space<hbm>> -> memref<2x128xi32, #tpu.memory_space<hbm>>
        %dma_wait3A_102 = arith.constant 0 : i32
        %dma_wait3A_103 = tpu.memref_slice %arg2[%add3A_94, %dma_wait3A_102] : memref<2560x128xi32, #tpu.memory_space<hbm>> -> memref<2x128xi32, #tpu.memory_space<hbm>>
        tpu.wait_dma2 semaphore(%run_scoped3A_97 : memref<!tpu.dma_semaphore, #tpu.memory_space<semaphore_mem>>) src(%dma_wait3A_103 : memref<2x128xi32, #tpu.memory_space<hbm>>) dst(%arg4 : memref<2x128xi32, #tpu.memory_space<vmem>>)
        tpu.yield
      }) : () -> ()
      %run_scoped3A = arith.constant 0 : i32
      "tpu.region"() ({
        %run_scoped3A_97 = tpu.sem_alloc : memref<!tpu.dma_semaphore, #tpu.memory_space<semaphore_mem>>
        %dma_start3A = arith.constant 0 : i32
        %dma_start3A_98 = tpu.memref_slice %arg4[%run_scoped3A, %dma_start3A] : memref<2x128xi32, #tpu.memory_space<vmem>> -> memref<1x128xi32, #tpu.memory_space<vmem>>
        %dma_start3A_99 = tpu.memref_squeeze %dma_start3A_98 : memref<1x128xi32, #tpu.memory_space<vmem>> -> memref<128xi32, #tpu.memory_space<vmem>>
        %dma_start3A_100 = arith.constant 0 : i32
        %dma_start3A_101 = arith.constant 0 : i32
        %dma_start3A_102 = tpu.memref_slice %arg7[%dma_start3A_100, %dma_start3A_101] : memref<10240x16xf32, #tpu.memory_space<vmem_shared>> -> memref<10240x16xf32, #tpu.memory_space<vmem_shared>>
        tpu.enqueue_indirect_dma source(%arg5 : memref<128x16xf32, #tpu.memory_space<vmem>>) target(%dma_start3A_102 : memref<10240x16xf32, #tpu.memory_space<vmem_shared>>) offsets(%dma_start3A_99 : memref<128xi32, #tpu.memory_space<vmem>>) semaphore(%run_scoped3A_97 : memref<!tpu.dma_semaphore, #tpu.memory_space<semaphore_mem>>) {add = true}
        %dma_wait3A = arith.constant 0 : i32
        %dma_wait3A_103 = tpu.memref_slice %arg4[%run_scoped3A, %dma_wait3A] : memref<2x128xi32, #tpu.memory_space<vmem>> -> memref<1x128xi32, #tpu.memory_space<vmem>>
        %dma_wait3A_104 = tpu.memref_squeeze %dma_wait3A_103 : memref<1x128xi32, #tpu.memory_space<vmem>> -> memref<128xi32, #tpu.memory_space<vmem>>
        %dma_wait3A_105 = arith.constant 0 : i32
        %dma_wait3A_106 = arith.constant 0 : i32
        %dma_wait3A_107 = tpu.memref_slice %arg7[%dma_wait3A_105, %dma_wait3A_106] : memref<10240x16xf32, #tpu.memory_space<vmem_shared>> -> memref<10240x16xf32, #tpu.memory_space<vmem_shared>>
        tpu.wait_indirect_dma semaphore(%run_scoped3A_97 : memref<!tpu.dma_semaphore, #tpu.memory_space<semaphore_mem>>) src(%arg5 : memref<128x16xf32, #tpu.memory_space<vmem>>) dst(%dma_wait3A_107 : memref<10240x16xf32, #tpu.memory_space<vmem_shared>>)
        tpu.yield
      }) : () -> ()
      %run_scoped3A_95 = arith.constant 1 : i32
      "tpu.region"() ({
        %run_scoped3A_97 = tpu.sem_alloc : memref<!tpu.dma_semaphore, #tpu.memory_space<semaphore_mem>>
        %dma_start3A = arith.constant 0 : i32
        %dma_start3A_98 = tpu.memref_slice %arg4[%run_scoped3A_95, %dma_start3A] : memref<2x128xi32, #tpu.memory_space<vmem>> -> memref<1x128xi32, #tpu.memory_space<vmem>>
        %dma_start3A_99 = tpu.memref_squeeze %dma_start3A_98 : memref<1x128xi32, #tpu.memory_space<vmem>> -> memref<128xi32, #tpu.memory_space<vmem>>
        %dma_start3A_100 = arith.constant 0 : i32
        %dma_start3A_101 = arith.constant 0 : i32
        %dma_start3A_102 = tpu.memref_slice %arg7[%dma_start3A_100, %dma_start3A_101] : memref<10240x16xf32, #tpu.memory_space<vmem_shared>> -> memref<10240x16xf32, #tpu.memory_space<vmem_shared>>
        tpu.enqueue_indirect_dma source(%arg5 : memref<128x16xf32, #tpu.memory_space<vmem>>) target(%dma_start3A_102 : memref<10240x16xf32, #tpu.memory_space<vmem_shared>>) offsets(%dma_start3A_99 : memref<128xi32, #tpu.memory_space<vmem>>) semaphore(%run_scoped3A_97 : memref<!tpu.dma_semaphore, #tpu.memory_space<semaphore_mem>>) {add = true}
        %dma_wait3A = arith.constant 0 : i32
        %dma_wait3A_103 = tpu.memref_slice %arg4[%run_scoped3A_95, %dma_wait3A] : memref<2x128xi32, #tpu.memory_space<vmem>> -> memref<1x128xi32, #tpu.memory_space<vmem>>
        %dma_wait3A_104 = tpu.memref_squeeze %dma_wait3A_103 : memref<1x128xi32, #tpu.memory_space<vmem>> -> memref<128xi32, #tpu.memory_space<vmem>>
        %dma_wait3A_105 = arith.constant 0 : i32
        %dma_wait3A_106 = arith.constant 0 : i32
        %dma_wait3A_107 = tpu.memref_slice %arg7[%dma_wait3A_105, %dma_wait3A_106] : memref<10240x16xf32, #tpu.memory_space<vmem_shared>> -> memref<10240x16xf32, #tpu.memory_space<vmem_shared>>
        tpu.wait_indirect_dma semaphore(%run_scoped3A_97 : memref<!tpu.dma_semaphore, #tpu.memory_space<semaphore_mem>>) src(%arg5 : memref<128x16xf32, #tpu.memory_space<vmem>>) dst(%dma_wait3A_107 : memref<10240x16xf32, #tpu.memory_space<vmem_shared>>)
        tpu.yield
      }) : () -> ()
      %scan3A_96 = arith.constant 0 : i32
      scf.yield %scan3A_96 : i32
    }
    %scan3A_28 = arith.constant 40 : i32
    %barrier3A_29 = arith.constant 0 : index
    tpu.barrier barrier_id(%barrier3A_29)
    %add3A_30 = arith.constant 0 : i32
    %add3A_31 = arith.addi %mul3A_14, %add3A_30 : i32
    "tpu.region"() ({
      %run_scoped3A = tpu.sem_alloc : memref<!tpu.dma_semaphore, #tpu.memory_space<semaphore_mem>>
      %dma_start3A = arith.constant 0 : i32
      %dma_start3A_88 = tpu.memref_slice %arg7[%add3A_31, %dma_start3A] : memref<10240x16xf32, #tpu.memory_space<vmem_shared>> -> memref<128x16xf32, #tpu.memory_space<vmem_shared>>
      %dma_start3A_89 = arith.constant 0 : i32
      %dma_start3A_90 = tpu.memref_slice %arg7[%add3A_31, %dma_start3A_89] : memref<10240x16xf32, #tpu.memory_space<vmem_shared>> -> memref<128x16xf32, #tpu.memory_space<vmem_shared>>
      tpu.enqueue_dma source(%dma_start3A_90 : memref<128x16xf32, #tpu.memory_space<vmem_shared>>) target(%arg6 : memref<128x16xf32, #tpu.memory_space<vmem>>) target_semaphore(%run_scoped3A : memref<!tpu.dma_semaphore, #tpu.memory_space<semaphore_mem>>)
      %dma_wait3A = arith.constant 0 : i32
      %dma_wait3A_91 = tpu.memref_slice %arg7[%add3A_31, %dma_wait3A] : memref<10240x16xf32, #tpu.memory_space<vmem_shared>> -> memref<128x16xf32, #tpu.memory_space<vmem_shared>>
      %dma_wait3A_92 = arith.constant 0 : i32
      %dma_wait3A_93 = tpu.memref_slice %arg7[%add3A_31, %dma_wait3A_92] : memref<10240x16xf32, #tpu.memory_space<vmem_shared>> -> memref<128x16xf32, #tpu.memory_space<vmem_shared>>
      tpu.wait_dma2 semaphore(%run_scoped3A : memref<!tpu.dma_semaphore, #tpu.memory_space<semaphore_mem>>) src(%dma_wait3A_93 : memref<128x16xf32, #tpu.memory_space<vmem_shared>>) dst(%arg6 : memref<128x16xf32, #tpu.memory_space<vmem>>)
      tpu.yield
    }) : () -> ()
    %eq3A_32 = arith.constant 0 : i32
    %eq3A_33 = arith.cmpi eq, %arg0, %eq3A_32 : i32
    %convert_element_type3A = arith.extui %eq3A_33 : i1 to i32
    %cond3A = arith.constant 0 : i32
    %cond3A_34 = arith.cmpi ne, %convert_element_type3A, %cond3A : i32
    scf.if %cond3A_34 {
      %add3A_88 = arith.constant 0 : i32
      %add3A_89 = arith.addi %mul3A_14, %add3A_88 : i32
      %run_scoped3A = arith.constant 0 : i32
      "tpu.region"() ({
        %run_scoped3A_90 = tpu.sem_alloc : memref<!tpu.dma_semaphore, #tpu.memory_space<semaphore_mem>>
        %dma_start3A = arith.constant 0 : i32
        %dma_start3A_91 = tpu.memref_slice %arg3[%run_scoped3A, %add3A_89, %dma_start3A] : memref<2x10240x16xf32, #tpu.memory_space<hbm>> -> memref<1x128x16xf32, #tpu.memory_space<hbm>>
        %dma_start3A_92 = tpu.memref_squeeze %dma_start3A_91 : memref<1x128x16xf32, #tpu.memory_space<hbm>> -> memref<128x16xf32, #tpu.memory_space<hbm>>
        %dma_start3A_93 = arith.constant 0 : i32
        %dma_start3A_94 = tpu.memref_slice %arg3[%run_scoped3A, %add3A_89, %dma_start3A_93] : memref<2x10240x16xf32, #tpu.memory_space<hbm>> -> memref<1x128x16xf32, #tpu.memory_space<hbm>>
        %dma_start3A_95 = tpu.memref_squeeze %dma_start3A_94 : memref<1x128x16xf32, #tpu.memory_space<hbm>> -> memref<128x16xf32, #tpu.memory_space<hbm>>
        tpu.enqueue_dma source(%arg6 : memref<128x16xf32, #tpu.memory_space<vmem>>) target(%dma_start3A_95 : memref<128x16xf32, #tpu.memory_space<hbm>>) target_semaphore(%run_scoped3A_90 : memref<!tpu.dma_semaphore, #tpu.memory_space<semaphore_mem>>)
        %dma_wait3A = arith.constant 0 : i32
        %dma_wait3A_96 = tpu.memref_slice %arg3[%run_scoped3A, %add3A_89, %dma_wait3A] : memref<2x10240x16xf32, #tpu.memory_space<hbm>> -> memref<1x128x16xf32, #tpu.memory_space<hbm>>
        %dma_wait3A_97 = tpu.memref_squeeze %dma_wait3A_96 : memref<1x128x16xf32, #tpu.memory_space<hbm>> -> memref<128x16xf32, #tpu.memory_space<hbm>>
        %dma_wait3A_98 = arith.constant 0 : i32
        %dma_wait3A_99 = tpu.memref_slice %arg3[%run_scoped3A, %add3A_89, %dma_wait3A_98] : memref<2x10240x16xf32, #tpu.memory_space<hbm>> -> memref<1x128x16xf32, #tpu.memory_space<hbm>>
        %dma_wait3A_100 = tpu.memref_squeeze %dma_wait3A_99 : memref<1x128x16xf32, #tpu.memory_space<hbm>> -> memref<128x16xf32, #tpu.memory_space<hbm>>
        tpu.wait_dma2 semaphore(%run_scoped3A_90 : memref<!tpu.dma_semaphore, #tpu.memory_space<semaphore_mem>>) src(%arg6 : memref<128x16xf32, #tpu.memory_space<vmem>>) dst(%dma_wait3A_100 : memref<128x16xf32, #tpu.memory_space<hbm>>)
        tpu.yield
      }) : () -> ()
    } else {
    }
    %eq3A_35 = arith.constant 1 : i32
    %eq3A_36 = arith.cmpi eq, %arg0, %eq3A_35 : i32
    %convert_element_type3A_37 = arith.extui %eq3A_36 : i1 to i32
    %cond3A_38 = arith.constant 0 : i32
    %cond3A_39 = arith.cmpi ne, %convert_element_type3A_37, %cond3A_38 : i32
    scf.if %cond3A_39 {
      %add3A_88 = arith.constant 0 : i32
      %add3A_89 = arith.addi %mul3A_14, %add3A_88 : i32
      %run_scoped3A = arith.constant 1 : i32
      "tpu.region"() ({
        %run_scoped3A_90 = tpu.sem_alloc : memref<!tpu.dma_semaphore, #tpu.memory_space<semaphore_mem>>
        %dma_start3A = arith.constant 0 : i32
        %dma_start3A_91 = tpu.memref_slice %arg3[%run_scoped3A, %add3A_89, %dma_start3A] : memref<2x10240x16xf32, #tpu.memory_space<hbm>> -> memref<1x128x16xf32, #tpu.memory_space<hbm>>
        %dma_start3A_92 = tpu.memref_squeeze %dma_start3A_91 : memref<1x128x16xf32, #tpu.memory_space<hbm>> -> memref<128x16xf32, #tpu.memory_space<hbm>>
        %dma_start3A_93 = arith.constant 0 : i32
        %dma_start3A_94 = tpu.memref_slice %arg3[%run_scoped3A, %add3A_89, %dma_start3A_93] : memref<2x10240x16xf32, #tpu.memory_space<hbm>> -> memref<1x128x16xf32, #tpu.memory_space<hbm>>
        %dma_start3A_95 = tpu.memref_squeeze %dma_start3A_94 : memref<1x128x16xf32, #tpu.memory_space<hbm>> -> memref<128x16xf32, #tpu.memory_space<hbm>>
        tpu.enqueue_dma source(%arg6 : memref<128x16xf32, #tpu.memory_space<vmem>>) target(%dma_start3A_95 : memref<128x16xf32, #tpu.memory_space<hbm>>) target_semaphore(%run_scoped3A_90 : memref<!tpu.dma_semaphore, #tpu.memory_space<semaphore_mem>>)
        %dma_wait3A = arith.constant 0 : i32
        %dma_wait3A_96 = tpu.memref_slice %arg3[%run_scoped3A, %add3A_89, %dma_wait3A] : memref<2x10240x16xf32, #tpu.memory_space<hbm>> -> memref<1x128x16xf32, #tpu.memory_space<hbm>>
        %dma_wait3A_97 = tpu.memref_squeeze %dma_wait3A_96 : memref<1x128x16xf32, #tpu.memory_space<hbm>> -> memref<128x16xf32, #tpu.memory_space<hbm>>
        %dma_wait3A_98 = arith.constant 0 : i32
        %dma_wait3A_99 = tpu.memref_slice %arg3[%run_scoped3A, %add3A_89, %dma_wait3A_98] : memref<2x10240x16xf32, #tpu.memory_space<hbm>> -> memref<1x128x16xf32, #tpu.memory_space<hbm>>
        %dma_wait3A_100 = tpu.memref_squeeze %dma_wait3A_99 : memref<1x128x16xf32, #tpu.memory_space<hbm>> -> memref<128x16xf32, #tpu.memory_space<hbm>>
        tpu.wait_dma2 semaphore(%run_scoped3A_90 : memref<!tpu.dma_semaphore, #tpu.memory_space<semaphore_mem>>) src(%arg6 : memref<128x16xf32, #tpu.memory_space<vmem>>) dst(%dma_wait3A_100 : memref<128x16xf32, #tpu.memory_space<hbm>>)
        tpu.yield
      }) : () -> ()
    } else {
    }
    %add3A_40 = arith.constant 128 : i32
    %add3A_41 = arith.addi %mul3A_14, %add3A_40 : i32
    "tpu.region"() ({
      %run_scoped3A = tpu.sem_alloc : memref<!tpu.dma_semaphore, #tpu.memory_space<semaphore_mem>>
      %dma_start3A = arith.constant 0 : i32
      %dma_start3A_88 = tpu.memref_slice %arg7[%add3A_41, %dma_start3A] : memref<10240x16xf32, #tpu.memory_space<vmem_shared>> -> memref<128x16xf32, #tpu.memory_space<vmem_shared>>
      %dma_start3A_89 = arith.constant 0 : i32
      %dma_start3A_90 = tpu.memref_slice %arg7[%add3A_41, %dma_start3A_89] : memref<10240x16xf32, #tpu.memory_space<vmem_shared>> -> memref<128x16xf32, #tpu.memory_space<vmem_shared>>
      tpu.enqueue_dma source(%dma_start3A_90 : memref<128x16xf32, #tpu.memory_space<vmem_shared>>) target(%arg6 : memref<128x16xf32, #tpu.memory_space<vmem>>) target_semaphore(%run_scoped3A : memref<!tpu.dma_semaphore, #tpu.memory_space<semaphore_mem>>)
      %dma_wait3A = arith.constant 0 : i32
      %dma_wait3A_91 = tpu.memref_slice %arg7[%add3A_41, %dma_wait3A] : memref<10240x16xf32, #tpu.memory_space<vmem_shared>> -> memref<128x16xf32, #tpu.memory_space<vmem_shared>>
      %dma_wait3A_92 = arith.constant 0 : i32
      %dma_wait3A_93 = tpu.memref_slice %arg7[%add3A_41, %dma_wait3A_92] : memref<10240x16xf32, #tpu.memory_space<vmem_shared>> -> memref<128x16xf32, #tpu.memory_space<vmem_shared>>
      tpu.wait_dma2 semaphore(%run_scoped3A : memref<!tpu.dma_semaphore, #tpu.memory_space<semaphore_mem>>) src(%dma_wait3A_93 : memref<128x16xf32, #tpu.memory_space<vmem_shared>>) dst(%arg6 : memref<128x16xf32, #tpu.memory_space<vmem>>)
      tpu.yield
    }) : () -> ()
    %eq3A_42 = arith.constant 0 : i32
    %eq3A_43 = arith.cmpi eq, %arg0, %eq3A_42 : i32
    %convert_element_type3A_44 = arith.extui %eq3A_43 : i1 to i32
    %cond3A_45 = arith.constant 0 : i32
    %cond3A_46 = arith.cmpi ne, %convert_element_type3A_44, %cond3A_45 : i32
    scf.if %cond3A_46 {
      %add3A_88 = arith.constant 128 : i32
      %add3A_89 = arith.addi %mul3A_14, %add3A_88 : i32
      %run_scoped3A = arith.constant 0 : i32
      "tpu.region"() ({
        %run_scoped3A_90 = tpu.sem_alloc : memref<!tpu.dma_semaphore, #tpu.memory_space<semaphore_mem>>
        %dma_start3A = arith.constant 0 : i32
        %dma_start3A_91 = tpu.memref_slice %arg3[%run_scoped3A, %add3A_89, %dma_start3A] : memref<2x10240x16xf32, #tpu.memory_space<hbm>> -> memref<1x128x16xf32, #tpu.memory_space<hbm>>
        %dma_start3A_92 = tpu.memref_squeeze %dma_start3A_91 : memref<1x128x16xf32, #tpu.memory_space<hbm>> -> memref<128x16xf32, #tpu.memory_space<hbm>>
        %dma_start3A_93 = arith.constant 0 : i32
        %dma_start3A_94 = tpu.memref_slice %arg3[%run_scoped3A, %add3A_89, %dma_start3A_93] : memref<2x10240x16xf32, #tpu.memory_space<hbm>> -> memref<1x128x16xf32, #tpu.memory_space<hbm>>
        %dma_start3A_95 = tpu.memref_squeeze %dma_start3A_94 : memref<1x128x16xf32, #tpu.memory_space<hbm>> -> memref<128x16xf32, #tpu.memory_space<hbm>>
        tpu.enqueue_dma source(%arg6 : memref<128x16xf32, #tpu.memory_space<vmem>>) target(%dma_start3A_95 : memref<128x16xf32, #tpu.memory_space<hbm>>) target_semaphore(%run_scoped3A_90 : memref<!tpu.dma_semaphore, #tpu.memory_space<semaphore_mem>>)
        %dma_wait3A = arith.constant 0 : i32
        %dma_wait3A_96 = tpu.memref_slice %arg3[%run_scoped3A, %add3A_89, %dma_wait3A] : memref<2x10240x16xf32, #tpu.memory_space<hbm>> -> memref<1x128x16xf32, #tpu.memory_space<hbm>>
        %dma_wait3A_97 = tpu.memref_squeeze %dma_wait3A_96 : memref<1x128x16xf32, #tpu.memory_space<hbm>> -> memref<128x16xf32, #tpu.memory_space<hbm>>
        %dma_wait3A_98 = arith.constant 0 : i32
        %dma_wait3A_99 = tpu.memref_slice %arg3[%run_scoped3A, %add3A_89, %dma_wait3A_98] : memref<2x10240x16xf32, #tpu.memory_space<hbm>> -> memref<1x128x16xf32, #tpu.memory_space<hbm>>
        %dma_wait3A_100 = tpu.memref_squeeze %dma_wait3A_99 : memref<1x128x16xf32, #tpu.memory_space<hbm>> -> memref<128x16xf32, #tpu.memory_space<hbm>>
        tpu.wait_dma2 semaphore(%run_scoped3A_90 : memref<!tpu.dma_semaphore, #tpu.memory_space<semaphore_mem>>) src(%arg6 : memref<128x16xf32, #tpu.memory_space<vmem>>) dst(%dma_wait3A_100 : memref<128x16xf32, #tpu.memory_space<hbm>>)
        tpu.yield
      }) : () -> ()
    } else {
    }
    %eq3A_47 = arith.constant 1 : i32
    %eq3A_48 = arith.cmpi eq, %arg0, %eq3A_47 : i32
    %convert_element_type3A_49 = arith.extui %eq3A_48 : i1 to i32
    %cond3A_50 = arith.constant 0 : i32
    %cond3A_51 = arith.cmpi ne, %convert_element_type3A_49, %cond3A_50 : i32
    scf.if %cond3A_51 {
      %add3A_88 = arith.constant 128 : i32
      %add3A_89 = arith.addi %mul3A_14, %add3A_88 : i32
      %run_scoped3A = arith.constant 1 : i32
      "tpu.region"() ({
        %run_scoped3A_90 = tpu.sem_alloc : memref<!tpu.dma_semaphore, #tpu.memory_space<semaphore_mem>>
        %dma_start3A = arith.constant 0 : i32
        %dma_start3A_91 = tpu.memref_slice %arg3[%run_scoped3A, %add3A_89, %dma_start3A] : memref<2x10240x16xf32, #tpu.memory_space<hbm>> -> memref<1x128x16xf32, #tpu.memory_space<hbm>>
        %dma_start3A_92 = tpu.memref_squeeze %dma_start3A_91 : memref<1x128x16xf32, #tpu.memory_space<hbm>> -> memref<128x16xf32, #tpu.memory_space<hbm>>
        %dma_start3A_93 = arith.constant 0 : i32
        %dma_start3A_94 = tpu.memref_slice %arg3[%run_scoped3A, %add3A_89, %dma_start3A_93] : memref<2x10240x16xf32, #tpu.memory_space<hbm>> -> memref<1x128x16xf32, #tpu.memory_space<hbm>>
        %dma_start3A_95 = tpu.memref_squeeze %dma_start3A_94 : memref<1x128x16xf32, #tpu.memory_space<hbm>> -> memref<128x16xf32, #tpu.memory_space<hbm>>
        tpu.enqueue_dma source(%arg6 : memref<128x16xf32, #tpu.memory_space<vmem>>) target(%dma_start3A_95 : memref<128x16xf32, #tpu.memory_space<hbm>>) target_semaphore(%run_scoped3A_90 : memref<!tpu.dma_semaphore, #tpu.memory_space<semaphore_mem>>)
        %dma_wait3A = arith.constant 0 : i32
        %dma_wait3A_96 = tpu.memref_slice %arg3[%run_scoped3A, %add3A_89, %dma_wait3A] : memref<2x10240x16xf32, #tpu.memory_space<hbm>> -> memref<1x128x16xf32, #tpu.memory_space<hbm>>
        %dma_wait3A_97 = tpu.memref_squeeze %dma_wait3A_96 : memref<1x128x16xf32, #tpu.memory_space<hbm>> -> memref<128x16xf32, #tpu.memory_space<hbm>>
        %dma_wait3A_98 = arith.constant 0 : i32
        %dma_wait3A_99 = tpu.memref_slice %arg3[%run_scoped3A, %add3A_89, %dma_wait3A_98] : memref<2x10240x16xf32, #tpu.memory_space<hbm>> -> memref<1x128x16xf32, #tpu.memory_space<hbm>>
        %dma_wait3A_100 = tpu.memref_squeeze %dma_wait3A_99 : memref<1x128x16xf32, #tpu.memory_space<hbm>> -> memref<128x16xf32, #tpu.memory_space<hbm>>
        tpu.wait_dma2 semaphore(%run_scoped3A_90 : memref<!tpu.dma_semaphore, #tpu.memory_space<semaphore_mem>>) src(%arg6 : memref<128x16xf32, #tpu.memory_space<vmem>>) dst(%dma_wait3A_100 : memref<128x16xf32, #tpu.memory_space<hbm>>)
        tpu.yield
      }) : () -> ()
    } else {
    }
    %add3A_52 = arith.constant 256 : i32
    %add3A_53 = arith.addi %mul3A_14, %add3A_52 : i32
    "tpu.region"() ({
      %run_scoped3A = tpu.sem_alloc : memref<!tpu.dma_semaphore, #tpu.memory_space<semaphore_mem>>
      %dma_start3A = arith.constant 0 : i32
      %dma_start3A_88 = tpu.memref_slice %arg7[%add3A_53, %dma_start3A] : memref<10240x16xf32, #tpu.memory_space<vmem_shared>> -> memref<128x16xf32, #tpu.memory_space<vmem_shared>>
      %dma_start3A_89 = arith.constant 0 : i32
      %dma_start3A_90 = tpu.memref_slice %arg7[%add3A_53, %dma_start3A_89] : memref<10240x16xf32, #tpu.memory_space<vmem_shared>> -> memref<128x16xf32, #tpu.memory_space<vmem_shared>>
      tpu.enqueue_dma source(%dma_start3A_90 : memref<128x16xf32, #tpu.memory_space<vmem_shared>>) target(%arg6 : memref<128x16xf32, #tpu.memory_space<vmem>>) target_semaphore(%run_scoped3A : memref<!tpu.dma_semaphore, #tpu.memory_space<semaphore_mem>>)
      %dma_wait3A = arith.constant 0 : i32
      %dma_wait3A_91 = tpu.memref_slice %arg7[%add3A_53, %dma_wait3A] : memref<10240x16xf32, #tpu.memory_space<vmem_shared>> -> memref<128x16xf32, #tpu.memory_space<vmem_shared>>
      %dma_wait3A_92 = arith.constant 0 : i32
      %dma_wait3A_93 = tpu.memref_slice %arg7[%add3A_53, %dma_wait3A_92] : memref<10240x16xf32, #tpu.memory_space<vmem_shared>> -> memref<128x16xf32, #tpu.memory_space<vmem_shared>>
      tpu.wait_dma2 semaphore(%run_scoped3A : memref<!tpu.dma_semaphore, #tpu.memory_space<semaphore_mem>>) src(%dma_wait3A_93 : memref<128x16xf32, #tpu.memory_space<vmem_shared>>) dst(%arg6 : memref<128x16xf32, #tpu.memory_space<vmem>>)
      tpu.yield
    }) : () -> ()
    %eq3A_54 = arith.constant 0 : i32
    %eq3A_55 = arith.cmpi eq, %arg0, %eq3A_54 : i32
    %convert_element_type3A_56 = arith.extui %eq3A_55 : i1 to i32
    %cond3A_57 = arith.constant 0 : i32
    %cond3A_58 = arith.cmpi ne, %convert_element_type3A_56, %cond3A_57 : i32
    scf.if %cond3A_58 {
      %add3A_88 = arith.constant 256 : i32
      %add3A_89 = arith.addi %mul3A_14, %add3A_88 : i32
      %run_scoped3A = arith.constant 0 : i32
      "tpu.region"() ({
        %run_scoped3A_90 = tpu.sem_alloc : memref<!tpu.dma_semaphore, #tpu.memory_space<semaphore_mem>>
        %dma_start3A = arith.constant 0 : i32
        %dma_start3A_91 = tpu.memref_slice %arg3[%run_scoped3A, %add3A_89, %dma_start3A] : memref<2x10240x16xf32, #tpu.memory_space<hbm>> -> memref<1x128x16xf32, #tpu.memory_space<hbm>>
        %dma_start3A_92 = tpu.memref_squeeze %dma_start3A_91 : memref<1x128x16xf32, #tpu.memory_space<hbm>> -> memref<128x16xf32, #tpu.memory_space<hbm>>
        %dma_start3A_93 = arith.constant 0 : i32
        %dma_start3A_94 = tpu.memref_slice %arg3[%run_scoped3A, %add3A_89, %dma_start3A_93] : memref<2x10240x16xf32, #tpu.memory_space<hbm>> -> memref<1x128x16xf32, #tpu.memory_space<hbm>>
        %dma_start3A_95 = tpu.memref_squeeze %dma_start3A_94 : memref<1x128x16xf32, #tpu.memory_space<hbm>> -> memref<128x16xf32, #tpu.memory_space<hbm>>
        tpu.enqueue_dma source(%arg6 : memref<128x16xf32, #tpu.memory_space<vmem>>) target(%dma_start3A_95 : memref<128x16xf32, #tpu.memory_space<hbm>>) target_semaphore(%run_scoped3A_90 : memref<!tpu.dma_semaphore, #tpu.memory_space<semaphore_mem>>)
        %dma_wait3A = arith.constant 0 : i32
        %dma_wait3A_96 = tpu.memref_slice %arg3[%run_scoped3A, %add3A_89, %dma_wait3A] : memref<2x10240x16xf32, #tpu.memory_space<hbm>> -> memref<1x128x16xf32, #tpu.memory_space<hbm>>
        %dma_wait3A_97 = tpu.memref_squeeze %dma_wait3A_96 : memref<1x128x16xf32, #tpu.memory_space<hbm>> -> memref<128x16xf32, #tpu.memory_space<hbm>>
        %dma_wait3A_98 = arith.constant 0 : i32
        %dma_wait3A_99 = tpu.memref_slice %arg3[%run_scoped3A, %add3A_89, %dma_wait3A_98] : memref<2x10240x16xf32, #tpu.memory_space<hbm>> -> memref<1x128x16xf32, #tpu.memory_space<hbm>>
        %dma_wait3A_100 = tpu.memref_squeeze %dma_wait3A_99 : memref<1x128x16xf32, #tpu.memory_space<hbm>> -> memref<128x16xf32, #tpu.memory_space<hbm>>
        tpu.wait_dma2 semaphore(%run_scoped3A_90 : memref<!tpu.dma_semaphore, #tpu.memory_space<semaphore_mem>>) src(%arg6 : memref<128x16xf32, #tpu.memory_space<vmem>>) dst(%dma_wait3A_100 : memref<128x16xf32, #tpu.memory_space<hbm>>)
        tpu.yield
      }) : () -> ()
    } else {
    }
    %eq3A_59 = arith.constant 1 : i32
    %eq3A_60 = arith.cmpi eq, %arg0, %eq3A_59 : i32
    %convert_element_type3A_61 = arith.extui %eq3A_60 : i1 to i32
    %cond3A_62 = arith.constant 0 : i32
    %cond3A_63 = arith.cmpi ne, %convert_element_type3A_61, %cond3A_62 : i32
    scf.if %cond3A_63 {
      %add3A_88 = arith.constant 256 : i32
      %add3A_89 = arith.addi %mul3A_14, %add3A_88 : i32
      %run_scoped3A = arith.constant 1 : i32
      "tpu.region"() ({
        %run_scoped3A_90 = tpu.sem_alloc : memref<!tpu.dma_semaphore, #tpu.memory_space<semaphore_mem>>
        %dma_start3A = arith.constant 0 : i32
        %dma_start3A_91 = tpu.memref_slice %arg3[%run_scoped3A, %add3A_89, %dma_start3A] : memref<2x10240x16xf32, #tpu.memory_space<hbm>> -> memref<1x128x16xf32, #tpu.memory_space<hbm>>
        %dma_start3A_92 = tpu.memref_squeeze %dma_start3A_91 : memref<1x128x16xf32, #tpu.memory_space<hbm>> -> memref<128x16xf32, #tpu.memory_space<hbm>>
        %dma_start3A_93 = arith.constant 0 : i32
        %dma_start3A_94 = tpu.memref_slice %arg3[%run_scoped3A, %add3A_89, %dma_start3A_93] : memref<2x10240x16xf32, #tpu.memory_space<hbm>> -> memref<1x128x16xf32, #tpu.memory_space<hbm>>
        %dma_start3A_95 = tpu.memref_squeeze %dma_start3A_94 : memref<1x128x16xf32, #tpu.memory_space<hbm>> -> memref<128x16xf32, #tpu.memory_space<hbm>>
        tpu.enqueue_dma source(%arg6 : memref<128x16xf32, #tpu.memory_space<vmem>>) target(%dma_start3A_95 : memref<128x16xf32, #tpu.memory_space<hbm>>) target_semaphore(%run_scoped3A_90 : memref<!tpu.dma_semaphore, #tpu.memory_space<semaphore_mem>>)
        %dma_wait3A = arith.constant 0 : i32
        %dma_wait3A_96 = tpu.memref_slice %arg3[%run_scoped3A, %add3A_89, %dma_wait3A] : memref<2x10240x16xf32, #tpu.memory_space<hbm>> -> memref<1x128x16xf32, #tpu.memory_space<hbm>>
        %dma_wait3A_97 = tpu.memref_squeeze %dma_wait3A_96 : memref<1x128x16xf32, #tpu.memory_space<hbm>> -> memref<128x16xf32, #tpu.memory_space<hbm>>
        %dma_wait3A_98 = arith.constant 0 : i32
        %dma_wait3A_99 = tpu.memref_slice %arg3[%run_scoped3A, %add3A_89, %dma_wait3A_98] : memref<2x10240x16xf32, #tpu.memory_space<hbm>> -> memref<1x128x16xf32, #tpu.memory_space<hbm>>
        %dma_wait3A_100 = tpu.memref_squeeze %dma_wait3A_99 : memref<1x128x16xf32, #tpu.memory_space<hbm>> -> memref<128x16xf32, #tpu.memory_space<hbm>>
        tpu.wait_dma2 semaphore(%run_scoped3A_90 : memref<!tpu.dma_semaphore, #tpu.memory_space<semaphore_mem>>) src(%arg6 : memref<128x16xf32, #tpu.memory_space<vmem>>) dst(%dma_wait3A_100 : memref<128x16xf32, #tpu.memory_space<hbm>>)
        tpu.yield
      }) : () -> ()
    } else {
    }
    %add3A_64 = arith.constant 384 : i32
    %add3A_65 = arith.addi %mul3A_14, %add3A_64 : i32
    "tpu.region"() ({
      %run_scoped3A = tpu.sem_alloc : memref<!tpu.dma_semaphore, #tpu.memory_space<semaphore_mem>>
      %dma_start3A = arith.constant 0 : i32
      %dma_start3A_88 = tpu.memref_slice %arg7[%add3A_65, %dma_start3A] : memref<10240x16xf32, #tpu.memory_space<vmem_shared>> -> memref<128x16xf32, #tpu.memory_space<vmem_shared>>
      %dma_start3A_89 = arith.constant 0 : i32
      %dma_start3A_90 = tpu.memref_slice %arg7[%add3A_65, %dma_start3A_89] : memref<10240x16xf32, #tpu.memory_space<vmem_shared>> -> memref<128x16xf32, #tpu.memory_space<vmem_shared>>
      tpu.enqueue_dma source(%dma_start3A_90 : memref<128x16xf32, #tpu.memory_space<vmem_shared>>) target(%arg6 : memref<128x16xf32, #tpu.memory_space<vmem>>) target_semaphore(%run_scoped3A : memref<!tpu.dma_semaphore, #tpu.memory_space<semaphore_mem>>)
      %dma_wait3A = arith.constant 0 : i32
      %dma_wait3A_91 = tpu.memref_slice %arg7[%add3A_65, %dma_wait3A] : memref<10240x16xf32, #tpu.memory_space<vmem_shared>> -> memref<128x16xf32, #tpu.memory_space<vmem_shared>>
      %dma_wait3A_92 = arith.constant 0 : i32
      %dma_wait3A_93 = tpu.memref_slice %arg7[%add3A_65, %dma_wait3A_92] : memref<10240x16xf32, #tpu.memory_space<vmem_shared>> -> memref<128x16xf32, #tpu.memory_space<vmem_shared>>
      tpu.wait_dma2 semaphore(%run_scoped3A : memref<!tpu.dma_semaphore, #tpu.memory_space<semaphore_mem>>) src(%dma_wait3A_93 : memref<128x16xf32, #tpu.memory_space<vmem_shared>>) dst(%arg6 : memref<128x16xf32, #tpu.memory_space<vmem>>)
      tpu.yield
    }) : () -> ()
    %eq3A_66 = arith.constant 0 : i32
    %eq3A_67 = arith.cmpi eq, %arg0, %eq3A_66 : i32
    %convert_element_type3A_68 = arith.extui %eq3A_67 : i1 to i32
    %cond3A_69 = arith.constant 0 : i32
    %cond3A_70 = arith.cmpi ne, %convert_element_type3A_68, %cond3A_69 : i32
    scf.if %cond3A_70 {
      %add3A_88 = arith.constant 384 : i32
      %add3A_89 = arith.addi %mul3A_14, %add3A_88 : i32
      %run_scoped3A = arith.constant 0 : i32
      "tpu.region"() ({
        %run_scoped3A_90 = tpu.sem_alloc : memref<!tpu.dma_semaphore, #tpu.memory_space<semaphore_mem>>
        %dma_start3A = arith.constant 0 : i32
        %dma_start3A_91 = tpu.memref_slice %arg3[%run_scoped3A, %add3A_89, %dma_start3A] : memref<2x10240x16xf32, #tpu.memory_space<hbm>> -> memref<1x128x16xf32, #tpu.memory_space<hbm>>
        %dma_start3A_92 = tpu.memref_squeeze %dma_start3A_91 : memref<1x128x16xf32, #tpu.memory_space<hbm>> -> memref<128x16xf32, #tpu.memory_space<hbm>>
        %dma_start3A_93 = arith.constant 0 : i32
        %dma_start3A_94 = tpu.memref_slice %arg3[%run_scoped3A, %add3A_89, %dma_start3A_93] : memref<2x10240x16xf32, #tpu.memory_space<hbm>> -> memref<1x128x16xf32, #tpu.memory_space<hbm>>
        %dma_start3A_95 = tpu.memref_squeeze %dma_start3A_94 : memref<1x128x16xf32, #tpu.memory_space<hbm>> -> memref<128x16xf32, #tpu.memory_space<hbm>>
        tpu.enqueue_dma source(%arg6 : memref<128x16xf32, #tpu.memory_space<vmem>>) target(%dma_start3A_95 : memref<128x16xf32, #tpu.memory_space<hbm>>) target_semaphore(%run_scoped3A_90 : memref<!tpu.dma_semaphore, #tpu.memory_space<semaphore_mem>>)
        %dma_wait3A = arith.constant 0 : i32
        %dma_wait3A_96 = tpu.memref_slice %arg3[%run_scoped3A, %add3A_89, %dma_wait3A] : memref<2x10240x16xf32, #tpu.memory_space<hbm>> -> memref<1x128x16xf32, #tpu.memory_space<hbm>>
        %dma_wait3A_97 = tpu.memref_squeeze %dma_wait3A_96 : memref<1x128x16xf32, #tpu.memory_space<hbm>> -> memref<128x16xf32, #tpu.memory_space<hbm>>
        %dma_wait3A_98 = arith.constant 0 : i32
        %dma_wait3A_99 = tpu.memref_slice %arg3[%run_scoped3A, %add3A_89, %dma_wait3A_98] : memref<2x10240x16xf32, #tpu.memory_space<hbm>> -> memref<1x128x16xf32, #tpu.memory_space<hbm>>
        %dma_wait3A_100 = tpu.memref_squeeze %dma_wait3A_99 : memref<1x128x16xf32, #tpu.memory_space<hbm>> -> memref<128x16xf32, #tpu.memory_space<hbm>>
        tpu.wait_dma2 semaphore(%run_scoped3A_90 : memref<!tpu.dma_semaphore, #tpu.memory_space<semaphore_mem>>) src(%arg6 : memref<128x16xf32, #tpu.memory_space<vmem>>) dst(%dma_wait3A_100 : memref<128x16xf32, #tpu.memory_space<hbm>>)
        tpu.yield
      }) : () -> ()
    } else {
    }
    %eq3A_71 = arith.constant 1 : i32
    %eq3A_72 = arith.cmpi eq, %arg0, %eq3A_71 : i32
    %convert_element_type3A_73 = arith.extui %eq3A_72 : i1 to i32
    %cond3A_74 = arith.constant 0 : i32
    %cond3A_75 = arith.cmpi ne, %convert_element_type3A_73, %cond3A_74 : i32
    scf.if %cond3A_75 {
      %add3A_88 = arith.constant 384 : i32
      %add3A_89 = arith.addi %mul3A_14, %add3A_88 : i32
      %run_scoped3A = arith.constant 1 : i32
      "tpu.region"() ({
        %run_scoped3A_90 = tpu.sem_alloc : memref<!tpu.dma_semaphore, #tpu.memory_space<semaphore_mem>>
        %dma_start3A = arith.constant 0 : i32
        %dma_start3A_91 = tpu.memref_slice %arg3[%run_scoped3A, %add3A_89, %dma_start3A] : memref<2x10240x16xf32, #tpu.memory_space<hbm>> -> memref<1x128x16xf32, #tpu.memory_space<hbm>>
        %dma_start3A_92 = tpu.memref_squeeze %dma_start3A_91 : memref<1x128x16xf32, #tpu.memory_space<hbm>> -> memref<128x16xf32, #tpu.memory_space<hbm>>
        %dma_start3A_93 = arith.constant 0 : i32
        %dma_start3A_94 = tpu.memref_slice %arg3[%run_scoped3A, %add3A_89, %dma_start3A_93] : memref<2x10240x16xf32, #tpu.memory_space<hbm>> -> memref<1x128x16xf32, #tpu.memory_space<hbm>>
        %dma_start3A_95 = tpu.memref_squeeze %dma_start3A_94 : memref<1x128x16xf32, #tpu.memory_space<hbm>> -> memref<128x16xf32, #tpu.memory_space<hbm>>
        tpu.enqueue_dma source(%arg6 : memref<128x16xf32, #tpu.memory_space<vmem>>) target(%dma_start3A_95 : memref<128x16xf32, #tpu.memory_space<hbm>>) target_semaphore(%run_scoped3A_90 : memref<!tpu.dma_semaphore, #tpu.memory_space<semaphore_mem>>)
        %dma_wait3A = arith.constant 0 : i32
        %dma_wait3A_96 = tpu.memref_slice %arg3[%run_scoped3A, %add3A_89, %dma_wait3A] : memref<2x10240x16xf32, #tpu.memory_space<hbm>> -> memref<1x128x16xf32, #tpu.memory_space<hbm>>
        %dma_wait3A_97 = tpu.memref_squeeze %dma_wait3A_96 : memref<1x128x16xf32, #tpu.memory_space<hbm>> -> memref<128x16xf32, #tpu.memory_space<hbm>>
        %dma_wait3A_98 = arith.constant 0 : i32
        %dma_wait3A_99 = tpu.memref_slice %arg3[%run_scoped3A, %add3A_89, %dma_wait3A_98] : memref<2x10240x16xf32, #tpu.memory_space<hbm>> -> memref<1x128x16xf32, #tpu.memory_space<hbm>>
        %dma_wait3A_100 = tpu.memref_squeeze %dma_wait3A_99 : memref<1x128x16xf32, #tpu.memory_space<hbm>> -> memref<128x16xf32, #tpu.memory_space<hbm>>
        tpu.wait_dma2 semaphore(%run_scoped3A_90 : memref<!tpu.dma_semaphore, #tpu.memory_space<semaphore_mem>>) src(%arg6 : memref<128x16xf32, #tpu.memory_space<vmem>>) dst(%dma_wait3A_100 : memref<128x16xf32, #tpu.memory_space<hbm>>)
        tpu.yield
      }) : () -> ()
    } else {
    }
    %add3A_76 = arith.constant 512 : i32
    %add3A_77 = arith.addi %mul3A_14, %add3A_76 : i32
    "tpu.region"() ({
      %run_scoped3A = tpu.sem_alloc : memref<!tpu.dma_semaphore, #tpu.memory_space<semaphore_mem>>
      %dma_start3A = arith.constant 0 : i32
      %dma_start3A_88 = tpu.memref_slice %arg7[%add3A_77, %dma_start3A] : memref<10240x16xf32, #tpu.memory_space<vmem_shared>> -> memref<128x16xf32, #tpu.memory_space<vmem_shared>>
      %dma_start3A_89 = arith.constant 0 : i32
      %dma_start3A_90 = tpu.memref_slice %arg7[%add3A_77, %dma_start3A_89] : memref<10240x16xf32, #tpu.memory_space<vmem_shared>> -> memref<128x16xf32, #tpu.memory_space<vmem_shared>>
      tpu.enqueue_dma source(%dma_start3A_90 : memref<128x16xf32, #tpu.memory_space<vmem_shared>>) target(%arg6 : memref<128x16xf32, #tpu.memory_space<vmem>>) target_semaphore(%run_scoped3A : memref<!tpu.dma_semaphore, #tpu.memory_space<semaphore_mem>>)
      %dma_wait3A = arith.constant 0 : i32
      %dma_wait3A_91 = tpu.memref_slice %arg7[%add3A_77, %dma_wait3A] : memref<10240x16xf32, #tpu.memory_space<vmem_shared>> -> memref<128x16xf32, #tpu.memory_space<vmem_shared>>
      %dma_wait3A_92 = arith.constant 0 : i32
      %dma_wait3A_93 = tpu.memref_slice %arg7[%add3A_77, %dma_wait3A_92] : memref<10240x16xf32, #tpu.memory_space<vmem_shared>> -> memref<128x16xf32, #tpu.memory_space<vmem_shared>>
      tpu.wait_dma2 semaphore(%run_scoped3A : memref<!tpu.dma_semaphore, #tpu.memory_space<semaphore_mem>>) src(%dma_wait3A_93 : memref<128x16xf32, #tpu.memory_space<vmem_shared>>) dst(%arg6 : memref<128x16xf32, #tpu.memory_space<vmem>>)
      tpu.yield
    }) : () -> ()
    %eq3A_78 = arith.constant 0 : i32
    %eq3A_79 = arith.cmpi eq, %arg0, %eq3A_78 : i32
    %convert_element_type3A_80 = arith.extui %eq3A_79 : i1 to i32
    %cond3A_81 = arith.constant 0 : i32
    %cond3A_82 = arith.cmpi ne, %convert_element_type3A_80, %cond3A_81 : i32
    scf.if %cond3A_82 {
      %add3A_88 = arith.constant 512 : i32
      %add3A_89 = arith.addi %mul3A_14, %add3A_88 : i32
      %run_scoped3A = arith.constant 0 : i32
      "tpu.region"() ({
        %run_scoped3A_90 = tpu.sem_alloc : memref<!tpu.dma_semaphore, #tpu.memory_space<semaphore_mem>>
        %dma_start3A = arith.constant 0 : i32
        %dma_start3A_91 = tpu.memref_slice %arg3[%run_scoped3A, %add3A_89, %dma_start3A] : memref<2x10240x16xf32, #tpu.memory_space<hbm>> -> memref<1x128x16xf32, #tpu.memory_space<hbm>>
        %dma_start3A_92 = tpu.memref_squeeze %dma_start3A_91 : memref<1x128x16xf32, #tpu.memory_space<hbm>> -> memref<128x16xf32, #tpu.memory_space<hbm>>
        %dma_start3A_93 = arith.constant 0 : i32
        %dma_start3A_94 = tpu.memref_slice %arg3[%run_scoped3A, %add3A_89, %dma_start3A_93] : memref<2x10240x16xf32, #tpu.memory_space<hbm>> -> memref<1x128x16xf32, #tpu.memory_space<hbm>>
        %dma_start3A_95 = tpu.memref_squeeze %dma_start3A_94 : memref<1x128x16xf32, #tpu.memory_space<hbm>> -> memref<128x16xf32, #tpu.memory_space<hbm>>
        tpu.enqueue_dma source(%arg6 : memref<128x16xf32, #tpu.memory_space<vmem>>) target(%dma_start3A_95 : memref<128x16xf32, #tpu.memory_space<hbm>>) target_semaphore(%run_scoped3A_90 : memref<!tpu.dma_semaphore, #tpu.memory_space<semaphore_mem>>)
        %dma_wait3A = arith.constant 0 : i32
        %dma_wait3A_96 = tpu.memref_slice %arg3[%run_scoped3A, %add3A_89, %dma_wait3A] : memref<2x10240x16xf32, #tpu.memory_space<hbm>> -> memref<1x128x16xf32, #tpu.memory_space<hbm>>
        %dma_wait3A_97 = tpu.memref_squeeze %dma_wait3A_96 : memref<1x128x16xf32, #tpu.memory_space<hbm>> -> memref<128x16xf32, #tpu.memory_space<hbm>>
        %dma_wait3A_98 = arith.constant 0 : i32
        %dma_wait3A_99 = tpu.memref_slice %arg3[%run_scoped3A, %add3A_89, %dma_wait3A_98] : memref<2x10240x16xf32, #tpu.memory_space<hbm>> -> memref<1x128x16xf32, #tpu.memory_space<hbm>>
        %dma_wait3A_100 = tpu.memref_squeeze %dma_wait3A_99 : memref<1x128x16xf32, #tpu.memory_space<hbm>> -> memref<128x16xf32, #tpu.memory_space<hbm>>
        tpu.wait_dma2 semaphore(%run_scoped3A_90 : memref<!tpu.dma_semaphore, #tpu.memory_space<semaphore_mem>>) src(%arg6 : memref<128x16xf32, #tpu.memory_space<vmem>>) dst(%dma_wait3A_100 : memref<128x16xf32, #tpu.memory_space<hbm>>)
        tpu.yield
      }) : () -> ()
    } else {
    }
    %eq3A_83 = arith.constant 1 : i32
    %eq3A_84 = arith.cmpi eq, %arg0, %eq3A_83 : i32
    %convert_element_type3A_85 = arith.extui %eq3A_84 : i1 to i32
    %cond3A_86 = arith.constant 0 : i32
    %cond3A_87 = arith.cmpi ne, %convert_element_type3A_85, %cond3A_86 : i32
    scf.if %cond3A_87 {
      %add3A_88 = arith.constant 512 : i32
      %add3A_89 = arith.addi %mul3A_14, %add3A_88 : i32
      %run_scoped3A = arith.constant 1 : i32
      "tpu.region"() ({
        %run_scoped3A_90 = tpu.sem_alloc : memref<!tpu.dma_semaphore, #tpu.memory_space<semaphore_mem>>
        %dma_start3A = arith.constant 0 : i32
        %dma_start3A_91 = tpu.memref_slice %arg3[%run_scoped3A, %add3A_89, %dma_start3A] : memref<2x10240x16xf32, #tpu.memory_space<hbm>> -> memref<1x128x16xf32, #tpu.memory_space<hbm>>
        %dma_start3A_92 = tpu.memref_squeeze %dma_start3A_91 : memref<1x128x16xf32, #tpu.memory_space<hbm>> -> memref<128x16xf32, #tpu.memory_space<hbm>>
        %dma_start3A_93 = arith.constant 0 : i32
        %dma_start3A_94 = tpu.memref_slice %arg3[%run_scoped3A, %add3A_89, %dma_start3A_93] : memref<2x10240x16xf32, #tpu.memory_space<hbm>> -> memref<1x128x16xf32, #tpu.memory_space<hbm>>
        %dma_start3A_95 = tpu.memref_squeeze %dma_start3A_94 : memref<1x128x16xf32, #tpu.memory_space<hbm>> -> memref<128x16xf32, #tpu.memory_space<hbm>>
        tpu.enqueue_dma source(%arg6 : memref<128x16xf32, #tpu.memory_space<vmem>>) target(%dma_start3A_95 : memref<128x16xf32, #tpu.memory_space<hbm>>) target_semaphore(%run_scoped3A_90 : memref<!tpu.dma_semaphore, #tpu.memory_space<semaphore_mem>>)
        %dma_wait3A = arith.constant 0 : i32
        %dma_wait3A_96 = tpu.memref_slice %arg3[%run_scoped3A, %add3A_89, %dma_wait3A] : memref<2x10240x16xf32, #tpu.memory_space<hbm>> -> memref<1x128x16xf32, #tpu.memory_space<hbm>>
        %dma_wait3A_97 = tpu.memref_squeeze %dma_wait3A_96 : memref<1x128x16xf32, #tpu.memory_space<hbm>> -> memref<128x16xf32, #tpu.memory_space<hbm>>
        %dma_wait3A_98 = arith.constant 0 : i32
        %dma_wait3A_99 = tpu.memref_slice %arg3[%run_scoped3A, %add3A_89, %dma_wait3A_98] : memref<2x10240x16xf32, #tpu.memory_space<hbm>> -> memref<1x128x16xf32, #tpu.memory_space<hbm>>
        %dma_wait3A_100 = tpu.memref_squeeze %dma_wait3A_99 : memref<1x128x16xf32, #tpu.memory_space<hbm>> -> memref<128x16xf32, #tpu.memory_space<hbm>>
        tpu.wait_dma2 semaphore(%run_scoped3A_90 : memref<!tpu.dma_semaphore, #tpu.memory_space<semaphore_mem>>) src(%arg6 : memref<128x16xf32, #tpu.memory_space<vmem>>) dst(%dma_wait3A_100 : memref<128x16xf32, #tpu.memory_space<hbm>>)
        tpu.yield
      }) : () -> ()
    } else {
    }
    return
  }
}

#map = affine_map<(d0, d1) -> (0, 0)>
#map1 = affine_map<(d0, d1) -> (0, 0, 0)>
module attributes {stable_mosaic.version = 14 : i64} {
  func.func @_msg_body(%arg0: i32, %arg1: i32, %arg2: memref<10240x128xf32, #tpu.memory_space<hbm>>, %arg3: memref<2560x128xi32, #tpu.memory_space<hbm>>, %arg4: memref<2560x128xi32, #tpu.memory_space<hbm>>, %arg5: memref<2x10240x128xf32, #tpu.memory_space<hbm>>, %arg6: memref<8x128xi32, #tpu.memory_space<vmem>>, %arg7: memref<8x128xi32, #tpu.memory_space<vmem>>, %arg8: memref<256x128xf32, #tpu.memory_space<vmem>>, %arg9: memref<64x128xf32, #tpu.memory_space<vmem>>, %arg10: memref<10240x128xf32, #tpu.memory_space<vmem_shared>>, %arg11: memref<!tpu.dma_semaphore, #tpu.memory_space<semaphore_mem>>, %arg12: memref<!tpu.dma_semaphore, #tpu.memory_space<semaphore_mem>>) attributes {dimension_semantics = [#tpu.dimension_semantics<core_parallel>, #tpu.dimension_semantics<subcore_parallel>], iteration_bounds = array<i64: 2, 16>, scalar_prefetch = 0 : i64, scratch_operands = 7 : i64, tpu.core_type = #tpu.core_type<sc_vector_subcore>, window_params = [{transform_indices = #map}, {transform_indices = #map}, {transform_indices = #map}, {transform_indices = #map1}]} {
    %broadcast_in_dim3A = arith.constant 0.000000e+00 : f32
    %broadcast_in_dim3A_0 = vector.broadcast %broadcast_in_dim3A : f32 to vector<16xf32>
    %scan3A = arith.constant 0 : i32
    %scan3A_1 = arith.constant 0 : i32
    %scan3A_2 = arith.constant 64 : i32
    %scan3A_3 = arith.addi %scan3A_1, %scan3A_2 : i32
    %scan3A_4 = arith.constant 1 : i32
    %scan3A_5 = scf.for %scan3A_162 = %scan3A_1 to %scan3A_3 step %scan3A_4 iter_args(%scan3A_163 = %scan3A) -> (i32)  : i32 {
      %swap3A = arith.index_cast %scan3A_162 : i32 to index
      %swap3A_164 = arith.constant 0 : index
      %swap3A_165 = tpu.vector_load %arg9[%swap3A, %swap3A_164] {strides = array<i32>} : memref<64x128xf32, #tpu.memory_space<vmem>>, vector<1x16xf32>,
      %swap3A_166 = vector.shape_cast %swap3A_165 : vector<1x16xf32> to vector<16xf32>
      %swap3A_167 = vector.shape_cast %broadcast_in_dim3A_0 : vector<16xf32> to vector<1x16xf32>
      tpu.vector_store %arg9[%swap3A, %swap3A_164], %swap3A_167 {strides = array<i32>} : memref<64x128xf32, #tpu.memory_space<vmem>>, vector<1x16xf32>,
      %swap3A_168 = arith.index_cast %scan3A_162 : i32 to index
      %swap3A_169 = arith.constant 16 : index
      %swap3A_170 = tpu.vector_load %arg9[%swap3A_168, %swap3A_169] {strides = array<i32>} : memref<64x128xf32, #tpu.memory_space<vmem>>, vector<1x16xf32>,
      %swap3A_171 = vector.shape_cast %swap3A_170 : vector<1x16xf32> to vector<16xf32>
      %swap3A_172 = vector.shape_cast %broadcast_in_dim3A_0 : vector<16xf32> to vector<1x16xf32>
      tpu.vector_store %arg9[%swap3A_168, %swap3A_169], %swap3A_172 {strides = array<i32>} : memref<64x128xf32, #tpu.memory_space<vmem>>, vector<1x16xf32>,
      %swap3A_173 = arith.index_cast %scan3A_162 : i32 to index
      %swap3A_174 = arith.constant 32 : index
      %swap3A_175 = tpu.vector_load %arg9[%swap3A_173, %swap3A_174] {strides = array<i32>} : memref<64x128xf32, #tpu.memory_space<vmem>>, vector<1x16xf32>,
      %swap3A_176 = vector.shape_cast %swap3A_175 : vector<1x16xf32> to vector<16xf32>
      %swap3A_177 = vector.shape_cast %broadcast_in_dim3A_0 : vector<16xf32> to vector<1x16xf32>
      tpu.vector_store %arg9[%swap3A_173, %swap3A_174], %swap3A_177 {strides = array<i32>} : memref<64x128xf32, #tpu.memory_space<vmem>>, vector<1x16xf32>,
      %swap3A_178 = arith.index_cast %scan3A_162 : i32 to index
      %swap3A_179 = arith.constant 48 : index
      %swap3A_180 = tpu.vector_load %arg9[%swap3A_178, %swap3A_179] {strides = array<i32>} : memref<64x128xf32, #tpu.memory_space<vmem>>, vector<1x16xf32>,
      %swap3A_181 = vector.shape_cast %swap3A_180 : vector<1x16xf32> to vector<16xf32>
      %swap3A_182 = vector.shape_cast %broadcast_in_dim3A_0 : vector<16xf32> to vector<1x16xf32>
      tpu.vector_store %arg9[%swap3A_178, %swap3A_179], %swap3A_182 {strides = array<i32>} : memref<64x128xf32, #tpu.memory_space<vmem>>, vector<1x16xf32>,
      %swap3A_183 = arith.index_cast %scan3A_162 : i32 to index
      %swap3A_184 = arith.constant 64 : index
      %swap3A_185 = tpu.vector_load %arg9[%swap3A_183, %swap3A_184] {strides = array<i32>} : memref<64x128xf32, #tpu.memory_space<vmem>>, vector<1x16xf32>,
      %swap3A_186 = vector.shape_cast %swap3A_185 : vector<1x16xf32> to vector<16xf32>
      %swap3A_187 = vector.shape_cast %broadcast_in_dim3A_0 : vector<16xf32> to vector<1x16xf32>
      tpu.vector_store %arg9[%swap3A_183, %swap3A_184], %swap3A_187 {strides = array<i32>} : memref<64x128xf32, #tpu.memory_space<vmem>>, vector<1x16xf32>,
      %swap3A_188 = arith.index_cast %scan3A_162 : i32 to index
      %swap3A_189 = arith.constant 80 : index
      %swap3A_190 = tpu.vector_load %arg9[%swap3A_188, %swap3A_189] {strides = array<i32>} : memref<64x128xf32, #tpu.memory_space<vmem>>, vector<1x16xf32>,
      %swap3A_191 = vector.shape_cast %swap3A_190 : vector<1x16xf32> to vector<16xf32>
      %swap3A_192 = vector.shape_cast %broadcast_in_dim3A_0 : vector<16xf32> to vector<1x16xf32>
      tpu.vector_store %arg9[%swap3A_188, %swap3A_189], %swap3A_192 {strides = array<i32>} : memref<64x128xf32, #tpu.memory_space<vmem>>, vector<1x16xf32>,
      %swap3A_193 = arith.index_cast %scan3A_162 : i32 to index
      %swap3A_194 = arith.constant 96 : index
      %swap3A_195 = tpu.vector_load %arg9[%swap3A_193, %swap3A_194] {strides = array<i32>} : memref<64x128xf32, #tpu.memory_space<vmem>>, vector<1x16xf32>,
      %swap3A_196 = vector.shape_cast %swap3A_195 : vector<1x16xf32> to vector<16xf32>
      %swap3A_197 = vector.shape_cast %broadcast_in_dim3A_0 : vector<16xf32> to vector<1x16xf32>
      tpu.vector_store %arg9[%swap3A_193, %swap3A_194], %swap3A_197 {strides = array<i32>} : memref<64x128xf32, #tpu.memory_space<vmem>>, vector<1x16xf32>,
      %swap3A_198 = arith.index_cast %scan3A_162 : i32 to index
      %swap3A_199 = arith.constant 112 : index
      %swap3A_200 = tpu.vector_load %arg9[%swap3A_198, %swap3A_199] {strides = array<i32>} : memref<64x128xf32, #tpu.memory_space<vmem>>, vector<1x16xf32>,
      %swap3A_201 = vector.shape_cast %swap3A_200 : vector<1x16xf32> to vector<16xf32>
      %swap3A_202 = vector.shape_cast %broadcast_in_dim3A_0 : vector<16xf32> to vector<1x16xf32>
      tpu.vector_store %arg9[%swap3A_198, %swap3A_199], %swap3A_202 {strides = array<i32>} : memref<64x128xf32, #tpu.memory_space<vmem>>, vector<1x16xf32>,
      %scan3A_203 = arith.constant 0 : i32
      scf.yield %scan3A_203 : i32
    }
    %scan3A_6 = arith.constant 64 : i32
    %mul3A = arith.constant 640 : i32
    %mul3A_7 = arith.muli %arg1, %mul3A : i32
    %add3A = arith.constant 0 : i32
    %add3A_8 = arith.addi %mul3A_7, %add3A : i32
    %dma_start3A = arith.constant 0 : i32
    %dma_start3A_9 = tpu.memref_slice %arg10[%add3A_8, %dma_start3A] : memref<10240x128xf32, #tpu.memory_space<vmem_shared>> -> memref<64x128xf32, #tpu.memory_space<vmem_shared>>
    %dma_start3A_10 = arith.constant 0 : i32
    %dma_start3A_11 = tpu.memref_slice %arg10[%add3A_8, %dma_start3A_10] : memref<10240x128xf32, #tpu.memory_space<vmem_shared>> -> memref<64x128xf32, #tpu.memory_space<vmem_shared>>
    tpu.enqueue_dma source(%arg9 : memref<64x128xf32, #tpu.memory_space<vmem>>) target(%dma_start3A_11 : memref<64x128xf32, #tpu.memory_space<vmem_shared>>) target_semaphore(%arg11 : memref<!tpu.dma_semaphore, #tpu.memory_space<semaphore_mem>>)
    %add3A_12 = arith.constant 64 : i32
    %add3A_13 = arith.addi %mul3A_7, %add3A_12 : i32
    %dma_start3A_14 = arith.constant 0 : i32
    %dma_start3A_15 = tpu.memref_slice %arg10[%add3A_13, %dma_start3A_14] : memref<10240x128xf32, #tpu.memory_space<vmem_shared>> -> memref<64x128xf32, #tpu.memory_space<vmem_shared>>
    %dma_start3A_16 = arith.constant 0 : i32
    %dma_start3A_17 = tpu.memref_slice %arg10[%add3A_13, %dma_start3A_16] : memref<10240x128xf32, #tpu.memory_space<vmem_shared>> -> memref<64x128xf32, #tpu.memory_space<vmem_shared>>
    tpu.enqueue_dma source(%arg9 : memref<64x128xf32, #tpu.memory_space<vmem>>) target(%dma_start3A_17 : memref<64x128xf32, #tpu.memory_space<vmem_shared>>) target_semaphore(%arg11 : memref<!tpu.dma_semaphore, #tpu.memory_space<semaphore_mem>>)
    %add3A_18 = arith.constant 128 : i32
    %add3A_19 = arith.addi %mul3A_7, %add3A_18 : i32
    %dma_start3A_20 = arith.constant 0 : i32
    %dma_start3A_21 = tpu.memref_slice %arg10[%add3A_19, %dma_start3A_20] : memref<10240x128xf32, #tpu.memory_space<vmem_shared>> -> memref<64x128xf32, #tpu.memory_space<vmem_shared>>
    %dma_start3A_22 = arith.constant 0 : i32
    %dma_start3A_23 = tpu.memref_slice %arg10[%add3A_19, %dma_start3A_22] : memref<10240x128xf32, #tpu.memory_space<vmem_shared>> -> memref<64x128xf32, #tpu.memory_space<vmem_shared>>
    tpu.enqueue_dma source(%arg9 : memref<64x128xf32, #tpu.memory_space<vmem>>) target(%dma_start3A_23 : memref<64x128xf32, #tpu.memory_space<vmem_shared>>) target_semaphore(%arg11 : memref<!tpu.dma_semaphore, #tpu.memory_space<semaphore_mem>>)
    %add3A_24 = arith.constant 192 : i32
    %add3A_25 = arith.addi %mul3A_7, %add3A_24 : i32
    %dma_start3A_26 = arith.constant 0 : i32
    %dma_start3A_27 = tpu.memref_slice %arg10[%add3A_25, %dma_start3A_26] : memref<10240x128xf32, #tpu.memory_space<vmem_shared>> -> memref<64x128xf32, #tpu.memory_space<vmem_shared>>
    %dma_start3A_28 = arith.constant 0 : i32
    %dma_start3A_29 = tpu.memref_slice %arg10[%add3A_25, %dma_start3A_28] : memref<10240x128xf32, #tpu.memory_space<vmem_shared>> -> memref<64x128xf32, #tpu.memory_space<vmem_shared>>
    tpu.enqueue_dma source(%arg9 : memref<64x128xf32, #tpu.memory_space<vmem>>) target(%dma_start3A_29 : memref<64x128xf32, #tpu.memory_space<vmem_shared>>) target_semaphore(%arg11 : memref<!tpu.dma_semaphore, #tpu.memory_space<semaphore_mem>>)
    %add3A_30 = arith.constant 256 : i32
    %add3A_31 = arith.addi %mul3A_7, %add3A_30 : i32
    %dma_start3A_32 = arith.constant 0 : i32
    %dma_start3A_33 = tpu.memref_slice %arg10[%add3A_31, %dma_start3A_32] : memref<10240x128xf32, #tpu.memory_space<vmem_shared>> -> memref<64x128xf32, #tpu.memory_space<vmem_shared>>
    %dma_start3A_34 = arith.constant 0 : i32
    %dma_start3A_35 = tpu.memref_slice %arg10[%add3A_31, %dma_start3A_34] : memref<10240x128xf32, #tpu.memory_space<vmem_shared>> -> memref<64x128xf32, #tpu.memory_space<vmem_shared>>
    tpu.enqueue_dma source(%arg9 : memref<64x128xf32, #tpu.memory_space<vmem>>) target(%dma_start3A_35 : memref<64x128xf32, #tpu.memory_space<vmem_shared>>) target_semaphore(%arg11 : memref<!tpu.dma_semaphore, #tpu.memory_space<semaphore_mem>>)
    %add3A_36 = arith.constant 320 : i32
    %add3A_37 = arith.addi %mul3A_7, %add3A_36 : i32
    %dma_start3A_38 = arith.constant 0 : i32
    %dma_start3A_39 = tpu.memref_slice %arg10[%add3A_37, %dma_start3A_38] : memref<10240x128xf32, #tpu.memory_space<vmem_shared>> -> memref<64x128xf32, #tpu.memory_space<vmem_shared>>
    %dma_start3A_40 = arith.constant 0 : i32
    %dma_start3A_41 = tpu.memref_slice %arg10[%add3A_37, %dma_start3A_40] : memref<10240x128xf32, #tpu.memory_space<vmem_shared>> -> memref<64x128xf32, #tpu.memory_space<vmem_shared>>
    tpu.enqueue_dma source(%arg9 : memref<64x128xf32, #tpu.memory_space<vmem>>) target(%dma_start3A_41 : memref<64x128xf32, #tpu.memory_space<vmem_shared>>) target_semaphore(%arg11 : memref<!tpu.dma_semaphore, #tpu.memory_space<semaphore_mem>>)
    %add3A_42 = arith.constant 384 : i32
    %add3A_43 = arith.addi %mul3A_7, %add3A_42 : i32
    %dma_start3A_44 = arith.constant 0 : i32
    %dma_start3A_45 = tpu.memref_slice %arg10[%add3A_43, %dma_start3A_44] : memref<10240x128xf32, #tpu.memory_space<vmem_shared>> -> memref<64x128xf32, #tpu.memory_space<vmem_shared>>
    %dma_start3A_46 = arith.constant 0 : i32
    %dma_start3A_47 = tpu.memref_slice %arg10[%add3A_43, %dma_start3A_46] : memref<10240x128xf32, #tpu.memory_space<vmem_shared>> -> memref<64x128xf32, #tpu.memory_space<vmem_shared>>
    tpu.enqueue_dma source(%arg9 : memref<64x128xf32, #tpu.memory_space<vmem>>) target(%dma_start3A_47 : memref<64x128xf32, #tpu.memory_space<vmem_shared>>) target_semaphore(%arg11 : memref<!tpu.dma_semaphore, #tpu.memory_space<semaphore_mem>>)
    %add3A_48 = arith.constant 448 : i32
    %add3A_49 = arith.addi %mul3A_7, %add3A_48 : i32
    %dma_start3A_50 = arith.constant 0 : i32
    %dma_start3A_51 = tpu.memref_slice %arg10[%add3A_49, %dma_start3A_50] : memref<10240x128xf32, #tpu.memory_space<vmem_shared>> -> memref<64x128xf32, #tpu.memory_space<vmem_shared>>
    %dma_start3A_52 = arith.constant 0 : i32
    %dma_start3A_53 = tpu.memref_slice %arg10[%add3A_49, %dma_start3A_52] : memref<10240x128xf32, #tpu.memory_space<vmem_shared>> -> memref<64x128xf32, #tpu.memory_space<vmem_shared>>
    tpu.enqueue_dma source(%arg9 : memref<64x128xf32, #tpu.memory_space<vmem>>) target(%dma_start3A_53 : memref<64x128xf32, #tpu.memory_space<vmem_shared>>) target_semaphore(%arg11 : memref<!tpu.dma_semaphore, #tpu.memory_space<semaphore_mem>>)
    %add3A_54 = arith.constant 512 : i32
    %add3A_55 = arith.addi %mul3A_7, %add3A_54 : i32
    %dma_start3A_56 = arith.constant 0 : i32
    %dma_start3A_57 = tpu.memref_slice %arg10[%add3A_55, %dma_start3A_56] : memref<10240x128xf32, #tpu.memory_space<vmem_shared>> -> memref<64x128xf32, #tpu.memory_space<vmem_shared>>
    %dma_start3A_58 = arith.constant 0 : i32
    %dma_start3A_59 = tpu.memref_slice %arg10[%add3A_55, %dma_start3A_58] : memref<10240x128xf32, #tpu.memory_space<vmem_shared>> -> memref<64x128xf32, #tpu.memory_space<vmem_shared>>
    tpu.enqueue_dma source(%arg9 : memref<64x128xf32, #tpu.memory_space<vmem>>) target(%dma_start3A_59 : memref<64x128xf32, #tpu.memory_space<vmem_shared>>) target_semaphore(%arg11 : memref<!tpu.dma_semaphore, #tpu.memory_space<semaphore_mem>>)
    %add3A_60 = arith.constant 576 : i32
    %add3A_61 = arith.addi %mul3A_7, %add3A_60 : i32
    %dma_start3A_62 = arith.constant 0 : i32
    %dma_start3A_63 = tpu.memref_slice %arg10[%add3A_61, %dma_start3A_62] : memref<10240x128xf32, #tpu.memory_space<vmem_shared>> -> memref<64x128xf32, #tpu.memory_space<vmem_shared>>
    %dma_start3A_64 = arith.constant 0 : i32
    %dma_start3A_65 = tpu.memref_slice %arg10[%add3A_61, %dma_start3A_64] : memref<10240x128xf32, #tpu.memory_space<vmem_shared>> -> memref<64x128xf32, #tpu.memory_space<vmem_shared>>
    tpu.enqueue_dma source(%arg9 : memref<64x128xf32, #tpu.memory_space<vmem>>) target(%dma_start3A_65 : memref<64x128xf32, #tpu.memory_space<vmem_shared>>) target_semaphore(%arg11 : memref<!tpu.dma_semaphore, #tpu.memory_space<semaphore_mem>>)
    %dma_wait3A = arith.constant 0 : i32
    %dma_wait3A_66 = tpu.memref_slice %arg10[%mul3A_7, %dma_wait3A] : memref<10240x128xf32, #tpu.memory_space<vmem_shared>> -> memref<64x128xf32, #tpu.memory_space<vmem_shared>>
    %dma_wait3A_67 = arith.constant 0 : i32
    %dma_wait3A_68 = tpu.memref_slice %arg10[%mul3A_7, %dma_wait3A_67] : memref<10240x128xf32, #tpu.memory_space<vmem_shared>> -> memref<64x128xf32, #tpu.memory_space<vmem_shared>>
    tpu.wait_dma2 semaphore(%arg11 : memref<!tpu.dma_semaphore, #tpu.memory_space<semaphore_mem>>) src(%arg9 : memref<64x128xf32, #tpu.memory_space<vmem>>) dst(%dma_wait3A_68 : memref<64x128xf32, #tpu.memory_space<vmem_shared>>)
    %dma_wait3A_69 = arith.constant 0 : i32
    %dma_wait3A_70 = tpu.memref_slice %arg10[%mul3A_7, %dma_wait3A_69] : memref<10240x128xf32, #tpu.memory_space<vmem_shared>> -> memref<64x128xf32, #tpu.memory_space<vmem_shared>>
    %dma_wait3A_71 = arith.constant 0 : i32
    %dma_wait3A_72 = tpu.memref_slice %arg10[%mul3A_7, %dma_wait3A_71] : memref<10240x128xf32, #tpu.memory_space<vmem_shared>> -> memref<64x128xf32, #tpu.memory_space<vmem_shared>>
    tpu.wait_dma2 semaphore(%arg11 : memref<!tpu.dma_semaphore, #tpu.memory_space<semaphore_mem>>) src(%arg9 : memref<64x128xf32, #tpu.memory_space<vmem>>) dst(%dma_wait3A_72 : memref<64x128xf32, #tpu.memory_space<vmem_shared>>)
    %dma_wait3A_73 = arith.constant 0 : i32
    %dma_wait3A_74 = tpu.memref_slice %arg10[%mul3A_7, %dma_wait3A_73] : memref<10240x128xf32, #tpu.memory_space<vmem_shared>> -> memref<64x128xf32, #tpu.memory_space<vmem_shared>>
    %dma_wait3A_75 = arith.constant 0 : i32
    %dma_wait3A_76 = tpu.memref_slice %arg10[%mul3A_7, %dma_wait3A_75] : memref<10240x128xf32, #tpu.memory_space<vmem_shared>> -> memref<64x128xf32, #tpu.memory_space<vmem_shared>>
    tpu.wait_dma2 semaphore(%arg11 : memref<!tpu.dma_semaphore, #tpu.memory_space<semaphore_mem>>) src(%arg9 : memref<64x128xf32, #tpu.memory_space<vmem>>) dst(%dma_wait3A_76 : memref<64x128xf32, #tpu.memory_space<vmem_shared>>)
    %dma_wait3A_77 = arith.constant 0 : i32
    %dma_wait3A_78 = tpu.memref_slice %arg10[%mul3A_7, %dma_wait3A_77] : memref<10240x128xf32, #tpu.memory_space<vmem_shared>> -> memref<64x128xf32, #tpu.memory_space<vmem_shared>>
    %dma_wait3A_79 = arith.constant 0 : i32
    %dma_wait3A_80 = tpu.memref_slice %arg10[%mul3A_7, %dma_wait3A_79] : memref<10240x128xf32, #tpu.memory_space<vmem_shared>> -> memref<64x128xf32, #tpu.memory_space<vmem_shared>>
    tpu.wait_dma2 semaphore(%arg11 : memref<!tpu.dma_semaphore, #tpu.memory_space<semaphore_mem>>) src(%arg9 : memref<64x128xf32, #tpu.memory_space<vmem>>) dst(%dma_wait3A_80 : memref<64x128xf32, #tpu.memory_space<vmem_shared>>)
    %dma_wait3A_81 = arith.constant 0 : i32
    %dma_wait3A_82 = tpu.memref_slice %arg10[%mul3A_7, %dma_wait3A_81] : memref<10240x128xf32, #tpu.memory_space<vmem_shared>> -> memref<64x128xf32, #tpu.memory_space<vmem_shared>>
    %dma_wait3A_83 = arith.constant 0 : i32
    %dma_wait3A_84 = tpu.memref_slice %arg10[%mul3A_7, %dma_wait3A_83] : memref<10240x128xf32, #tpu.memory_space<vmem_shared>> -> memref<64x128xf32, #tpu.memory_space<vmem_shared>>
    tpu.wait_dma2 semaphore(%arg11 : memref<!tpu.dma_semaphore, #tpu.memory_space<semaphore_mem>>) src(%arg9 : memref<64x128xf32, #tpu.memory_space<vmem>>) dst(%dma_wait3A_84 : memref<64x128xf32, #tpu.memory_space<vmem_shared>>)
    %dma_wait3A_85 = arith.constant 0 : i32
    %dma_wait3A_86 = tpu.memref_slice %arg10[%mul3A_7, %dma_wait3A_85] : memref<10240x128xf32, #tpu.memory_space<vmem_shared>> -> memref<64x128xf32, #tpu.memory_space<vmem_shared>>
    %dma_wait3A_87 = arith.constant 0 : i32
    %dma_wait3A_88 = tpu.memref_slice %arg10[%mul3A_7, %dma_wait3A_87] : memref<10240x128xf32, #tpu.memory_space<vmem_shared>> -> memref<64x128xf32, #tpu.memory_space<vmem_shared>>
    tpu.wait_dma2 semaphore(%arg11 : memref<!tpu.dma_semaphore, #tpu.memory_space<semaphore_mem>>) src(%arg9 : memref<64x128xf32, #tpu.memory_space<vmem>>) dst(%dma_wait3A_88 : memref<64x128xf32, #tpu.memory_space<vmem_shared>>)
    %dma_wait3A_89 = arith.constant 0 : i32
    %dma_wait3A_90 = tpu.memref_slice %arg10[%mul3A_7, %dma_wait3A_89] : memref<10240x128xf32, #tpu.memory_space<vmem_shared>> -> memref<64x128xf32, #tpu.memory_space<vmem_shared>>
    %dma_wait3A_91 = arith.constant 0 : i32
    %dma_wait3A_92 = tpu.memref_slice %arg10[%mul3A_7, %dma_wait3A_91] : memref<10240x128xf32, #tpu.memory_space<vmem_shared>> -> memref<64x128xf32, #tpu.memory_space<vmem_shared>>
    tpu.wait_dma2 semaphore(%arg11 : memref<!tpu.dma_semaphore, #tpu.memory_space<semaphore_mem>>) src(%arg9 : memref<64x128xf32, #tpu.memory_space<vmem>>) dst(%dma_wait3A_92 : memref<64x128xf32, #tpu.memory_space<vmem_shared>>)
    %dma_wait3A_93 = arith.constant 0 : i32
    %dma_wait3A_94 = tpu.memref_slice %arg10[%mul3A_7, %dma_wait3A_93] : memref<10240x128xf32, #tpu.memory_space<vmem_shared>> -> memref<64x128xf32, #tpu.memory_space<vmem_shared>>
    %dma_wait3A_95 = arith.constant 0 : i32
    %dma_wait3A_96 = tpu.memref_slice %arg10[%mul3A_7, %dma_wait3A_95] : memref<10240x128xf32, #tpu.memory_space<vmem_shared>> -> memref<64x128xf32, #tpu.memory_space<vmem_shared>>
    tpu.wait_dma2 semaphore(%arg11 : memref<!tpu.dma_semaphore, #tpu.memory_space<semaphore_mem>>) src(%arg9 : memref<64x128xf32, #tpu.memory_space<vmem>>) dst(%dma_wait3A_96 : memref<64x128xf32, #tpu.memory_space<vmem_shared>>)
    %dma_wait3A_97 = arith.constant 0 : i32
    %dma_wait3A_98 = tpu.memref_slice %arg10[%mul3A_7, %dma_wait3A_97] : memref<10240x128xf32, #tpu.memory_space<vmem_shared>> -> memref<64x128xf32, #tpu.memory_space<vmem_shared>>
    %dma_wait3A_99 = arith.constant 0 : i32
    %dma_wait3A_100 = tpu.memref_slice %arg10[%mul3A_7, %dma_wait3A_99] : memref<10240x128xf32, #tpu.memory_space<vmem_shared>> -> memref<64x128xf32, #tpu.memory_space<vmem_shared>>
    tpu.wait_dma2 semaphore(%arg11 : memref<!tpu.dma_semaphore, #tpu.memory_space<semaphore_mem>>) src(%arg9 : memref<64x128xf32, #tpu.memory_space<vmem>>) dst(%dma_wait3A_100 : memref<64x128xf32, #tpu.memory_space<vmem_shared>>)
    %dma_wait3A_101 = arith.constant 0 : i32
    %dma_wait3A_102 = tpu.memref_slice %arg10[%mul3A_7, %dma_wait3A_101] : memref<10240x128xf32, #tpu.memory_space<vmem_shared>> -> memref<64x128xf32, #tpu.memory_space<vmem_shared>>
    %dma_wait3A_103 = arith.constant 0 : i32
    %dma_wait3A_104 = tpu.memref_slice %arg10[%mul3A_7, %dma_wait3A_103] : memref<10240x128xf32, #tpu.memory_space<vmem_shared>> -> memref<64x128xf32, #tpu.memory_space<vmem_shared>>
    tpu.wait_dma2 semaphore(%arg11 : memref<!tpu.dma_semaphore, #tpu.memory_space<semaphore_mem>>) src(%arg9 : memref<64x128xf32, #tpu.memory_space<vmem>>) dst(%dma_wait3A_104 : memref<64x128xf32, #tpu.memory_space<vmem_shared>>)
    %barrier3A = arith.constant 0 : index
    tpu.barrier barrier_id(%barrier3A)
    %eq3A = arith.constant 0 : i32
    %eq3A_105 = arith.cmpi eq, %arg0, %eq3A : i32
    %mul3A_106 = arith.constant 144 : i32
    %mul3A_107 = arith.muli %arg1, %mul3A_106 : i32
    %mul3A_108 = arith.constant 16 : i32
    %mul3A_109 = arith.muli %arg1, %mul3A_108 : i32
    %add3A_110 = arith.constant 2304 : i32
    %add3A_111 = arith.addi %add3A_110, %mul3A_109 : i32
    %select_n3A = arith.select %eq3A_105, %mul3A_107, %add3A_111 : i32
    %eq3A_112 = arith.constant 0 : i32
    %eq3A_113 = arith.cmpi eq, %arg0, %eq3A_112 : i32
    %jit3A = arith.constant 72 : i32
    %jit3A_114 = arith.constant 8 : i32
    %select_n3A_115 = arith.select %eq3A_113, %jit3A, %jit3A_114 : i32
    %while3A = arith.constant 0 : i32
    %while3A_116 = arith.constant 0 : i32
    %while3A_117 = arith.subi %select_n3A_115, %while3A : i32
    %while3A_118 = arith.addi %while3A, %while3A_117 : i32
    %while3A_119 = arith.constant 1 : i32
    %while3A_120 = arith.divsi %while3A_117, %while3A_119 : i32
    %while3A_121 = arith.muli %while3A_120, %while3A_119 : i32
    %while3A_122 = arith.addi %while3A, %while3A_121 : i32
    %while3A_123 = arith.constant 1 : i32
    %while3A_124 = scf.for %while3A_162 = %while3A to %while3A_122 step %while3A_123 iter_args(%while3A_163 = %while3A_116) -> (i32)  : i32 {
      %mul3A_164 = arith.constant 2 : i32
      %mul3A_165 = arith.muli %while3A_162, %mul3A_164 : i32
      %add3A_166 = arith.addi %select_n3A, %mul3A_165 : i32
      "tpu.region"() ({
        %run_scoped3A_209 = tpu.sem_alloc : memref<!tpu.dma_semaphore, #tpu.memory_space<semaphore_mem>>
        %dma_start3A_210 = arith.constant 0 : i32
        %dma_start3A_211 = arith.constant 0 : i32
        %dma_start3A_212 = tpu.memref_slice %arg6[%dma_start3A_210, %dma_start3A_211] : memref<8x128xi32, #tpu.memory_space<vmem>> -> memref<2x128xi32, #tpu.memory_space<vmem>>
        %dma_start3A_213 = arith.constant 0 : i32
        %dma_start3A_214 = tpu.memref_slice %arg3[%add3A_166, %dma_start3A_213] : memref<2560x128xi32, #tpu.memory_space<hbm>> -> memref<2x128xi32, #tpu.memory_space<hbm>>
        %dma_start3A_215 = arith.constant 0 : i32
        %dma_start3A_216 = arith.constant 0 : i32
        %dma_start3A_217 = tpu.memref_slice %arg6[%dma_start3A_215, %dma_start3A_216] : memref<8x128xi32, #tpu.memory_space<vmem>> -> memref<2x128xi32, #tpu.memory_space<vmem>>
        %dma_start3A_218 = arith.constant 0 : i32
        %dma_start3A_219 = tpu.memref_slice %arg3[%add3A_166, %dma_start3A_218] : memref<2560x128xi32, #tpu.memory_space<hbm>> -> memref<2x128xi32, #tpu.memory_space<hbm>>
        tpu.enqueue_dma source(%dma_start3A_219 : memref<2x128xi32, #tpu.memory_space<hbm>>) target(%dma_start3A_217 : memref<2x128xi32, #tpu.memory_space<vmem>>) target_semaphore(%run_scoped3A_209 : memref<!tpu.dma_semaphore, #tpu.memory_space<semaphore_mem>>)
        %dma_wait3A_220 = arith.constant 0 : i32
        %dma_wait3A_221 = arith.constant 0 : i32
        %dma_wait3A_222 = tpu.memref_slice %arg6[%dma_wait3A_220, %dma_wait3A_221] : memref<8x128xi32, #tpu.memory_space<vmem>> -> memref<2x128xi32, #tpu.memory_space<vmem>>
        %dma_wait3A_223 = arith.constant 0 : i32
        %dma_wait3A_224 = tpu.memref_slice %arg3[%add3A_166, %dma_wait3A_223] : memref<2560x128xi32, #tpu.memory_space<hbm>> -> memref<2x128xi32, #tpu.memory_space<hbm>>
        %dma_wait3A_225 = arith.constant 0 : i32
        %dma_wait3A_226 = arith.constant 0 : i32
        %dma_wait3A_227 = tpu.memref_slice %arg6[%dma_wait3A_225, %dma_wait3A_226] : memref<8x128xi32, #tpu.memory_space<vmem>> -> memref<2x128xi32, #tpu.memory_space<vmem>>
        %dma_wait3A_228 = arith.constant 0 : i32
        %dma_wait3A_229 = tpu.memref_slice %arg3[%add3A_166, %dma_wait3A_228] : memref<2560x128xi32, #tpu.memory_space<hbm>> -> memref<2x128xi32, #tpu.memory_space<hbm>>
        tpu.wait_dma2 semaphore(%run_scoped3A_209 : memref<!tpu.dma_semaphore, #tpu.memory_space<semaphore_mem>>) src(%dma_wait3A_229 : memref<2x128xi32, #tpu.memory_space<hbm>>) dst(%dma_wait3A_227 : memref<2x128xi32, #tpu.memory_space<vmem>>)
        tpu.yield
      }) : () -> ()
      "tpu.region"() ({
        %run_scoped3A_209 = tpu.sem_alloc : memref<!tpu.dma_semaphore, #tpu.memory_space<semaphore_mem>>
        %dma_start3A_210 = arith.constant 0 : i32
        %dma_start3A_211 = arith.constant 0 : i32
        %dma_start3A_212 = tpu.memref_slice %arg7[%dma_start3A_210, %dma_start3A_211] : memref<8x128xi32, #tpu.memory_space<vmem>> -> memref<2x128xi32, #tpu.memory_space<vmem>>
        %dma_start3A_213 = arith.constant 0 : i32
        %dma_start3A_214 = tpu.memref_slice %arg4[%add3A_166, %dma_start3A_213] : memref<2560x128xi32, #tpu.memory_space<hbm>> -> memref<2x128xi32, #tpu.memory_space<hbm>>
        %dma_start3A_215 = arith.constant 0 : i32
        %dma_start3A_216 = arith.constant 0 : i32
        %dma_start3A_217 = tpu.memref_slice %arg7[%dma_start3A_215, %dma_start3A_216] : memref<8x128xi32, #tpu.memory_space<vmem>> -> memref<2x128xi32, #tpu.memory_space<vmem>>
        %dma_start3A_218 = arith.constant 0 : i32
        %dma_start3A_219 = tpu.memref_slice %arg4[%add3A_166, %dma_start3A_218] : memref<2560x128xi32, #tpu.memory_space<hbm>> -> memref<2x128xi32, #tpu.memory_space<hbm>>
        tpu.enqueue_dma source(%dma_start3A_219 : memref<2x128xi32, #tpu.memory_space<hbm>>) target(%dma_start3A_217 : memref<2x128xi32, #tpu.memory_space<vmem>>) target_semaphore(%run_scoped3A_209 : memref<!tpu.dma_semaphore, #tpu.memory_space<semaphore_mem>>)
        %dma_wait3A_220 = arith.constant 0 : i32
        %dma_wait3A_221 = arith.constant 0 : i32
        %dma_wait3A_222 = tpu.memref_slice %arg7[%dma_wait3A_220, %dma_wait3A_221] : memref<8x128xi32, #tpu.memory_space<vmem>> -> memref<2x128xi32, #tpu.memory_space<vmem>>
        %dma_wait3A_223 = arith.constant 0 : i32
        %dma_wait3A_224 = tpu.memref_slice %arg4[%add3A_166, %dma_wait3A_223] : memref<2560x128xi32, #tpu.memory_space<hbm>> -> memref<2x128xi32, #tpu.memory_space<hbm>>
        %dma_wait3A_225 = arith.constant 0 : i32
        %dma_wait3A_226 = arith.constant 0 : i32
        %dma_wait3A_227 = tpu.memref_slice %arg7[%dma_wait3A_225, %dma_wait3A_226] : memref<8x128xi32, #tpu.memory_space<vmem>> -> memref<2x128xi32, #tpu.memory_space<vmem>>
        %dma_wait3A_228 = arith.constant 0 : i32
        %dma_wait3A_229 = tpu.memref_slice %arg4[%add3A_166, %dma_wait3A_228] : memref<2560x128xi32, #tpu.memory_space<hbm>> -> memref<2x128xi32, #tpu.memory_space<hbm>>
        tpu.wait_dma2 semaphore(%run_scoped3A_209 : memref<!tpu.dma_semaphore, #tpu.memory_space<semaphore_mem>>) src(%dma_wait3A_229 : memref<2x128xi32, #tpu.memory_space<hbm>>) dst(%dma_wait3A_227 : memref<2x128xi32, #tpu.memory_space<vmem>>)
        tpu.yield
      }) : () -> ()
      %dma_start3A_167 = arith.constant 0 : i32
      %dma_start3A_168 = arith.constant 0 : i32
      %dma_start3A_169 = arith.constant 0 : i32
      %dma_start3A_170 = tpu.memref_slice %arg8[%dma_start3A_168, %dma_start3A_169] : memref<256x128xf32, #tpu.memory_space<vmem>> -> memref<128x128xf32, #tpu.memory_space<vmem>>
      %dma_start3A_171 = arith.constant 0 : i32
      %dma_start3A_172 = tpu.memref_slice %arg6[%dma_start3A_167, %dma_start3A_171] : memref<8x128xi32, #tpu.memory_space<vmem>> -> memref<1x128xi32, #tpu.memory_space<vmem>>
      %dma_start3A_173 = tpu.memref_squeeze %dma_start3A_172 : memref<1x128xi32, #tpu.memory_space<vmem>> -> memref<128xi32, #tpu.memory_space<vmem>>
      %dma_start3A_174 = arith.constant 0 : i32
      %dma_start3A_175 = arith.constant 0 : i32
      %dma_start3A_176 = tpu.memref_slice %arg2[%dma_start3A_174, %dma_start3A_175] : memref<10240x128xf32, #tpu.memory_space<hbm>> -> memref<10240x128xf32, #tpu.memory_space<hbm>>
      tpu.enqueue_indirect_dma source(%dma_start3A_176 : memref<10240x128xf32, #tpu.memory_space<hbm>>) target(%dma_start3A_170 : memref<128x128xf32, #tpu.memory_space<vmem>>) offsets(%dma_start3A_173 : memref<128xi32, #tpu.memory_space<vmem>>) semaphore(%arg11 : memref<!tpu.dma_semaphore, #tpu.memory_space<semaphore_mem>>)
      %dma_start3A_177 = arith.constant 1 : i32
      %dma_start3A_178 = arith.constant 128 : i32
      %dma_start3A_179 = arith.constant 0 : i32
      %dma_start3A_180 = tpu.memref_slice %arg8[%dma_start3A_178, %dma_start3A_179] : memref<256x128xf32, #tpu.memory_space<vmem>> -> memref<128x128xf32, #tpu.memory_space<vmem>>
      %dma_start3A_181 = arith.constant 0 : i32
      %dma_start3A_182 = tpu.memref_slice %arg6[%dma_start3A_177, %dma_start3A_181] : memref<8x128xi32, #tpu.memory_space<vmem>> -> memref<1x128xi32, #tpu.memory_space<vmem>>
      %dma_start3A_183 = tpu.memref_squeeze %dma_start3A_182 : memref<1x128xi32, #tpu.memory_space<vmem>> -> memref<128xi32, #tpu.memory_space<vmem>>
      %dma_start3A_184 = arith.constant 0 : i32
      %dma_start3A_185 = arith.constant 0 : i32
      %dma_start3A_186 = tpu.memref_slice %arg2[%dma_start3A_184, %dma_start3A_185] : memref<10240x128xf32, #tpu.memory_space<hbm>> -> memref<10240x128xf32, #tpu.memory_space<hbm>>
      tpu.enqueue_indirect_dma source(%dma_start3A_186 : memref<10240x128xf32, #tpu.memory_space<hbm>>) target(%dma_start3A_180 : memref<128x128xf32, #tpu.memory_space<vmem>>) offsets(%dma_start3A_183 : memref<128xi32, #tpu.memory_space<vmem>>) semaphore(%arg11 : memref<!tpu.dma_semaphore, #tpu.memory_space<semaphore_mem>>)
      %dma_wait3A_187 = arith.constant 0 : i32
      %dma_wait3A_188 = arith.constant 0 : i32
      %dma_wait3A_189 = arith.constant 0 : i32
      %dma_wait3A_190 = tpu.memref_slice %arg8[%dma_wait3A_188, %dma_wait3A_189] : memref<256x128xf32, #tpu.memory_space<vmem>> -> memref<128x128xf32, #tpu.memory_space<vmem>>
      %dma_wait3A_191 = arith.constant 0 : i32
      %dma_wait3A_192 = tpu.memref_slice %arg6[%dma_wait3A_187, %dma_wait3A_191] : memref<8x128xi32, #tpu.memory_space<vmem>> -> memref<1x128xi32, #tpu.memory_space<vmem>>
      %dma_wait3A_193 = tpu.memref_squeeze %dma_wait3A_192 : memref<1x128xi32, #tpu.memory_space<vmem>> -> memref<128xi32, #tpu.memory_space<vmem>>
      %dma_wait3A_194 = arith.constant 0 : i32
      %dma_wait3A_195 = arith.constant 0 : i32
      %dma_wait3A_196 = tpu.memref_slice %arg2[%dma_wait3A_194, %dma_wait3A_195] : memref<10240x128xf32, #tpu.memory_space<hbm>> -> memref<10240x128xf32, #tpu.memory_space<hbm>>
      tpu.wait_indirect_dma semaphore(%arg11 : memref<!tpu.dma_semaphore, #tpu.memory_space<semaphore_mem>>) src(%dma_wait3A_196 : memref<10240x128xf32, #tpu.memory_space<hbm>>) dst(%dma_wait3A_190 : memref<128x128xf32, #tpu.memory_space<vmem>>)
      %dma_wait3A_197 = arith.constant 1 : i32
      %dma_wait3A_198 = arith.constant 128 : i32
      %dma_wait3A_199 = arith.constant 0 : i32
      %dma_wait3A_200 = tpu.memref_slice %arg8[%dma_wait3A_198, %dma_wait3A_199] : memref<256x128xf32, #tpu.memory_space<vmem>> -> memref<128x128xf32, #tpu.memory_space<vmem>>
      %dma_wait3A_201 = arith.constant 0 : i32
      %dma_wait3A_202 = tpu.memref_slice %arg6[%dma_wait3A_197, %dma_wait3A_201] : memref<8x128xi32, #tpu.memory_space<vmem>> -> memref<1x128xi32, #tpu.memory_space<vmem>>
      %dma_wait3A_203 = tpu.memref_squeeze %dma_wait3A_202 : memref<1x128xi32, #tpu.memory_space<vmem>> -> memref<128xi32, #tpu.memory_space<vmem>>
      %dma_wait3A_204 = arith.constant 0 : i32
      %dma_wait3A_205 = arith.constant 0 : i32
      %dma_wait3A_206 = tpu.memref_slice %arg2[%dma_wait3A_204, %dma_wait3A_205] : memref<10240x128xf32, #tpu.memory_space<hbm>> -> memref<10240x128xf32, #tpu.memory_space<hbm>>
      tpu.wait_indirect_dma semaphore(%arg11 : memref<!tpu.dma_semaphore, #tpu.memory_space<semaphore_mem>>) src(%dma_wait3A_206 : memref<10240x128xf32, #tpu.memory_space<hbm>>) dst(%dma_wait3A_200 : memref<128x128xf32, #tpu.memory_space<vmem>>)
      %run_scoped3A = arith.constant 0 : i32
      "tpu.region"() ({
        %run_scoped3A_209 = tpu.sem_alloc : memref<!tpu.dma_semaphore, #tpu.memory_space<semaphore_mem>>
        %dma_start3A_210 = arith.constant 0 : i32
        %dma_start3A_211 = arith.constant 0 : i32
        %dma_start3A_212 = tpu.memref_slice %arg8[%dma_start3A_210, %dma_start3A_211] : memref<256x128xf32, #tpu.memory_space<vmem>> -> memref<128x128xf32, #tpu.memory_space<vmem>>
        %dma_start3A_213 = arith.constant 0 : i32
        %dma_start3A_214 = tpu.memref_slice %arg7[%run_scoped3A, %dma_start3A_213] : memref<8x128xi32, #tpu.memory_space<vmem>> -> memref<1x128xi32, #tpu.memory_space<vmem>>
        %dma_start3A_215 = tpu.memref_squeeze %dma_start3A_214 : memref<1x128xi32, #tpu.memory_space<vmem>> -> memref<128xi32, #tpu.memory_space<vmem>>
        %dma_start3A_216 = arith.constant 0 : i32
        %dma_start3A_217 = arith.constant 0 : i32
        %dma_start3A_218 = tpu.memref_slice %arg10[%dma_start3A_216, %dma_start3A_217] : memref<10240x128xf32, #tpu.memory_space<vmem_shared>> -> memref<10240x128xf32, #tpu.memory_space<vmem_shared>>
        tpu.enqueue_indirect_dma source(%dma_start3A_212 : memref<128x128xf32, #tpu.memory_space<vmem>>) target(%dma_start3A_218 : memref<10240x128xf32, #tpu.memory_space<vmem_shared>>) offsets(%dma_start3A_215 : memref<128xi32, #tpu.memory_space<vmem>>) semaphore(%run_scoped3A_209 : memref<!tpu.dma_semaphore, #tpu.memory_space<semaphore_mem>>) {add = true}
        %dma_wait3A_219 = arith.constant 0 : i32
        %dma_wait3A_220 = arith.constant 0 : i32
        %dma_wait3A_221 = tpu.memref_slice %arg8[%dma_wait3A_219, %dma_wait3A_220] : memref<256x128xf32, #tpu.memory_space<vmem>> -> memref<128x128xf32, #tpu.memory_space<vmem>>
        %dma_wait3A_222 = arith.constant 0 : i32
        %dma_wait3A_223 = tpu.memref_slice %arg7[%run_scoped3A, %dma_wait3A_222] : memref<8x128xi32, #tpu.memory_space<vmem>> -> memref<1x128xi32, #tpu.memory_space<vmem>>
        %dma_wait3A_224 = tpu.memref_squeeze %dma_wait3A_223 : memref<1x128xi32, #tpu.memory_space<vmem>> -> memref<128xi32, #tpu.memory_space<vmem>>
        %dma_wait3A_225 = arith.constant 0 : i32
        %dma_wait3A_226 = arith.constant 0 : i32
        %dma_wait3A_227 = tpu.memref_slice %arg10[%dma_wait3A_225, %dma_wait3A_226] : memref<10240x128xf32, #tpu.memory_space<vmem_shared>> -> memref<10240x128xf32, #tpu.memory_space<vmem_shared>>
        tpu.wait_indirect_dma semaphore(%run_scoped3A_209 : memref<!tpu.dma_semaphore, #tpu.memory_space<semaphore_mem>>) src(%dma_wait3A_221 : memref<128x128xf32, #tpu.memory_space<vmem>>) dst(%dma_wait3A_227 : memref<10240x128xf32, #tpu.memory_space<vmem_shared>>)
        tpu.yield
      }) : () -> ()
      %run_scoped3A_207 = arith.constant 1 : i32
      "tpu.region"() ({
        %run_scoped3A_209 = tpu.sem_alloc : memref<!tpu.dma_semaphore, #tpu.memory_space<semaphore_mem>>
        %dma_start3A_210 = arith.constant 128 : i32
        %dma_start3A_211 = arith.constant 0 : i32
        %dma_start3A_212 = tpu.memref_slice %arg8[%dma_start3A_210, %dma_start3A_211] : memref<256x128xf32, #tpu.memory_space<vmem>> -> memref<128x128xf32, #tpu.memory_space<vmem>>
        %dma_start3A_213 = arith.constant 0 : i32
        %dma_start3A_214 = tpu.memref_slice %arg7[%run_scoped3A_207, %dma_start3A_213] : memref<8x128xi32, #tpu.memory_space<vmem>> -> memref<1x128xi32, #tpu.memory_space<vmem>>
        %dma_start3A_215 = tpu.memref_squeeze %dma_start3A_214 : memref<1x128xi32, #tpu.memory_space<vmem>> -> memref<128xi32, #tpu.memory_space<vmem>>
        %dma_start3A_216 = arith.constant 0 : i32
        %dma_start3A_217 = arith.constant 0 : i32
        %dma_start3A_218 = tpu.memref_slice %arg10[%dma_start3A_216, %dma_start3A_217] : memref<10240x128xf32, #tpu.memory_space<vmem_shared>> -> memref<10240x128xf32, #tpu.memory_space<vmem_shared>>
        tpu.enqueue_indirect_dma source(%dma_start3A_212 : memref<128x128xf32, #tpu.memory_space<vmem>>) target(%dma_start3A_218 : memref<10240x128xf32, #tpu.memory_space<vmem_shared>>) offsets(%dma_start3A_215 : memref<128xi32, #tpu.memory_space<vmem>>) semaphore(%run_scoped3A_209 : memref<!tpu.dma_semaphore, #tpu.memory_space<semaphore_mem>>) {add = true}
        %dma_wait3A_219 = arith.constant 128 : i32
        %dma_wait3A_220 = arith.constant 0 : i32
        %dma_wait3A_221 = tpu.memref_slice %arg8[%dma_wait3A_219, %dma_wait3A_220] : memref<256x128xf32, #tpu.memory_space<vmem>> -> memref<128x128xf32, #tpu.memory_space<vmem>>
        %dma_wait3A_222 = arith.constant 0 : i32
        %dma_wait3A_223 = tpu.memref_slice %arg7[%run_scoped3A_207, %dma_wait3A_222] : memref<8x128xi32, #tpu.memory_space<vmem>> -> memref<1x128xi32, #tpu.memory_space<vmem>>
        %dma_wait3A_224 = tpu.memref_squeeze %dma_wait3A_223 : memref<1x128xi32, #tpu.memory_space<vmem>> -> memref<128xi32, #tpu.memory_space<vmem>>
        %dma_wait3A_225 = arith.constant 0 : i32
        %dma_wait3A_226 = arith.constant 0 : i32
        %dma_wait3A_227 = tpu.memref_slice %arg10[%dma_wait3A_225, %dma_wait3A_226] : memref<10240x128xf32, #tpu.memory_space<vmem_shared>> -> memref<10240x128xf32, #tpu.memory_space<vmem_shared>>
        tpu.wait_indirect_dma semaphore(%run_scoped3A_209 : memref<!tpu.dma_semaphore, #tpu.memory_space<semaphore_mem>>) src(%dma_wait3A_221 : memref<128x128xf32, #tpu.memory_space<vmem>>) dst(%dma_wait3A_227 : memref<10240x128xf32, #tpu.memory_space<vmem_shared>>)
        tpu.yield
      }) : () -> ()
      %while3A_208 = arith.constant 0 : i32
      scf.yield %while3A_208 : i32
    }
    %while3A_125 = arith.constant 1 : i32
    %while3A_126 = scf.for %while3A_162 = %while3A_122 to %while3A_118 step %while3A_125 iter_args(%while3A_163 = %while3A_124) -> (i32)  : i32 {
      %mul3A_164 = arith.constant 2 : i32
      %mul3A_165 = arith.muli %while3A_162, %mul3A_164 : i32
      %add3A_166 = arith.addi %select_n3A, %mul3A_165 : i32
      "tpu.region"() ({
        %run_scoped3A_209 = tpu.sem_alloc : memref<!tpu.dma_semaphore, #tpu.memory_space<semaphore_mem>>
        %dma_start3A_210 = arith.constant 0 : i32
        %dma_start3A_211 = arith.constant 0 : i32
        %dma_start3A_212 = tpu.memref_slice %arg6[%dma_start3A_210, %dma_start3A_211] : memref<8x128xi32, #tpu.memory_space<vmem>> -> memref<2x128xi32, #tpu.memory_space<vmem>>
        %dma_start3A_213 = arith.constant 0 : i32
        %dma_start3A_214 = tpu.memref_slice %arg3[%add3A_166, %dma_start3A_213] : memref<2560x128xi32, #tpu.memory_space<hbm>> -> memref<2x128xi32, #tpu.memory_space<hbm>>
        %dma_start3A_215 = arith.constant 0 : i32
        %dma_start3A_216 = arith.constant 0 : i32
        %dma_start3A_217 = tpu.memref_slice %arg6[%dma_start3A_215, %dma_start3A_216] : memref<8x128xi32, #tpu.memory_space<vmem>> -> memref<2x128xi32, #tpu.memory_space<vmem>>
        %dma_start3A_218 = arith.constant 0 : i32
        %dma_start3A_219 = tpu.memref_slice %arg3[%add3A_166, %dma_start3A_218] : memref<2560x128xi32, #tpu.memory_space<hbm>> -> memref<2x128xi32, #tpu.memory_space<hbm>>
        tpu.enqueue_dma source(%dma_start3A_219 : memref<2x128xi32, #tpu.memory_space<hbm>>) target(%dma_start3A_217 : memref<2x128xi32, #tpu.memory_space<vmem>>) target_semaphore(%run_scoped3A_209 : memref<!tpu.dma_semaphore, #tpu.memory_space<semaphore_mem>>)
        %dma_wait3A_220 = arith.constant 0 : i32
        %dma_wait3A_221 = arith.constant 0 : i32
        %dma_wait3A_222 = tpu.memref_slice %arg6[%dma_wait3A_220, %dma_wait3A_221] : memref<8x128xi32, #tpu.memory_space<vmem>> -> memref<2x128xi32, #tpu.memory_space<vmem>>
        %dma_wait3A_223 = arith.constant 0 : i32
        %dma_wait3A_224 = tpu.memref_slice %arg3[%add3A_166, %dma_wait3A_223] : memref<2560x128xi32, #tpu.memory_space<hbm>> -> memref<2x128xi32, #tpu.memory_space<hbm>>
        %dma_wait3A_225 = arith.constant 0 : i32
        %dma_wait3A_226 = arith.constant 0 : i32
        %dma_wait3A_227 = tpu.memref_slice %arg6[%dma_wait3A_225, %dma_wait3A_226] : memref<8x128xi32, #tpu.memory_space<vmem>> -> memref<2x128xi32, #tpu.memory_space<vmem>>
        %dma_wait3A_228 = arith.constant 0 : i32
        %dma_wait3A_229 = tpu.memref_slice %arg3[%add3A_166, %dma_wait3A_228] : memref<2560x128xi32, #tpu.memory_space<hbm>> -> memref<2x128xi32, #tpu.memory_space<hbm>>
        tpu.wait_dma2 semaphore(%run_scoped3A_209 : memref<!tpu.dma_semaphore, #tpu.memory_space<semaphore_mem>>) src(%dma_wait3A_229 : memref<2x128xi32, #tpu.memory_space<hbm>>) dst(%dma_wait3A_227 : memref<2x128xi32, #tpu.memory_space<vmem>>)
        tpu.yield
      }) : () -> ()
      "tpu.region"() ({
        %run_scoped3A_209 = tpu.sem_alloc : memref<!tpu.dma_semaphore, #tpu.memory_space<semaphore_mem>>
        %dma_start3A_210 = arith.constant 0 : i32
        %dma_start3A_211 = arith.constant 0 : i32
        %dma_start3A_212 = tpu.memref_slice %arg7[%dma_start3A_210, %dma_start3A_211] : memref<8x128xi32, #tpu.memory_space<vmem>> -> memref<2x128xi32, #tpu.memory_space<vmem>>
        %dma_start3A_213 = arith.constant 0 : i32
        %dma_start3A_214 = tpu.memref_slice %arg4[%add3A_166, %dma_start3A_213] : memref<2560x128xi32, #tpu.memory_space<hbm>> -> memref<2x128xi32, #tpu.memory_space<hbm>>
        %dma_start3A_215 = arith.constant 0 : i32
        %dma_start3A_216 = arith.constant 0 : i32
        %dma_start3A_217 = tpu.memref_slice %arg7[%dma_start3A_215, %dma_start3A_216] : memref<8x128xi32, #tpu.memory_space<vmem>> -> memref<2x128xi32, #tpu.memory_space<vmem>>
        %dma_start3A_218 = arith.constant 0 : i32
        %dma_start3A_219 = tpu.memref_slice %arg4[%add3A_166, %dma_start3A_218] : memref<2560x128xi32, #tpu.memory_space<hbm>> -> memref<2x128xi32, #tpu.memory_space<hbm>>
        tpu.enqueue_dma source(%dma_start3A_219 : memref<2x128xi32, #tpu.memory_space<hbm>>) target(%dma_start3A_217 : memref<2x128xi32, #tpu.memory_space<vmem>>) target_semaphore(%run_scoped3A_209 : memref<!tpu.dma_semaphore, #tpu.memory_space<semaphore_mem>>)
        %dma_wait3A_220 = arith.constant 0 : i32
        %dma_wait3A_221 = arith.constant 0 : i32
        %dma_wait3A_222 = tpu.memref_slice %arg7[%dma_wait3A_220, %dma_wait3A_221] : memref<8x128xi32, #tpu.memory_space<vmem>> -> memref<2x128xi32, #tpu.memory_space<vmem>>
        %dma_wait3A_223 = arith.constant 0 : i32
        %dma_wait3A_224 = tpu.memref_slice %arg4[%add3A_166, %dma_wait3A_223] : memref<2560x128xi32, #tpu.memory_space<hbm>> -> memref<2x128xi32, #tpu.memory_space<hbm>>
        %dma_wait3A_225 = arith.constant 0 : i32
        %dma_wait3A_226 = arith.constant 0 : i32
        %dma_wait3A_227 = tpu.memref_slice %arg7[%dma_wait3A_225, %dma_wait3A_226] : memref<8x128xi32, #tpu.memory_space<vmem>> -> memref<2x128xi32, #tpu.memory_space<vmem>>
        %dma_wait3A_228 = arith.constant 0 : i32
        %dma_wait3A_229 = tpu.memref_slice %arg4[%add3A_166, %dma_wait3A_228] : memref<2560x128xi32, #tpu.memory_space<hbm>> -> memref<2x128xi32, #tpu.memory_space<hbm>>
        tpu.wait_dma2 semaphore(%run_scoped3A_209 : memref<!tpu.dma_semaphore, #tpu.memory_space<semaphore_mem>>) src(%dma_wait3A_229 : memref<2x128xi32, #tpu.memory_space<hbm>>) dst(%dma_wait3A_227 : memref<2x128xi32, #tpu.memory_space<vmem>>)
        tpu.yield
      }) : () -> ()
      %dma_start3A_167 = arith.constant 0 : i32
      %dma_start3A_168 = arith.constant 0 : i32
      %dma_start3A_169 = arith.constant 0 : i32
      %dma_start3A_170 = tpu.memref_slice %arg8[%dma_start3A_168, %dma_start3A_169] : memref<256x128xf32, #tpu.memory_space<vmem>> -> memref<128x128xf32, #tpu.memory_space<vmem>>
      %dma_start3A_171 = arith.constant 0 : i32
      %dma_start3A_172 = tpu.memref_slice %arg6[%dma_start3A_167, %dma_start3A_171] : memref<8x128xi32, #tpu.memory_space<vmem>> -> memref<1x128xi32, #tpu.memory_space<vmem>>
      %dma_start3A_173 = tpu.memref_squeeze %dma_start3A_172 : memref<1x128xi32, #tpu.memory_space<vmem>> -> memref<128xi32, #tpu.memory_space<vmem>>
      %dma_start3A_174 = arith.constant 0 : i32
      %dma_start3A_175 = arith.constant 0 : i32
      %dma_start3A_176 = tpu.memref_slice %arg2[%dma_start3A_174, %dma_start3A_175] : memref<10240x128xf32, #tpu.memory_space<hbm>> -> memref<10240x128xf32, #tpu.memory_space<hbm>>
      tpu.enqueue_indirect_dma source(%dma_start3A_176 : memref<10240x128xf32, #tpu.memory_space<hbm>>) target(%dma_start3A_170 : memref<128x128xf32, #tpu.memory_space<vmem>>) offsets(%dma_start3A_173 : memref<128xi32, #tpu.memory_space<vmem>>) semaphore(%arg11 : memref<!tpu.dma_semaphore, #tpu.memory_space<semaphore_mem>>)
      %dma_start3A_177 = arith.constant 1 : i32
      %dma_start3A_178 = arith.constant 128 : i32
      %dma_start3A_179 = arith.constant 0 : i32
      %dma_start3A_180 = tpu.memref_slice %arg8[%dma_start3A_178, %dma_start3A_179] : memref<256x128xf32, #tpu.memory_space<vmem>> -> memref<128x128xf32, #tpu.memory_space<vmem>>
      %dma_start3A_181 = arith.constant 0 : i32
      %dma_start3A_182 = tpu.memref_slice %arg6[%dma_start3A_177, %dma_start3A_181] : memref<8x128xi32, #tpu.memory_space<vmem>> -> memref<1x128xi32, #tpu.memory_space<vmem>>
      %dma_start3A_183 = tpu.memref_squeeze %dma_start3A_182 : memref<1x128xi32, #tpu.memory_space<vmem>> -> memref<128xi32, #tpu.memory_space<vmem>>
      %dma_start3A_184 = arith.constant 0 : i32
      %dma_start3A_185 = arith.constant 0 : i32
      %dma_start3A_186 = tpu.memref_slice %arg2[%dma_start3A_184, %dma_start3A_185] : memref<10240x128xf32, #tpu.memory_space<hbm>> -> memref<10240x128xf32, #tpu.memory_space<hbm>>
      tpu.enqueue_indirect_dma source(%dma_start3A_186 : memref<10240x128xf32, #tpu.memory_space<hbm>>) target(%dma_start3A_180 : memref<128x128xf32, #tpu.memory_space<vmem>>) offsets(%dma_start3A_183 : memref<128xi32, #tpu.memory_space<vmem>>) semaphore(%arg11 : memref<!tpu.dma_semaphore, #tpu.memory_space<semaphore_mem>>)
      %dma_wait3A_187 = arith.constant 0 : i32
      %dma_wait3A_188 = arith.constant 0 : i32
      %dma_wait3A_189 = arith.constant 0 : i32
      %dma_wait3A_190 = tpu.memref_slice %arg8[%dma_wait3A_188, %dma_wait3A_189] : memref<256x128xf32, #tpu.memory_space<vmem>> -> memref<128x128xf32, #tpu.memory_space<vmem>>
      %dma_wait3A_191 = arith.constant 0 : i32
      %dma_wait3A_192 = tpu.memref_slice %arg6[%dma_wait3A_187, %dma_wait3A_191] : memref<8x128xi32, #tpu.memory_space<vmem>> -> memref<1x128xi32, #tpu.memory_space<vmem>>
      %dma_wait3A_193 = tpu.memref_squeeze %dma_wait3A_192 : memref<1x128xi32, #tpu.memory_space<vmem>> -> memref<128xi32, #tpu.memory_space<vmem>>
      %dma_wait3A_194 = arith.constant 0 : i32
      %dma_wait3A_195 = arith.constant 0 : i32
      %dma_wait3A_196 = tpu.memref_slice %arg2[%dma_wait3A_194, %dma_wait3A_195] : memref<10240x128xf32, #tpu.memory_space<hbm>> -> memref<10240x128xf32, #tpu.memory_space<hbm>>
      tpu.wait_indirect_dma semaphore(%arg11 : memref<!tpu.dma_semaphore, #tpu.memory_space<semaphore_mem>>) src(%dma_wait3A_196 : memref<10240x128xf32, #tpu.memory_space<hbm>>) dst(%dma_wait3A_190 : memref<128x128xf32, #tpu.memory_space<vmem>>)
      %dma_wait3A_197 = arith.constant 1 : i32
      %dma_wait3A_198 = arith.constant 128 : i32
      %dma_wait3A_199 = arith.constant 0 : i32
      %dma_wait3A_200 = tpu.memref_slice %arg8[%dma_wait3A_198, %dma_wait3A_199] : memref<256x128xf32, #tpu.memory_space<vmem>> -> memref<128x128xf32, #tpu.memory_space<vmem>>
      %dma_wait3A_201 = arith.constant 0 : i32
      %dma_wait3A_202 = tpu.memref_slice %arg6[%dma_wait3A_197, %dma_wait3A_201] : memref<8x128xi32, #tpu.memory_space<vmem>> -> memref<1x128xi32, #tpu.memory_space<vmem>>
      %dma_wait3A_203 = tpu.memref_squeeze %dma_wait3A_202 : memref<1x128xi32, #tpu.memory_space<vmem>> -> memref<128xi32, #tpu.memory_space<vmem>>
      %dma_wait3A_204 = arith.constant 0 : i32
      %dma_wait3A_205 = arith.constant 0 : i32
      %dma_wait3A_206 = tpu.memref_slice %arg2[%dma_wait3A_204, %dma_wait3A_205] : memref<10240x128xf32, #tpu.memory_space<hbm>> -> memref<10240x128xf32, #tpu.memory_space<hbm>>
      tpu.wait_indirect_dma semaphore(%arg11 : memref<!tpu.dma_semaphore, #tpu.memory_space<semaphore_mem>>) src(%dma_wait3A_206 : memref<10240x128xf32, #tpu.memory_space<hbm>>) dst(%dma_wait3A_200 : memref<128x128xf32, #tpu.memory_space<vmem>>)
      %run_scoped3A = arith.constant 0 : i32
      "tpu.region"() ({
        %run_scoped3A_209 = tpu.sem_alloc : memref<!tpu.dma_semaphore, #tpu.memory_space<semaphore_mem>>
        %dma_start3A_210 = arith.constant 0 : i32
        %dma_start3A_211 = arith.constant 0 : i32
        %dma_start3A_212 = tpu.memref_slice %arg8[%dma_start3A_210, %dma_start3A_211] : memref<256x128xf32, #tpu.memory_space<vmem>> -> memref<128x128xf32, #tpu.memory_space<vmem>>
        %dma_start3A_213 = arith.constant 0 : i32
        %dma_start3A_214 = tpu.memref_slice %arg7[%run_scoped3A, %dma_start3A_213] : memref<8x128xi32, #tpu.memory_space<vmem>> -> memref<1x128xi32, #tpu.memory_space<vmem>>
        %dma_start3A_215 = tpu.memref_squeeze %dma_start3A_214 : memref<1x128xi32, #tpu.memory_space<vmem>> -> memref<128xi32, #tpu.memory_space<vmem>>
        %dma_start3A_216 = arith.constant 0 : i32
        %dma_start3A_217 = arith.constant 0 : i32
        %dma_start3A_218 = tpu.memref_slice %arg10[%dma_start3A_216, %dma_start3A_217] : memref<10240x128xf32, #tpu.memory_space<vmem_shared>> -> memref<10240x128xf32, #tpu.memory_space<vmem_shared>>
        tpu.enqueue_indirect_dma source(%dma_start3A_212 : memref<128x128xf32, #tpu.memory_space<vmem>>) target(%dma_start3A_218 : memref<10240x128xf32, #tpu.memory_space<vmem_shared>>) offsets(%dma_start3A_215 : memref<128xi32, #tpu.memory_space<vmem>>) semaphore(%run_scoped3A_209 : memref<!tpu.dma_semaphore, #tpu.memory_space<semaphore_mem>>) {add = true}
        %dma_wait3A_219 = arith.constant 0 : i32
        %dma_wait3A_220 = arith.constant 0 : i32
        %dma_wait3A_221 = tpu.memref_slice %arg8[%dma_wait3A_219, %dma_wait3A_220] : memref<256x128xf32, #tpu.memory_space<vmem>> -> memref<128x128xf32, #tpu.memory_space<vmem>>
        %dma_wait3A_222 = arith.constant 0 : i32
        %dma_wait3A_223 = tpu.memref_slice %arg7[%run_scoped3A, %dma_wait3A_222] : memref<8x128xi32, #tpu.memory_space<vmem>> -> memref<1x128xi32, #tpu.memory_space<vmem>>
        %dma_wait3A_224 = tpu.memref_squeeze %dma_wait3A_223 : memref<1x128xi32, #tpu.memory_space<vmem>> -> memref<128xi32, #tpu.memory_space<vmem>>
        %dma_wait3A_225 = arith.constant 0 : i32
        %dma_wait3A_226 = arith.constant 0 : i32
        %dma_wait3A_227 = tpu.memref_slice %arg10[%dma_wait3A_225, %dma_wait3A_226] : memref<10240x128xf32, #tpu.memory_space<vmem_shared>> -> memref<10240x128xf32, #tpu.memory_space<vmem_shared>>
        tpu.wait_indirect_dma semaphore(%run_scoped3A_209 : memref<!tpu.dma_semaphore, #tpu.memory_space<semaphore_mem>>) src(%dma_wait3A_221 : memref<128x128xf32, #tpu.memory_space<vmem>>) dst(%dma_wait3A_227 : memref<10240x128xf32, #tpu.memory_space<vmem_shared>>)
        tpu.yield
      }) : () -> ()
      %run_scoped3A_207 = arith.constant 1 : i32
      "tpu.region"() ({
        %run_scoped3A_209 = tpu.sem_alloc : memref<!tpu.dma_semaphore, #tpu.memory_space<semaphore_mem>>
        %dma_start3A_210 = arith.constant 128 : i32
        %dma_start3A_211 = arith.constant 0 : i32
        %dma_start3A_212 = tpu.memref_slice %arg8[%dma_start3A_210, %dma_start3A_211] : memref<256x128xf32, #tpu.memory_space<vmem>> -> memref<128x128xf32, #tpu.memory_space<vmem>>
        %dma_start3A_213 = arith.constant 0 : i32
        %dma_start3A_214 = tpu.memref_slice %arg7[%run_scoped3A_207, %dma_start3A_213] : memref<8x128xi32, #tpu.memory_space<vmem>> -> memref<1x128xi32, #tpu.memory_space<vmem>>
        %dma_start3A_215 = tpu.memref_squeeze %dma_start3A_214 : memref<1x128xi32, #tpu.memory_space<vmem>> -> memref<128xi32, #tpu.memory_space<vmem>>
        %dma_start3A_216 = arith.constant 0 : i32
        %dma_start3A_217 = arith.constant 0 : i32
        %dma_start3A_218 = tpu.memref_slice %arg10[%dma_start3A_216, %dma_start3A_217] : memref<10240x128xf32, #tpu.memory_space<vmem_shared>> -> memref<10240x128xf32, #tpu.memory_space<vmem_shared>>
        tpu.enqueue_indirect_dma source(%dma_start3A_212 : memref<128x128xf32, #tpu.memory_space<vmem>>) target(%dma_start3A_218 : memref<10240x128xf32, #tpu.memory_space<vmem_shared>>) offsets(%dma_start3A_215 : memref<128xi32, #tpu.memory_space<vmem>>) semaphore(%run_scoped3A_209 : memref<!tpu.dma_semaphore, #tpu.memory_space<semaphore_mem>>) {add = true}
        %dma_wait3A_219 = arith.constant 128 : i32
        %dma_wait3A_220 = arith.constant 0 : i32
        %dma_wait3A_221 = tpu.memref_slice %arg8[%dma_wait3A_219, %dma_wait3A_220] : memref<256x128xf32, #tpu.memory_space<vmem>> -> memref<128x128xf32, #tpu.memory_space<vmem>>
        %dma_wait3A_222 = arith.constant 0 : i32
        %dma_wait3A_223 = tpu.memref_slice %arg7[%run_scoped3A_207, %dma_wait3A_222] : memref<8x128xi32, #tpu.memory_space<vmem>> -> memref<1x128xi32, #tpu.memory_space<vmem>>
        %dma_wait3A_224 = tpu.memref_squeeze %dma_wait3A_223 : memref<1x128xi32, #tpu.memory_space<vmem>> -> memref<128xi32, #tpu.memory_space<vmem>>
        %dma_wait3A_225 = arith.constant 0 : i32
        %dma_wait3A_226 = arith.constant 0 : i32
        %dma_wait3A_227 = tpu.memref_slice %arg10[%dma_wait3A_225, %dma_wait3A_226] : memref<10240x128xf32, #tpu.memory_space<vmem_shared>> -> memref<10240x128xf32, #tpu.memory_space<vmem_shared>>
        tpu.wait_indirect_dma semaphore(%run_scoped3A_209 : memref<!tpu.dma_semaphore, #tpu.memory_space<semaphore_mem>>) src(%dma_wait3A_221 : memref<128x128xf32, #tpu.memory_space<vmem>>) dst(%dma_wait3A_227 : memref<10240x128xf32, #tpu.memory_space<vmem_shared>>)
        tpu.yield
      }) : () -> ()
      %while3A_208 = arith.constant 0 : i32
      scf.yield %while3A_208 : i32
    }
    %barrier3A_127 = arith.constant 0 : index
    tpu.barrier barrier_id(%barrier3A_127)
    %add3A_128 = arith.constant 0 : i32
    %add3A_129 = arith.addi %mul3A_7, %add3A_128 : i32
    "tpu.region"() ({
      %run_scoped3A = tpu.sem_alloc : memref<!tpu.dma_semaphore, #tpu.memory_space<semaphore_mem>>
      %dma_start3A_162 = arith.constant 0 : i32
      %dma_start3A_163 = arith.constant 0 : i32
      %dma_start3A_164 = tpu.memref_slice %arg8[%dma_start3A_162, %dma_start3A_163] : memref<256x128xf32, #tpu.memory_space<vmem>> -> memref<256x128xf32, #tpu.memory_space<vmem>>
      %dma_start3A_165 = arith.constant 0 : i32
      %dma_start3A_166 = tpu.memref_slice %arg10[%add3A_129, %dma_start3A_165] : memref<10240x128xf32, #tpu.memory_space<vmem_shared>> -> memref<256x128xf32, #tpu.memory_space<vmem_shared>>
      %dma_start3A_167 = arith.constant 0 : i32
      %dma_start3A_168 = arith.constant 0 : i32
      %dma_start3A_169 = tpu.memref_slice %arg8[%dma_start3A_167, %dma_start3A_168] : memref<256x128xf32, #tpu.memory_space<vmem>> -> memref<256x128xf32, #tpu.memory_space<vmem>>
      %dma_start3A_170 = arith.constant 0 : i32
      %dma_start3A_171 = tpu.memref_slice %arg10[%add3A_129, %dma_start3A_170] : memref<10240x128xf32, #tpu.memory_space<vmem_shared>> -> memref<256x128xf32, #tpu.memory_space<vmem_shared>>
      tpu.enqueue_dma source(%dma_start3A_171 : memref<256x128xf32, #tpu.memory_space<vmem_shared>>) target(%dma_start3A_169 : memref<256x128xf32, #tpu.memory_space<vmem>>) target_semaphore(%run_scoped3A : memref<!tpu.dma_semaphore, #tpu.memory_space<semaphore_mem>>)
      %dma_wait3A_172 = arith.constant 0 : i32
      %dma_wait3A_173 = arith.constant 0 : i32
      %dma_wait3A_174 = tpu.memref_slice %arg8[%dma_wait3A_172, %dma_wait3A_173] : memref<256x128xf32, #tpu.memory_space<vmem>> -> memref<256x128xf32, #tpu.memory_space<vmem>>
      %dma_wait3A_175 = arith.constant 0 : i32
      %dma_wait3A_176 = tpu.memref_slice %arg10[%add3A_129, %dma_wait3A_175] : memref<10240x128xf32, #tpu.memory_space<vmem_shared>> -> memref<256x128xf32, #tpu.memory_space<vmem_shared>>
      %dma_wait3A_177 = arith.constant 0 : i32
      %dma_wait3A_178 = arith.constant 0 : i32
      %dma_wait3A_179 = tpu.memref_slice %arg8[%dma_wait3A_177, %dma_wait3A_178] : memref<256x128xf32, #tpu.memory_space<vmem>> -> memref<256x128xf32, #tpu.memory_space<vmem>>
      %dma_wait3A_180 = arith.constant 0 : i32
      %dma_wait3A_181 = tpu.memref_slice %arg10[%add3A_129, %dma_wait3A_180] : memref<10240x128xf32, #tpu.memory_space<vmem_shared>> -> memref<256x128xf32, #tpu.memory_space<vmem_shared>>
      tpu.wait_dma2 semaphore(%run_scoped3A : memref<!tpu.dma_semaphore, #tpu.memory_space<semaphore_mem>>) src(%dma_wait3A_181 : memref<256x128xf32, #tpu.memory_space<vmem_shared>>) dst(%dma_wait3A_179 : memref<256x128xf32, #tpu.memory_space<vmem>>)
      tpu.yield
    }) : () -> ()
    %eq3A_130 = arith.constant 0 : i32
    %eq3A_131 = arith.cmpi eq, %arg0, %eq3A_130 : i32
    %convert_element_type3A = arith.extui %eq3A_131 : i1 to i32
    %cond3A = arith.constant 0 : i32
    %cond3A_132 = arith.cmpi ne, %convert_element_type3A, %cond3A : i32
    scf.if %cond3A_132 {
      %add3A_162 = arith.constant 0 : i32
      %add3A_163 = arith.addi %mul3A_7, %add3A_162 : i32
      %run_scoped3A = arith.constant 0 : i32
      "tpu.region"() ({
        %run_scoped3A_164 = tpu.sem_alloc : memref<!tpu.dma_semaphore, #tpu.memory_space<semaphore_mem>>
        %dma_start3A_165 = arith.constant 0 : i32
        %dma_start3A_166 = arith.constant 0 : i32
        %dma_start3A_167 = tpu.memref_slice %arg8[%dma_start3A_165, %dma_start3A_166] : memref<256x128xf32, #tpu.memory_space<vmem>> -> memref<256x128xf32, #tpu.memory_space<vmem>>
        %dma_start3A_168 = arith.constant 0 : i32
        %dma_start3A_169 = tpu.memref_slice %arg5[%run_scoped3A, %add3A_163, %dma_start3A_168] : memref<2x10240x128xf32, #tpu.memory_space<hbm>> -> memref<1x256x128xf32, #tpu.memory_space<hbm>>
        %dma_start3A_170 = tpu.memref_squeeze %dma_start3A_169 : memref<1x256x128xf32, #tpu.memory_space<hbm>> -> memref<256x128xf32, #tpu.memory_space<hbm>>
        %dma_start3A_171 = arith.constant 0 : i32
        %dma_start3A_172 = tpu.memref_slice %arg5[%run_scoped3A, %add3A_163, %dma_start3A_171] : memref<2x10240x128xf32, #tpu.memory_space<hbm>> -> memref<1x256x128xf32, #tpu.memory_space<hbm>>
        %dma_start3A_173 = tpu.memref_squeeze %dma_start3A_172 : memref<1x256x128xf32, #tpu.memory_space<hbm>> -> memref<256x128xf32, #tpu.memory_space<hbm>>
        %dma_start3A_174 = arith.constant 0 : i32
        %dma_start3A_175 = arith.constant 0 : i32
        %dma_start3A_176 = tpu.memref_slice %arg8[%dma_start3A_174, %dma_start3A_175] : memref<256x128xf32, #tpu.memory_space<vmem>> -> memref<256x128xf32, #tpu.memory_space<vmem>>
        tpu.enqueue_dma source(%dma_start3A_176 : memref<256x128xf32, #tpu.memory_space<vmem>>) target(%dma_start3A_173 : memref<256x128xf32, #tpu.memory_space<hbm>>) target_semaphore(%run_scoped3A_164 : memref<!tpu.dma_semaphore, #tpu.memory_space<semaphore_mem>>)
        %dma_wait3A_177 = arith.constant 0 : i32
        %dma_wait3A_178 = arith.constant 0 : i32
        %dma_wait3A_179 = tpu.memref_slice %arg8[%dma_wait3A_177, %dma_wait3A_178] : memref<256x128xf32, #tpu.memory_space<vmem>> -> memref<256x128xf32, #tpu.memory_space<vmem>>
        %dma_wait3A_180 = arith.constant 0 : i32
        %dma_wait3A_181 = tpu.memref_slice %arg5[%run_scoped3A, %add3A_163, %dma_wait3A_180] : memref<2x10240x128xf32, #tpu.memory_space<hbm>> -> memref<1x256x128xf32, #tpu.memory_space<hbm>>
        %dma_wait3A_182 = tpu.memref_squeeze %dma_wait3A_181 : memref<1x256x128xf32, #tpu.memory_space<hbm>> -> memref<256x128xf32, #tpu.memory_space<hbm>>
        %dma_wait3A_183 = arith.constant 0 : i32
        %dma_wait3A_184 = tpu.memref_slice %arg5[%run_scoped3A, %add3A_163, %dma_wait3A_183] : memref<2x10240x128xf32, #tpu.memory_space<hbm>> -> memref<1x256x128xf32, #tpu.memory_space<hbm>>
        %dma_wait3A_185 = tpu.memref_squeeze %dma_wait3A_184 : memref<1x256x128xf32, #tpu.memory_space<hbm>> -> memref<256x128xf32, #tpu.memory_space<hbm>>
        %dma_wait3A_186 = arith.constant 0 : i32
        %dma_wait3A_187 = arith.constant 0 : i32
        %dma_wait3A_188 = tpu.memref_slice %arg8[%dma_wait3A_186, %dma_wait3A_187] : memref<256x128xf32, #tpu.memory_space<vmem>> -> memref<256x128xf32, #tpu.memory_space<vmem>>
        tpu.wait_dma2 semaphore(%run_scoped3A_164 : memref<!tpu.dma_semaphore, #tpu.memory_space<semaphore_mem>>) src(%dma_wait3A_188 : memref<256x128xf32, #tpu.memory_space<vmem>>) dst(%dma_wait3A_185 : memref<256x128xf32, #tpu.memory_space<hbm>>)
        tpu.yield
      }) : () -> ()
    } else {
    }
    %eq3A_133 = arith.constant 1 : i32
    %eq3A_134 = arith.cmpi eq, %arg0, %eq3A_133 : i32
    %convert_element_type3A_135 = arith.extui %eq3A_134 : i1 to i32
    %cond3A_136 = arith.constant 0 : i32
    %cond3A_137 = arith.cmpi ne, %convert_element_type3A_135, %cond3A_136 : i32
    scf.if %cond3A_137 {
      %add3A_162 = arith.constant 0 : i32
      %add3A_163 = arith.addi %mul3A_7, %add3A_162 : i32
      %run_scoped3A = arith.constant 1 : i32
      "tpu.region"() ({
        %run_scoped3A_164 = tpu.sem_alloc : memref<!tpu.dma_semaphore, #tpu.memory_space<semaphore_mem>>
        %dma_start3A_165 = arith.constant 0 : i32
        %dma_start3A_166 = arith.constant 0 : i32
        %dma_start3A_167 = tpu.memref_slice %arg8[%dma_start3A_165, %dma_start3A_166] : memref<256x128xf32, #tpu.memory_space<vmem>> -> memref<256x128xf32, #tpu.memory_space<vmem>>
        %dma_start3A_168 = arith.constant 0 : i32
        %dma_start3A_169 = tpu.memref_slice %arg5[%run_scoped3A, %add3A_163, %dma_start3A_168] : memref<2x10240x128xf32, #tpu.memory_space<hbm>> -> memref<1x256x128xf32, #tpu.memory_space<hbm>>
        %dma_start3A_170 = tpu.memref_squeeze %dma_start3A_169 : memref<1x256x128xf32, #tpu.memory_space<hbm>> -> memref<256x128xf32, #tpu.memory_space<hbm>>
        %dma_start3A_171 = arith.constant 0 : i32
        %dma_start3A_172 = tpu.memref_slice %arg5[%run_scoped3A, %add3A_163, %dma_start3A_171] : memref<2x10240x128xf32, #tpu.memory_space<hbm>> -> memref<1x256x128xf32, #tpu.memory_space<hbm>>
        %dma_start3A_173 = tpu.memref_squeeze %dma_start3A_172 : memref<1x256x128xf32, #tpu.memory_space<hbm>> -> memref<256x128xf32, #tpu.memory_space<hbm>>
        %dma_start3A_174 = arith.constant 0 : i32
        %dma_start3A_175 = arith.constant 0 : i32
        %dma_start3A_176 = tpu.memref_slice %arg8[%dma_start3A_174, %dma_start3A_175] : memref<256x128xf32, #tpu.memory_space<vmem>> -> memref<256x128xf32, #tpu.memory_space<vmem>>
        tpu.enqueue_dma source(%dma_start3A_176 : memref<256x128xf32, #tpu.memory_space<vmem>>) target(%dma_start3A_173 : memref<256x128xf32, #tpu.memory_space<hbm>>) target_semaphore(%run_scoped3A_164 : memref<!tpu.dma_semaphore, #tpu.memory_space<semaphore_mem>>)
        %dma_wait3A_177 = arith.constant 0 : i32
        %dma_wait3A_178 = arith.constant 0 : i32
        %dma_wait3A_179 = tpu.memref_slice %arg8[%dma_wait3A_177, %dma_wait3A_178] : memref<256x128xf32, #tpu.memory_space<vmem>> -> memref<256x128xf32, #tpu.memory_space<vmem>>
        %dma_wait3A_180 = arith.constant 0 : i32
        %dma_wait3A_181 = tpu.memref_slice %arg5[%run_scoped3A, %add3A_163, %dma_wait3A_180] : memref<2x10240x128xf32, #tpu.memory_space<hbm>> -> memref<1x256x128xf32, #tpu.memory_space<hbm>>
        %dma_wait3A_182 = tpu.memref_squeeze %dma_wait3A_181 : memref<1x256x128xf32, #tpu.memory_space<hbm>> -> memref<256x128xf32, #tpu.memory_space<hbm>>
        %dma_wait3A_183 = arith.constant 0 : i32
        %dma_wait3A_184 = tpu.memref_slice %arg5[%run_scoped3A, %add3A_163, %dma_wait3A_183] : memref<2x10240x128xf32, #tpu.memory_space<hbm>> -> memref<1x256x128xf32, #tpu.memory_space<hbm>>
        %dma_wait3A_185 = tpu.memref_squeeze %dma_wait3A_184 : memref<1x256x128xf32, #tpu.memory_space<hbm>> -> memref<256x128xf32, #tpu.memory_space<hbm>>
        %dma_wait3A_186 = arith.constant 0 : i32
        %dma_wait3A_187 = arith.constant 0 : i32
        %dma_wait3A_188 = tpu.memref_slice %arg8[%dma_wait3A_186, %dma_wait3A_187] : memref<256x128xf32, #tpu.memory_space<vmem>> -> memref<256x128xf32, #tpu.memory_space<vmem>>
        tpu.wait_dma2 semaphore(%run_scoped3A_164 : memref<!tpu.dma_semaphore, #tpu.memory_space<semaphore_mem>>) src(%dma_wait3A_188 : memref<256x128xf32, #tpu.memory_space<vmem>>) dst(%dma_wait3A_185 : memref<256x128xf32, #tpu.memory_space<hbm>>)
        tpu.yield
      }) : () -> ()
    } else {
    }
    %add3A_138 = arith.constant 256 : i32
    %add3A_139 = arith.addi %mul3A_7, %add3A_138 : i32
    "tpu.region"() ({
      %run_scoped3A = tpu.sem_alloc : memref<!tpu.dma_semaphore, #tpu.memory_space<semaphore_mem>>
      %dma_start3A_162 = arith.constant 0 : i32
      %dma_start3A_163 = arith.constant 0 : i32
      %dma_start3A_164 = tpu.memref_slice %arg8[%dma_start3A_162, %dma_start3A_163] : memref<256x128xf32, #tpu.memory_space<vmem>> -> memref<256x128xf32, #tpu.memory_space<vmem>>
      %dma_start3A_165 = arith.constant 0 : i32
      %dma_start3A_166 = tpu.memref_slice %arg10[%add3A_139, %dma_start3A_165] : memref<10240x128xf32, #tpu.memory_space<vmem_shared>> -> memref<256x128xf32, #tpu.memory_space<vmem_shared>>
      %dma_start3A_167 = arith.constant 0 : i32
      %dma_start3A_168 = arith.constant 0 : i32
      %dma_start3A_169 = tpu.memref_slice %arg8[%dma_start3A_167, %dma_start3A_168] : memref<256x128xf32, #tpu.memory_space<vmem>> -> memref<256x128xf32, #tpu.memory_space<vmem>>
      %dma_start3A_170 = arith.constant 0 : i32
      %dma_start3A_171 = tpu.memref_slice %arg10[%add3A_139, %dma_start3A_170] : memref<10240x128xf32, #tpu.memory_space<vmem_shared>> -> memref<256x128xf32, #tpu.memory_space<vmem_shared>>
      tpu.enqueue_dma source(%dma_start3A_171 : memref<256x128xf32, #tpu.memory_space<vmem_shared>>) target(%dma_start3A_169 : memref<256x128xf32, #tpu.memory_space<vmem>>) target_semaphore(%run_scoped3A : memref<!tpu.dma_semaphore, #tpu.memory_space<semaphore_mem>>)
      %dma_wait3A_172 = arith.constant 0 : i32
      %dma_wait3A_173 = arith.constant 0 : i32
      %dma_wait3A_174 = tpu.memref_slice %arg8[%dma_wait3A_172, %dma_wait3A_173] : memref<256x128xf32, #tpu.memory_space<vmem>> -> memref<256x128xf32, #tpu.memory_space<vmem>>
      %dma_wait3A_175 = arith.constant 0 : i32
      %dma_wait3A_176 = tpu.memref_slice %arg10[%add3A_139, %dma_wait3A_175] : memref<10240x128xf32, #tpu.memory_space<vmem_shared>> -> memref<256x128xf32, #tpu.memory_space<vmem_shared>>
      %dma_wait3A_177 = arith.constant 0 : i32
      %dma_wait3A_178 = arith.constant 0 : i32
      %dma_wait3A_179 = tpu.memref_slice %arg8[%dma_wait3A_177, %dma_wait3A_178] : memref<256x128xf32, #tpu.memory_space<vmem>> -> memref<256x128xf32, #tpu.memory_space<vmem>>
      %dma_wait3A_180 = arith.constant 0 : i32
      %dma_wait3A_181 = tpu.memref_slice %arg10[%add3A_139, %dma_wait3A_180] : memref<10240x128xf32, #tpu.memory_space<vmem_shared>> -> memref<256x128xf32, #tpu.memory_space<vmem_shared>>
      tpu.wait_dma2 semaphore(%run_scoped3A : memref<!tpu.dma_semaphore, #tpu.memory_space<semaphore_mem>>) src(%dma_wait3A_181 : memref<256x128xf32, #tpu.memory_space<vmem_shared>>) dst(%dma_wait3A_179 : memref<256x128xf32, #tpu.memory_space<vmem>>)
      tpu.yield
    }) : () -> ()
    %eq3A_140 = arith.constant 0 : i32
    %eq3A_141 = arith.cmpi eq, %arg0, %eq3A_140 : i32
    %convert_element_type3A_142 = arith.extui %eq3A_141 : i1 to i32
    %cond3A_143 = arith.constant 0 : i32
    %cond3A_144 = arith.cmpi ne, %convert_element_type3A_142, %cond3A_143 : i32
    scf.if %cond3A_144 {
      %add3A_162 = arith.constant 256 : i32
      %add3A_163 = arith.addi %mul3A_7, %add3A_162 : i32
      %run_scoped3A = arith.constant 0 : i32
      "tpu.region"() ({
        %run_scoped3A_164 = tpu.sem_alloc : memref<!tpu.dma_semaphore, #tpu.memory_space<semaphore_mem>>
        %dma_start3A_165 = arith.constant 0 : i32
        %dma_start3A_166 = arith.constant 0 : i32
        %dma_start3A_167 = tpu.memref_slice %arg8[%dma_start3A_165, %dma_start3A_166] : memref<256x128xf32, #tpu.memory_space<vmem>> -> memref<256x128xf32, #tpu.memory_space<vmem>>
        %dma_start3A_168 = arith.constant 0 : i32
        %dma_start3A_169 = tpu.memref_slice %arg5[%run_scoped3A, %add3A_163, %dma_start3A_168] : memref<2x10240x128xf32, #tpu.memory_space<hbm>> -> memref<1x256x128xf32, #tpu.memory_space<hbm>>
        %dma_start3A_170 = tpu.memref_squeeze %dma_start3A_169 : memref<1x256x128xf32, #tpu.memory_space<hbm>> -> memref<256x128xf32, #tpu.memory_space<hbm>>
        %dma_start3A_171 = arith.constant 0 : i32
        %dma_start3A_172 = tpu.memref_slice %arg5[%run_scoped3A, %add3A_163, %dma_start3A_171] : memref<2x10240x128xf32, #tpu.memory_space<hbm>> -> memref<1x256x128xf32, #tpu.memory_space<hbm>>
        %dma_start3A_173 = tpu.memref_squeeze %dma_start3A_172 : memref<1x256x128xf32, #tpu.memory_space<hbm>> -> memref<256x128xf32, #tpu.memory_space<hbm>>
        %dma_start3A_174 = arith.constant 0 : i32
        %dma_start3A_175 = arith.constant 0 : i32
        %dma_start3A_176 = tpu.memref_slice %arg8[%dma_start3A_174, %dma_start3A_175] : memref<256x128xf32, #tpu.memory_space<vmem>> -> memref<256x128xf32, #tpu.memory_space<vmem>>
        tpu.enqueue_dma source(%dma_start3A_176 : memref<256x128xf32, #tpu.memory_space<vmem>>) target(%dma_start3A_173 : memref<256x128xf32, #tpu.memory_space<hbm>>) target_semaphore(%run_scoped3A_164 : memref<!tpu.dma_semaphore, #tpu.memory_space<semaphore_mem>>)
        %dma_wait3A_177 = arith.constant 0 : i32
        %dma_wait3A_178 = arith.constant 0 : i32
        %dma_wait3A_179 = tpu.memref_slice %arg8[%dma_wait3A_177, %dma_wait3A_178] : memref<256x128xf32, #tpu.memory_space<vmem>> -> memref<256x128xf32, #tpu.memory_space<vmem>>
        %dma_wait3A_180 = arith.constant 0 : i32
        %dma_wait3A_181 = tpu.memref_slice %arg5[%run_scoped3A, %add3A_163, %dma_wait3A_180] : memref<2x10240x128xf32, #tpu.memory_space<hbm>> -> memref<1x256x128xf32, #tpu.memory_space<hbm>>
        %dma_wait3A_182 = tpu.memref_squeeze %dma_wait3A_181 : memref<1x256x128xf32, #tpu.memory_space<hbm>> -> memref<256x128xf32, #tpu.memory_space<hbm>>
        %dma_wait3A_183 = arith.constant 0 : i32
        %dma_wait3A_184 = tpu.memref_slice %arg5[%run_scoped3A, %add3A_163, %dma_wait3A_183] : memref<2x10240x128xf32, #tpu.memory_space<hbm>> -> memref<1x256x128xf32, #tpu.memory_space<hbm>>
        %dma_wait3A_185 = tpu.memref_squeeze %dma_wait3A_184 : memref<1x256x128xf32, #tpu.memory_space<hbm>> -> memref<256x128xf32, #tpu.memory_space<hbm>>
        %dma_wait3A_186 = arith.constant 0 : i32
        %dma_wait3A_187 = arith.constant 0 : i32
        %dma_wait3A_188 = tpu.memref_slice %arg8[%dma_wait3A_186, %dma_wait3A_187] : memref<256x128xf32, #tpu.memory_space<vmem>> -> memref<256x128xf32, #tpu.memory_space<vmem>>
        tpu.wait_dma2 semaphore(%run_scoped3A_164 : memref<!tpu.dma_semaphore, #tpu.memory_space<semaphore_mem>>) src(%dma_wait3A_188 : memref<256x128xf32, #tpu.memory_space<vmem>>) dst(%dma_wait3A_185 : memref<256x128xf32, #tpu.memory_space<hbm>>)
        tpu.yield
      }) : () -> ()
    } else {
    }
    %eq3A_145 = arith.constant 1 : i32
    %eq3A_146 = arith.cmpi eq, %arg0, %eq3A_145 : i32
    %convert_element_type3A_147 = arith.extui %eq3A_146 : i1 to i32
    %cond3A_148 = arith.constant 0 : i32
    %cond3A_149 = arith.cmpi ne, %convert_element_type3A_147, %cond3A_148 : i32
    scf.if %cond3A_149 {
      %add3A_162 = arith.constant 256 : i32
      %add3A_163 = arith.addi %mul3A_7, %add3A_162 : i32
      %run_scoped3A = arith.constant 1 : i32
      "tpu.region"() ({
        %run_scoped3A_164 = tpu.sem_alloc : memref<!tpu.dma_semaphore, #tpu.memory_space<semaphore_mem>>
        %dma_start3A_165 = arith.constant 0 : i32
        %dma_start3A_166 = arith.constant 0 : i32
        %dma_start3A_167 = tpu.memref_slice %arg8[%dma_start3A_165, %dma_start3A_166] : memref<256x128xf32, #tpu.memory_space<vmem>> -> memref<256x128xf32, #tpu.memory_space<vmem>>
        %dma_start3A_168 = arith.constant 0 : i32
        %dma_start3A_169 = tpu.memref_slice %arg5[%run_scoped3A, %add3A_163, %dma_start3A_168] : memref<2x10240x128xf32, #tpu.memory_space<hbm>> -> memref<1x256x128xf32, #tpu.memory_space<hbm>>
        %dma_start3A_170 = tpu.memref_squeeze %dma_start3A_169 : memref<1x256x128xf32, #tpu.memory_space<hbm>> -> memref<256x128xf32, #tpu.memory_space<hbm>>
        %dma_start3A_171 = arith.constant 0 : i32
        %dma_start3A_172 = tpu.memref_slice %arg5[%run_scoped3A, %add3A_163, %dma_start3A_171] : memref<2x10240x128xf32, #tpu.memory_space<hbm>> -> memref<1x256x128xf32, #tpu.memory_space<hbm>>
        %dma_start3A_173 = tpu.memref_squeeze %dma_start3A_172 : memref<1x256x128xf32, #tpu.memory_space<hbm>> -> memref<256x128xf32, #tpu.memory_space<hbm>>
        %dma_start3A_174 = arith.constant 0 : i32
        %dma_start3A_175 = arith.constant 0 : i32
        %dma_start3A_176 = tpu.memref_slice %arg8[%dma_start3A_174, %dma_start3A_175] : memref<256x128xf32, #tpu.memory_space<vmem>> -> memref<256x128xf32, #tpu.memory_space<vmem>>
        tpu.enqueue_dma source(%dma_start3A_176 : memref<256x128xf32, #tpu.memory_space<vmem>>) target(%dma_start3A_173 : memref<256x128xf32, #tpu.memory_space<hbm>>) target_semaphore(%run_scoped3A_164 : memref<!tpu.dma_semaphore, #tpu.memory_space<semaphore_mem>>)
        %dma_wait3A_177 = arith.constant 0 : i32
        %dma_wait3A_178 = arith.constant 0 : i32
        %dma_wait3A_179 = tpu.memref_slice %arg8[%dma_wait3A_177, %dma_wait3A_178] : memref<256x128xf32, #tpu.memory_space<vmem>> -> memref<256x128xf32, #tpu.memory_space<vmem>>
        %dma_wait3A_180 = arith.constant 0 : i32
        %dma_wait3A_181 = tpu.memref_slice %arg5[%run_scoped3A, %add3A_163, %dma_wait3A_180] : memref<2x10240x128xf32, #tpu.memory_space<hbm>> -> memref<1x256x128xf32, #tpu.memory_space<hbm>>
        %dma_wait3A_182 = tpu.memref_squeeze %dma_wait3A_181 : memref<1x256x128xf32, #tpu.memory_space<hbm>> -> memref<256x128xf32, #tpu.memory_space<hbm>>
        %dma_wait3A_183 = arith.constant 0 : i32
        %dma_wait3A_184 = tpu.memref_slice %arg5[%run_scoped3A, %add3A_163, %dma_wait3A_183] : memref<2x10240x128xf32, #tpu.memory_space<hbm>> -> memref<1x256x128xf32, #tpu.memory_space<hbm>>
        %dma_wait3A_185 = tpu.memref_squeeze %dma_wait3A_184 : memref<1x256x128xf32, #tpu.memory_space<hbm>> -> memref<256x128xf32, #tpu.memory_space<hbm>>
        %dma_wait3A_186 = arith.constant 0 : i32
        %dma_wait3A_187 = arith.constant 0 : i32
        %dma_wait3A_188 = tpu.memref_slice %arg8[%dma_wait3A_186, %dma_wait3A_187] : memref<256x128xf32, #tpu.memory_space<vmem>> -> memref<256x128xf32, #tpu.memory_space<vmem>>
        tpu.wait_dma2 semaphore(%run_scoped3A_164 : memref<!tpu.dma_semaphore, #tpu.memory_space<semaphore_mem>>) src(%dma_wait3A_188 : memref<256x128xf32, #tpu.memory_space<vmem>>) dst(%dma_wait3A_185 : memref<256x128xf32, #tpu.memory_space<hbm>>)
        tpu.yield
      }) : () -> ()
    } else {
    }
    %add3A_150 = arith.constant 512 : i32
    %add3A_151 = arith.addi %mul3A_7, %add3A_150 : i32
    "tpu.region"() ({
      %run_scoped3A = tpu.sem_alloc : memref<!tpu.dma_semaphore, #tpu.memory_space<semaphore_mem>>
      %dma_start3A_162 = arith.constant 0 : i32
      %dma_start3A_163 = arith.constant 0 : i32
      %dma_start3A_164 = tpu.memref_slice %arg8[%dma_start3A_162, %dma_start3A_163] : memref<256x128xf32, #tpu.memory_space<vmem>> -> memref<128x128xf32, #tpu.memory_space<vmem>>
      %dma_start3A_165 = arith.constant 0 : i32
      %dma_start3A_166 = tpu.memref_slice %arg10[%add3A_151, %dma_start3A_165] : memref<10240x128xf32, #tpu.memory_space<vmem_shared>> -> memref<128x128xf32, #tpu.memory_space<vmem_shared>>
      %dma_start3A_167 = arith.constant 0 : i32
      %dma_start3A_168 = arith.constant 0 : i32
      %dma_start3A_169 = tpu.memref_slice %arg8[%dma_start3A_167, %dma_start3A_168] : memref<256x128xf32, #tpu.memory_space<vmem>> -> memref<128x128xf32, #tpu.memory_space<vmem>>
      %dma_start3A_170 = arith.constant 0 : i32
      %dma_start3A_171 = tpu.memref_slice %arg10[%add3A_151, %dma_start3A_170] : memref<10240x128xf32, #tpu.memory_space<vmem_shared>> -> memref<128x128xf32, #tpu.memory_space<vmem_shared>>
      tpu.enqueue_dma source(%dma_start3A_171 : memref<128x128xf32, #tpu.memory_space<vmem_shared>>) target(%dma_start3A_169 : memref<128x128xf32, #tpu.memory_space<vmem>>) target_semaphore(%run_scoped3A : memref<!tpu.dma_semaphore, #tpu.memory_space<semaphore_mem>>)
      %dma_wait3A_172 = arith.constant 0 : i32
      %dma_wait3A_173 = arith.constant 0 : i32
      %dma_wait3A_174 = tpu.memref_slice %arg8[%dma_wait3A_172, %dma_wait3A_173] : memref<256x128xf32, #tpu.memory_space<vmem>> -> memref<128x128xf32, #tpu.memory_space<vmem>>
      %dma_wait3A_175 = arith.constant 0 : i32
      %dma_wait3A_176 = tpu.memref_slice %arg10[%add3A_151, %dma_wait3A_175] : memref<10240x128xf32, #tpu.memory_space<vmem_shared>> -> memref<128x128xf32, #tpu.memory_space<vmem_shared>>
      %dma_wait3A_177 = arith.constant 0 : i32
      %dma_wait3A_178 = arith.constant 0 : i32
      %dma_wait3A_179 = tpu.memref_slice %arg8[%dma_wait3A_177, %dma_wait3A_178] : memref<256x128xf32, #tpu.memory_space<vmem>> -> memref<128x128xf32, #tpu.memory_space<vmem>>
      %dma_wait3A_180 = arith.constant 0 : i32
      %dma_wait3A_181 = tpu.memref_slice %arg10[%add3A_151, %dma_wait3A_180] : memref<10240x128xf32, #tpu.memory_space<vmem_shared>> -> memref<128x128xf32, #tpu.memory_space<vmem_shared>>
      tpu.wait_dma2 semaphore(%run_scoped3A : memref<!tpu.dma_semaphore, #tpu.memory_space<semaphore_mem>>) src(%dma_wait3A_181 : memref<128x128xf32, #tpu.memory_space<vmem_shared>>) dst(%dma_wait3A_179 : memref<128x128xf32, #tpu.memory_space<vmem>>)
      tpu.yield
    }) : () -> ()
    %eq3A_152 = arith.constant 0 : i32
    %eq3A_153 = arith.cmpi eq, %arg0, %eq3A_152 : i32
    %convert_element_type3A_154 = arith.extui %eq3A_153 : i1 to i32
    %cond3A_155 = arith.constant 0 : i32
    %cond3A_156 = arith.cmpi ne, %convert_element_type3A_154, %cond3A_155 : i32
    scf.if %cond3A_156 {
      %add3A_162 = arith.constant 512 : i32
      %add3A_163 = arith.addi %mul3A_7, %add3A_162 : i32
      %run_scoped3A = arith.constant 0 : i32
      "tpu.region"() ({
        %run_scoped3A_164 = tpu.sem_alloc : memref<!tpu.dma_semaphore, #tpu.memory_space<semaphore_mem>>
        %dma_start3A_165 = arith.constant 0 : i32
        %dma_start3A_166 = arith.constant 0 : i32
        %dma_start3A_167 = tpu.memref_slice %arg8[%dma_start3A_165, %dma_start3A_166] : memref<256x128xf32, #tpu.memory_space<vmem>> -> memref<128x128xf32, #tpu.memory_space<vmem>>
        %dma_start3A_168 = arith.constant 0 : i32
        %dma_start3A_169 = tpu.memref_slice %arg5[%run_scoped3A, %add3A_163, %dma_start3A_168] : memref<2x10240x128xf32, #tpu.memory_space<hbm>> -> memref<1x128x128xf32, #tpu.memory_space<hbm>>
        %dma_start3A_170 = tpu.memref_squeeze %dma_start3A_169 : memref<1x128x128xf32, #tpu.memory_space<hbm>> -> memref<128x128xf32, #tpu.memory_space<hbm>>
        %dma_start3A_171 = arith.constant 0 : i32
        %dma_start3A_172 = tpu.memref_slice %arg5[%run_scoped3A, %add3A_163, %dma_start3A_171] : memref<2x10240x128xf32, #tpu.memory_space<hbm>> -> memref<1x128x128xf32, #tpu.memory_space<hbm>>
        %dma_start3A_173 = tpu.memref_squeeze %dma_start3A_172 : memref<1x128x128xf32, #tpu.memory_space<hbm>> -> memref<128x128xf32, #tpu.memory_space<hbm>>
        %dma_start3A_174 = arith.constant 0 : i32
        %dma_start3A_175 = arith.constant 0 : i32
        %dma_start3A_176 = tpu.memref_slice %arg8[%dma_start3A_174, %dma_start3A_175] : memref<256x128xf32, #tpu.memory_space<vmem>> -> memref<128x128xf32, #tpu.memory_space<vmem>>
        tpu.enqueue_dma source(%dma_start3A_176 : memref<128x128xf32, #tpu.memory_space<vmem>>) target(%dma_start3A_173 : memref<128x128xf32, #tpu.memory_space<hbm>>) target_semaphore(%run_scoped3A_164 : memref<!tpu.dma_semaphore, #tpu.memory_space<semaphore_mem>>)
        %dma_wait3A_177 = arith.constant 0 : i32
        %dma_wait3A_178 = arith.constant 0 : i32
        %dma_wait3A_179 = tpu.memref_slice %arg8[%dma_wait3A_177, %dma_wait3A_178] : memref<256x128xf32, #tpu.memory_space<vmem>> -> memref<128x128xf32, #tpu.memory_space<vmem>>
        %dma_wait3A_180 = arith.constant 0 : i32
        %dma_wait3A_181 = tpu.memref_slice %arg5[%run_scoped3A, %add3A_163, %dma_wait3A_180] : memref<2x10240x128xf32, #tpu.memory_space<hbm>> -> memref<1x128x128xf32, #tpu.memory_space<hbm>>
        %dma_wait3A_182 = tpu.memref_squeeze %dma_wait3A_181 : memref<1x128x128xf32, #tpu.memory_space<hbm>> -> memref<128x128xf32, #tpu.memory_space<hbm>>
        %dma_wait3A_183 = arith.constant 0 : i32
        %dma_wait3A_184 = tpu.memref_slice %arg5[%run_scoped3A, %add3A_163, %dma_wait3A_183] : memref<2x10240x128xf32, #tpu.memory_space<hbm>> -> memref<1x128x128xf32, #tpu.memory_space<hbm>>
        %dma_wait3A_185 = tpu.memref_squeeze %dma_wait3A_184 : memref<1x128x128xf32, #tpu.memory_space<hbm>> -> memref<128x128xf32, #tpu.memory_space<hbm>>
        %dma_wait3A_186 = arith.constant 0 : i32
        %dma_wait3A_187 = arith.constant 0 : i32
        %dma_wait3A_188 = tpu.memref_slice %arg8[%dma_wait3A_186, %dma_wait3A_187] : memref<256x128xf32, #tpu.memory_space<vmem>> -> memref<128x128xf32, #tpu.memory_space<vmem>>
        tpu.wait_dma2 semaphore(%run_scoped3A_164 : memref<!tpu.dma_semaphore, #tpu.memory_space<semaphore_mem>>) src(%dma_wait3A_188 : memref<128x128xf32, #tpu.memory_space<vmem>>) dst(%dma_wait3A_185 : memref<128x128xf32, #tpu.memory_space<hbm>>)
        tpu.yield
      }) : () -> ()
    } else {
    }
    %eq3A_157 = arith.constant 1 : i32
    %eq3A_158 = arith.cmpi eq, %arg0, %eq3A_157 : i32
    %convert_element_type3A_159 = arith.extui %eq3A_158 : i1 to i32
    %cond3A_160 = arith.constant 0 : i32
    %cond3A_161 = arith.cmpi ne, %convert_element_type3A_159, %cond3A_160 : i32
    scf.if %cond3A_161 {
      %add3A_162 = arith.constant 512 : i32
      %add3A_163 = arith.addi %mul3A_7, %add3A_162 : i32
      %run_scoped3A = arith.constant 1 : i32
      "tpu.region"() ({
        %run_scoped3A_164 = tpu.sem_alloc : memref<!tpu.dma_semaphore, #tpu.memory_space<semaphore_mem>>
        %dma_start3A_165 = arith.constant 0 : i32
        %dma_start3A_166 = arith.constant 0 : i32
        %dma_start3A_167 = tpu.memref_slice %arg8[%dma_start3A_165, %dma_start3A_166] : memref<256x128xf32, #tpu.memory_space<vmem>> -> memref<128x128xf32, #tpu.memory_space<vmem>>
        %dma_start3A_168 = arith.constant 0 : i32
        %dma_start3A_169 = tpu.memref_slice %arg5[%run_scoped3A, %add3A_163, %dma_start3A_168] : memref<2x10240x128xf32, #tpu.memory_space<hbm>> -> memref<1x128x128xf32, #tpu.memory_space<hbm>>
        %dma_start3A_170 = tpu.memref_squeeze %dma_start3A_169 : memref<1x128x128xf32, #tpu.memory_space<hbm>> -> memref<128x128xf32, #tpu.memory_space<hbm>>
        %dma_start3A_171 = arith.constant 0 : i32
        %dma_start3A_172 = tpu.memref_slice %arg5[%run_scoped3A, %add3A_163, %dma_start3A_171] : memref<2x10240x128xf32, #tpu.memory_space<hbm>> -> memref<1x128x128xf32, #tpu.memory_space<hbm>>
        %dma_start3A_173 = tpu.memref_squeeze %dma_start3A_172 : memref<1x128x128xf32, #tpu.memory_space<hbm>> -> memref<128x128xf32, #tpu.memory_space<hbm>>
        %dma_start3A_174 = arith.constant 0 : i32
        %dma_start3A_175 = arith.constant 0 : i32
        %dma_start3A_176 = tpu.memref_slice %arg8[%dma_start3A_174, %dma_start3A_175] : memref<256x128xf32, #tpu.memory_space<vmem>> -> memref<128x128xf32, #tpu.memory_space<vmem>>
        tpu.enqueue_dma source(%dma_start3A_176 : memref<128x128xf32, #tpu.memory_space<vmem>>) target(%dma_start3A_173 : memref<128x128xf32, #tpu.memory_space<hbm>>) target_semaphore(%run_scoped3A_164 : memref<!tpu.dma_semaphore, #tpu.memory_space<semaphore_mem>>)
        %dma_wait3A_177 = arith.constant 0 : i32
        %dma_wait3A_178 = arith.constant 0 : i32
        %dma_wait3A_179 = tpu.memref_slice %arg8[%dma_wait3A_177, %dma_wait3A_178] : memref<256x128xf32, #tpu.memory_space<vmem>> -> memref<128x128xf32, #tpu.memory_space<vmem>>
        %dma_wait3A_180 = arith.constant 0 : i32
        %dma_wait3A_181 = tpu.memref_slice %arg5[%run_scoped3A, %add3A_163, %dma_wait3A_180] : memref<2x10240x128xf32, #tpu.memory_space<hbm>> -> memref<1x128x128xf32, #tpu.memory_space<hbm>>
        %dma_wait3A_182 = tpu.memref_squeeze %dma_wait3A_181 : memref<1x128x128xf32, #tpu.memory_space<hbm>> -> memref<128x128xf32, #tpu.memory_space<hbm>>
        %dma_wait3A_183 = arith.constant 0 : i32
        %dma_wait3A_184 = tpu.memref_slice %arg5[%run_scoped3A, %add3A_163, %dma_wait3A_183] : memref<2x10240x128xf32, #tpu.memory_space<hbm>> -> memref<1x128x128xf32, #tpu.memory_space<hbm>>
        %dma_wait3A_185 = tpu.memref_squeeze %dma_wait3A_184 : memref<1x128x128xf32, #tpu.memory_space<hbm>> -> memref<128x128xf32, #tpu.memory_space<hbm>>
        %dma_wait3A_186 = arith.constant 0 : i32
        %dma_wait3A_187 = arith.constant 0 : i32
        %dma_wait3A_188 = tpu.memref_slice %arg8[%dma_wait3A_186, %dma_wait3A_187] : memref<256x128xf32, #tpu.memory_space<vmem>> -> memref<128x128xf32, #tpu.memory_space<vmem>>
        tpu.wait_dma2 semaphore(%run_scoped3A_164 : memref<!tpu.dma_semaphore, #tpu.memory_space<semaphore_mem>>) src(%dma_wait3A_188 : memref<128x128xf32, #tpu.memory_space<vmem>>) dst(%dma_wait3A_185 : memref<128x128xf32, #tpu.memory_space<hbm>>)
        tpu.yield
      }) : () -> ()
    } else {
    }
    return
  }
}

#map = affine_map<(d0, d1) -> (0, 0)>
#map1 = affine_map<(d0, d1) -> (0, 0, 0)>
module attributes {stable_mosaic.version = 14 : i64} {
  func.func @_msg_body(%arg0: i32, %arg1: i32, %arg2: memref<10240x128xf32, #tpu.memory_space<hbm>>, %arg3: memref<2560x128xi32, #tpu.memory_space<hbm>>, %arg4: memref<2560x128xi32, #tpu.memory_space<hbm>>, %arg5: memref<2x10240x128xf32, #tpu.memory_space<hbm>>, %arg6: memref<8x128xi32, #tpu.memory_space<vmem>>, %arg7: memref<8x128xi32, #tpu.memory_space<vmem>>, %arg8: memref<256x128xf32, #tpu.memory_space<vmem>>, %arg9: memref<64x128xf32, #tpu.memory_space<vmem>>, %arg10: memref<10240x128xf32, #tpu.memory_space<vmem_shared>>, %arg11: memref<!tpu.dma_semaphore, #tpu.memory_space<semaphore_mem>>, %arg12: memref<!tpu.dma_semaphore, #tpu.memory_space<semaphore_mem>>) attributes {dimension_semantics = [#tpu.dimension_semantics<core_parallel>, #tpu.dimension_semantics<subcore_parallel>], iteration_bounds = array<i64: 2, 16>, scalar_prefetch = 0 : i64, scratch_operands = 7 : i64, tpu.core_type = #tpu.core_type<sc_vector_subcore>, window_params = [{transform_indices = #map}, {transform_indices = #map}, {transform_indices = #map}, {transform_indices = #map1}]} {
    %broadcast_in_dim3A = arith.constant 0.000000e+00 : f32
    %broadcast_in_dim3A_0 = vector.broadcast %broadcast_in_dim3A : f32 to vector<16xf32>
    %scan3A = arith.constant 0 : i32
    %scan3A_1 = arith.constant 0 : i32
    %scan3A_2 = arith.constant 64 : i32
    %scan3A_3 = arith.addi %scan3A_1, %scan3A_2 : i32
    %scan3A_4 = arith.constant 1 : i32
    %scan3A_5 = scf.for %scan3A_162 = %scan3A_1 to %scan3A_3 step %scan3A_4 iter_args(%scan3A_163 = %scan3A) -> (i32)  : i32 {
      %swap3A = arith.index_cast %scan3A_162 : i32 to index
      %swap3A_164 = arith.constant 0 : index
      %swap3A_165 = tpu.vector_load %arg9[%swap3A, %swap3A_164] {strides = array<i32>} : memref<64x128xf32, #tpu.memory_space<vmem>>, vector<1x16xf32>,
      %swap3A_166 = vector.shape_cast %swap3A_165 : vector<1x16xf32> to vector<16xf32>
      %swap3A_167 = vector.shape_cast %broadcast_in_dim3A_0 : vector<16xf32> to vector<1x16xf32>
      tpu.vector_store %arg9[%swap3A, %swap3A_164], %swap3A_167 {strides = array<i32>} : memref<64x128xf32, #tpu.memory_space<vmem>>, vector<1x16xf32>,
      %swap3A_168 = arith.index_cast %scan3A_162 : i32 to index
      %swap3A_169 = arith.constant 16 : index
      %swap3A_170 = tpu.vector_load %arg9[%swap3A_168, %swap3A_169] {strides = array<i32>} : memref<64x128xf32, #tpu.memory_space<vmem>>, vector<1x16xf32>,
      %swap3A_171 = vector.shape_cast %swap3A_170 : vector<1x16xf32> to vector<16xf32>
      %swap3A_172 = vector.shape_cast %broadcast_in_dim3A_0 : vector<16xf32> to vector<1x16xf32>
      tpu.vector_store %arg9[%swap3A_168, %swap3A_169], %swap3A_172 {strides = array<i32>} : memref<64x128xf32, #tpu.memory_space<vmem>>, vector<1x16xf32>,
      %swap3A_173 = arith.index_cast %scan3A_162 : i32 to index
      %swap3A_174 = arith.constant 32 : index
      %swap3A_175 = tpu.vector_load %arg9[%swap3A_173, %swap3A_174] {strides = array<i32>} : memref<64x128xf32, #tpu.memory_space<vmem>>, vector<1x16xf32>,
      %swap3A_176 = vector.shape_cast %swap3A_175 : vector<1x16xf32> to vector<16xf32>
      %swap3A_177 = vector.shape_cast %broadcast_in_dim3A_0 : vector<16xf32> to vector<1x16xf32>
      tpu.vector_store %arg9[%swap3A_173, %swap3A_174], %swap3A_177 {strides = array<i32>} : memref<64x128xf32, #tpu.memory_space<vmem>>, vector<1x16xf32>,
      %swap3A_178 = arith.index_cast %scan3A_162 : i32 to index
      %swap3A_179 = arith.constant 48 : index
      %swap3A_180 = tpu.vector_load %arg9[%swap3A_178, %swap3A_179] {strides = array<i32>} : memref<64x128xf32, #tpu.memory_space<vmem>>, vector<1x16xf32>,
      %swap3A_181 = vector.shape_cast %swap3A_180 : vector<1x16xf32> to vector<16xf32>
      %swap3A_182 = vector.shape_cast %broadcast_in_dim3A_0 : vector<16xf32> to vector<1x16xf32>
      tpu.vector_store %arg9[%swap3A_178, %swap3A_179], %swap3A_182 {strides = array<i32>} : memref<64x128xf32, #tpu.memory_space<vmem>>, vector<1x16xf32>,
      %swap3A_183 = arith.index_cast %scan3A_162 : i32 to index
      %swap3A_184 = arith.constant 64 : index
      %swap3A_185 = tpu.vector_load %arg9[%swap3A_183, %swap3A_184] {strides = array<i32>} : memref<64x128xf32, #tpu.memory_space<vmem>>, vector<1x16xf32>,
      %swap3A_186 = vector.shape_cast %swap3A_185 : vector<1x16xf32> to vector<16xf32>
      %swap3A_187 = vector.shape_cast %broadcast_in_dim3A_0 : vector<16xf32> to vector<1x16xf32>
      tpu.vector_store %arg9[%swap3A_183, %swap3A_184], %swap3A_187 {strides = array<i32>} : memref<64x128xf32, #tpu.memory_space<vmem>>, vector<1x16xf32>,
      %swap3A_188 = arith.index_cast %scan3A_162 : i32 to index
      %swap3A_189 = arith.constant 80 : index
      %swap3A_190 = tpu.vector_load %arg9[%swap3A_188, %swap3A_189] {strides = array<i32>} : memref<64x128xf32, #tpu.memory_space<vmem>>, vector<1x16xf32>,
      %swap3A_191 = vector.shape_cast %swap3A_190 : vector<1x16xf32> to vector<16xf32>
      %swap3A_192 = vector.shape_cast %broadcast_in_dim3A_0 : vector<16xf32> to vector<1x16xf32>
      tpu.vector_store %arg9[%swap3A_188, %swap3A_189], %swap3A_192 {strides = array<i32>} : memref<64x128xf32, #tpu.memory_space<vmem>>, vector<1x16xf32>,
      %swap3A_193 = arith.index_cast %scan3A_162 : i32 to index
      %swap3A_194 = arith.constant 96 : index
      %swap3A_195 = tpu.vector_load %arg9[%swap3A_193, %swap3A_194] {strides = array<i32>} : memref<64x128xf32, #tpu.memory_space<vmem>>, vector<1x16xf32>,
      %swap3A_196 = vector.shape_cast %swap3A_195 : vector<1x16xf32> to vector<16xf32>
      %swap3A_197 = vector.shape_cast %broadcast_in_dim3A_0 : vector<16xf32> to vector<1x16xf32>
      tpu.vector_store %arg9[%swap3A_193, %swap3A_194], %swap3A_197 {strides = array<i32>} : memref<64x128xf32, #tpu.memory_space<vmem>>, vector<1x16xf32>,
      %swap3A_198 = arith.index_cast %scan3A_162 : i32 to index
      %swap3A_199 = arith.constant 112 : index
      %swap3A_200 = tpu.vector_load %arg9[%swap3A_198, %swap3A_199] {strides = array<i32>} : memref<64x128xf32, #tpu.memory_space<vmem>>, vector<1x16xf32>,
      %swap3A_201 = vector.shape_cast %swap3A_200 : vector<1x16xf32> to vector<16xf32>
      %swap3A_202 = vector.shape_cast %broadcast_in_dim3A_0 : vector<16xf32> to vector<1x16xf32>
      tpu.vector_store %arg9[%swap3A_198, %swap3A_199], %swap3A_202 {strides = array<i32>} : memref<64x128xf32, #tpu.memory_space<vmem>>, vector<1x16xf32>,
      %scan3A_203 = arith.constant 0 : i32
      scf.yield %scan3A_203 : i32
    }
    %scan3A_6 = arith.constant 64 : i32
    %mul3A = arith.constant 640 : i32
    %mul3A_7 = arith.muli %arg1, %mul3A : i32
    %add3A = arith.constant 0 : i32
    %add3A_8 = arith.addi %mul3A_7, %add3A : i32
    %dma_start3A = arith.constant 0 : i32
    %dma_start3A_9 = tpu.memref_slice %arg10[%add3A_8, %dma_start3A] : memref<10240x128xf32, #tpu.memory_space<vmem_shared>> -> memref<64x128xf32, #tpu.memory_space<vmem_shared>>
    %dma_start3A_10 = arith.constant 0 : i32
    %dma_start3A_11 = tpu.memref_slice %arg10[%add3A_8, %dma_start3A_10] : memref<10240x128xf32, #tpu.memory_space<vmem_shared>> -> memref<64x128xf32, #tpu.memory_space<vmem_shared>>
    tpu.enqueue_dma source(%arg9 : memref<64x128xf32, #tpu.memory_space<vmem>>) target(%dma_start3A_11 : memref<64x128xf32, #tpu.memory_space<vmem_shared>>) target_semaphore(%arg11 : memref<!tpu.dma_semaphore, #tpu.memory_space<semaphore_mem>>)
    %add3A_12 = arith.constant 64 : i32
    %add3A_13 = arith.addi %mul3A_7, %add3A_12 : i32
    %dma_start3A_14 = arith.constant 0 : i32
    %dma_start3A_15 = tpu.memref_slice %arg10[%add3A_13, %dma_start3A_14] : memref<10240x128xf32, #tpu.memory_space<vmem_shared>> -> memref<64x128xf32, #tpu.memory_space<vmem_shared>>
    %dma_start3A_16 = arith.constant 0 : i32
    %dma_start3A_17 = tpu.memref_slice %arg10[%add3A_13, %dma_start3A_16] : memref<10240x128xf32, #tpu.memory_space<vmem_shared>> -> memref<64x128xf32, #tpu.memory_space<vmem_shared>>
    tpu.enqueue_dma source(%arg9 : memref<64x128xf32, #tpu.memory_space<vmem>>) target(%dma_start3A_17 : memref<64x128xf32, #tpu.memory_space<vmem_shared>>) target_semaphore(%arg11 : memref<!tpu.dma_semaphore, #tpu.memory_space<semaphore_mem>>)
    %add3A_18 = arith.constant 128 : i32
    %add3A_19 = arith.addi %mul3A_7, %add3A_18 : i32
    %dma_start3A_20 = arith.constant 0 : i32
    %dma_start3A_21 = tpu.memref_slice %arg10[%add3A_19, %dma_start3A_20] : memref<10240x128xf32, #tpu.memory_space<vmem_shared>> -> memref<64x128xf32, #tpu.memory_space<vmem_shared>>
    %dma_start3A_22 = arith.constant 0 : i32
    %dma_start3A_23 = tpu.memref_slice %arg10[%add3A_19, %dma_start3A_22] : memref<10240x128xf32, #tpu.memory_space<vmem_shared>> -> memref<64x128xf32, #tpu.memory_space<vmem_shared>>
    tpu.enqueue_dma source(%arg9 : memref<64x128xf32, #tpu.memory_space<vmem>>) target(%dma_start3A_23 : memref<64x128xf32, #tpu.memory_space<vmem_shared>>) target_semaphore(%arg11 : memref<!tpu.dma_semaphore, #tpu.memory_space<semaphore_mem>>)
    %add3A_24 = arith.constant 192 : i32
    %add3A_25 = arith.addi %mul3A_7, %add3A_24 : i32
    %dma_start3A_26 = arith.constant 0 : i32
    %dma_start3A_27 = tpu.memref_slice %arg10[%add3A_25, %dma_start3A_26] : memref<10240x128xf32, #tpu.memory_space<vmem_shared>> -> memref<64x128xf32, #tpu.memory_space<vmem_shared>>
    %dma_start3A_28 = arith.constant 0 : i32
    %dma_start3A_29 = tpu.memref_slice %arg10[%add3A_25, %dma_start3A_28] : memref<10240x128xf32, #tpu.memory_space<vmem_shared>> -> memref<64x128xf32, #tpu.memory_space<vmem_shared>>
    tpu.enqueue_dma source(%arg9 : memref<64x128xf32, #tpu.memory_space<vmem>>) target(%dma_start3A_29 : memref<64x128xf32, #tpu.memory_space<vmem_shared>>) target_semaphore(%arg11 : memref<!tpu.dma_semaphore, #tpu.memory_space<semaphore_mem>>)
    %add3A_30 = arith.constant 256 : i32
    %add3A_31 = arith.addi %mul3A_7, %add3A_30 : i32
    %dma_start3A_32 = arith.constant 0 : i32
    %dma_start3A_33 = tpu.memref_slice %arg10[%add3A_31, %dma_start3A_32] : memref<10240x128xf32, #tpu.memory_space<vmem_shared>> -> memref<64x128xf32, #tpu.memory_space<vmem_shared>>
    %dma_start3A_34 = arith.constant 0 : i32
    %dma_start3A_35 = tpu.memref_slice %arg10[%add3A_31, %dma_start3A_34] : memref<10240x128xf32, #tpu.memory_space<vmem_shared>> -> memref<64x128xf32, #tpu.memory_space<vmem_shared>>
    tpu.enqueue_dma source(%arg9 : memref<64x128xf32, #tpu.memory_space<vmem>>) target(%dma_start3A_35 : memref<64x128xf32, #tpu.memory_space<vmem_shared>>) target_semaphore(%arg11 : memref<!tpu.dma_semaphore, #tpu.memory_space<semaphore_mem>>)
    %add3A_36 = arith.constant 320 : i32
    %add3A_37 = arith.addi %mul3A_7, %add3A_36 : i32
    %dma_start3A_38 = arith.constant 0 : i32
    %dma_start3A_39 = tpu.memref_slice %arg10[%add3A_37, %dma_start3A_38] : memref<10240x128xf32, #tpu.memory_space<vmem_shared>> -> memref<64x128xf32, #tpu.memory_space<vmem_shared>>
    %dma_start3A_40 = arith.constant 0 : i32
    %dma_start3A_41 = tpu.memref_slice %arg10[%add3A_37, %dma_start3A_40] : memref<10240x128xf32, #tpu.memory_space<vmem_shared>> -> memref<64x128xf32, #tpu.memory_space<vmem_shared>>
    tpu.enqueue_dma source(%arg9 : memref<64x128xf32, #tpu.memory_space<vmem>>) target(%dma_start3A_41 : memref<64x128xf32, #tpu.memory_space<vmem_shared>>) target_semaphore(%arg11 : memref<!tpu.dma_semaphore, #tpu.memory_space<semaphore_mem>>)
    %add3A_42 = arith.constant 384 : i32
    %add3A_43 = arith.addi %mul3A_7, %add3A_42 : i32
    %dma_start3A_44 = arith.constant 0 : i32
    %dma_start3A_45 = tpu.memref_slice %arg10[%add3A_43, %dma_start3A_44] : memref<10240x128xf32, #tpu.memory_space<vmem_shared>> -> memref<64x128xf32, #tpu.memory_space<vmem_shared>>
    %dma_start3A_46 = arith.constant 0 : i32
    %dma_start3A_47 = tpu.memref_slice %arg10[%add3A_43, %dma_start3A_46] : memref<10240x128xf32, #tpu.memory_space<vmem_shared>> -> memref<64x128xf32, #tpu.memory_space<vmem_shared>>
    tpu.enqueue_dma source(%arg9 : memref<64x128xf32, #tpu.memory_space<vmem>>) target(%dma_start3A_47 : memref<64x128xf32, #tpu.memory_space<vmem_shared>>) target_semaphore(%arg11 : memref<!tpu.dma_semaphore, #tpu.memory_space<semaphore_mem>>)
    %add3A_48 = arith.constant 448 : i32
    %add3A_49 = arith.addi %mul3A_7, %add3A_48 : i32
    %dma_start3A_50 = arith.constant 0 : i32
    %dma_start3A_51 = tpu.memref_slice %arg10[%add3A_49, %dma_start3A_50] : memref<10240x128xf32, #tpu.memory_space<vmem_shared>> -> memref<64x128xf32, #tpu.memory_space<vmem_shared>>
    %dma_start3A_52 = arith.constant 0 : i32
    %dma_start3A_53 = tpu.memref_slice %arg10[%add3A_49, %dma_start3A_52] : memref<10240x128xf32, #tpu.memory_space<vmem_shared>> -> memref<64x128xf32, #tpu.memory_space<vmem_shared>>
    tpu.enqueue_dma source(%arg9 : memref<64x128xf32, #tpu.memory_space<vmem>>) target(%dma_start3A_53 : memref<64x128xf32, #tpu.memory_space<vmem_shared>>) target_semaphore(%arg11 : memref<!tpu.dma_semaphore, #tpu.memory_space<semaphore_mem>>)
    %add3A_54 = arith.constant 512 : i32
    %add3A_55 = arith.addi %mul3A_7, %add3A_54 : i32
    %dma_start3A_56 = arith.constant 0 : i32
    %dma_start3A_57 = tpu.memref_slice %arg10[%add3A_55, %dma_start3A_56] : memref<10240x128xf32, #tpu.memory_space<vmem_shared>> -> memref<64x128xf32, #tpu.memory_space<vmem_shared>>
    %dma_start3A_58 = arith.constant 0 : i32
    %dma_start3A_59 = tpu.memref_slice %arg10[%add3A_55, %dma_start3A_58] : memref<10240x128xf32, #tpu.memory_space<vmem_shared>> -> memref<64x128xf32, #tpu.memory_space<vmem_shared>>
    tpu.enqueue_dma source(%arg9 : memref<64x128xf32, #tpu.memory_space<vmem>>) target(%dma_start3A_59 : memref<64x128xf32, #tpu.memory_space<vmem_shared>>) target_semaphore(%arg11 : memref<!tpu.dma_semaphore, #tpu.memory_space<semaphore_mem>>)
    %add3A_60 = arith.constant 576 : i32
    %add3A_61 = arith.addi %mul3A_7, %add3A_60 : i32
    %dma_start3A_62 = arith.constant 0 : i32
    %dma_start3A_63 = tpu.memref_slice %arg10[%add3A_61, %dma_start3A_62] : memref<10240x128xf32, #tpu.memory_space<vmem_shared>> -> memref<64x128xf32, #tpu.memory_space<vmem_shared>>
    %dma_start3A_64 = arith.constant 0 : i32
    %dma_start3A_65 = tpu.memref_slice %arg10[%add3A_61, %dma_start3A_64] : memref<10240x128xf32, #tpu.memory_space<vmem_shared>> -> memref<64x128xf32, #tpu.memory_space<vmem_shared>>
    tpu.enqueue_dma source(%arg9 : memref<64x128xf32, #tpu.memory_space<vmem>>) target(%dma_start3A_65 : memref<64x128xf32, #tpu.memory_space<vmem_shared>>) target_semaphore(%arg11 : memref<!tpu.dma_semaphore, #tpu.memory_space<semaphore_mem>>)
    %dma_wait3A = arith.constant 0 : i32
    %dma_wait3A_66 = tpu.memref_slice %arg10[%mul3A_7, %dma_wait3A] : memref<10240x128xf32, #tpu.memory_space<vmem_shared>> -> memref<64x128xf32, #tpu.memory_space<vmem_shared>>
    %dma_wait3A_67 = arith.constant 0 : i32
    %dma_wait3A_68 = tpu.memref_slice %arg10[%mul3A_7, %dma_wait3A_67] : memref<10240x128xf32, #tpu.memory_space<vmem_shared>> -> memref<64x128xf32, #tpu.memory_space<vmem_shared>>
    tpu.wait_dma2 semaphore(%arg11 : memref<!tpu.dma_semaphore, #tpu.memory_space<semaphore_mem>>) src(%arg9 : memref<64x128xf32, #tpu.memory_space<vmem>>) dst(%dma_wait3A_68 : memref<64x128xf32, #tpu.memory_space<vmem_shared>>)
    %dma_wait3A_69 = arith.constant 0 : i32
    %dma_wait3A_70 = tpu.memref_slice %arg10[%mul3A_7, %dma_wait3A_69] : memref<10240x128xf32, #tpu.memory_space<vmem_shared>> -> memref<64x128xf32, #tpu.memory_space<vmem_shared>>
    %dma_wait3A_71 = arith.constant 0 : i32
    %dma_wait3A_72 = tpu.memref_slice %arg10[%mul3A_7, %dma_wait3A_71] : memref<10240x128xf32, #tpu.memory_space<vmem_shared>> -> memref<64x128xf32, #tpu.memory_space<vmem_shared>>
    tpu.wait_dma2 semaphore(%arg11 : memref<!tpu.dma_semaphore, #tpu.memory_space<semaphore_mem>>) src(%arg9 : memref<64x128xf32, #tpu.memory_space<vmem>>) dst(%dma_wait3A_72 : memref<64x128xf32, #tpu.memory_space<vmem_shared>>)
    %dma_wait3A_73 = arith.constant 0 : i32
    %dma_wait3A_74 = tpu.memref_slice %arg10[%mul3A_7, %dma_wait3A_73] : memref<10240x128xf32, #tpu.memory_space<vmem_shared>> -> memref<64x128xf32, #tpu.memory_space<vmem_shared>>
    %dma_wait3A_75 = arith.constant 0 : i32
    %dma_wait3A_76 = tpu.memref_slice %arg10[%mul3A_7, %dma_wait3A_75] : memref<10240x128xf32, #tpu.memory_space<vmem_shared>> -> memref<64x128xf32, #tpu.memory_space<vmem_shared>>
    tpu.wait_dma2 semaphore(%arg11 : memref<!tpu.dma_semaphore, #tpu.memory_space<semaphore_mem>>) src(%arg9 : memref<64x128xf32, #tpu.memory_space<vmem>>) dst(%dma_wait3A_76 : memref<64x128xf32, #tpu.memory_space<vmem_shared>>)
    %dma_wait3A_77 = arith.constant 0 : i32
    %dma_wait3A_78 = tpu.memref_slice %arg10[%mul3A_7, %dma_wait3A_77] : memref<10240x128xf32, #tpu.memory_space<vmem_shared>> -> memref<64x128xf32, #tpu.memory_space<vmem_shared>>
    %dma_wait3A_79 = arith.constant 0 : i32
    %dma_wait3A_80 = tpu.memref_slice %arg10[%mul3A_7, %dma_wait3A_79] : memref<10240x128xf32, #tpu.memory_space<vmem_shared>> -> memref<64x128xf32, #tpu.memory_space<vmem_shared>>
    tpu.wait_dma2 semaphore(%arg11 : memref<!tpu.dma_semaphore, #tpu.memory_space<semaphore_mem>>) src(%arg9 : memref<64x128xf32, #tpu.memory_space<vmem>>) dst(%dma_wait3A_80 : memref<64x128xf32, #tpu.memory_space<vmem_shared>>)
    %dma_wait3A_81 = arith.constant 0 : i32
    %dma_wait3A_82 = tpu.memref_slice %arg10[%mul3A_7, %dma_wait3A_81] : memref<10240x128xf32, #tpu.memory_space<vmem_shared>> -> memref<64x128xf32, #tpu.memory_space<vmem_shared>>
    %dma_wait3A_83 = arith.constant 0 : i32
    %dma_wait3A_84 = tpu.memref_slice %arg10[%mul3A_7, %dma_wait3A_83] : memref<10240x128xf32, #tpu.memory_space<vmem_shared>> -> memref<64x128xf32, #tpu.memory_space<vmem_shared>>
    tpu.wait_dma2 semaphore(%arg11 : memref<!tpu.dma_semaphore, #tpu.memory_space<semaphore_mem>>) src(%arg9 : memref<64x128xf32, #tpu.memory_space<vmem>>) dst(%dma_wait3A_84 : memref<64x128xf32, #tpu.memory_space<vmem_shared>>)
    %dma_wait3A_85 = arith.constant 0 : i32
    %dma_wait3A_86 = tpu.memref_slice %arg10[%mul3A_7, %dma_wait3A_85] : memref<10240x128xf32, #tpu.memory_space<vmem_shared>> -> memref<64x128xf32, #tpu.memory_space<vmem_shared>>
    %dma_wait3A_87 = arith.constant 0 : i32
    %dma_wait3A_88 = tpu.memref_slice %arg10[%mul3A_7, %dma_wait3A_87] : memref<10240x128xf32, #tpu.memory_space<vmem_shared>> -> memref<64x128xf32, #tpu.memory_space<vmem_shared>>
    tpu.wait_dma2 semaphore(%arg11 : memref<!tpu.dma_semaphore, #tpu.memory_space<semaphore_mem>>) src(%arg9 : memref<64x128xf32, #tpu.memory_space<vmem>>) dst(%dma_wait3A_88 : memref<64x128xf32, #tpu.memory_space<vmem_shared>>)
    %dma_wait3A_89 = arith.constant 0 : i32
    %dma_wait3A_90 = tpu.memref_slice %arg10[%mul3A_7, %dma_wait3A_89] : memref<10240x128xf32, #tpu.memory_space<vmem_shared>> -> memref<64x128xf32, #tpu.memory_space<vmem_shared>>
    %dma_wait3A_91 = arith.constant 0 : i32
    %dma_wait3A_92 = tpu.memref_slice %arg10[%mul3A_7, %dma_wait3A_91] : memref<10240x128xf32, #tpu.memory_space<vmem_shared>> -> memref<64x128xf32, #tpu.memory_space<vmem_shared>>
    tpu.wait_dma2 semaphore(%arg11 : memref<!tpu.dma_semaphore, #tpu.memory_space<semaphore_mem>>) src(%arg9 : memref<64x128xf32, #tpu.memory_space<vmem>>) dst(%dma_wait3A_92 : memref<64x128xf32, #tpu.memory_space<vmem_shared>>)
    %dma_wait3A_93 = arith.constant 0 : i32
    %dma_wait3A_94 = tpu.memref_slice %arg10[%mul3A_7, %dma_wait3A_93] : memref<10240x128xf32, #tpu.memory_space<vmem_shared>> -> memref<64x128xf32, #tpu.memory_space<vmem_shared>>
    %dma_wait3A_95 = arith.constant 0 : i32
    %dma_wait3A_96 = tpu.memref_slice %arg10[%mul3A_7, %dma_wait3A_95] : memref<10240x128xf32, #tpu.memory_space<vmem_shared>> -> memref<64x128xf32, #tpu.memory_space<vmem_shared>>
    tpu.wait_dma2 semaphore(%arg11 : memref<!tpu.dma_semaphore, #tpu.memory_space<semaphore_mem>>) src(%arg9 : memref<64x128xf32, #tpu.memory_space<vmem>>) dst(%dma_wait3A_96 : memref<64x128xf32, #tpu.memory_space<vmem_shared>>)
    %dma_wait3A_97 = arith.constant 0 : i32
    %dma_wait3A_98 = tpu.memref_slice %arg10[%mul3A_7, %dma_wait3A_97] : memref<10240x128xf32, #tpu.memory_space<vmem_shared>> -> memref<64x128xf32, #tpu.memory_space<vmem_shared>>
    %dma_wait3A_99 = arith.constant 0 : i32
    %dma_wait3A_100 = tpu.memref_slice %arg10[%mul3A_7, %dma_wait3A_99] : memref<10240x128xf32, #tpu.memory_space<vmem_shared>> -> memref<64x128xf32, #tpu.memory_space<vmem_shared>>
    tpu.wait_dma2 semaphore(%arg11 : memref<!tpu.dma_semaphore, #tpu.memory_space<semaphore_mem>>) src(%arg9 : memref<64x128xf32, #tpu.memory_space<vmem>>) dst(%dma_wait3A_100 : memref<64x128xf32, #tpu.memory_space<vmem_shared>>)
    %dma_wait3A_101 = arith.constant 0 : i32
    %dma_wait3A_102 = tpu.memref_slice %arg10[%mul3A_7, %dma_wait3A_101] : memref<10240x128xf32, #tpu.memory_space<vmem_shared>> -> memref<64x128xf32, #tpu.memory_space<vmem_shared>>
    %dma_wait3A_103 = arith.constant 0 : i32
    %dma_wait3A_104 = tpu.memref_slice %arg10[%mul3A_7, %dma_wait3A_103] : memref<10240x128xf32, #tpu.memory_space<vmem_shared>> -> memref<64x128xf32, #tpu.memory_space<vmem_shared>>
    tpu.wait_dma2 semaphore(%arg11 : memref<!tpu.dma_semaphore, #tpu.memory_space<semaphore_mem>>) src(%arg9 : memref<64x128xf32, #tpu.memory_space<vmem>>) dst(%dma_wait3A_104 : memref<64x128xf32, #tpu.memory_space<vmem_shared>>)
    %barrier3A = arith.constant 0 : index
    tpu.barrier barrier_id(%barrier3A)
    %eq3A = arith.constant 0 : i32
    %eq3A_105 = arith.cmpi eq, %arg0, %eq3A : i32
    %mul3A_106 = arith.constant 144 : i32
    %mul3A_107 = arith.muli %arg1, %mul3A_106 : i32
    %mul3A_108 = arith.constant 16 : i32
    %mul3A_109 = arith.muli %arg1, %mul3A_108 : i32
    %add3A_110 = arith.constant 2304 : i32
    %add3A_111 = arith.addi %add3A_110, %mul3A_109 : i32
    %select_n3A = arith.select %eq3A_105, %mul3A_107, %add3A_111 : i32
    %eq3A_112 = arith.constant 0 : i32
    %eq3A_113 = arith.cmpi eq, %arg0, %eq3A_112 : i32
    %jit3A = arith.constant 72 : i32
    %jit3A_114 = arith.constant 8 : i32
    %select_n3A_115 = arith.select %eq3A_113, %jit3A, %jit3A_114 : i32
    %while3A = arith.constant 0 : i32
    %while3A_116 = arith.constant 0 : i32
    %while3A_117 = arith.subi %select_n3A_115, %while3A : i32
    %while3A_118 = arith.addi %while3A, %while3A_117 : i32
    %while3A_119 = arith.constant 1 : i32
    %while3A_120 = arith.divsi %while3A_117, %while3A_119 : i32
    %while3A_121 = arith.muli %while3A_120, %while3A_119 : i32
    %while3A_122 = arith.addi %while3A, %while3A_121 : i32
    %while3A_123 = arith.constant 1 : i32
    %while3A_124 = scf.for %while3A_162 = %while3A to %while3A_122 step %while3A_123 iter_args(%while3A_163 = %while3A_116) -> (i32)  : i32 {
      %mul3A_164 = arith.constant 2 : i32
      %mul3A_165 = arith.muli %while3A_162, %mul3A_164 : i32
      %add3A_166 = arith.addi %select_n3A, %mul3A_165 : i32
      "tpu.region"() ({
        %run_scoped3A_209 = tpu.sem_alloc : memref<!tpu.dma_semaphore, #tpu.memory_space<semaphore_mem>>
        %dma_start3A_210 = arith.constant 0 : i32
        %dma_start3A_211 = arith.constant 0 : i32
        %dma_start3A_212 = tpu.memref_slice %arg6[%dma_start3A_210, %dma_start3A_211] : memref<8x128xi32, #tpu.memory_space<vmem>> -> memref<2x128xi32, #tpu.memory_space<vmem>>
        %dma_start3A_213 = arith.constant 0 : i32
        %dma_start3A_214 = tpu.memref_slice %arg3[%add3A_166, %dma_start3A_213] : memref<2560x128xi32, #tpu.memory_space<hbm>> -> memref<2x128xi32, #tpu.memory_space<hbm>>
        %dma_start3A_215 = arith.constant 0 : i32
        %dma_start3A_216 = arith.constant 0 : i32
        %dma_start3A_217 = tpu.memref_slice %arg6[%dma_start3A_215, %dma_start3A_216] : memref<8x128xi32, #tpu.memory_space<vmem>> -> memref<2x128xi32, #tpu.memory_space<vmem>>
        %dma_start3A_218 = arith.constant 0 : i32
        %dma_start3A_219 = tpu.memref_slice %arg3[%add3A_166, %dma_start3A_218] : memref<2560x128xi32, #tpu.memory_space<hbm>> -> memref<2x128xi32, #tpu.memory_space<hbm>>
        tpu.enqueue_dma source(%dma_start3A_219 : memref<2x128xi32, #tpu.memory_space<hbm>>) target(%dma_start3A_217 : memref<2x128xi32, #tpu.memory_space<vmem>>) target_semaphore(%run_scoped3A_209 : memref<!tpu.dma_semaphore, #tpu.memory_space<semaphore_mem>>)
        %dma_wait3A_220 = arith.constant 0 : i32
        %dma_wait3A_221 = arith.constant 0 : i32
        %dma_wait3A_222 = tpu.memref_slice %arg6[%dma_wait3A_220, %dma_wait3A_221] : memref<8x128xi32, #tpu.memory_space<vmem>> -> memref<2x128xi32, #tpu.memory_space<vmem>>
        %dma_wait3A_223 = arith.constant 0 : i32
        %dma_wait3A_224 = tpu.memref_slice %arg3[%add3A_166, %dma_wait3A_223] : memref<2560x128xi32, #tpu.memory_space<hbm>> -> memref<2x128xi32, #tpu.memory_space<hbm>>
        %dma_wait3A_225 = arith.constant 0 : i32
        %dma_wait3A_226 = arith.constant 0 : i32
        %dma_wait3A_227 = tpu.memref_slice %arg6[%dma_wait3A_225, %dma_wait3A_226] : memref<8x128xi32, #tpu.memory_space<vmem>> -> memref<2x128xi32, #tpu.memory_space<vmem>>
        %dma_wait3A_228 = arith.constant 0 : i32
        %dma_wait3A_229 = tpu.memref_slice %arg3[%add3A_166, %dma_wait3A_228] : memref<2560x128xi32, #tpu.memory_space<hbm>> -> memref<2x128xi32, #tpu.memory_space<hbm>>
        tpu.wait_dma2 semaphore(%run_scoped3A_209 : memref<!tpu.dma_semaphore, #tpu.memory_space<semaphore_mem>>) src(%dma_wait3A_229 : memref<2x128xi32, #tpu.memory_space<hbm>>) dst(%dma_wait3A_227 : memref<2x128xi32, #tpu.memory_space<vmem>>)
        tpu.yield
      }) : () -> ()
      "tpu.region"() ({
        %run_scoped3A_209 = tpu.sem_alloc : memref<!tpu.dma_semaphore, #tpu.memory_space<semaphore_mem>>
        %dma_start3A_210 = arith.constant 0 : i32
        %dma_start3A_211 = arith.constant 0 : i32
        %dma_start3A_212 = tpu.memref_slice %arg7[%dma_start3A_210, %dma_start3A_211] : memref<8x128xi32, #tpu.memory_space<vmem>> -> memref<2x128xi32, #tpu.memory_space<vmem>>
        %dma_start3A_213 = arith.constant 0 : i32
        %dma_start3A_214 = tpu.memref_slice %arg4[%add3A_166, %dma_start3A_213] : memref<2560x128xi32, #tpu.memory_space<hbm>> -> memref<2x128xi32, #tpu.memory_space<hbm>>
        %dma_start3A_215 = arith.constant 0 : i32
        %dma_start3A_216 = arith.constant 0 : i32
        %dma_start3A_217 = tpu.memref_slice %arg7[%dma_start3A_215, %dma_start3A_216] : memref<8x128xi32, #tpu.memory_space<vmem>> -> memref<2x128xi32, #tpu.memory_space<vmem>>
        %dma_start3A_218 = arith.constant 0 : i32
        %dma_start3A_219 = tpu.memref_slice %arg4[%add3A_166, %dma_start3A_218] : memref<2560x128xi32, #tpu.memory_space<hbm>> -> memref<2x128xi32, #tpu.memory_space<hbm>>
        tpu.enqueue_dma source(%dma_start3A_219 : memref<2x128xi32, #tpu.memory_space<hbm>>) target(%dma_start3A_217 : memref<2x128xi32, #tpu.memory_space<vmem>>) target_semaphore(%run_scoped3A_209 : memref<!tpu.dma_semaphore, #tpu.memory_space<semaphore_mem>>)
        %dma_wait3A_220 = arith.constant 0 : i32
        %dma_wait3A_221 = arith.constant 0 : i32
        %dma_wait3A_222 = tpu.memref_slice %arg7[%dma_wait3A_220, %dma_wait3A_221] : memref<8x128xi32, #tpu.memory_space<vmem>> -> memref<2x128xi32, #tpu.memory_space<vmem>>
        %dma_wait3A_223 = arith.constant 0 : i32
        %dma_wait3A_224 = tpu.memref_slice %arg4[%add3A_166, %dma_wait3A_223] : memref<2560x128xi32, #tpu.memory_space<hbm>> -> memref<2x128xi32, #tpu.memory_space<hbm>>
        %dma_wait3A_225 = arith.constant 0 : i32
        %dma_wait3A_226 = arith.constant 0 : i32
        %dma_wait3A_227 = tpu.memref_slice %arg7[%dma_wait3A_225, %dma_wait3A_226] : memref<8x128xi32, #tpu.memory_space<vmem>> -> memref<2x128xi32, #tpu.memory_space<vmem>>
        %dma_wait3A_228 = arith.constant 0 : i32
        %dma_wait3A_229 = tpu.memref_slice %arg4[%add3A_166, %dma_wait3A_228] : memref<2560x128xi32, #tpu.memory_space<hbm>> -> memref<2x128xi32, #tpu.memory_space<hbm>>
        tpu.wait_dma2 semaphore(%run_scoped3A_209 : memref<!tpu.dma_semaphore, #tpu.memory_space<semaphore_mem>>) src(%dma_wait3A_229 : memref<2x128xi32, #tpu.memory_space<hbm>>) dst(%dma_wait3A_227 : memref<2x128xi32, #tpu.memory_space<vmem>>)
        tpu.yield
      }) : () -> ()
      %dma_start3A_167 = arith.constant 0 : i32
      %dma_start3A_168 = arith.constant 0 : i32
      %dma_start3A_169 = arith.constant 0 : i32
      %dma_start3A_170 = tpu.memref_slice %arg8[%dma_start3A_168, %dma_start3A_169] : memref<256x128xf32, #tpu.memory_space<vmem>> -> memref<128x128xf32, #tpu.memory_space<vmem>>
      %dma_start3A_171 = arith.constant 0 : i32
      %dma_start3A_172 = tpu.memref_slice %arg6[%dma_start3A_167, %dma_start3A_171] : memref<8x128xi32, #tpu.memory_space<vmem>> -> memref<1x128xi32, #tpu.memory_space<vmem>>
      %dma_start3A_173 = tpu.memref_squeeze %dma_start3A_172 : memref<1x128xi32, #tpu.memory_space<vmem>> -> memref<128xi32, #tpu.memory_space<vmem>>
      %dma_start3A_174 = arith.constant 0 : i32
      %dma_start3A_175 = arith.constant 0 : i32
      %dma_start3A_176 = tpu.memref_slice %arg2[%dma_start3A_174, %dma_start3A_175] : memref<10240x128xf32, #tpu.memory_space<hbm>> -> memref<10240x128xf32, #tpu.memory_space<hbm>>
      tpu.enqueue_indirect_dma source(%dma_start3A_176 : memref<10240x128xf32, #tpu.memory_space<hbm>>) target(%dma_start3A_170 : memref<128x128xf32, #tpu.memory_space<vmem>>) offsets(%dma_start3A_173 : memref<128xi32, #tpu.memory_space<vmem>>) semaphore(%arg11 : memref<!tpu.dma_semaphore, #tpu.memory_space<semaphore_mem>>)
      %dma_start3A_177 = arith.constant 1 : i32
      %dma_start3A_178 = arith.constant 128 : i32
      %dma_start3A_179 = arith.constant 0 : i32
      %dma_start3A_180 = tpu.memref_slice %arg8[%dma_start3A_178, %dma_start3A_179] : memref<256x128xf32, #tpu.memory_space<vmem>> -> memref<128x128xf32, #tpu.memory_space<vmem>>
      %dma_start3A_181 = arith.constant 0 : i32
      %dma_start3A_182 = tpu.memref_slice %arg6[%dma_start3A_177, %dma_start3A_181] : memref<8x128xi32, #tpu.memory_space<vmem>> -> memref<1x128xi32, #tpu.memory_space<vmem>>
      %dma_start3A_183 = tpu.memref_squeeze %dma_start3A_182 : memref<1x128xi32, #tpu.memory_space<vmem>> -> memref<128xi32, #tpu.memory_space<vmem>>
      %dma_start3A_184 = arith.constant 0 : i32
      %dma_start3A_185 = arith.constant 0 : i32
      %dma_start3A_186 = tpu.memref_slice %arg2[%dma_start3A_184, %dma_start3A_185] : memref<10240x128xf32, #tpu.memory_space<hbm>> -> memref<10240x128xf32, #tpu.memory_space<hbm>>
      tpu.enqueue_indirect_dma source(%dma_start3A_186 : memref<10240x128xf32, #tpu.memory_space<hbm>>) target(%dma_start3A_180 : memref<128x128xf32, #tpu.memory_space<vmem>>) offsets(%dma_start3A_183 : memref<128xi32, #tpu.memory_space<vmem>>) semaphore(%arg11 : memref<!tpu.dma_semaphore, #tpu.memory_space<semaphore_mem>>)
      %dma_wait3A_187 = arith.constant 0 : i32
      %dma_wait3A_188 = arith.constant 0 : i32
      %dma_wait3A_189 = arith.constant 0 : i32
      %dma_wait3A_190 = tpu.memref_slice %arg8[%dma_wait3A_188, %dma_wait3A_189] : memref<256x128xf32, #tpu.memory_space<vmem>> -> memref<128x128xf32, #tpu.memory_space<vmem>>
      %dma_wait3A_191 = arith.constant 0 : i32
      %dma_wait3A_192 = tpu.memref_slice %arg6[%dma_wait3A_187, %dma_wait3A_191] : memref<8x128xi32, #tpu.memory_space<vmem>> -> memref<1x128xi32, #tpu.memory_space<vmem>>
      %dma_wait3A_193 = tpu.memref_squeeze %dma_wait3A_192 : memref<1x128xi32, #tpu.memory_space<vmem>> -> memref<128xi32, #tpu.memory_space<vmem>>
      %dma_wait3A_194 = arith.constant 0 : i32
      %dma_wait3A_195 = arith.constant 0 : i32
      %dma_wait3A_196 = tpu.memref_slice %arg2[%dma_wait3A_194, %dma_wait3A_195] : memref<10240x128xf32, #tpu.memory_space<hbm>> -> memref<10240x128xf32, #tpu.memory_space<hbm>>
      tpu.wait_indirect_dma semaphore(%arg11 : memref<!tpu.dma_semaphore, #tpu.memory_space<semaphore_mem>>) src(%dma_wait3A_196 : memref<10240x128xf32, #tpu.memory_space<hbm>>) dst(%dma_wait3A_190 : memref<128x128xf32, #tpu.memory_space<vmem>>)
      %dma_wait3A_197 = arith.constant 1 : i32
      %dma_wait3A_198 = arith.constant 128 : i32
      %dma_wait3A_199 = arith.constant 0 : i32
      %dma_wait3A_200 = tpu.memref_slice %arg8[%dma_wait3A_198, %dma_wait3A_199] : memref<256x128xf32, #tpu.memory_space<vmem>> -> memref<128x128xf32, #tpu.memory_space<vmem>>
      %dma_wait3A_201 = arith.constant 0 : i32
      %dma_wait3A_202 = tpu.memref_slice %arg6[%dma_wait3A_197, %dma_wait3A_201] : memref<8x128xi32, #tpu.memory_space<vmem>> -> memref<1x128xi32, #tpu.memory_space<vmem>>
      %dma_wait3A_203 = tpu.memref_squeeze %dma_wait3A_202 : memref<1x128xi32, #tpu.memory_space<vmem>> -> memref<128xi32, #tpu.memory_space<vmem>>
      %dma_wait3A_204 = arith.constant 0 : i32
      %dma_wait3A_205 = arith.constant 0 : i32
      %dma_wait3A_206 = tpu.memref_slice %arg2[%dma_wait3A_204, %dma_wait3A_205] : memref<10240x128xf32, #tpu.memory_space<hbm>> -> memref<10240x128xf32, #tpu.memory_space<hbm>>
      tpu.wait_indirect_dma semaphore(%arg11 : memref<!tpu.dma_semaphore, #tpu.memory_space<semaphore_mem>>) src(%dma_wait3A_206 : memref<10240x128xf32, #tpu.memory_space<hbm>>) dst(%dma_wait3A_200 : memref<128x128xf32, #tpu.memory_space<vmem>>)
      %run_scoped3A = arith.constant 0 : i32
      "tpu.region"() ({
        %run_scoped3A_209 = tpu.sem_alloc : memref<!tpu.dma_semaphore, #tpu.memory_space<semaphore_mem>>
        %dma_start3A_210 = arith.constant 0 : i32
        %dma_start3A_211 = arith.constant 0 : i32
        %dma_start3A_212 = tpu.memref_slice %arg8[%dma_start3A_210, %dma_start3A_211] : memref<256x128xf32, #tpu.memory_space<vmem>> -> memref<128x128xf32, #tpu.memory_space<vmem>>
        %dma_start3A_213 = arith.constant 0 : i32
        %dma_start3A_214 = tpu.memref_slice %arg7[%run_scoped3A, %dma_start3A_213] : memref<8x128xi32, #tpu.memory_space<vmem>> -> memref<1x128xi32, #tpu.memory_space<vmem>>
        %dma_start3A_215 = tpu.memref_squeeze %dma_start3A_214 : memref<1x128xi32, #tpu.memory_space<vmem>> -> memref<128xi32, #tpu.memory_space<vmem>>
        %dma_start3A_216 = arith.constant 0 : i32
        %dma_start3A_217 = arith.constant 0 : i32
        %dma_start3A_218 = tpu.memref_slice %arg10[%dma_start3A_216, %dma_start3A_217] : memref<10240x128xf32, #tpu.memory_space<vmem_shared>> -> memref<10240x128xf32, #tpu.memory_space<vmem_shared>>
        tpu.enqueue_indirect_dma source(%dma_start3A_212 : memref<128x128xf32, #tpu.memory_space<vmem>>) target(%dma_start3A_218 : memref<10240x128xf32, #tpu.memory_space<vmem_shared>>) offsets(%dma_start3A_215 : memref<128xi32, #tpu.memory_space<vmem>>) semaphore(%run_scoped3A_209 : memref<!tpu.dma_semaphore, #tpu.memory_space<semaphore_mem>>) {add = true}
        %dma_wait3A_219 = arith.constant 0 : i32
        %dma_wait3A_220 = arith.constant 0 : i32
        %dma_wait3A_221 = tpu.memref_slice %arg8[%dma_wait3A_219, %dma_wait3A_220] : memref<256x128xf32, #tpu.memory_space<vmem>> -> memref<128x128xf32, #tpu.memory_space<vmem>>
        %dma_wait3A_222 = arith.constant 0 : i32
        %dma_wait3A_223 = tpu.memref_slice %arg7[%run_scoped3A, %dma_wait3A_222] : memref<8x128xi32, #tpu.memory_space<vmem>> -> memref<1x128xi32, #tpu.memory_space<vmem>>
        %dma_wait3A_224 = tpu.memref_squeeze %dma_wait3A_223 : memref<1x128xi32, #tpu.memory_space<vmem>> -> memref<128xi32, #tpu.memory_space<vmem>>
        %dma_wait3A_225 = arith.constant 0 : i32
        %dma_wait3A_226 = arith.constant 0 : i32
        %dma_wait3A_227 = tpu.memref_slice %arg10[%dma_wait3A_225, %dma_wait3A_226] : memref<10240x128xf32, #tpu.memory_space<vmem_shared>> -> memref<10240x128xf32, #tpu.memory_space<vmem_shared>>
        tpu.wait_indirect_dma semaphore(%run_scoped3A_209 : memref<!tpu.dma_semaphore, #tpu.memory_space<semaphore_mem>>) src(%dma_wait3A_221 : memref<128x128xf32, #tpu.memory_space<vmem>>) dst(%dma_wait3A_227 : memref<10240x128xf32, #tpu.memory_space<vmem_shared>>)
        tpu.yield
      }) : () -> ()
      %run_scoped3A_207 = arith.constant 1 : i32
      "tpu.region"() ({
        %run_scoped3A_209 = tpu.sem_alloc : memref<!tpu.dma_semaphore, #tpu.memory_space<semaphore_mem>>
        %dma_start3A_210 = arith.constant 128 : i32
        %dma_start3A_211 = arith.constant 0 : i32
        %dma_start3A_212 = tpu.memref_slice %arg8[%dma_start3A_210, %dma_start3A_211] : memref<256x128xf32, #tpu.memory_space<vmem>> -> memref<128x128xf32, #tpu.memory_space<vmem>>
        %dma_start3A_213 = arith.constant 0 : i32
        %dma_start3A_214 = tpu.memref_slice %arg7[%run_scoped3A_207, %dma_start3A_213] : memref<8x128xi32, #tpu.memory_space<vmem>> -> memref<1x128xi32, #tpu.memory_space<vmem>>
        %dma_start3A_215 = tpu.memref_squeeze %dma_start3A_214 : memref<1x128xi32, #tpu.memory_space<vmem>> -> memref<128xi32, #tpu.memory_space<vmem>>
        %dma_start3A_216 = arith.constant 0 : i32
        %dma_start3A_217 = arith.constant 0 : i32
        %dma_start3A_218 = tpu.memref_slice %arg10[%dma_start3A_216, %dma_start3A_217] : memref<10240x128xf32, #tpu.memory_space<vmem_shared>> -> memref<10240x128xf32, #tpu.memory_space<vmem_shared>>
        tpu.enqueue_indirect_dma source(%dma_start3A_212 : memref<128x128xf32, #tpu.memory_space<vmem>>) target(%dma_start3A_218 : memref<10240x128xf32, #tpu.memory_space<vmem_shared>>) offsets(%dma_start3A_215 : memref<128xi32, #tpu.memory_space<vmem>>) semaphore(%run_scoped3A_209 : memref<!tpu.dma_semaphore, #tpu.memory_space<semaphore_mem>>) {add = true}
        %dma_wait3A_219 = arith.constant 128 : i32
        %dma_wait3A_220 = arith.constant 0 : i32
        %dma_wait3A_221 = tpu.memref_slice %arg8[%dma_wait3A_219, %dma_wait3A_220] : memref<256x128xf32, #tpu.memory_space<vmem>> -> memref<128x128xf32, #tpu.memory_space<vmem>>
        %dma_wait3A_222 = arith.constant 0 : i32
        %dma_wait3A_223 = tpu.memref_slice %arg7[%run_scoped3A_207, %dma_wait3A_222] : memref<8x128xi32, #tpu.memory_space<vmem>> -> memref<1x128xi32, #tpu.memory_space<vmem>>
        %dma_wait3A_224 = tpu.memref_squeeze %dma_wait3A_223 : memref<1x128xi32, #tpu.memory_space<vmem>> -> memref<128xi32, #tpu.memory_space<vmem>>
        %dma_wait3A_225 = arith.constant 0 : i32
        %dma_wait3A_226 = arith.constant 0 : i32
        %dma_wait3A_227 = tpu.memref_slice %arg10[%dma_wait3A_225, %dma_wait3A_226] : memref<10240x128xf32, #tpu.memory_space<vmem_shared>> -> memref<10240x128xf32, #tpu.memory_space<vmem_shared>>
        tpu.wait_indirect_dma semaphore(%run_scoped3A_209 : memref<!tpu.dma_semaphore, #tpu.memory_space<semaphore_mem>>) src(%dma_wait3A_221 : memref<128x128xf32, #tpu.memory_space<vmem>>) dst(%dma_wait3A_227 : memref<10240x128xf32, #tpu.memory_space<vmem_shared>>)
        tpu.yield
      }) : () -> ()
      %while3A_208 = arith.constant 0 : i32
      scf.yield %while3A_208 : i32
    }
    %while3A_125 = arith.constant 1 : i32
    %while3A_126 = scf.for %while3A_162 = %while3A_122 to %while3A_118 step %while3A_125 iter_args(%while3A_163 = %while3A_124) -> (i32)  : i32 {
      %mul3A_164 = arith.constant 2 : i32
      %mul3A_165 = arith.muli %while3A_162, %mul3A_164 : i32
      %add3A_166 = arith.addi %select_n3A, %mul3A_165 : i32
      "tpu.region"() ({
        %run_scoped3A_209 = tpu.sem_alloc : memref<!tpu.dma_semaphore, #tpu.memory_space<semaphore_mem>>
        %dma_start3A_210 = arith.constant 0 : i32
        %dma_start3A_211 = arith.constant 0 : i32
        %dma_start3A_212 = tpu.memref_slice %arg6[%dma_start3A_210, %dma_start3A_211] : memref<8x128xi32, #tpu.memory_space<vmem>> -> memref<2x128xi32, #tpu.memory_space<vmem>>
        %dma_start3A_213 = arith.constant 0 : i32
        %dma_start3A_214 = tpu.memref_slice %arg3[%add3A_166, %dma_start3A_213] : memref<2560x128xi32, #tpu.memory_space<hbm>> -> memref<2x128xi32, #tpu.memory_space<hbm>>
        %dma_start3A_215 = arith.constant 0 : i32
        %dma_start3A_216 = arith.constant 0 : i32
        %dma_start3A_217 = tpu.memref_slice %arg6[%dma_start3A_215, %dma_start3A_216] : memref<8x128xi32, #tpu.memory_space<vmem>> -> memref<2x128xi32, #tpu.memory_space<vmem>>
        %dma_start3A_218 = arith.constant 0 : i32
        %dma_start3A_219 = tpu.memref_slice %arg3[%add3A_166, %dma_start3A_218] : memref<2560x128xi32, #tpu.memory_space<hbm>> -> memref<2x128xi32, #tpu.memory_space<hbm>>
        tpu.enqueue_dma source(%dma_start3A_219 : memref<2x128xi32, #tpu.memory_space<hbm>>) target(%dma_start3A_217 : memref<2x128xi32, #tpu.memory_space<vmem>>) target_semaphore(%run_scoped3A_209 : memref<!tpu.dma_semaphore, #tpu.memory_space<semaphore_mem>>)
        %dma_wait3A_220 = arith.constant 0 : i32
        %dma_wait3A_221 = arith.constant 0 : i32
        %dma_wait3A_222 = tpu.memref_slice %arg6[%dma_wait3A_220, %dma_wait3A_221] : memref<8x128xi32, #tpu.memory_space<vmem>> -> memref<2x128xi32, #tpu.memory_space<vmem>>
        %dma_wait3A_223 = arith.constant 0 : i32
        %dma_wait3A_224 = tpu.memref_slice %arg3[%add3A_166, %dma_wait3A_223] : memref<2560x128xi32, #tpu.memory_space<hbm>> -> memref<2x128xi32, #tpu.memory_space<hbm>>
        %dma_wait3A_225 = arith.constant 0 : i32
        %dma_wait3A_226 = arith.constant 0 : i32
        %dma_wait3A_227 = tpu.memref_slice %arg6[%dma_wait3A_225, %dma_wait3A_226] : memref<8x128xi32, #tpu.memory_space<vmem>> -> memref<2x128xi32, #tpu.memory_space<vmem>>
        %dma_wait3A_228 = arith.constant 0 : i32
        %dma_wait3A_229 = tpu.memref_slice %arg3[%add3A_166, %dma_wait3A_228] : memref<2560x128xi32, #tpu.memory_space<hbm>> -> memref<2x128xi32, #tpu.memory_space<hbm>>
        tpu.wait_dma2 semaphore(%run_scoped3A_209 : memref<!tpu.dma_semaphore, #tpu.memory_space<semaphore_mem>>) src(%dma_wait3A_229 : memref<2x128xi32, #tpu.memory_space<hbm>>) dst(%dma_wait3A_227 : memref<2x128xi32, #tpu.memory_space<vmem>>)
        tpu.yield
      }) : () -> ()
      "tpu.region"() ({
        %run_scoped3A_209 = tpu.sem_alloc : memref<!tpu.dma_semaphore, #tpu.memory_space<semaphore_mem>>
        %dma_start3A_210 = arith.constant 0 : i32
        %dma_start3A_211 = arith.constant 0 : i32
        %dma_start3A_212 = tpu.memref_slice %arg7[%dma_start3A_210, %dma_start3A_211] : memref<8x128xi32, #tpu.memory_space<vmem>> -> memref<2x128xi32, #tpu.memory_space<vmem>>
        %dma_start3A_213 = arith.constant 0 : i32
        %dma_start3A_214 = tpu.memref_slice %arg4[%add3A_166, %dma_start3A_213] : memref<2560x128xi32, #tpu.memory_space<hbm>> -> memref<2x128xi32, #tpu.memory_space<hbm>>
        %dma_start3A_215 = arith.constant 0 : i32
        %dma_start3A_216 = arith.constant 0 : i32
        %dma_start3A_217 = tpu.memref_slice %arg7[%dma_start3A_215, %dma_start3A_216] : memref<8x128xi32, #tpu.memory_space<vmem>> -> memref<2x128xi32, #tpu.memory_space<vmem>>
        %dma_start3A_218 = arith.constant 0 : i32
        %dma_start3A_219 = tpu.memref_slice %arg4[%add3A_166, %dma_start3A_218] : memref<2560x128xi32, #tpu.memory_space<hbm>> -> memref<2x128xi32, #tpu.memory_space<hbm>>
        tpu.enqueue_dma source(%dma_start3A_219 : memref<2x128xi32, #tpu.memory_space<hbm>>) target(%dma_start3A_217 : memref<2x128xi32, #tpu.memory_space<vmem>>) target_semaphore(%run_scoped3A_209 : memref<!tpu.dma_semaphore, #tpu.memory_space<semaphore_mem>>)
        %dma_wait3A_220 = arith.constant 0 : i32
        %dma_wait3A_221 = arith.constant 0 : i32
        %dma_wait3A_222 = tpu.memref_slice %arg7[%dma_wait3A_220, %dma_wait3A_221] : memref<8x128xi32, #tpu.memory_space<vmem>> -> memref<2x128xi32, #tpu.memory_space<vmem>>
        %dma_wait3A_223 = arith.constant 0 : i32
        %dma_wait3A_224 = tpu.memref_slice %arg4[%add3A_166, %dma_wait3A_223] : memref<2560x128xi32, #tpu.memory_space<hbm>> -> memref<2x128xi32, #tpu.memory_space<hbm>>
        %dma_wait3A_225 = arith.constant 0 : i32
        %dma_wait3A_226 = arith.constant 0 : i32
        %dma_wait3A_227 = tpu.memref_slice %arg7[%dma_wait3A_225, %dma_wait3A_226] : memref<8x128xi32, #tpu.memory_space<vmem>> -> memref<2x128xi32, #tpu.memory_space<vmem>>
        %dma_wait3A_228 = arith.constant 0 : i32
        %dma_wait3A_229 = tpu.memref_slice %arg4[%add3A_166, %dma_wait3A_228] : memref<2560x128xi32, #tpu.memory_space<hbm>> -> memref<2x128xi32, #tpu.memory_space<hbm>>
        tpu.wait_dma2 semaphore(%run_scoped3A_209 : memref<!tpu.dma_semaphore, #tpu.memory_space<semaphore_mem>>) src(%dma_wait3A_229 : memref<2x128xi32, #tpu.memory_space<hbm>>) dst(%dma_wait3A_227 : memref<2x128xi32, #tpu.memory_space<vmem>>)
        tpu.yield
      }) : () -> ()
      %dma_start3A_167 = arith.constant 0 : i32
      %dma_start3A_168 = arith.constant 0 : i32
      %dma_start3A_169 = arith.constant 0 : i32
      %dma_start3A_170 = tpu.memref_slice %arg8[%dma_start3A_168, %dma_start3A_169] : memref<256x128xf32, #tpu.memory_space<vmem>> -> memref<128x128xf32, #tpu.memory_space<vmem>>
      %dma_start3A_171 = arith.constant 0 : i32
      %dma_start3A_172 = tpu.memref_slice %arg6[%dma_start3A_167, %dma_start3A_171] : memref<8x128xi32, #tpu.memory_space<vmem>> -> memref<1x128xi32, #tpu.memory_space<vmem>>
      %dma_start3A_173 = tpu.memref_squeeze %dma_start3A_172 : memref<1x128xi32, #tpu.memory_space<vmem>> -> memref<128xi32, #tpu.memory_space<vmem>>
      %dma_start3A_174 = arith.constant 0 : i32
      %dma_start3A_175 = arith.constant 0 : i32
      %dma_start3A_176 = tpu.memref_slice %arg2[%dma_start3A_174, %dma_start3A_175] : memref<10240x128xf32, #tpu.memory_space<hbm>> -> memref<10240x128xf32, #tpu.memory_space<hbm>>
      tpu.enqueue_indirect_dma source(%dma_start3A_176 : memref<10240x128xf32, #tpu.memory_space<hbm>>) target(%dma_start3A_170 : memref<128x128xf32, #tpu.memory_space<vmem>>) offsets(%dma_start3A_173 : memref<128xi32, #tpu.memory_space<vmem>>) semaphore(%arg11 : memref<!tpu.dma_semaphore, #tpu.memory_space<semaphore_mem>>)
      %dma_start3A_177 = arith.constant 1 : i32
      %dma_start3A_178 = arith.constant 128 : i32
      %dma_start3A_179 = arith.constant 0 : i32
      %dma_start3A_180 = tpu.memref_slice %arg8[%dma_start3A_178, %dma_start3A_179] : memref<256x128xf32, #tpu.memory_space<vmem>> -> memref<128x128xf32, #tpu.memory_space<vmem>>
      %dma_start3A_181 = arith.constant 0 : i32
      %dma_start3A_182 = tpu.memref_slice %arg6[%dma_start3A_177, %dma_start3A_181] : memref<8x128xi32, #tpu.memory_space<vmem>> -> memref<1x128xi32, #tpu.memory_space<vmem>>
      %dma_start3A_183 = tpu.memref_squeeze %dma_start3A_182 : memref<1x128xi32, #tpu.memory_space<vmem>> -> memref<128xi32, #tpu.memory_space<vmem>>
      %dma_start3A_184 = arith.constant 0 : i32
      %dma_start3A_185 = arith.constant 0 : i32
      %dma_start3A_186 = tpu.memref_slice %arg2[%dma_start3A_184, %dma_start3A_185] : memref<10240x128xf32, #tpu.memory_space<hbm>> -> memref<10240x128xf32, #tpu.memory_space<hbm>>
      tpu.enqueue_indirect_dma source(%dma_start3A_186 : memref<10240x128xf32, #tpu.memory_space<hbm>>) target(%dma_start3A_180 : memref<128x128xf32, #tpu.memory_space<vmem>>) offsets(%dma_start3A_183 : memref<128xi32, #tpu.memory_space<vmem>>) semaphore(%arg11 : memref<!tpu.dma_semaphore, #tpu.memory_space<semaphore_mem>>)
      %dma_wait3A_187 = arith.constant 0 : i32
      %dma_wait3A_188 = arith.constant 0 : i32
      %dma_wait3A_189 = arith.constant 0 : i32
      %dma_wait3A_190 = tpu.memref_slice %arg8[%dma_wait3A_188, %dma_wait3A_189] : memref<256x128xf32, #tpu.memory_space<vmem>> -> memref<128x128xf32, #tpu.memory_space<vmem>>
      %dma_wait3A_191 = arith.constant 0 : i32
      %dma_wait3A_192 = tpu.memref_slice %arg6[%dma_wait3A_187, %dma_wait3A_191] : memref<8x128xi32, #tpu.memory_space<vmem>> -> memref<1x128xi32, #tpu.memory_space<vmem>>
      %dma_wait3A_193 = tpu.memref_squeeze %dma_wait3A_192 : memref<1x128xi32, #tpu.memory_space<vmem>> -> memref<128xi32, #tpu.memory_space<vmem>>
      %dma_wait3A_194 = arith.constant 0 : i32
      %dma_wait3A_195 = arith.constant 0 : i32
      %dma_wait3A_196 = tpu.memref_slice %arg2[%dma_wait3A_194, %dma_wait3A_195] : memref<10240x128xf32, #tpu.memory_space<hbm>> -> memref<10240x128xf32, #tpu.memory_space<hbm>>
      tpu.wait_indirect_dma semaphore(%arg11 : memref<!tpu.dma_semaphore, #tpu.memory_space<semaphore_mem>>) src(%dma_wait3A_196 : memref<10240x128xf32, #tpu.memory_space<hbm>>) dst(%dma_wait3A_190 : memref<128x128xf32, #tpu.memory_space<vmem>>)
      %dma_wait3A_197 = arith.constant 1 : i32
      %dma_wait3A_198 = arith.constant 128 : i32
      %dma_wait3A_199 = arith.constant 0 : i32
      %dma_wait3A_200 = tpu.memref_slice %arg8[%dma_wait3A_198, %dma_wait3A_199] : memref<256x128xf32, #tpu.memory_space<vmem>> -> memref<128x128xf32, #tpu.memory_space<vmem>>
      %dma_wait3A_201 = arith.constant 0 : i32
      %dma_wait3A_202 = tpu.memref_slice %arg6[%dma_wait3A_197, %dma_wait3A_201] : memref<8x128xi32, #tpu.memory_space<vmem>> -> memref<1x128xi32, #tpu.memory_space<vmem>>
      %dma_wait3A_203 = tpu.memref_squeeze %dma_wait3A_202 : memref<1x128xi32, #tpu.memory_space<vmem>> -> memref<128xi32, #tpu.memory_space<vmem>>
      %dma_wait3A_204 = arith.constant 0 : i32
      %dma_wait3A_205 = arith.constant 0 : i32
      %dma_wait3A_206 = tpu.memref_slice %arg2[%dma_wait3A_204, %dma_wait3A_205] : memref<10240x128xf32, #tpu.memory_space<hbm>> -> memref<10240x128xf32, #tpu.memory_space<hbm>>
      tpu.wait_indirect_dma semaphore(%arg11 : memref<!tpu.dma_semaphore, #tpu.memory_space<semaphore_mem>>) src(%dma_wait3A_206 : memref<10240x128xf32, #tpu.memory_space<hbm>>) dst(%dma_wait3A_200 : memref<128x128xf32, #tpu.memory_space<vmem>>)
      %run_scoped3A = arith.constant 0 : i32
      "tpu.region"() ({
        %run_scoped3A_209 = tpu.sem_alloc : memref<!tpu.dma_semaphore, #tpu.memory_space<semaphore_mem>>
        %dma_start3A_210 = arith.constant 0 : i32
        %dma_start3A_211 = arith.constant 0 : i32
        %dma_start3A_212 = tpu.memref_slice %arg8[%dma_start3A_210, %dma_start3A_211] : memref<256x128xf32, #tpu.memory_space<vmem>> -> memref<128x128xf32, #tpu.memory_space<vmem>>
        %dma_start3A_213 = arith.constant 0 : i32
        %dma_start3A_214 = tpu.memref_slice %arg7[%run_scoped3A, %dma_start3A_213] : memref<8x128xi32, #tpu.memory_space<vmem>> -> memref<1x128xi32, #tpu.memory_space<vmem>>
        %dma_start3A_215 = tpu.memref_squeeze %dma_start3A_214 : memref<1x128xi32, #tpu.memory_space<vmem>> -> memref<128xi32, #tpu.memory_space<vmem>>
        %dma_start3A_216 = arith.constant 0 : i32
        %dma_start3A_217 = arith.constant 0 : i32
        %dma_start3A_218 = tpu.memref_slice %arg10[%dma_start3A_216, %dma_start3A_217] : memref<10240x128xf32, #tpu.memory_space<vmem_shared>> -> memref<10240x128xf32, #tpu.memory_space<vmem_shared>>
        tpu.enqueue_indirect_dma source(%dma_start3A_212 : memref<128x128xf32, #tpu.memory_space<vmem>>) target(%dma_start3A_218 : memref<10240x128xf32, #tpu.memory_space<vmem_shared>>) offsets(%dma_start3A_215 : memref<128xi32, #tpu.memory_space<vmem>>) semaphore(%run_scoped3A_209 : memref<!tpu.dma_semaphore, #tpu.memory_space<semaphore_mem>>) {add = true}
        %dma_wait3A_219 = arith.constant 0 : i32
        %dma_wait3A_220 = arith.constant 0 : i32
        %dma_wait3A_221 = tpu.memref_slice %arg8[%dma_wait3A_219, %dma_wait3A_220] : memref<256x128xf32, #tpu.memory_space<vmem>> -> memref<128x128xf32, #tpu.memory_space<vmem>>
        %dma_wait3A_222 = arith.constant 0 : i32
        %dma_wait3A_223 = tpu.memref_slice %arg7[%run_scoped3A, %dma_wait3A_222] : memref<8x128xi32, #tpu.memory_space<vmem>> -> memref<1x128xi32, #tpu.memory_space<vmem>>
        %dma_wait3A_224 = tpu.memref_squeeze %dma_wait3A_223 : memref<1x128xi32, #tpu.memory_space<vmem>> -> memref<128xi32, #tpu.memory_space<vmem>>
        %dma_wait3A_225 = arith.constant 0 : i32
        %dma_wait3A_226 = arith.constant 0 : i32
        %dma_wait3A_227 = tpu.memref_slice %arg10[%dma_wait3A_225, %dma_wait3A_226] : memref<10240x128xf32, #tpu.memory_space<vmem_shared>> -> memref<10240x128xf32, #tpu.memory_space<vmem_shared>>
        tpu.wait_indirect_dma semaphore(%run_scoped3A_209 : memref<!tpu.dma_semaphore, #tpu.memory_space<semaphore_mem>>) src(%dma_wait3A_221 : memref<128x128xf32, #tpu.memory_space<vmem>>) dst(%dma_wait3A_227 : memref<10240x128xf32, #tpu.memory_space<vmem_shared>>)
        tpu.yield
      }) : () -> ()
      %run_scoped3A_207 = arith.constant 1 : i32
      "tpu.region"() ({
        %run_scoped3A_209 = tpu.sem_alloc : memref<!tpu.dma_semaphore, #tpu.memory_space<semaphore_mem>>
        %dma_start3A_210 = arith.constant 128 : i32
        %dma_start3A_211 = arith.constant 0 : i32
        %dma_start3A_212 = tpu.memref_slice %arg8[%dma_start3A_210, %dma_start3A_211] : memref<256x128xf32, #tpu.memory_space<vmem>> -> memref<128x128xf32, #tpu.memory_space<vmem>>
        %dma_start3A_213 = arith.constant 0 : i32
        %dma_start3A_214 = tpu.memref_slice %arg7[%run_scoped3A_207, %dma_start3A_213] : memref<8x128xi32, #tpu.memory_space<vmem>> -> memref<1x128xi32, #tpu.memory_space<vmem>>
        %dma_start3A_215 = tpu.memref_squeeze %dma_start3A_214 : memref<1x128xi32, #tpu.memory_space<vmem>> -> memref<128xi32, #tpu.memory_space<vmem>>
        %dma_start3A_216 = arith.constant 0 : i32
        %dma_start3A_217 = arith.constant 0 : i32
        %dma_start3A_218 = tpu.memref_slice %arg10[%dma_start3A_216, %dma_start3A_217] : memref<10240x128xf32, #tpu.memory_space<vmem_shared>> -> memref<10240x128xf32, #tpu.memory_space<vmem_shared>>
        tpu.enqueue_indirect_dma source(%dma_start3A_212 : memref<128x128xf32, #tpu.memory_space<vmem>>) target(%dma_start3A_218 : memref<10240x128xf32, #tpu.memory_space<vmem_shared>>) offsets(%dma_start3A_215 : memref<128xi32, #tpu.memory_space<vmem>>) semaphore(%run_scoped3A_209 : memref<!tpu.dma_semaphore, #tpu.memory_space<semaphore_mem>>) {add = true}
        %dma_wait3A_219 = arith.constant 128 : i32
        %dma_wait3A_220 = arith.constant 0 : i32
        %dma_wait3A_221 = tpu.memref_slice %arg8[%dma_wait3A_219, %dma_wait3A_220] : memref<256x128xf32, #tpu.memory_space<vmem>> -> memref<128x128xf32, #tpu.memory_space<vmem>>
        %dma_wait3A_222 = arith.constant 0 : i32
        %dma_wait3A_223 = tpu.memref_slice %arg7[%run_scoped3A_207, %dma_wait3A_222] : memref<8x128xi32, #tpu.memory_space<vmem>> -> memref<1x128xi32, #tpu.memory_space<vmem>>
        %dma_wait3A_224 = tpu.memref_squeeze %dma_wait3A_223 : memref<1x128xi32, #tpu.memory_space<vmem>> -> memref<128xi32, #tpu.memory_space<vmem>>
        %dma_wait3A_225 = arith.constant 0 : i32
        %dma_wait3A_226 = arith.constant 0 : i32
        %dma_wait3A_227 = tpu.memref_slice %arg10[%dma_wait3A_225, %dma_wait3A_226] : memref<10240x128xf32, #tpu.memory_space<vmem_shared>> -> memref<10240x128xf32, #tpu.memory_space<vmem_shared>>
        tpu.wait_indirect_dma semaphore(%run_scoped3A_209 : memref<!tpu.dma_semaphore, #tpu.memory_space<semaphore_mem>>) src(%dma_wait3A_221 : memref<128x128xf32, #tpu.memory_space<vmem>>) dst(%dma_wait3A_227 : memref<10240x128xf32, #tpu.memory_space<vmem_shared>>)
        tpu.yield
      }) : () -> ()
      %while3A_208 = arith.constant 0 : i32
      scf.yield %while3A_208 : i32
    }
    %barrier3A_127 = arith.constant 0 : index
    tpu.barrier barrier_id(%barrier3A_127)
    %add3A_128 = arith.constant 0 : i32
    %add3A_129 = arith.addi %mul3A_7, %add3A_128 : i32
    "tpu.region"() ({
      %run_scoped3A = tpu.sem_alloc : memref<!tpu.dma_semaphore, #tpu.memory_space<semaphore_mem>>
      %dma_start3A_162 = arith.constant 0 : i32
      %dma_start3A_163 = arith.constant 0 : i32
      %dma_start3A_164 = tpu.memref_slice %arg8[%dma_start3A_162, %dma_start3A_163] : memref<256x128xf32, #tpu.memory_space<vmem>> -> memref<256x128xf32, #tpu.memory_space<vmem>>
      %dma_start3A_165 = arith.constant 0 : i32
      %dma_start3A_166 = tpu.memref_slice %arg10[%add3A_129, %dma_start3A_165] : memref<10240x128xf32, #tpu.memory_space<vmem_shared>> -> memref<256x128xf32, #tpu.memory_space<vmem_shared>>
      %dma_start3A_167 = arith.constant 0 : i32
      %dma_start3A_168 = arith.constant 0 : i32
      %dma_start3A_169 = tpu.memref_slice %arg8[%dma_start3A_167, %dma_start3A_168] : memref<256x128xf32, #tpu.memory_space<vmem>> -> memref<256x128xf32, #tpu.memory_space<vmem>>
      %dma_start3A_170 = arith.constant 0 : i32
      %dma_start3A_171 = tpu.memref_slice %arg10[%add3A_129, %dma_start3A_170] : memref<10240x128xf32, #tpu.memory_space<vmem_shared>> -> memref<256x128xf32, #tpu.memory_space<vmem_shared>>
      tpu.enqueue_dma source(%dma_start3A_171 : memref<256x128xf32, #tpu.memory_space<vmem_shared>>) target(%dma_start3A_169 : memref<256x128xf32, #tpu.memory_space<vmem>>) target_semaphore(%run_scoped3A : memref<!tpu.dma_semaphore, #tpu.memory_space<semaphore_mem>>)
      %dma_wait3A_172 = arith.constant 0 : i32
      %dma_wait3A_173 = arith.constant 0 : i32
      %dma_wait3A_174 = tpu.memref_slice %arg8[%dma_wait3A_172, %dma_wait3A_173] : memref<256x128xf32, #tpu.memory_space<vmem>> -> memref<256x128xf32, #tpu.memory_space<vmem>>
      %dma_wait3A_175 = arith.constant 0 : i32
      %dma_wait3A_176 = tpu.memref_slice %arg10[%add3A_129, %dma_wait3A_175] : memref<10240x128xf32, #tpu.memory_space<vmem_shared>> -> memref<256x128xf32, #tpu.memory_space<vmem_shared>>
      %dma_wait3A_177 = arith.constant 0 : i32
      %dma_wait3A_178 = arith.constant 0 : i32
      %dma_wait3A_179 = tpu.memref_slice %arg8[%dma_wait3A_177, %dma_wait3A_178] : memref<256x128xf32, #tpu.memory_space<vmem>> -> memref<256x128xf32, #tpu.memory_space<vmem>>
      %dma_wait3A_180 = arith.constant 0 : i32
      %dma_wait3A_181 = tpu.memref_slice %arg10[%add3A_129, %dma_wait3A_180] : memref<10240x128xf32, #tpu.memory_space<vmem_shared>> -> memref<256x128xf32, #tpu.memory_space<vmem_shared>>
      tpu.wait_dma2 semaphore(%run_scoped3A : memref<!tpu.dma_semaphore, #tpu.memory_space<semaphore_mem>>) src(%dma_wait3A_181 : memref<256x128xf32, #tpu.memory_space<vmem_shared>>) dst(%dma_wait3A_179 : memref<256x128xf32, #tpu.memory_space<vmem>>)
      tpu.yield
    }) : () -> ()
    %eq3A_130 = arith.constant 0 : i32
    %eq3A_131 = arith.cmpi eq, %arg0, %eq3A_130 : i32
    %convert_element_type3A = arith.extui %eq3A_131 : i1 to i32
    %cond3A = arith.constant 0 : i32
    %cond3A_132 = arith.cmpi ne, %convert_element_type3A, %cond3A : i32
    scf.if %cond3A_132 {
      %add3A_162 = arith.constant 0 : i32
      %add3A_163 = arith.addi %mul3A_7, %add3A_162 : i32
      %run_scoped3A = arith.constant 0 : i32
      "tpu.region"() ({
        %run_scoped3A_164 = tpu.sem_alloc : memref<!tpu.dma_semaphore, #tpu.memory_space<semaphore_mem>>
        %dma_start3A_165 = arith.constant 0 : i32
        %dma_start3A_166 = arith.constant 0 : i32
        %dma_start3A_167 = tpu.memref_slice %arg8[%dma_start3A_165, %dma_start3A_166] : memref<256x128xf32, #tpu.memory_space<vmem>> -> memref<256x128xf32, #tpu.memory_space<vmem>>
        %dma_start3A_168 = arith.constant 0 : i32
        %dma_start3A_169 = tpu.memref_slice %arg5[%run_scoped3A, %add3A_163, %dma_start3A_168] : memref<2x10240x128xf32, #tpu.memory_space<hbm>> -> memref<1x256x128xf32, #tpu.memory_space<hbm>>
        %dma_start3A_170 = tpu.memref_squeeze %dma_start3A_169 : memref<1x256x128xf32, #tpu.memory_space<hbm>> -> memref<256x128xf32, #tpu.memory_space<hbm>>
        %dma_start3A_171 = arith.constant 0 : i32
        %dma_start3A_172 = tpu.memref_slice %arg5[%run_scoped3A, %add3A_163, %dma_start3A_171] : memref<2x10240x128xf32, #tpu.memory_space<hbm>> -> memref<1x256x128xf32, #tpu.memory_space<hbm>>
        %dma_start3A_173 = tpu.memref_squeeze %dma_start3A_172 : memref<1x256x128xf32, #tpu.memory_space<hbm>> -> memref<256x128xf32, #tpu.memory_space<hbm>>
        %dma_start3A_174 = arith.constant 0 : i32
        %dma_start3A_175 = arith.constant 0 : i32
        %dma_start3A_176 = tpu.memref_slice %arg8[%dma_start3A_174, %dma_start3A_175] : memref<256x128xf32, #tpu.memory_space<vmem>> -> memref<256x128xf32, #tpu.memory_space<vmem>>
        tpu.enqueue_dma source(%dma_start3A_176 : memref<256x128xf32, #tpu.memory_space<vmem>>) target(%dma_start3A_173 : memref<256x128xf32, #tpu.memory_space<hbm>>) target_semaphore(%run_scoped3A_164 : memref<!tpu.dma_semaphore, #tpu.memory_space<semaphore_mem>>)
        %dma_wait3A_177 = arith.constant 0 : i32
        %dma_wait3A_178 = arith.constant 0 : i32
        %dma_wait3A_179 = tpu.memref_slice %arg8[%dma_wait3A_177, %dma_wait3A_178] : memref<256x128xf32, #tpu.memory_space<vmem>> -> memref<256x128xf32, #tpu.memory_space<vmem>>
        %dma_wait3A_180 = arith.constant 0 : i32
        %dma_wait3A_181 = tpu.memref_slice %arg5[%run_scoped3A, %add3A_163, %dma_wait3A_180] : memref<2x10240x128xf32, #tpu.memory_space<hbm>> -> memref<1x256x128xf32, #tpu.memory_space<hbm>>
        %dma_wait3A_182 = tpu.memref_squeeze %dma_wait3A_181 : memref<1x256x128xf32, #tpu.memory_space<hbm>> -> memref<256x128xf32, #tpu.memory_space<hbm>>
        %dma_wait3A_183 = arith.constant 0 : i32
        %dma_wait3A_184 = tpu.memref_slice %arg5[%run_scoped3A, %add3A_163, %dma_wait3A_183] : memref<2x10240x128xf32, #tpu.memory_space<hbm>> -> memref<1x256x128xf32, #tpu.memory_space<hbm>>
        %dma_wait3A_185 = tpu.memref_squeeze %dma_wait3A_184 : memref<1x256x128xf32, #tpu.memory_space<hbm>> -> memref<256x128xf32, #tpu.memory_space<hbm>>
        %dma_wait3A_186 = arith.constant 0 : i32
        %dma_wait3A_187 = arith.constant 0 : i32
        %dma_wait3A_188 = tpu.memref_slice %arg8[%dma_wait3A_186, %dma_wait3A_187] : memref<256x128xf32, #tpu.memory_space<vmem>> -> memref<256x128xf32, #tpu.memory_space<vmem>>
        tpu.wait_dma2 semaphore(%run_scoped3A_164 : memref<!tpu.dma_semaphore, #tpu.memory_space<semaphore_mem>>) src(%dma_wait3A_188 : memref<256x128xf32, #tpu.memory_space<vmem>>) dst(%dma_wait3A_185 : memref<256x128xf32, #tpu.memory_space<hbm>>)
        tpu.yield
      }) : () -> ()
    } else {
    }
    %eq3A_133 = arith.constant 1 : i32
    %eq3A_134 = arith.cmpi eq, %arg0, %eq3A_133 : i32
    %convert_element_type3A_135 = arith.extui %eq3A_134 : i1 to i32
    %cond3A_136 = arith.constant 0 : i32
    %cond3A_137 = arith.cmpi ne, %convert_element_type3A_135, %cond3A_136 : i32
    scf.if %cond3A_137 {
      %add3A_162 = arith.constant 0 : i32
      %add3A_163 = arith.addi %mul3A_7, %add3A_162 : i32
      %run_scoped3A = arith.constant 1 : i32
      "tpu.region"() ({
        %run_scoped3A_164 = tpu.sem_alloc : memref<!tpu.dma_semaphore, #tpu.memory_space<semaphore_mem>>
        %dma_start3A_165 = arith.constant 0 : i32
        %dma_start3A_166 = arith.constant 0 : i32
        %dma_start3A_167 = tpu.memref_slice %arg8[%dma_start3A_165, %dma_start3A_166] : memref<256x128xf32, #tpu.memory_space<vmem>> -> memref<256x128xf32, #tpu.memory_space<vmem>>
        %dma_start3A_168 = arith.constant 0 : i32
        %dma_start3A_169 = tpu.memref_slice %arg5[%run_scoped3A, %add3A_163, %dma_start3A_168] : memref<2x10240x128xf32, #tpu.memory_space<hbm>> -> memref<1x256x128xf32, #tpu.memory_space<hbm>>
        %dma_start3A_170 = tpu.memref_squeeze %dma_start3A_169 : memref<1x256x128xf32, #tpu.memory_space<hbm>> -> memref<256x128xf32, #tpu.memory_space<hbm>>
        %dma_start3A_171 = arith.constant 0 : i32
        %dma_start3A_172 = tpu.memref_slice %arg5[%run_scoped3A, %add3A_163, %dma_start3A_171] : memref<2x10240x128xf32, #tpu.memory_space<hbm>> -> memref<1x256x128xf32, #tpu.memory_space<hbm>>
        %dma_start3A_173 = tpu.memref_squeeze %dma_start3A_172 : memref<1x256x128xf32, #tpu.memory_space<hbm>> -> memref<256x128xf32, #tpu.memory_space<hbm>>
        %dma_start3A_174 = arith.constant 0 : i32
        %dma_start3A_175 = arith.constant 0 : i32
        %dma_start3A_176 = tpu.memref_slice %arg8[%dma_start3A_174, %dma_start3A_175] : memref<256x128xf32, #tpu.memory_space<vmem>> -> memref<256x128xf32, #tpu.memory_space<vmem>>
        tpu.enqueue_dma source(%dma_start3A_176 : memref<256x128xf32, #tpu.memory_space<vmem>>) target(%dma_start3A_173 : memref<256x128xf32, #tpu.memory_space<hbm>>) target_semaphore(%run_scoped3A_164 : memref<!tpu.dma_semaphore, #tpu.memory_space<semaphore_mem>>)
        %dma_wait3A_177 = arith.constant 0 : i32
        %dma_wait3A_178 = arith.constant 0 : i32
        %dma_wait3A_179 = tpu.memref_slice %arg8[%dma_wait3A_177, %dma_wait3A_178] : memref<256x128xf32, #tpu.memory_space<vmem>> -> memref<256x128xf32, #tpu.memory_space<vmem>>
        %dma_wait3A_180 = arith.constant 0 : i32
        %dma_wait3A_181 = tpu.memref_slice %arg5[%run_scoped3A, %add3A_163, %dma_wait3A_180] : memref<2x10240x128xf32, #tpu.memory_space<hbm>> -> memref<1x256x128xf32, #tpu.memory_space<hbm>>
        %dma_wait3A_182 = tpu.memref_squeeze %dma_wait3A_181 : memref<1x256x128xf32, #tpu.memory_space<hbm>> -> memref<256x128xf32, #tpu.memory_space<hbm>>
        %dma_wait3A_183 = arith.constant 0 : i32
        %dma_wait3A_184 = tpu.memref_slice %arg5[%run_scoped3A, %add3A_163, %dma_wait3A_183] : memref<2x10240x128xf32, #tpu.memory_space<hbm>> -> memref<1x256x128xf32, #tpu.memory_space<hbm>>
        %dma_wait3A_185 = tpu.memref_squeeze %dma_wait3A_184 : memref<1x256x128xf32, #tpu.memory_space<hbm>> -> memref<256x128xf32, #tpu.memory_space<hbm>>
        %dma_wait3A_186 = arith.constant 0 : i32
        %dma_wait3A_187 = arith.constant 0 : i32
        %dma_wait3A_188 = tpu.memref_slice %arg8[%dma_wait3A_186, %dma_wait3A_187] : memref<256x128xf32, #tpu.memory_space<vmem>> -> memref<256x128xf32, #tpu.memory_space<vmem>>
        tpu.wait_dma2 semaphore(%run_scoped3A_164 : memref<!tpu.dma_semaphore, #tpu.memory_space<semaphore_mem>>) src(%dma_wait3A_188 : memref<256x128xf32, #tpu.memory_space<vmem>>) dst(%dma_wait3A_185 : memref<256x128xf32, #tpu.memory_space<hbm>>)
        tpu.yield
      }) : () -> ()
    } else {
    }
    %add3A_138 = arith.constant 256 : i32
    %add3A_139 = arith.addi %mul3A_7, %add3A_138 : i32
    "tpu.region"() ({
      %run_scoped3A = tpu.sem_alloc : memref<!tpu.dma_semaphore, #tpu.memory_space<semaphore_mem>>
      %dma_start3A_162 = arith.constant 0 : i32
      %dma_start3A_163 = arith.constant 0 : i32
      %dma_start3A_164 = tpu.memref_slice %arg8[%dma_start3A_162, %dma_start3A_163] : memref<256x128xf32, #tpu.memory_space<vmem>> -> memref<256x128xf32, #tpu.memory_space<vmem>>
      %dma_start3A_165 = arith.constant 0 : i32
      %dma_start3A_166 = tpu.memref_slice %arg10[%add3A_139, %dma_start3A_165] : memref<10240x128xf32, #tpu.memory_space<vmem_shared>> -> memref<256x128xf32, #tpu.memory_space<vmem_shared>>
      %dma_start3A_167 = arith.constant 0 : i32
      %dma_start3A_168 = arith.constant 0 : i32
      %dma_start3A_169 = tpu.memref_slice %arg8[%dma_start3A_167, %dma_start3A_168] : memref<256x128xf32, #tpu.memory_space<vmem>> -> memref<256x128xf32, #tpu.memory_space<vmem>>
      %dma_start3A_170 = arith.constant 0 : i32
      %dma_start3A_171 = tpu.memref_slice %arg10[%add3A_139, %dma_start3A_170] : memref<10240x128xf32, #tpu.memory_space<vmem_shared>> -> memref<256x128xf32, #tpu.memory_space<vmem_shared>>
      tpu.enqueue_dma source(%dma_start3A_171 : memref<256x128xf32, #tpu.memory_space<vmem_shared>>) target(%dma_start3A_169 : memref<256x128xf32, #tpu.memory_space<vmem>>) target_semaphore(%run_scoped3A : memref<!tpu.dma_semaphore, #tpu.memory_space<semaphore_mem>>)
      %dma_wait3A_172 = arith.constant 0 : i32
      %dma_wait3A_173 = arith.constant 0 : i32
      %dma_wait3A_174 = tpu.memref_slice %arg8[%dma_wait3A_172, %dma_wait3A_173] : memref<256x128xf32, #tpu.memory_space<vmem>> -> memref<256x128xf32, #tpu.memory_space<vmem>>
      %dma_wait3A_175 = arith.constant 0 : i32
      %dma_wait3A_176 = tpu.memref_slice %arg10[%add3A_139, %dma_wait3A_175] : memref<10240x128xf32, #tpu.memory_space<vmem_shared>> -> memref<256x128xf32, #tpu.memory_space<vmem_shared>>
      %dma_wait3A_177 = arith.constant 0 : i32
      %dma_wait3A_178 = arith.constant 0 : i32
      %dma_wait3A_179 = tpu.memref_slice %arg8[%dma_wait3A_177, %dma_wait3A_178] : memref<256x128xf32, #tpu.memory_space<vmem>> -> memref<256x128xf32, #tpu.memory_space<vmem>>
      %dma_wait3A_180 = arith.constant 0 : i32
      %dma_wait3A_181 = tpu.memref_slice %arg10[%add3A_139, %dma_wait3A_180] : memref<10240x128xf32, #tpu.memory_space<vmem_shared>> -> memref<256x128xf32, #tpu.memory_space<vmem_shared>>
      tpu.wait_dma2 semaphore(%run_scoped3A : memref<!tpu.dma_semaphore, #tpu.memory_space<semaphore_mem>>) src(%dma_wait3A_181 : memref<256x128xf32, #tpu.memory_space<vmem_shared>>) dst(%dma_wait3A_179 : memref<256x128xf32, #tpu.memory_space<vmem>>)
      tpu.yield
    }) : () -> ()
    %eq3A_140 = arith.constant 0 : i32
    %eq3A_141 = arith.cmpi eq, %arg0, %eq3A_140 : i32
    %convert_element_type3A_142 = arith.extui %eq3A_141 : i1 to i32
    %cond3A_143 = arith.constant 0 : i32
    %cond3A_144 = arith.cmpi ne, %convert_element_type3A_142, %cond3A_143 : i32
    scf.if %cond3A_144 {
      %add3A_162 = arith.constant 256 : i32
      %add3A_163 = arith.addi %mul3A_7, %add3A_162 : i32
      %run_scoped3A = arith.constant 0 : i32
      "tpu.region"() ({
        %run_scoped3A_164 = tpu.sem_alloc : memref<!tpu.dma_semaphore, #tpu.memory_space<semaphore_mem>>
        %dma_start3A_165 = arith.constant 0 : i32
        %dma_start3A_166 = arith.constant 0 : i32
        %dma_start3A_167 = tpu.memref_slice %arg8[%dma_start3A_165, %dma_start3A_166] : memref<256x128xf32, #tpu.memory_space<vmem>> -> memref<256x128xf32, #tpu.memory_space<vmem>>
        %dma_start3A_168 = arith.constant 0 : i32
        %dma_start3A_169 = tpu.memref_slice %arg5[%run_scoped3A, %add3A_163, %dma_start3A_168] : memref<2x10240x128xf32, #tpu.memory_space<hbm>> -> memref<1x256x128xf32, #tpu.memory_space<hbm>>
        %dma_start3A_170 = tpu.memref_squeeze %dma_start3A_169 : memref<1x256x128xf32, #tpu.memory_space<hbm>> -> memref<256x128xf32, #tpu.memory_space<hbm>>
        %dma_start3A_171 = arith.constant 0 : i32
        %dma_start3A_172 = tpu.memref_slice %arg5[%run_scoped3A, %add3A_163, %dma_start3A_171] : memref<2x10240x128xf32, #tpu.memory_space<hbm>> -> memref<1x256x128xf32, #tpu.memory_space<hbm>>
        %dma_start3A_173 = tpu.memref_squeeze %dma_start3A_172 : memref<1x256x128xf32, #tpu.memory_space<hbm>> -> memref<256x128xf32, #tpu.memory_space<hbm>>
        %dma_start3A_174 = arith.constant 0 : i32
        %dma_start3A_175 = arith.constant 0 : i32
        %dma_start3A_176 = tpu.memref_slice %arg8[%dma_start3A_174, %dma_start3A_175] : memref<256x128xf32, #tpu.memory_space<vmem>> -> memref<256x128xf32, #tpu.memory_space<vmem>>
        tpu.enqueue_dma source(%dma_start3A_176 : memref<256x128xf32, #tpu.memory_space<vmem>>) target(%dma_start3A_173 : memref<256x128xf32, #tpu.memory_space<hbm>>) target_semaphore(%run_scoped3A_164 : memref<!tpu.dma_semaphore, #tpu.memory_space<semaphore_mem>>)
        %dma_wait3A_177 = arith.constant 0 : i32
        %dma_wait3A_178 = arith.constant 0 : i32
        %dma_wait3A_179 = tpu.memref_slice %arg8[%dma_wait3A_177, %dma_wait3A_178] : memref<256x128xf32, #tpu.memory_space<vmem>> -> memref<256x128xf32, #tpu.memory_space<vmem>>
        %dma_wait3A_180 = arith.constant 0 : i32
        %dma_wait3A_181 = tpu.memref_slice %arg5[%run_scoped3A, %add3A_163, %dma_wait3A_180] : memref<2x10240x128xf32, #tpu.memory_space<hbm>> -> memref<1x256x128xf32, #tpu.memory_space<hbm>>
        %dma_wait3A_182 = tpu.memref_squeeze %dma_wait3A_181 : memref<1x256x128xf32, #tpu.memory_space<hbm>> -> memref<256x128xf32, #tpu.memory_space<hbm>>
        %dma_wait3A_183 = arith.constant 0 : i32
        %dma_wait3A_184 = tpu.memref_slice %arg5[%run_scoped3A, %add3A_163, %dma_wait3A_183] : memref<2x10240x128xf32, #tpu.memory_space<hbm>> -> memref<1x256x128xf32, #tpu.memory_space<hbm>>
        %dma_wait3A_185 = tpu.memref_squeeze %dma_wait3A_184 : memref<1x256x128xf32, #tpu.memory_space<hbm>> -> memref<256x128xf32, #tpu.memory_space<hbm>>
        %dma_wait3A_186 = arith.constant 0 : i32
        %dma_wait3A_187 = arith.constant 0 : i32
        %dma_wait3A_188 = tpu.memref_slice %arg8[%dma_wait3A_186, %dma_wait3A_187] : memref<256x128xf32, #tpu.memory_space<vmem>> -> memref<256x128xf32, #tpu.memory_space<vmem>>
        tpu.wait_dma2 semaphore(%run_scoped3A_164 : memref<!tpu.dma_semaphore, #tpu.memory_space<semaphore_mem>>) src(%dma_wait3A_188 : memref<256x128xf32, #tpu.memory_space<vmem>>) dst(%dma_wait3A_185 : memref<256x128xf32, #tpu.memory_space<hbm>>)
        tpu.yield
      }) : () -> ()
    } else {
    }
    %eq3A_145 = arith.constant 1 : i32
    %eq3A_146 = arith.cmpi eq, %arg0, %eq3A_145 : i32
    %convert_element_type3A_147 = arith.extui %eq3A_146 : i1 to i32
    %cond3A_148 = arith.constant 0 : i32
    %cond3A_149 = arith.cmpi ne, %convert_element_type3A_147, %cond3A_148 : i32
    scf.if %cond3A_149 {
      %add3A_162 = arith.constant 256 : i32
      %add3A_163 = arith.addi %mul3A_7, %add3A_162 : i32
      %run_scoped3A = arith.constant 1 : i32
      "tpu.region"() ({
        %run_scoped3A_164 = tpu.sem_alloc : memref<!tpu.dma_semaphore, #tpu.memory_space<semaphore_mem>>
        %dma_start3A_165 = arith.constant 0 : i32
        %dma_start3A_166 = arith.constant 0 : i32
        %dma_start3A_167 = tpu.memref_slice %arg8[%dma_start3A_165, %dma_start3A_166] : memref<256x128xf32, #tpu.memory_space<vmem>> -> memref<256x128xf32, #tpu.memory_space<vmem>>
        %dma_start3A_168 = arith.constant 0 : i32
        %dma_start3A_169 = tpu.memref_slice %arg5[%run_scoped3A, %add3A_163, %dma_start3A_168] : memref<2x10240x128xf32, #tpu.memory_space<hbm>> -> memref<1x256x128xf32, #tpu.memory_space<hbm>>
        %dma_start3A_170 = tpu.memref_squeeze %dma_start3A_169 : memref<1x256x128xf32, #tpu.memory_space<hbm>> -> memref<256x128xf32, #tpu.memory_space<hbm>>
        %dma_start3A_171 = arith.constant 0 : i32
        %dma_start3A_172 = tpu.memref_slice %arg5[%run_scoped3A, %add3A_163, %dma_start3A_171] : memref<2x10240x128xf32, #tpu.memory_space<hbm>> -> memref<1x256x128xf32, #tpu.memory_space<hbm>>
        %dma_start3A_173 = tpu.memref_squeeze %dma_start3A_172 : memref<1x256x128xf32, #tpu.memory_space<hbm>> -> memref<256x128xf32, #tpu.memory_space<hbm>>
        %dma_start3A_174 = arith.constant 0 : i32
        %dma_start3A_175 = arith.constant 0 : i32
        %dma_start3A_176 = tpu.memref_slice %arg8[%dma_start3A_174, %dma_start3A_175] : memref<256x128xf32, #tpu.memory_space<vmem>> -> memref<256x128xf32, #tpu.memory_space<vmem>>
        tpu.enqueue_dma source(%dma_start3A_176 : memref<256x128xf32, #tpu.memory_space<vmem>>) target(%dma_start3A_173 : memref<256x128xf32, #tpu.memory_space<hbm>>) target_semaphore(%run_scoped3A_164 : memref<!tpu.dma_semaphore, #tpu.memory_space<semaphore_mem>>)
        %dma_wait3A_177 = arith.constant 0 : i32
        %dma_wait3A_178 = arith.constant 0 : i32
        %dma_wait3A_179 = tpu.memref_slice %arg8[%dma_wait3A_177, %dma_wait3A_178] : memref<256x128xf32, #tpu.memory_space<vmem>> -> memref<256x128xf32, #tpu.memory_space<vmem>>
        %dma_wait3A_180 = arith.constant 0 : i32
        %dma_wait3A_181 = tpu.memref_slice %arg5[%run_scoped3A, %add3A_163, %dma_wait3A_180] : memref<2x10240x128xf32, #tpu.memory_space<hbm>> -> memref<1x256x128xf32, #tpu.memory_space<hbm>>
        %dma_wait3A_182 = tpu.memref_squeeze %dma_wait3A_181 : memref<1x256x128xf32, #tpu.memory_space<hbm>> -> memref<256x128xf32, #tpu.memory_space<hbm>>
        %dma_wait3A_183 = arith.constant 0 : i32
        %dma_wait3A_184 = tpu.memref_slice %arg5[%run_scoped3A, %add3A_163, %dma_wait3A_183] : memref<2x10240x128xf32, #tpu.memory_space<hbm>> -> memref<1x256x128xf32, #tpu.memory_space<hbm>>
        %dma_wait3A_185 = tpu.memref_squeeze %dma_wait3A_184 : memref<1x256x128xf32, #tpu.memory_space<hbm>> -> memref<256x128xf32, #tpu.memory_space<hbm>>
        %dma_wait3A_186 = arith.constant 0 : i32
        %dma_wait3A_187 = arith.constant 0 : i32
        %dma_wait3A_188 = tpu.memref_slice %arg8[%dma_wait3A_186, %dma_wait3A_187] : memref<256x128xf32, #tpu.memory_space<vmem>> -> memref<256x128xf32, #tpu.memory_space<vmem>>
        tpu.wait_dma2 semaphore(%run_scoped3A_164 : memref<!tpu.dma_semaphore, #tpu.memory_space<semaphore_mem>>) src(%dma_wait3A_188 : memref<256x128xf32, #tpu.memory_space<vmem>>) dst(%dma_wait3A_185 : memref<256x128xf32, #tpu.memory_space<hbm>>)
        tpu.yield
      }) : () -> ()
    } else {
    }
    %add3A_150 = arith.constant 512 : i32
    %add3A_151 = arith.addi %mul3A_7, %add3A_150 : i32
    "tpu.region"() ({
      %run_scoped3A = tpu.sem_alloc : memref<!tpu.dma_semaphore, #tpu.memory_space<semaphore_mem>>
      %dma_start3A_162 = arith.constant 0 : i32
      %dma_start3A_163 = arith.constant 0 : i32
      %dma_start3A_164 = tpu.memref_slice %arg8[%dma_start3A_162, %dma_start3A_163] : memref<256x128xf32, #tpu.memory_space<vmem>> -> memref<128x128xf32, #tpu.memory_space<vmem>>
      %dma_start3A_165 = arith.constant 0 : i32
      %dma_start3A_166 = tpu.memref_slice %arg10[%add3A_151, %dma_start3A_165] : memref<10240x128xf32, #tpu.memory_space<vmem_shared>> -> memref<128x128xf32, #tpu.memory_space<vmem_shared>>
      %dma_start3A_167 = arith.constant 0 : i32
      %dma_start3A_168 = arith.constant 0 : i32
      %dma_start3A_169 = tpu.memref_slice %arg8[%dma_start3A_167, %dma_start3A_168] : memref<256x128xf32, #tpu.memory_space<vmem>> -> memref<128x128xf32, #tpu.memory_space<vmem>>
      %dma_start3A_170 = arith.constant 0 : i32
      %dma_start3A_171 = tpu.memref_slice %arg10[%add3A_151, %dma_start3A_170] : memref<10240x128xf32, #tpu.memory_space<vmem_shared>> -> memref<128x128xf32, #tpu.memory_space<vmem_shared>>
      tpu.enqueue_dma source(%dma_start3A_171 : memref<128x128xf32, #tpu.memory_space<vmem_shared>>) target(%dma_start3A_169 : memref<128x128xf32, #tpu.memory_space<vmem>>) target_semaphore(%run_scoped3A : memref<!tpu.dma_semaphore, #tpu.memory_space<semaphore_mem>>)
      %dma_wait3A_172 = arith.constant 0 : i32
      %dma_wait3A_173 = arith.constant 0 : i32
      %dma_wait3A_174 = tpu.memref_slice %arg8[%dma_wait3A_172, %dma_wait3A_173] : memref<256x128xf32, #tpu.memory_space<vmem>> -> memref<128x128xf32, #tpu.memory_space<vmem>>
      %dma_wait3A_175 = arith.constant 0 : i32
      %dma_wait3A_176 = tpu.memref_slice %arg10[%add3A_151, %dma_wait3A_175] : memref<10240x128xf32, #tpu.memory_space<vmem_shared>> -> memref<128x128xf32, #tpu.memory_space<vmem_shared>>
      %dma_wait3A_177 = arith.constant 0 : i32
      %dma_wait3A_178 = arith.constant 0 : i32
      %dma_wait3A_179 = tpu.memref_slice %arg8[%dma_wait3A_177, %dma_wait3A_178] : memref<256x128xf32, #tpu.memory_space<vmem>> -> memref<128x128xf32, #tpu.memory_space<vmem>>
      %dma_wait3A_180 = arith.constant 0 : i32
      %dma_wait3A_181 = tpu.memref_slice %arg10[%add3A_151, %dma_wait3A_180] : memref<10240x128xf32, #tpu.memory_space<vmem_shared>> -> memref<128x128xf32, #tpu.memory_space<vmem_shared>>
      tpu.wait_dma2 semaphore(%run_scoped3A : memref<!tpu.dma_semaphore, #tpu.memory_space<semaphore_mem>>) src(%dma_wait3A_181 : memref<128x128xf32, #tpu.memory_space<vmem_shared>>) dst(%dma_wait3A_179 : memref<128x128xf32, #tpu.memory_space<vmem>>)
      tpu.yield
    }) : () -> ()
    %eq3A_152 = arith.constant 0 : i32
    %eq3A_153 = arith.cmpi eq, %arg0, %eq3A_152 : i32
    %convert_element_type3A_154 = arith.extui %eq3A_153 : i1 to i32
    %cond3A_155 = arith.constant 0 : i32
    %cond3A_156 = arith.cmpi ne, %convert_element_type3A_154, %cond3A_155 : i32
    scf.if %cond3A_156 {
      %add3A_162 = arith.constant 512 : i32
      %add3A_163 = arith.addi %mul3A_7, %add3A_162 : i32
      %run_scoped3A = arith.constant 0 : i32
      "tpu.region"() ({
        %run_scoped3A_164 = tpu.sem_alloc : memref<!tpu.dma_semaphore, #tpu.memory_space<semaphore_mem>>
        %dma_start3A_165 = arith.constant 0 : i32
        %dma_start3A_166 = arith.constant 0 : i32
        %dma_start3A_167 = tpu.memref_slice %arg8[%dma_start3A_165, %dma_start3A_166] : memref<256x128xf32, #tpu.memory_space<vmem>> -> memref<128x128xf32, #tpu.memory_space<vmem>>
        %dma_start3A_168 = arith.constant 0 : i32
        %dma_start3A_169 = tpu.memref_slice %arg5[%run_scoped3A, %add3A_163, %dma_start3A_168] : memref<2x10240x128xf32, #tpu.memory_space<hbm>> -> memref<1x128x128xf32, #tpu.memory_space<hbm>>
        %dma_start3A_170 = tpu.memref_squeeze %dma_start3A_169 : memref<1x128x128xf32, #tpu.memory_space<hbm>> -> memref<128x128xf32, #tpu.memory_space<hbm>>
        %dma_start3A_171 = arith.constant 0 : i32
        %dma_start3A_172 = tpu.memref_slice %arg5[%run_scoped3A, %add3A_163, %dma_start3A_171] : memref<2x10240x128xf32, #tpu.memory_space<hbm>> -> memref<1x128x128xf32, #tpu.memory_space<hbm>>
        %dma_start3A_173 = tpu.memref_squeeze %dma_start3A_172 : memref<1x128x128xf32, #tpu.memory_space<hbm>> -> memref<128x128xf32, #tpu.memory_space<hbm>>
        %dma_start3A_174 = arith.constant 0 : i32
        %dma_start3A_175 = arith.constant 0 : i32
        %dma_start3A_176 = tpu.memref_slice %arg8[%dma_start3A_174, %dma_start3A_175] : memref<256x128xf32, #tpu.memory_space<vmem>> -> memref<128x128xf32, #tpu.memory_space<vmem>>
        tpu.enqueue_dma source(%dma_start3A_176 : memref<128x128xf32, #tpu.memory_space<vmem>>) target(%dma_start3A_173 : memref<128x128xf32, #tpu.memory_space<hbm>>) target_semaphore(%run_scoped3A_164 : memref<!tpu.dma_semaphore, #tpu.memory_space<semaphore_mem>>)
        %dma_wait3A_177 = arith.constant 0 : i32
        %dma_wait3A_178 = arith.constant 0 : i32
        %dma_wait3A_179 = tpu.memref_slice %arg8[%dma_wait3A_177, %dma_wait3A_178] : memref<256x128xf32, #tpu.memory_space<vmem>> -> memref<128x128xf32, #tpu.memory_space<vmem>>
        %dma_wait3A_180 = arith.constant 0 : i32
        %dma_wait3A_181 = tpu.memref_slice %arg5[%run_scoped3A, %add3A_163, %dma_wait3A_180] : memref<2x10240x128xf32, #tpu.memory_space<hbm>> -> memref<1x128x128xf32, #tpu.memory_space<hbm>>
        %dma_wait3A_182 = tpu.memref_squeeze %dma_wait3A_181 : memref<1x128x128xf32, #tpu.memory_space<hbm>> -> memref<128x128xf32, #tpu.memory_space<hbm>>
        %dma_wait3A_183 = arith.constant 0 : i32
        %dma_wait3A_184 = tpu.memref_slice %arg5[%run_scoped3A, %add3A_163, %dma_wait3A_183] : memref<2x10240x128xf32, #tpu.memory_space<hbm>> -> memref<1x128x128xf32, #tpu.memory_space<hbm>>
        %dma_wait3A_185 = tpu.memref_squeeze %dma_wait3A_184 : memref<1x128x128xf32, #tpu.memory_space<hbm>> -> memref<128x128xf32, #tpu.memory_space<hbm>>
        %dma_wait3A_186 = arith.constant 0 : i32
        %dma_wait3A_187 = arith.constant 0 : i32
        %dma_wait3A_188 = tpu.memref_slice %arg8[%dma_wait3A_186, %dma_wait3A_187] : memref<256x128xf32, #tpu.memory_space<vmem>> -> memref<128x128xf32, #tpu.memory_space<vmem>>
        tpu.wait_dma2 semaphore(%run_scoped3A_164 : memref<!tpu.dma_semaphore, #tpu.memory_space<semaphore_mem>>) src(%dma_wait3A_188 : memref<128x128xf32, #tpu.memory_space<vmem>>) dst(%dma_wait3A_185 : memref<128x128xf32, #tpu.memory_space<hbm>>)
        tpu.yield
      }) : () -> ()
    } else {
    }
    %eq3A_157 = arith.constant 1 : i32
    %eq3A_158 = arith.cmpi eq, %arg0, %eq3A_157 : i32
    %convert_element_type3A_159 = arith.extui %eq3A_158 : i1 to i32
    %cond3A_160 = arith.constant 0 : i32
    %cond3A_161 = arith.cmpi ne, %convert_element_type3A_159, %cond3A_160 : i32
    scf.if %cond3A_161 {
      %add3A_162 = arith.constant 512 : i32
      %add3A_163 = arith.addi %mul3A_7, %add3A_162 : i32
      %run_scoped3A = arith.constant 1 : i32
      "tpu.region"() ({
        %run_scoped3A_164 = tpu.sem_alloc : memref<!tpu.dma_semaphore, #tpu.memory_space<semaphore_mem>>
        %dma_start3A_165 = arith.constant 0 : i32
        %dma_start3A_166 = arith.constant 0 : i32
        %dma_start3A_167 = tpu.memref_slice %arg8[%dma_start3A_165, %dma_start3A_166] : memref<256x128xf32, #tpu.memory_space<vmem>> -> memref<128x128xf32, #tpu.memory_space<vmem>>
        %dma_start3A_168 = arith.constant 0 : i32
        %dma_start3A_169 = tpu.memref_slice %arg5[%run_scoped3A, %add3A_163, %dma_start3A_168] : memref<2x10240x128xf32, #tpu.memory_space<hbm>> -> memref<1x128x128xf32, #tpu.memory_space<hbm>>
        %dma_start3A_170 = tpu.memref_squeeze %dma_start3A_169 : memref<1x128x128xf32, #tpu.memory_space<hbm>> -> memref<128x128xf32, #tpu.memory_space<hbm>>
        %dma_start3A_171 = arith.constant 0 : i32
        %dma_start3A_172 = tpu.memref_slice %arg5[%run_scoped3A, %add3A_163, %dma_start3A_171] : memref<2x10240x128xf32, #tpu.memory_space<hbm>> -> memref<1x128x128xf32, #tpu.memory_space<hbm>>
        %dma_start3A_173 = tpu.memref_squeeze %dma_start3A_172 : memref<1x128x128xf32, #tpu.memory_space<hbm>> -> memref<128x128xf32, #tpu.memory_space<hbm>>
        %dma_start3A_174 = arith.constant 0 : i32
        %dma_start3A_175 = arith.constant 0 : i32
        %dma_start3A_176 = tpu.memref_slice %arg8[%dma_start3A_174, %dma_start3A_175] : memref<256x128xf32, #tpu.memory_space<vmem>> -> memref<128x128xf32, #tpu.memory_space<vmem>>
        tpu.enqueue_dma source(%dma_start3A_176 : memref<128x128xf32, #tpu.memory_space<vmem>>) target(%dma_start3A_173 : memref<128x128xf32, #tpu.memory_space<hbm>>) target_semaphore(%run_scoped3A_164 : memref<!tpu.dma_semaphore, #tpu.memory_space<semaphore_mem>>)
        %dma_wait3A_177 = arith.constant 0 : i32
        %dma_wait3A_178 = arith.constant 0 : i32
        %dma_wait3A_179 = tpu.memref_slice %arg8[%dma_wait3A_177, %dma_wait3A_178] : memref<256x128xf32, #tpu.memory_space<vmem>> -> memref<128x128xf32, #tpu.memory_space<vmem>>
        %dma_wait3A_180 = arith.constant 0 : i32
        %dma_wait3A_181 = tpu.memref_slice %arg5[%run_scoped3A, %add3A_163, %dma_wait3A_180] : memref<2x10240x128xf32, #tpu.memory_space<hbm>> -> memref<1x128x128xf32, #tpu.memory_space<hbm>>
        %dma_wait3A_182 = tpu.memref_squeeze %dma_wait3A_181 : memref<1x128x128xf32, #tpu.memory_space<hbm>> -> memref<128x128xf32, #tpu.memory_space<hbm>>
        %dma_wait3A_183 = arith.constant 0 : i32
        %dma_wait3A_184 = tpu.memref_slice %arg5[%run_scoped3A, %add3A_163, %dma_wait3A_183] : memref<2x10240x128xf32, #tpu.memory_space<hbm>> -> memref<1x128x128xf32, #tpu.memory_space<hbm>>
        %dma_wait3A_185 = tpu.memref_squeeze %dma_wait3A_184 : memref<1x128x128xf32, #tpu.memory_space<hbm>> -> memref<128x128xf32, #tpu.memory_space<hbm>>
        %dma_wait3A_186 = arith.constant 0 : i32
        %dma_wait3A_187 = arith.constant 0 : i32
        %dma_wait3A_188 = tpu.memref_slice %arg8[%dma_wait3A_186, %dma_wait3A_187] : memref<256x128xf32, #tpu.memory_space<vmem>> -> memref<128x128xf32, #tpu.memory_space<vmem>>
        tpu.wait_dma2 semaphore(%run_scoped3A_164 : memref<!tpu.dma_semaphore, #tpu.memory_space<semaphore_mem>>) src(%dma_wait3A_188 : memref<128x128xf32, #tpu.memory_space<vmem>>) dst(%dma_wait3A_185 : memref<128x128xf32, #tpu.memory_space<hbm>>)
        tpu.yield
      }) : () -> ()
    } else {
    }
    return
  }
}

module attributes {stable_mosaic.version = 14 : i64} {
  func.func @_tc_ab_body(%arg0: i32, %arg1: memref<512x128xf32, #tpu.memory_space<vmem>>, %arg2: memref<128x128xf32, #tpu.memory_space<vmem>>, %arg3: memref<512x16xf32, #tpu.memory_space<vmem>>, %arg4: memref<512x16xf32, #tpu.memory_space<vmem>>, %arg5: memref<512x128xf32, #tpu.memory_space<vmem>>, %arg6: memref<512x128xf32, #tpu.memory_space<vmem>>, %arg7: memref<512x1xf32, #tpu.memory_space<vmem>>, %arg8: memref<512x1xf32, #tpu.memory_space<vmem>>) attributes {dimension_semantics = [#tpu.dimension_semantics<arbitrary>], iteration_bounds = array<i64: 20>, scalar_prefetch = 0 : i64, scratch_operands = 0 : i64, tpu.core_type = #tpu.core_type<tc>, window_params = [{transform_indices = @transform_0, window_bounds = array<i64: 512, 128>}, {pipeline_mode = #tpu.pipeline_mode<synchronous>, transform_indices = @transform_1, window_bounds = array<i64: 128, 128>}, {transform_indices = @transform_2, window_bounds = array<i64: 512, 16>}, {transform_indices = @transform_3, window_bounds = array<i64: 512, 16>}, {transform_indices = @transform_4, window_bounds = array<i64: 512, 128>}, {transform_indices = @transform_5, window_bounds = array<i64: 512, 128>}, {transform_indices = @transform_6, window_bounds = array<i64: 512, 1>}, {transform_indices = @transform_7, window_bounds = array<i64: 512, 1>}]} {
    %get3A = arith.constant 0 : index
    %get3A_0 = arith.constant 0 : index
    %get3A_1 = vector.load %arg1[%get3A, %get3A_0] : memref<512x128xf32, #tpu.memory_space<vmem>>, vector<512x128xf32>
    %get3A_2 = arith.constant 0 : index
    %get3A_3 = arith.constant 0 : index
    %get3A_4 = vector.load %arg2[%get3A_2, %get3A_3] : memref<128x128xf32, #tpu.memory_space<vmem>>, vector<128x128xf32>
    %dot_general3A = arith.constant dense<0.000000e+00> : vector<512x128xf32>
    %dot_general3A_5 = tpu.matmul %get3A_1, %get3A_4, %dot_general3A {dimension_numbers = #tpu.dot_dimension_numbers<[1], [0], [0], [1], [0, 0, 1, 1], [], []>, transpose_lhs_hint = false} : vector<512x128xf32>, vector<128x128xf32>, vector<512x128xf32> -> vector<512x128xf32>
    %get3A_6 = arith.constant 0 : index
    %get3A_7 = arith.constant 0 : index
    %get3A_8 = vector.load %arg3[%get3A_6, %get3A_7] : memref<512x16xf32, #tpu.memory_space<vmem>>, vector<512x1xf32>
    %get3A_9 = arith.constant 0 : index
    %get3A_10 = arith.constant 0 : index
    %get3A_11 = vector.load %arg4[%get3A_9, %get3A_10] : memref<512x16xf32, #tpu.memory_space<vmem>>, vector<512x1xf32>
    %add3A = arith.addf %get3A_8, %get3A_11 : vector<512x1xf32>
    %add3A_12 = arith.constant 1.000000e+00 : f32
    %add3A_13 = vector.broadcast %add3A_12 : f32 to vector<512x1xf32>
    %add3A_14 = arith.addf %add3A, %add3A_13 : vector<512x1xf32>
    %rsqrt3A = math.rsqrt %add3A_14 : vector<512x1xf32>
    %swap3A = arith.constant 0 : index
    %swap3A_15 = arith.constant 0 : index
    %swap3A_16 = vector.load %arg5[%swap3A, %swap3A_15] : memref<512x128xf32, #tpu.memory_space<vmem>>, vector<512x128xf32>
    tpu.vector_store %arg5[%swap3A, %swap3A_15], %dot_general3A_5 {strides = array<i32>} : memref<512x128xf32, #tpu.memory_space<vmem>>, vector<512x128xf32>,
    %mul3A = vector.broadcast %rsqrt3A : vector<512x1xf32> to vector<512x128xf32>
    %mul3A_17 = arith.mulf %dot_general3A_5, %mul3A : vector<512x128xf32>
    %swap3A_18 = arith.constant 0 : index
    %swap3A_19 = arith.constant 0 : index
    %swap3A_20 = vector.load %arg6[%swap3A_18, %swap3A_19] : memref<512x128xf32, #tpu.memory_space<vmem>>, vector<512x128xf32>
    tpu.vector_store %arg6[%swap3A_18, %swap3A_19], %mul3A_17 {strides = array<i32>} : memref<512x128xf32, #tpu.memory_space<vmem>>, vector<512x128xf32>,
    %swap3A_21 = arith.constant 0 : index
    %swap3A_22 = arith.constant 0 : index
    %swap3A_23 = vector.load %arg7[%swap3A_21, %swap3A_22] : memref<512x1xf32, #tpu.memory_space<vmem>>, vector<512x1xf32>
    tpu.vector_store %arg7[%swap3A_21, %swap3A_22], %rsqrt3A {strides = array<i32>} : memref<512x1xf32, #tpu.memory_space<vmem>>, vector<512x1xf32>,
    %swap3A_24 = arith.constant 0 : index
    %swap3A_25 = arith.constant 0 : index
    %swap3A_26 = vector.load %arg8[%swap3A_24, %swap3A_25] : memref<512x1xf32, #tpu.memory_space<vmem>>, vector<512x1xf32>
    tpu.vector_store %arg8[%swap3A_24, %swap3A_25], %add3A {strides = array<i32>} : memref<512x1xf32, #tpu.memory_space<vmem>>, vector<512x1xf32>,
    return
  }
  func.func @transform_0(%arg0: i32) -> (i32, i32) {
    %c0_i32 = arith.constant 0 : i32
    %c0_i32_0 = arith.constant 0 : i32
    return %arg0, %c0_i32 : i32, i32
  }
  func.func @transform_1(%arg0: i32) -> (i32, i32) {
    %c0_i32 = arith.constant 0 : i32
    %c0_i32_0 = arith.constant 0 : i32
    %c0_i32_1 = arith.constant 0 : i32
    return %c0_i32, %c0_i32_0 : i32, i32
  }
  func.func @transform_2(%arg0: i32) -> (i32, i32) {
    %c0_i32 = arith.constant 0 : i32
    %c0_i32_0 = arith.constant 0 : i32
    return %arg0, %c0_i32 : i32, i32
  }
  func.func @transform_3(%arg0: i32) -> (i32, i32) {
    %c0_i32 = arith.constant 0 : i32
    %c0_i32_0 = arith.constant 0 : i32
    return %arg0, %c0_i32 : i32, i32
  }
  func.func @transform_4(%arg0: i32) -> (i32, i32) {
    %c0_i32 = arith.constant 0 : i32
    %c0_i32_0 = arith.constant 0 : i32
    return %arg0, %c0_i32 : i32, i32
  }
  func.func @transform_5(%arg0: i32) -> (i32, i32) {
    %c0_i32 = arith.constant 0 : i32
    %c0_i32_0 = arith.constant 0 : i32
    return %arg0, %c0_i32 : i32, i32
  }
  func.func @transform_6(%arg0: i32) -> (i32, i32) {
    %c0_i32 = arith.constant 0 : i32
    %c0_i32_0 = arith.constant 0 : i32
    return %arg0, %c0_i32 : i32, i32
  }
  func.func @transform_7(%arg0: i32) -> (i32, i32) {
    %c0_i32 = arith.constant 0 : i32
    %c0_i32_0 = arith.constant 0 : i32
    return %arg0, %c0_i32 : i32, i32
  }
}

module attributes {stable_mosaic.version = 14 : i64} {
  func.func @_tc_c_body(%arg0: i32, %arg1: memref<512x128xf32, #tpu.memory_space<vmem>>, %arg2: memref<512x128xf32, #tpu.memory_space<vmem>>, %arg3: memref<512x128xf32, #tpu.memory_space<vmem>>, %arg4: memref<512x1xf32, #tpu.memory_space<vmem>>, %arg5: memref<1x128xf32, #tpu.memory_space<vmem>>, %arg6: memref<128x128xf32, #tpu.memory_space<vmem>>, %arg7: memref<1x128xf32, #tpu.memory_space<vmem>>, %arg8: memref<512x128xf32, #tpu.memory_space<vmem>>, %arg9: memref<512x9xf32, #tpu.memory_space<vmem>>, %arg10: memref<512x128xf32, #tpu.memory_space<vmem>>) attributes {dimension_semantics = [#tpu.dimension_semantics<arbitrary>], iteration_bounds = array<i64: 20>, scalar_prefetch = 0 : i64, scratch_operands = 0 : i64, tpu.core_type = #tpu.core_type<tc>, window_params = [{transform_indices = @transform_0, window_bounds = array<i64: 512, 128>}, {transform_indices = @transform_1, window_bounds = array<i64: 512, 128>}, {transform_indices = @transform_2, window_bounds = array<i64: 512, 128>}, {transform_indices = @transform_3, window_bounds = array<i64: 512, 1>}, {pipeline_mode = #tpu.pipeline_mode<synchronous>, transform_indices = @transform_4, window_bounds = array<i64: 1, 128>}, {pipeline_mode = #tpu.pipeline_mode<synchronous>, transform_indices = @transform_5, window_bounds = array<i64: 128, 128>}, {pipeline_mode = #tpu.pipeline_mode<synchronous>, transform_indices = @transform_6, window_bounds = array<i64: 1, 128>}, {transform_indices = @transform_7, window_bounds = array<i64: 512, 128>}, {transform_indices = @transform_8, window_bounds = array<i64: 512, 9>}, {transform_indices = @transform_9, window_bounds = array<i64: 512, 128>}]} {
    %get3A = arith.constant 0 : index
    %get3A_0 = arith.constant 0 : index
    %get3A_1 = vector.load %arg4[%get3A, %get3A_0] : memref<512x1xf32, #tpu.memory_space<vmem>>, vector<512x1xf32>
    %get3A_2 = arith.constant 0 : index
    %get3A_3 = arith.constant 0 : index
    %get3A_4 = vector.load %arg2[%get3A_2, %get3A_3] : memref<512x128xf32, #tpu.memory_space<vmem>>, vector<512x128xf32>
    %get3A_5 = arith.constant 0 : index
    %get3A_6 = arith.constant 0 : index
    %get3A_7 = vector.load %arg3[%get3A_5, %get3A_6] : memref<512x128xf32, #tpu.memory_space<vmem>>, vector<512x128xf32>
    %add3A = arith.addf %get3A_4, %get3A_7 : vector<512x128xf32>
    %mul3A = vector.broadcast %get3A_1 : vector<512x1xf32> to vector<512x128xf32>
    %mul3A_8 = arith.mulf %add3A, %mul3A : vector<512x128xf32>
    %get3A_9 = arith.constant 0 : index
    %get3A_10 = arith.constant 0 : index
    %get3A_11 = vector.load %arg1[%get3A_9, %get3A_10] : memref<512x128xf32, #tpu.memory_space<vmem>>, vector<512x128xf32>
    %mul3A_12 = arith.mulf %get3A_1, %get3A_1 : vector<512x1xf32>
    %mul3A_13 = vector.broadcast %mul3A_12 : vector<512x1xf32> to vector<512x128xf32>
    %mul3A_14 = arith.mulf %get3A_11, %mul3A_13 : vector<512x128xf32>
    %add3A_15 = arith.addf %mul3A_8, %mul3A_14 : vector<512x128xf32>
    %get3A_16 = arith.constant 0 : index
    %get3A_17 = arith.constant 0 : index
    %get3A_18 = vector.load %arg5[%get3A_16, %get3A_17] : memref<1x128xf32, #tpu.memory_space<vmem>>, vector<1x128xf32>
    %add3A_19 = vector.broadcast %get3A_18 : vector<1x128xf32> to vector<512x128xf32>
    %add3A_20 = arith.addf %add3A_15, %add3A_19 : vector<512x128xf32>
    %max3A = arith.constant 0.000000e+00 : f32
    %max3A_21 = vector.broadcast %max3A : f32 to vector<512x128xf32>
    %max3A_22 = arith.maximumf %add3A_20, %max3A_21 : vector<512x128xf32>
    %swap3A = arith.constant 0 : index
    %swap3A_23 = arith.constant 0 : index
    %swap3A_24 = vector.load %arg8[%swap3A, %swap3A_23] : memref<512x128xf32, #tpu.memory_space<vmem>>, vector<512x128xf32>
    tpu.vector_store %arg8[%swap3A, %swap3A_23], %max3A_22 {strides = array<i32>} : memref<512x128xf32, #tpu.memory_space<vmem>>, vector<512x128xf32>,
    %get3A_25 = arith.constant 0 : index
    %get3A_26 = arith.constant 0 : index
    %get3A_27 = vector.load %arg6[%get3A_25, %get3A_26] : memref<128x128xf32, #tpu.memory_space<vmem>>, vector<128x128xf32>
    %dot_general3A = arith.constant dense<0.000000e+00> : vector<512x128xf32>
    %dot_general3A_28 = tpu.matmul %max3A_22, %get3A_27, %dot_general3A {dimension_numbers = #tpu.dot_dimension_numbers<[1], [0], [0], [1], [0, 0, 1, 1], [], []>, transpose_lhs_hint = false} : vector<512x128xf32>, vector<128x128xf32>, vector<512x128xf32> -> vector<512x128xf32>
    %get3A_29 = arith.constant 0 : index
    %get3A_30 = arith.constant 0 : index
    %get3A_31 = vector.load %arg7[%get3A_29, %get3A_30] : memref<1x128xf32, #tpu.memory_space<vmem>>, vector<1x128xf32>
    %add3A_32 = vector.broadcast %get3A_31 : vector<1x128xf32> to vector<512x128xf32>
    %add3A_33 = arith.addf %dot_general3A_28, %add3A_32 : vector<512x128xf32>
    %iota3A = tpu.iota {dimensions = array<i32: 1>} : vector<512x128xi32>
    %lt3A = arith.constant 9 : i32
    %lt3A_34 = vector.broadcast %lt3A : i32 to vector<512x128xi32>
    %lt3A_35 = arith.cmpi slt, %iota3A, %lt3A_34 : vector<512x128xi32>
    %jit3A = arith.constant -3.000000e+38 : f32
    %broadcast_in_dim3A = vector.broadcast %jit3A : f32 to vector<512x128xf32>
    %select_n3A = arith.select %lt3A_35, %add3A_33, %broadcast_in_dim3A : vector<512x128xi1>, vector<512x128xf32>
    %reduce_max3A = arith.constant dense<0xFF800000> : vector<512xf32>
    %reduce_max3A_36 = vector.multi_reduction <maximumf>, %select_n3A, %reduce_max3A [1] : vector<512x128xf32> to vector<512xf32>
    %broadcast_in_dim3A_37 = vector.shape_cast %reduce_max3A_36 : vector<512xf32> to vector<512x1xf32>
    %sub3A = vector.broadcast %broadcast_in_dim3A_37 : vector<512x1xf32> to vector<512x128xf32>
    %sub3A_38 = arith.subf %select_n3A, %sub3A : vector<512x128xf32>
    %exp3A = math.exp %sub3A_38 : vector<512x128xf32>
    %reduce_sum3A = arith.constant dense<0.000000e+00> : vector<512xf32>
    %reduce_sum3A_39 = vector.multi_reduction <add>, %exp3A, %reduce_sum3A [1] : vector<512x128xf32> to vector<512xf32>
    %broadcast_in_dim3A_40 = vector.shape_cast %reduce_sum3A_39 : vector<512xf32> to vector<512x1xf32>
    %div3A = vector.broadcast %broadcast_in_dim3A_40 : vector<512x1xf32> to vector<512x128xf32>
    %div3A_41 = arith.divf %exp3A, %div3A : vector<512x128xf32>
    %swap3A_42 = arith.constant 0 : index
    %swap3A_43 = arith.constant 0 : index
    %swap3A_44 = vector.load %arg10[%swap3A_42, %swap3A_43] : memref<512x128xf32, #tpu.memory_space<vmem>>, vector<512x128xf32>
    tpu.vector_store %arg10[%swap3A_42, %swap3A_43], %div3A_41 {strides = array<i32>} : memref<512x128xf32, #tpu.memory_space<vmem>>, vector<512x128xf32>,
    %slice3A = vector.extract_strided_slice %add3A_33 {offsets = [0, 0], sizes = [512, 9], strides = [1, 1]} : vector<512x128xf32> to vector<512x9xf32>
    %swap3A_45 = arith.constant 0 : index
    %swap3A_46 = arith.constant 0 : index
    %swap3A_47 = vector.load %arg9[%swap3A_45, %swap3A_46] : memref<512x9xf32, #tpu.memory_space<vmem>>, vector<512x9xf32>
    tpu.vector_store %arg9[%swap3A_45, %swap3A_46], %slice3A {strides = array<i32>} : memref<512x9xf32, #tpu.memory_space<vmem>>, vector<512x9xf32>,
    return
  }
  func.func @transform_0(%arg0: i32) -> (i32, i32) {
    %c0_i32 = arith.constant 0 : i32
    %c0_i32_0 = arith.constant 0 : i32
    return %arg0, %c0_i32 : i32, i32
  }
  func.func @transform_1(%arg0: i32) -> (i32, i32) {
    %c0_i32 = arith.constant 0 : i32
    %c0_i32_0 = arith.constant 0 : i32
    return %arg0, %c0_i32 : i32, i32
  }
  func.func @transform_2(%arg0: i32) -> (i32, i32) {
    %c0_i32 = arith.constant 0 : i32
    %c0_i32_0 = arith.constant 0 : i32
    return %arg0, %c0_i32 : i32, i32
  }
  func.func @transform_3(%arg0: i32) -> (i32, i32) {
    %c0_i32 = arith.constant 0 : i32
    %c0_i32_0 = arith.constant 0 : i32
    return %arg0, %c0_i32 : i32, i32
  }
  func.func @transform_4(%arg0: i32) -> (i32, i32) {
    %c0_i32 = arith.constant 0 : i32
    %c0_i32_0 = arith.constant 0 : i32
    %c0_i32_1 = arith.constant 0 : i32
    return %c0_i32, %c0_i32_0 : i32, i32
  }
  func.func @transform_5(%arg0: i32) -> (i32, i32) {
    %c0_i32 = arith.constant 0 : i32
    %c0_i32_0 = arith.constant 0 : i32
    %c0_i32_1 = arith.constant 0 : i32
    return %c0_i32, %c0_i32_0 : i32, i32
  }
  func.func @transform_6(%arg0: i32) -> (i32, i32) {
    %c0_i32 = arith.constant 0 : i32
    %c0_i32_0 = arith.constant 0 : i32
    %c0_i32_1 = arith.constant 0 : i32
    return %c0_i32, %c0_i32_0 : i32, i32
  }
  func.func @transform_7(%arg0: i32) -> (i32, i32) {
    %c0_i32 = arith.constant 0 : i32
    %c0_i32_0 = arith.constant 0 : i32
    return %arg0, %c0_i32 : i32, i32
  }
  func.func @transform_8(%arg0: i32) -> (i32, i32) {
    %c0_i32 = arith.constant 0 : i32
    %c0_i32_0 = arith.constant 0 : i32
    return %arg0, %c0_i32 : i32, i32
  }
  func.func @transform_9(%arg0: i32) -> (i32, i32) {
    %c0_i32 = arith.constant 0 : i32
    %c0_i32_0 = arith.constant 0 : i32
    return %arg0, %c0_i32 : i32, i32
  }
}

module attributes {stable_mosaic.version = 14 : i64} {
  func.func @_tc_d_body(%arg0: i32, %arg1: memref<512x128xf32, #tpu.memory_space<vmem>>, %arg2: memref<512x128xf32, #tpu.memory_space<vmem>>, %arg3: memref<512x128xf32, #tpu.memory_space<vmem>>, %arg4: memref<512x128xf32, #tpu.memory_space<vmem>>, %arg5: memref<512x1xf32, #tpu.memory_space<vmem>>, %arg6: memref<512x1xi32, #tpu.memory_space<vmem>>, %arg7: memref<288x128xf32, #tpu.memory_space<vmem>>, %arg8: memref<288x9xf32, #tpu.memory_space<vmem>>, %arg9: memref<288x9xf32, #tpu.memory_space<vmem>>, %arg10: memref<32x1xf32, #tpu.memory_space<vmem>>) attributes {dimension_semantics = [#tpu.dimension_semantics<arbitrary>], iteration_bounds = array<i64: 20>, scalar_prefetch = 0 : i64, scratch_operands = 0 : i64, tpu.core_type = #tpu.core_type<tc>, window_params = [{transform_indices = @transform_0, window_bounds = array<i64: 512, 128>}, {transform_indices = @transform_1, window_bounds = array<i64: 512, 128>}, {transform_indices = @transform_2, window_bounds = array<i64: 512, 128>}, {transform_indices = @transform_3, window_bounds = array<i64: 512, 128>}, {transform_indices = @transform_4, window_bounds = array<i64: 512, 1>}, {transform_indices = @transform_5, window_bounds = array<i64: 512, 1>}, {pipeline_mode = #tpu.pipeline_mode<synchronous>, transform_indices = @transform_6, window_bounds = array<i64: 288, 128>}, {pipeline_mode = #tpu.pipeline_mode<synchronous>, transform_indices = @transform_7, window_bounds = array<i64: 288, 9>}, {pipeline_mode = #tpu.pipeline_mode<synchronous>, transform_indices = @transform_8, window_bounds = array<i64: 288, 9>}, {pipeline_mode = #tpu.pipeline_mode<synchronous>, transform_indices = @transform_9, window_bounds = array<i64: 32, 1>}]} {
    %get3A = arith.constant 0 : index
    %get3A_0 = arith.constant 0 : index
    %get3A_1 = vector.load %arg2[%get3A, %get3A_0] : memref<512x128xf32, #tpu.memory_space<vmem>>, vector<512x9xf32>
    %get3A_2 = arith.constant 0 : index
    %get3A_3 = arith.constant 0 : index
    %get3A_4 = vector.load %arg6[%get3A_2, %get3A_3] : memref<512x1xi32, #tpu.memory_space<vmem>>, vector<512x1xi32>
    %iota3A = tpu.iota {dimensions = array<i32: 1>} : vector<512x32xi32>
    %eq3A = vector.broadcast %get3A_4 : vector<512x1xi32> to vector<512x32xi32>
    %eq3A_5 = arith.cmpi eq, %eq3A, %iota3A : vector<512x32xi32>
    %convert_element_type3A = arith.extui %eq3A_5 : vector<512x32xi1> to vector<512x32xi32>
    %convert_element_type3A_6 = arith.sitofp %convert_element_type3A : vector<512x32xi32> to vector<512x32xf32>
    %iota3A_7 = tpu.iota {dimensions = array<i32: 1>} : vector<512x288xi32>
    %jit3A = arith.constant 9 : i32
    %div3A = vector.broadcast %jit3A : i32 to vector<512x288xi32>
    %div3A_8 = arith.divsi %iota3A_7, %div3A : vector<512x288xi32>
    %sign3A = arith.constant 0 : i32
    %sign3A_9 = vector.broadcast %sign3A : i32 to vector<512x288xi32>
    %sign3A_10 = arith.cmpi sgt, %iota3A_7, %sign3A_9 : vector<512x288xi32>
    %sign3A_11 = arith.extui %sign3A_10 : vector<512x288xi1> to vector<512x288xi32>
    %sign3A_12 = arith.constant 0 : i32
    %sign3A_13 = vector.broadcast %sign3A_12 : i32 to vector<512x288xi32>
    %sign3A_14 = arith.cmpi slt, %iota3A_7, %sign3A_13 : vector<512x288xi32>
    %sign3A_15 = arith.extui %sign3A_14 : vector<512x288xi1> to vector<512x288xi32>
    %sign3A_16 = arith.subi %sign3A_11, %sign3A_15 : vector<512x288xi32>
    %sign3A_17 = arith.constant 0 : i32
    %sign3A_18 = arith.cmpi sgt, %jit3A, %sign3A_17 : i32
    %sign3A_19 = arith.extui %sign3A_18 : i1 to i32
    %sign3A_20 = arith.constant 0 : i32
    %sign3A_21 = arith.cmpi slt, %jit3A, %sign3A_20 : i32
    %sign3A_22 = arith.extui %sign3A_21 : i1 to i32
    %sign3A_23 = arith.subi %sign3A_19, %sign3A_22 : i32
    %ne3A = vector.broadcast %sign3A_23 : i32 to vector<512x288xi32>
    %ne3A_24 = arith.cmpi ne, %sign3A_16, %ne3A : vector<512x288xi32>
    %rem3A = vector.broadcast %jit3A : i32 to vector<512x288xi32>
    %rem3A_25 = arith.remsi %iota3A_7, %rem3A : vector<512x288xi32>
    %ne3A_26 = arith.constant 0 : i32
    %ne3A_27 = vector.broadcast %ne3A_26 : i32 to vector<512x288xi32>
    %ne3A_28 = arith.cmpi ne, %rem3A_25, %ne3A_27 : vector<512x288xi32>
    %and3A = arith.andi %ne3A_24, %ne3A_28 : vector<512x288xi1>
    %sub3A = arith.constant 1 : i32
    %sub3A_29 = vector.broadcast %sub3A : i32 to vector<512x288xi32>
    %sub3A_30 = arith.subi %div3A_8, %sub3A_29 : vector<512x288xi32>
    %select_n3A = arith.select %and3A, %sub3A_30, %div3A_8 : vector<512x288xi1>, vector<512x288xi32>
    %eq3A_31 = vector.broadcast %get3A_4 : vector<512x1xi32> to vector<512x288xi32>
    %eq3A_32 = arith.cmpi eq, %eq3A_31, %select_n3A : vector<512x288xi32>
    %convert_element_type3A_33 = arith.extui %eq3A_32 : vector<512x288xi1> to vector<512x288xi32>
    %convert_element_type3A_34 = arith.sitofp %convert_element_type3A_33 : vector<512x288xi32> to vector<512x288xf32>
    %iota3A_35 = tpu.iota {dimensions = array<i32: 0>} : vector<9x288xi32>
    %iota3A_36 = tpu.iota {dimensions = array<i32: 1>} : vector<9x288xi32>
    %jit3A_37 = arith.constant 9 : i32
    %eq3A_38 = arith.constant 0 : i32
    %eq3A_39 = arith.cmpi eq, %jit3A_37, %eq3A_38 : i32
    %jit3A_40 = arith.constant 1 : i32
    %select_n3A_41 = arith.select %eq3A_39, %jit3A_40, %jit3A_37 : i32
    %rem3A_42 = vector.broadcast %select_n3A_41 : i32 to vector<9x288xi32>
    %rem3A_43 = arith.remsi %iota3A_36, %rem3A_42 : vector<9x288xi32>
    %ne3A_44 = arith.constant 0 : i32
    %ne3A_45 = vector.broadcast %ne3A_44 : i32 to vector<9x288xi32>
    %ne3A_46 = arith.cmpi ne, %rem3A_43, %ne3A_45 : vector<9x288xi32>
    %lt3A = arith.constant 0 : i32
    %lt3A_47 = vector.broadcast %lt3A : i32 to vector<9x288xi32>
    %lt3A_48 = arith.cmpi slt, %rem3A_43, %lt3A_47 : vector<9x288xi32>
    %lt3A_49 = arith.constant 0 : i32
    %lt3A_50 = arith.cmpi slt, %select_n3A_41, %lt3A_49 : i32
    %ne3A_51 = vector.broadcast %lt3A_50 : i1 to vector<9x288xi1>
    %ne3A_52 = vector.broadcast %ne3A_51 : vector<9x288xi1> to vector<9x288xi1>
    %ne3A_53 = arith.xori %lt3A_48, %ne3A_52 : vector<9x288xi1>
    %and3A_54 = arith.andi %ne3A_53, %ne3A_46 : vector<9x288xi1>
    %add3A = vector.broadcast %select_n3A_41 : i32 to vector<9x288xi32>
    %add3A_55 = arith.addi %rem3A_43, %add3A : vector<9x288xi32>
    %select_n3A_56 = arith.select %and3A_54, %add3A_55, %rem3A_43 : vector<9x288xi1>, vector<9x288xi32>
    %eq3A_57 = arith.cmpi eq, %iota3A_35, %select_n3A_56 : vector<9x288xi32>
    %convert_element_type3A_58 = arith.extui %eq3A_57 : vector<9x288xi1> to vector<9x288xi32>
    %convert_element_type3A_59 = arith.sitofp %convert_element_type3A_58 : vector<9x288xi32> to vector<9x288xf32>
    %dot_general3A = arith.constant dense<0.000000e+00> : vector<512x288xf32>
    %dot_general3A_60 = tpu.matmul %get3A_1, %convert_element_type3A_59, %dot_general3A {dimension_numbers = #tpu.dot_dimension_numbers<[1], [0], [0], [1], [0, 0, 1, 1], [], []>, transpose_lhs_hint = false} : vector<512x9xf32>, vector<9x288xf32>, vector<512x288xf32> -> vector<512x288xf32>
    %mul3A = arith.mulf %convert_element_type3A_34, %dot_general3A_60 : vector<512x288xf32>
    %get3A_61 = arith.constant 0 : index
    %get3A_62 = arith.constant 0 : index
    %get3A_63 = vector.load %arg1[%get3A_61, %get3A_62] : memref<512x128xf32, #tpu.memory_space<vmem>>, vector<512x128xf32>
    %dot_general3A_64 = arith.constant dense<0.000000e+00> : vector<288x128xf32>
    %dot_general3A_65 = tpu.matmul %mul3A, %get3A_63, %dot_general3A_64 {dimension_numbers = #tpu.dot_dimension_numbers<[0], [0], [1], [1], [0, 1, 1, 1], [], []>, transpose_lhs_hint = false} : vector<512x288xf32>, vector<512x128xf32>, vector<288x128xf32> -> vector<288x128xf32>
    %dot_general3A_66 = arith.constant dense<0.000000e+00> : vector<288x9xf32>
    %dot_general3A_67 = tpu.matmul %mul3A, %get3A_1, %dot_general3A_66 {dimension_numbers = #tpu.dot_dimension_numbers<[0], [0], [1], [1], [0, 1, 1, 1], [], []>, transpose_lhs_hint = false} : vector<512x288xf32>, vector<512x9xf32>, vector<288x9xf32> -> vector<288x9xf32>
    %get3A_68 = arith.constant 0 : index
    %get3A_69 = arith.constant 0 : index
    %get3A_70 = vector.load %arg3[%get3A_68, %get3A_69] : memref<512x128xf32, #tpu.memory_space<vmem>>, vector<512x9xf32>
    %get3A_71 = arith.constant 0 : index
    %get3A_72 = arith.constant 0 : index
    %get3A_73 = vector.load %arg4[%get3A_71, %get3A_72] : memref<512x128xf32, #tpu.memory_space<vmem>>, vector<512x9xf32>
    %add3A_74 = arith.addf %get3A_70, %get3A_73 : vector<512x9xf32>
    %dot_general3A_75 = arith.constant dense<0.000000e+00> : vector<288x9xf32>
    %dot_general3A_76 = tpu.matmul %mul3A, %add3A_74, %dot_general3A_75 {dimension_numbers = #tpu.dot_dimension_numbers<[0], [0], [1], [1], [0, 1, 1, 1], [], []>, transpose_lhs_hint = false} : vector<512x288xf32>, vector<512x9xf32>, vector<288x9xf32> -> vector<288x9xf32>
    %get3A_77 = arith.constant 0 : index
    %get3A_78 = arith.constant 0 : index
    %get3A_79 = vector.load %arg5[%get3A_77, %get3A_78] : memref<512x1xf32, #tpu.memory_space<vmem>>, vector<512x1xf32>
    %mul3A_80 = arith.mulf %get3A_1, %get3A_1 : vector<512x9xf32>
    %reduce_sum3A = arith.constant dense<0.000000e+00> : vector<512xf32>
    %reduce_sum3A_81 = vector.multi_reduction <add>, %mul3A_80, %reduce_sum3A [1] : vector<512x9xf32> to vector<512xf32>
    %broadcast_in_dim3A = vector.shape_cast %reduce_sum3A_81 : vector<512xf32> to vector<512x1xf32>
    %mul3A_82 = arith.mulf %get3A_79, %broadcast_in_dim3A : vector<512x1xf32>
    %dot_general3A_83 = arith.constant dense<0.000000e+00> : vector<32x1xf32>
    %dot_general3A_84 = tpu.matmul %convert_element_type3A_6, %mul3A_82, %dot_general3A_83 {dimension_numbers = #tpu.dot_dimension_numbers<[0], [0], [1], [1], [0, 1, 1, 1], [], []>, transpose_lhs_hint = false} : vector<512x32xf32>, vector<512x1xf32>, vector<32x1xf32> -> vector<32x1xf32>
    %eq3A_85 = arith.constant 0 : i32
    %eq3A_86 = arith.cmpi eq, %arg0, %eq3A_85 : i32
    %convert_element_type3A_87 = arith.extui %eq3A_86 : i1 to i32
    %cond3A = arith.constant 0 : i32
    %cond3A_88 = arith.cmpi ne, %convert_element_type3A_87, %cond3A : i32
    scf.if %cond3A_88 {
      %swap3A = arith.constant 0 : index
      %swap3A_94 = arith.constant 0 : index
      %swap3A_95 = vector.load %arg7[%swap3A, %swap3A_94] : memref<288x128xf32, #tpu.memory_space<vmem>>, vector<288x128xf32>
      tpu.vector_store %arg7[%swap3A, %swap3A_94], %dot_general3A_65 {strides = array<i32>} : memref<288x128xf32, #tpu.memory_space<vmem>>, vector<288x128xf32>,
      %swap3A_96 = arith.constant 0 : index
      %swap3A_97 = arith.constant 0 : index
      %swap3A_98 = vector.load %arg8[%swap3A_96, %swap3A_97] : memref<288x9xf32, #tpu.memory_space<vmem>>, vector<288x9xf32>
      tpu.vector_store %arg8[%swap3A_96, %swap3A_97], %dot_general3A_67 {strides = array<i32>} : memref<288x9xf32, #tpu.memory_space<vmem>>, vector<288x9xf32>,
      %swap3A_99 = arith.constant 0 : index
      %swap3A_100 = arith.constant 0 : index
      %swap3A_101 = vector.load %arg9[%swap3A_99, %swap3A_100] : memref<288x9xf32, #tpu.memory_space<vmem>>, vector<288x9xf32>
      tpu.vector_store %arg9[%swap3A_99, %swap3A_100], %dot_general3A_76 {strides = array<i32>} : memref<288x9xf32, #tpu.memory_space<vmem>>, vector<288x9xf32>,
      %swap3A_102 = arith.constant 0 : index
      %swap3A_103 = arith.constant 0 : index
      %swap3A_104 = vector.load %arg10[%swap3A_102, %swap3A_103] : memref<32x1xf32, #tpu.memory_space<vmem>>, vector<32x1xf32>
      tpu.vector_store %arg10[%swap3A_102, %swap3A_103], %dot_general3A_84 {strides = array<i32>} : memref<32x1xf32, #tpu.memory_space<vmem>>, vector<32x1xf32>,
    } else {
    }
    %ne3A_89 = arith.constant 0 : i32
    %ne3A_90 = arith.cmpi ne, %arg0, %ne3A_89 : i32
    %convert_element_type3A_91 = arith.extui %ne3A_90 : i1 to i32
    %cond3A_92 = arith.constant 0 : i32
    %cond3A_93 = arith.cmpi ne, %convert_element_type3A_91, %cond3A_92 : i32
    scf.if %cond3A_93 {
      %get3A_94 = arith.constant 0 : index
      %get3A_95 = arith.constant 0 : index
      %get3A_96 = vector.load %arg7[%get3A_94, %get3A_95] : memref<288x128xf32, #tpu.memory_space<vmem>>, vector<288x128xf32>
      %add3A_97 = arith.addf %get3A_96, %dot_general3A_65 : vector<288x128xf32>
      %swap3A = arith.constant 0 : index
      %swap3A_98 = arith.constant 0 : index
      %swap3A_99 = vector.load %arg7[%swap3A, %swap3A_98] : memref<288x128xf32, #tpu.memory_space<vmem>>, vector<288x128xf32>
      tpu.vector_store %arg7[%swap3A, %swap3A_98], %add3A_97 {strides = array<i32>} : memref<288x128xf32, #tpu.memory_space<vmem>>, vector<288x128xf32>,
      %get3A_100 = arith.constant 0 : index
      %get3A_101 = arith.constant 0 : index
      %get3A_102 = vector.load %arg8[%get3A_100, %get3A_101] : memref<288x9xf32, #tpu.memory_space<vmem>>, vector<288x9xf32>
      %add3A_103 = arith.addf %get3A_102, %dot_general3A_67 : vector<288x9xf32>
      %swap3A_104 = arith.constant 0 : index
      %swap3A_105 = arith.constant 0 : index
      %swap3A_106 = vector.load %arg8[%swap3A_104, %swap3A_105] : memref<288x9xf32, #tpu.memory_space<vmem>>, vector<288x9xf32>
      tpu.vector_store %arg8[%swap3A_104, %swap3A_105], %add3A_103 {strides = array<i32>} : memref<288x9xf32, #tpu.memory_space<vmem>>, vector<288x9xf32>,
      %get3A_107 = arith.constant 0 : index
      %get3A_108 = arith.constant 0 : index
      %get3A_109 = vector.load %arg9[%get3A_107, %get3A_108] : memref<288x9xf32, #tpu.memory_space<vmem>>, vector<288x9xf32>
      %add3A_110 = arith.addf %get3A_109, %dot_general3A_76 : vector<288x9xf32>
      %swap3A_111 = arith.constant 0 : index
      %swap3A_112 = arith.constant 0 : index
      %swap3A_113 = vector.load %arg9[%swap3A_111, %swap3A_112] : memref<288x9xf32, #tpu.memory_space<vmem>>, vector<288x9xf32>
      tpu.vector_store %arg9[%swap3A_111, %swap3A_112], %add3A_110 {strides = array<i32>} : memref<288x9xf32, #tpu.memory_space<vmem>>, vector<288x9xf32>,
      %get3A_114 = arith.constant 0 : index
      %get3A_115 = arith.constant 0 : index
      %get3A_116 = vector.load %arg10[%get3A_114, %get3A_115] : memref<32x1xf32, #tpu.memory_space<vmem>>, vector<32x1xf32>
      %add3A_117 = arith.addf %get3A_116, %dot_general3A_84 : vector<32x1xf32>
      %swap3A_118 = arith.constant 0 : index
      %swap3A_119 = arith.constant 0 : index
      %swap3A_120 = vector.load %arg10[%swap3A_118, %swap3A_119] : memref<32x1xf32, #tpu.memory_space<vmem>>, vector<32x1xf32>
      tpu.vector_store %arg10[%swap3A_118, %swap3A_119], %add3A_117 {strides = array<i32>} : memref<32x1xf32, #tpu.memory_space<vmem>>, vector<32x1xf32>,
    } else {
    }
    return
  }
  func.func @transform_0(%arg0: i32) -> (i32, i32) {
    %c0_i32 = arith.constant 0 : i32
    %c0_i32_0 = arith.constant 0 : i32
    return %arg0, %c0_i32 : i32, i32
  }
  func.func @transform_1(%arg0: i32) -> (i32, i32) {
    %c0_i32 = arith.constant 0 : i32
    %c0_i32_0 = arith.constant 0 : i32
    return %arg0, %c0_i32 : i32, i32
  }
  func.func @transform_2(%arg0: i32) -> (i32, i32) {
    %c0_i32 = arith.constant 0 : i32
    %c0_i32_0 = arith.constant 0 : i32
    return %arg0, %c0_i32 : i32, i32
  }
  func.func @transform_3(%arg0: i32) -> (i32, i32) {
    %c0_i32 = arith.constant 0 : i32
    %c0_i32_0 = arith.constant 0 : i32
    return %arg0, %c0_i32 : i32, i32
  }
  func.func @transform_4(%arg0: i32) -> (i32, i32) {
    %c0_i32 = arith.constant 0 : i32
    %c0_i32_0 = arith.constant 0 : i32
    return %arg0, %c0_i32 : i32, i32
  }
  func.func @transform_5(%arg0: i32) -> (i32, i32) {
    %c0_i32 = arith.constant 0 : i32
    %c0_i32_0 = arith.constant 0 : i32
    return %arg0, %c0_i32 : i32, i32
  }
  func.func @transform_6(%arg0: i32) -> (i32, i32) {
    %c0_i32 = arith.constant 0 : i32
    %c0_i32_0 = arith.constant 0 : i32
    %c0_i32_1 = arith.constant 0 : i32
    return %c0_i32, %c0_i32_0 : i32, i32
  }
  func.func @transform_7(%arg0: i32) -> (i32, i32) {
    %c0_i32 = arith.constant 0 : i32
    %c0_i32_0 = arith.constant 0 : i32
    %c0_i32_1 = arith.constant 0 : i32
    return %c0_i32, %c0_i32_0 : i32, i32
  }
  func.func @transform_8(%arg0: i32) -> (i32, i32) {
    %c0_i32 = arith.constant 0 : i32
    %c0_i32_0 = arith.constant 0 : i32
    %c0_i32_1 = arith.constant 0 : i32
    return %c0_i32, %c0_i32_0 : i32, i32
  }
  func.func @transform_9(%arg0: i32) -> (i32, i32) {
    %c0_i32 = arith.constant 0 : i32
    %c0_i32_0 = arith.constant 0 : i32
    %c0_i32_1 = arith.constant 0 : i32
    return %c0_i32, %c0_i32_0 : i32, i32
  }
}

module attributes {stable_mosaic.version = 14 : i64} {
  func.func @_tc_e_body(%arg0: i32, %arg1: memref<288x128xf32, #tpu.memory_space<vmem>>, %arg2: memref<288x9xf32, #tpu.memory_space<vmem>>, %arg3: memref<288x9xf32, #tpu.memory_space<vmem>>, %arg4: memref<32x1xf32, #tpu.memory_space<vmem>>, %arg5: memref<288x128xf32, #tpu.memory_space<vmem>>, %arg6: memref<1x1xf32, #tpu.memory_space<vmem>>, %arg7: memref<1x1xf32, #tpu.memory_space<vmem>>, %arg8: memref<288x9xf32, #tpu.memory_space<vmem>>) attributes {dimension_semantics = [#tpu.dimension_semantics<arbitrary>], iteration_bounds = array<i64: 1>, scalar_prefetch = 0 : i64, scratch_operands = 0 : i64, tpu.core_type = #tpu.core_type<tc>, window_params = [{pipeline_mode = #tpu.pipeline_mode<synchronous>, transform_indices = @transform_0, window_bounds = array<i64: 288, 128>}, {pipeline_mode = #tpu.pipeline_mode<synchronous>, transform_indices = @transform_1, window_bounds = array<i64: 288, 9>}, {pipeline_mode = #tpu.pipeline_mode<synchronous>, transform_indices = @transform_2, window_bounds = array<i64: 288, 9>}, {pipeline_mode = #tpu.pipeline_mode<synchronous>, transform_indices = @transform_3, window_bounds = array<i64: 32, 1>}, {pipeline_mode = #tpu.pipeline_mode<synchronous>, transform_indices = @transform_4, window_bounds = array<i64: 288, 128>}, {pipeline_mode = #tpu.pipeline_mode<synchronous>, transform_indices = @transform_5, window_bounds = array<i64: 1, 1>}, {pipeline_mode = #tpu.pipeline_mode<synchronous>, transform_indices = @transform_6, window_bounds = array<i64: 1, 1>}, {pipeline_mode = #tpu.pipeline_mode<synchronous>, transform_indices = @transform_7, window_bounds = array<i64: 288, 9>}]} {
    %iota3A = tpu.iota {dimensions = array<i32: 0>} : vector<288x9xi32>
    %jit3A = arith.constant 9 : i32
    %eq3A = arith.constant 0 : i32
    %eq3A_0 = arith.cmpi eq, %jit3A, %eq3A : i32
    %jit3A_1 = arith.constant 1 : i32
    %select_n3A = arith.select %eq3A_0, %jit3A_1, %jit3A : i32
    %rem3A = vector.broadcast %select_n3A : i32 to vector<288x9xi32>
    %rem3A_2 = arith.remsi %iota3A, %rem3A : vector<288x9xi32>
    %ne3A = arith.constant 0 : i32
    %ne3A_3 = vector.broadcast %ne3A : i32 to vector<288x9xi32>
    %ne3A_4 = arith.cmpi ne, %rem3A_2, %ne3A_3 : vector<288x9xi32>
    %lt3A = arith.constant 0 : i32
    %lt3A_5 = vector.broadcast %lt3A : i32 to vector<288x9xi32>
    %lt3A_6 = arith.cmpi slt, %rem3A_2, %lt3A_5 : vector<288x9xi32>
    %lt3A_7 = arith.constant 0 : i32
    %lt3A_8 = arith.cmpi slt, %select_n3A, %lt3A_7 : i32
    %ne3A_9 = vector.broadcast %lt3A_8 : i1 to vector<288x9xi1>
    %ne3A_10 = vector.broadcast %ne3A_9 : vector<288x9xi1> to vector<288x9xi1>
    %ne3A_11 = arith.xori %lt3A_6, %ne3A_10 : vector<288x9xi1>
    %and3A = arith.andi %ne3A_11, %ne3A_4 : vector<288x9xi1>
    %add3A = vector.broadcast %select_n3A : i32 to vector<288x9xi32>
    %add3A_12 = arith.addi %rem3A_2, %add3A : vector<288x9xi32>
    %select_n3A_13 = arith.select %and3A, %add3A_12, %rem3A_2 : vector<288x9xi1>, vector<288x9xi32>
    %iota3A_14 = tpu.iota {dimensions = array<i32: 1>} : vector<288x9xi32>
    %eq3A_15 = arith.cmpi eq, %select_n3A_13, %iota3A_14 : vector<288x9xi32>
    %convert_element_type3A = arith.extui %eq3A_15 : vector<288x9xi1> to vector<288x9xi32>
    %convert_element_type3A_16 = arith.sitofp %convert_element_type3A : vector<288x9xi32> to vector<288x9xf32>
    %iota3A_17 = tpu.iota {dimensions = array<i32: 0>} : vector<288x32xi32>
    %jit3A_18 = arith.constant 9 : i32
    %div3A = vector.broadcast %jit3A_18 : i32 to vector<288x32xi32>
    %div3A_19 = arith.divsi %iota3A_17, %div3A : vector<288x32xi32>
    %sign3A = arith.constant 0 : i32
    %sign3A_20 = vector.broadcast %sign3A : i32 to vector<288x32xi32>
    %sign3A_21 = arith.cmpi sgt, %iota3A_17, %sign3A_20 : vector<288x32xi32>
    %sign3A_22 = arith.extui %sign3A_21 : vector<288x32xi1> to vector<288x32xi32>
    %sign3A_23 = arith.constant 0 : i32
    %sign3A_24 = vector.broadcast %sign3A_23 : i32 to vector<288x32xi32>
    %sign3A_25 = arith.cmpi slt, %iota3A_17, %sign3A_24 : vector<288x32xi32>
    %sign3A_26 = arith.extui %sign3A_25 : vector<288x32xi1> to vector<288x32xi32>
    %sign3A_27 = arith.subi %sign3A_22, %sign3A_26 : vector<288x32xi32>
    %sign3A_28 = arith.constant 0 : i32
    %sign3A_29 = arith.cmpi sgt, %jit3A_18, %sign3A_28 : i32
    %sign3A_30 = arith.extui %sign3A_29 : i1 to i32
    %sign3A_31 = arith.constant 0 : i32
    %sign3A_32 = arith.cmpi slt, %jit3A_18, %sign3A_31 : i32
    %sign3A_33 = arith.extui %sign3A_32 : i1 to i32
    %sign3A_34 = arith.subi %sign3A_30, %sign3A_33 : i32
    %ne3A_35 = vector.broadcast %sign3A_34 : i32 to vector<288x32xi32>
    %ne3A_36 = arith.cmpi ne, %sign3A_27, %ne3A_35 : vector<288x32xi32>
    %rem3A_37 = vector.broadcast %jit3A_18 : i32 to vector<288x32xi32>
    %rem3A_38 = arith.remsi %iota3A_17, %rem3A_37 : vector<288x32xi32>
    %ne3A_39 = arith.constant 0 : i32
    %ne3A_40 = vector.broadcast %ne3A_39 : i32 to vector<288x32xi32>
    %ne3A_41 = arith.cmpi ne, %rem3A_38, %ne3A_40 : vector<288x32xi32>
    %and3A_42 = arith.andi %ne3A_36, %ne3A_41 : vector<288x32xi1>
    %sub3A = arith.constant 1 : i32
    %sub3A_43 = vector.broadcast %sub3A : i32 to vector<288x32xi32>
    %sub3A_44 = arith.subi %div3A_19, %sub3A_43 : vector<288x32xi32>
    %select_n3A_45 = arith.select %and3A_42, %sub3A_44, %div3A_19 : vector<288x32xi1>, vector<288x32xi32>
    %iota3A_46 = tpu.iota {dimensions = array<i32: 1>} : vector<288x32xi32>
    %eq3A_47 = arith.cmpi eq, %select_n3A_45, %iota3A_46 : vector<288x32xi32>
    %convert_element_type3A_48 = arith.extui %eq3A_47 : vector<288x32xi1> to vector<288x32xi32>
    %convert_element_type3A_49 = arith.sitofp %convert_element_type3A_48 : vector<288x32xi32> to vector<288x32xf32>
    %get3A = arith.constant 0 : index
    %get3A_50 = arith.constant 0 : index
    %get3A_51 = vector.load %arg3[%get3A, %get3A_50] : memref<288x9xf32, #tpu.memory_space<vmem>>, vector<288x9xf32>
    %get3A_52 = arith.constant 0 : index
    %get3A_53 = arith.constant 0 : index
    %get3A_54 = vector.load %arg4[%get3A_52, %get3A_53] : memref<32x1xf32, #tpu.memory_space<vmem>>, vector<32x1xf32>
    %mul3A = arith.mulf %get3A_51, %convert_element_type3A_16 : vector<288x9xf32>
    %reduce_sum3A = arith.constant dense<0.000000e+00> : vector<288xf32>
    %reduce_sum3A_55 = vector.multi_reduction <add>, %mul3A, %reduce_sum3A [1] : vector<288x9xf32> to vector<288xf32>
    %broadcast_in_dim3A = vector.shape_cast %reduce_sum3A_55 : vector<288xf32> to vector<288x1xf32>
    %dot_general3A = arith.constant dense<0.000000e+00> : vector<32x1xf32>
    %dot_general3A_56 = tpu.matmul %convert_element_type3A_49, %broadcast_in_dim3A, %dot_general3A {dimension_numbers = #tpu.dot_dimension_numbers<[0], [0], [1], [1], [0, 1, 1, 1], [], []>, transpose_lhs_hint = false} : vector<288x32xf32>, vector<288x1xf32>, vector<32x1xf32> -> vector<32x1xf32>
    %add3A_57 = arith.constant 1.000000e-10 : f32
    %add3A_58 = vector.broadcast %add3A_57 : f32 to vector<32x1xf32>
    %add3A_59 = arith.addf %get3A_54, %add3A_58 : vector<32x1xf32>
    %div3A_60 = arith.divf %dot_general3A_56, %add3A_59 : vector<32x1xf32>
    %reduce_sum3A_61 = vector.shape_cast %div3A_60 : vector<32x1xf32> to vector<1x32x1xf32>
    %reduce_sum3A_62 = arith.constant dense<0.000000e+00> : vector<1xf32>
    %reduce_sum3A_63 = vector.multi_reduction <add>, %reduce_sum3A_61, %reduce_sum3A_62 [1, 2] : vector<1x32x1xf32> to vector<1xf32>
    %reduce_sum3A_64 = vector.shape_cast %reduce_sum3A_63 : vector<1xf32> to vector<1x1x1xf32>
    %reduce_sum3A_65 = vector.extract %reduce_sum3A_64[0, 0, 0] : f32 from vector<1x1x1xf32>
    %neg3A = arith.constant 0.000000e+00 : f32
    %neg3A_66 = arith.subf %neg3A, %reduce_sum3A_65 : f32
    %div3A_67 = arith.constant 3.200000e+01 : f32
    %div3A_68 = arith.divf %neg3A_66, %div3A_67 : f32
    %reshape3A = vector.broadcast %div3A_68 : f32 to vector<1x1xf32>
    %swap3A = arith.constant 0 : index
    %swap3A_69 = arith.constant 0 : index
    %swap3A_70 = vector.load %arg6[%swap3A, %swap3A_69] : memref<1x1xf32, #tpu.memory_space<vmem>>, vector<1x1xf32>
    tpu.vector_store %arg6[%swap3A, %swap3A_69], %reshape3A {strides = array<i32>} : memref<1x1xf32, #tpu.memory_space<vmem>>, vector<1x1xf32>,
    %get3A_71 = arith.constant 0 : index
    %get3A_72 = arith.constant 0 : index
    %get3A_73 = vector.load %arg2[%get3A_71, %get3A_72] : memref<288x9xf32, #tpu.memory_space<vmem>>, vector<288x9xf32>
    %mul3A_74 = arith.mulf %get3A_73, %get3A_73 : vector<288x9xf32>
    %reduce_sum3A_75 = arith.constant dense<0.000000e+00> : vector<288xf32>
    %reduce_sum3A_76 = vector.multi_reduction <add>, %mul3A_74, %reduce_sum3A_75 [1] : vector<288x9xf32> to vector<288xf32>
    %broadcast_in_dim3A_77 = vector.shape_cast %reduce_sum3A_76 : vector<288xf32> to vector<288x1xf32>
    %dot_general3A_78 = arith.constant dense<0.000000e+00> : vector<32x1xf32>
    %dot_general3A_79 = tpu.matmul %convert_element_type3A_49, %broadcast_in_dim3A_77, %dot_general3A_78 {dimension_numbers = #tpu.dot_dimension_numbers<[0], [0], [1], [1], [0, 1, 1, 1], [], []>, transpose_lhs_hint = false} : vector<288x32xf32>, vector<288x1xf32>, vector<32x1xf32> -> vector<32x1xf32>
    %sqrt3A = math.sqrt %dot_general3A_79 : vector<32x1xf32>
    %dot_general3A_80 = arith.constant dense<0.000000e+00> : vector<288x1xf32>
    %dot_general3A_81 = tpu.matmul %convert_element_type3A_49, %sqrt3A, %dot_general3A_80 {dimension_numbers = #tpu.dot_dimension_numbers<[1], [0], [0], [1], [0, 0, 1, 1], [], []>, transpose_lhs_hint = false} : vector<288x32xf32>, vector<32x1xf32>, vector<288x1xf32> -> vector<288x1xf32>
    %add3A_82 = arith.constant 1.000000e-10 : f32
    %add3A_83 = vector.broadcast %add3A_82 : f32 to vector<288x1xf32>
    %add3A_84 = arith.addf %dot_general3A_81, %add3A_83 : vector<288x1xf32>
    %div3A_85 = vector.broadcast %add3A_84 : vector<288x1xf32> to vector<288x9xf32>
    %div3A_86 = arith.divf %get3A_73, %div3A_85 : vector<288x9xf32>
    %div3A_87 = arith.constant 3.000000e+00 : f32
    %div3A_88 = vector.broadcast %div3A_87 : f32 to vector<288x9xf32>
    %div3A_89 = arith.divf %convert_element_type3A_16, %div3A_88 : vector<288x9xf32>
    %sub3A_90 = arith.subf %div3A_86, %div3A_89 : vector<288x9xf32>
    %mul3A_91 = arith.mulf %sub3A_90, %sub3A_90 : vector<288x9xf32>
    %reduce_sum3A_92 = arith.constant dense<0.000000e+00> : vector<288xf32>
    %reduce_sum3A_93 = vector.multi_reduction <add>, %mul3A_91, %reduce_sum3A_92 [1] : vector<288x9xf32> to vector<288xf32>
    %broadcast_in_dim3A_94 = vector.shape_cast %reduce_sum3A_93 : vector<288xf32> to vector<288x1xf32>
    %dot_general3A_95 = arith.constant dense<0.000000e+00> : vector<32x1xf32>
    %dot_general3A_96 = tpu.matmul %convert_element_type3A_49, %broadcast_in_dim3A_94, %dot_general3A_95 {dimension_numbers = #tpu.dot_dimension_numbers<[0], [0], [1], [1], [0, 1, 1, 1], [], []>, transpose_lhs_hint = false} : vector<288x32xf32>, vector<288x1xf32>, vector<32x1xf32> -> vector<32x1xf32>
    %sqrt3A_97 = math.sqrt %dot_general3A_96 : vector<32x1xf32>
    %reduce_sum3A_98 = vector.shape_cast %sqrt3A_97 : vector<32x1xf32> to vector<1x32x1xf32>
    %reduce_sum3A_99 = arith.constant dense<0.000000e+00> : vector<1xf32>
    %reduce_sum3A_100 = vector.multi_reduction <add>, %reduce_sum3A_98, %reduce_sum3A_99 [1, 2] : vector<1x32x1xf32> to vector<1xf32>
    %reduce_sum3A_101 = vector.shape_cast %reduce_sum3A_100 : vector<1xf32> to vector<1x1x1xf32>
    %reduce_sum3A_102 = vector.extract %reduce_sum3A_101[0, 0, 0] : f32 from vector<1x1x1xf32>
    %div3A_103 = arith.constant 3.200000e+01 : f32
    %div3A_104 = arith.divf %reduce_sum3A_102, %div3A_103 : f32
    %reshape3A_105 = vector.broadcast %div3A_104 : f32 to vector<1x1xf32>
    %swap3A_106 = arith.constant 0 : index
    %swap3A_107 = arith.constant 0 : index
    %swap3A_108 = vector.load %arg7[%swap3A_106, %swap3A_107] : memref<1x1xf32, #tpu.memory_space<vmem>>, vector<1x1xf32>
    tpu.vector_store %arg7[%swap3A_106, %swap3A_107], %reshape3A_105 {strides = array<i32>} : memref<1x1xf32, #tpu.memory_space<vmem>>, vector<1x1xf32>,
    %sub3A_109 = arith.constant 1.000000e+00 : f32
    %sub3A_110 = vector.broadcast %sub3A_109 : f32 to vector<288x9xf32>
    %sub3A_111 = arith.subf %sub3A_110, %convert_element_type3A_16 : vector<288x9xf32>
    %mul3A_112 = arith.mulf %get3A_51, %sub3A_111 : vector<288x9xf32>
    %reduce_sum3A_113 = arith.constant dense<0.000000e+00> : vector<288xf32>
    %reduce_sum3A_114 = vector.multi_reduction <add>, %mul3A_112, %reduce_sum3A_113 [1] : vector<288x9xf32> to vector<288xf32>
    %broadcast_in_dim3A_115 = vector.shape_cast %reduce_sum3A_114 : vector<288xf32> to vector<288x1xf32>
    %add3A_116 = arith.constant 1.000000e-10 : f32
    %add3A_117 = vector.broadcast %add3A_116 : f32 to vector<288x1xf32>
    %add3A_118 = arith.addf %broadcast_in_dim3A_115, %add3A_117 : vector<288x1xf32>
    %sqrt3A_119 = math.sqrt %add3A_118 : vector<288x1xf32>
    %mul3A_120 = vector.broadcast %sqrt3A_119 : vector<288x1xf32> to vector<288x9xf32>
    %mul3A_121 = arith.mulf %convert_element_type3A_16, %mul3A_120 : vector<288x9xf32>
    %dot_general3A_122 = arith.constant dense<0.000000e+00> : vector<32x9xf32>
    %dot_general3A_123 = tpu.matmul %convert_element_type3A_49, %mul3A_121, %dot_general3A_122 {dimension_numbers = #tpu.dot_dimension_numbers<[0], [0], [1], [1], [0, 1, 1, 1], [], []>, transpose_lhs_hint = false} : vector<288x32xf32>, vector<288x9xf32>, vector<32x9xf32> -> vector<32x9xf32>
    %dot_general3A_124 = arith.constant dense<0.000000e+00> : vector<288x9xf32>
    %dot_general3A_125 = tpu.matmul %convert_element_type3A_49, %dot_general3A_123, %dot_general3A_124 {dimension_numbers = #tpu.dot_dimension_numbers<[1], [0], [0], [1], [0, 0, 1, 1], [], []>, transpose_lhs_hint = false} : vector<288x32xf32>, vector<32x9xf32>, vector<288x9xf32> -> vector<288x9xf32>
    %div3A_126 = arith.divf %mul3A_112, %dot_general3A_125 : vector<288x9xf32>
    %div3A_127 = vector.broadcast %sqrt3A_119 : vector<288x1xf32> to vector<288x9xf32>
    %div3A_128 = arith.divf %div3A_126, %div3A_127 : vector<288x9xf32>
    %swap3A_129 = arith.constant 0 : index
    %swap3A_130 = arith.constant 0 : index
    %swap3A_131 = vector.load %arg8[%swap3A_129, %swap3A_130] : memref<288x9xf32, #tpu.memory_space<vmem>>, vector<288x9xf32>
    tpu.vector_store %arg8[%swap3A_129, %swap3A_130], %div3A_128 {strides = array<i32>} : memref<288x9xf32, #tpu.memory_space<vmem>>, vector<288x9xf32>,
    %get3A_132 = arith.constant 0 : index
    %get3A_133 = arith.constant 0 : index
    %get3A_134 = vector.load %arg1[%get3A_132, %get3A_133] : memref<288x128xf32, #tpu.memory_space<vmem>>, vector<288x128xf32>
    %reduce_max3A = arith.constant dense<0xFF800000> : vector<288xf32>
    %reduce_max3A_135 = vector.multi_reduction <maximumf>, %get3A_134, %reduce_max3A [1] : vector<288x128xf32> to vector<288xf32>
    %broadcast_in_dim3A_136 = vector.shape_cast %reduce_max3A_135 : vector<288xf32> to vector<288x1xf32>
    %sub3A_137 = vector.broadcast %broadcast_in_dim3A_136 : vector<288x1xf32> to vector<288x128xf32>
    %sub3A_138 = arith.subf %get3A_134, %sub3A_137 : vector<288x128xf32>
    %exp3A = math.exp %sub3A_138 : vector<288x128xf32>
    %reduce_sum3A_139 = arith.constant dense<0.000000e+00> : vector<288xf32>
    %reduce_sum3A_140 = vector.multi_reduction <add>, %exp3A, %reduce_sum3A_139 [1] : vector<288x128xf32> to vector<288xf32>
    %broadcast_in_dim3A_141 = vector.shape_cast %reduce_sum3A_140 : vector<288xf32> to vector<288x1xf32>
    %log3A = math.log %broadcast_in_dim3A_141 : vector<288x1xf32>
    %sub3A_142 = vector.broadcast %log3A : vector<288x1xf32> to vector<288x128xf32>
    %sub3A_143 = arith.subf %sub3A_138, %sub3A_142 : vector<288x128xf32>
    %swap3A_144 = arith.constant 0 : index
    %swap3A_145 = arith.constant 0 : index
    %swap3A_146 = vector.load %arg5[%swap3A_144, %swap3A_145] : memref<288x128xf32, #tpu.memory_space<vmem>>, vector<288x128xf32>
    tpu.vector_store %arg5[%swap3A_144, %swap3A_145], %sub3A_143 {strides = array<i32>} : memref<288x128xf32, #tpu.memory_space<vmem>>, vector<288x128xf32>,
    return
  }
  func.func @transform_0(%arg0: i32) -> (i32, i32) {
    %c0_i32 = arith.constant 0 : i32
    %c0_i32_0 = arith.constant 0 : i32
    %c0_i32_1 = arith.constant 0 : i32
    return %c0_i32, %c0_i32_0 : i32, i32
  }
  func.func @transform_1(%arg0: i32) -> (i32, i32) {
    %c0_i32 = arith.constant 0 : i32
    %c0_i32_0 = arith.constant 0 : i32
    %c0_i32_1 = arith.constant 0 : i32
    return %c0_i32, %c0_i32_0 : i32, i32
  }
  func.func @transform_2(%arg0: i32) -> (i32, i32) {
    %c0_i32 = arith.constant 0 : i32
    %c0_i32_0 = arith.constant 0 : i32
    %c0_i32_1 = arith.constant 0 : i32
    return %c0_i32, %c0_i32_0 : i32, i32
  }
  func.func @transform_3(%arg0: i32) -> (i32, i32) {
    %c0_i32 = arith.constant 0 : i32
    %c0_i32_0 = arith.constant 0 : i32
    %c0_i32_1 = arith.constant 0 : i32
    return %c0_i32, %c0_i32_0 : i32, i32
  }
  func.func @transform_4(%arg0: i32) -> (i32, i32) {
    %c0_i32 = arith.constant 0 : i32
    %c0_i32_0 = arith.constant 0 : i32
    %c0_i32_1 = arith.constant 0 : i32
    return %c0_i32, %c0_i32_0 : i32, i32
  }
  func.func @transform_5(%arg0: i32) -> (i32, i32) {
    %c0_i32 = arith.constant 0 : i32
    %c0_i32_0 = arith.constant 0 : i32
    %c0_i32_1 = arith.constant 0 : i32
    return %c0_i32, %c0_i32_0 : i32, i32
  }
  func.func @transform_6(%arg0: i32) -> (i32, i32) {
    %c0_i32 = arith.constant 0 : i32
    %c0_i32_0 = arith.constant 0 : i32
    %c0_i32_1 = arith.constant 0 : i32
    return %c0_i32, %c0_i32_0 : i32, i32
  }
  func.func @transform_7(%arg0: i32) -> (i32, i32) {
    %c0_i32 = arith.constant 0 : i32
    %c0_i32_0 = arith.constant 0 : i32
    %c0_i32_1 = arith.constant 0 : i32
    return %c0_i32, %c0_i32_0 : i32, i32
  }
}

</mosaic_0001>

<sc_bundles>
// kernel: kernel.12.cloned.1.call-start
scs
__scs_entry_jumppad:
0x0: {  	(pc) =	sbr.rel $0x88, $3  }
0x1: {  	(tag) =	ssettag $0x0;
	lr =	simm.s32 $0x1  }
0x2: {  	[smem:$0x3F9A] =	sst lr;
	_ =	strace $0xD0000000  }
0x3: {  	_ = 	snop  }
0x4: {  	_ = 	snop  }
0x5: {  	_ = 	snop  }
0x6: {  	_ = 	snop  }
0x7: {  	_ = 	snop  }
__scs_overlays_trampoline_lowered:
0x8: {  	[smem:$0x3FA9] =	sst s0  }
0x9: {  	[smem:$0x3FAA] =	sst s1  }
0xa: {  	[smem:$0x3FAB] =	sst s2  }
0xb: {  	[smem:$0x3FAC] =	sst s3  }
0xc: {  	[smem:$0x3FAD] =	sst s4  }
0xd: {  	[smem:$0x3FAE] =	sst s5  }
0xe: {  	[smem:$0x3FAF] =	sst s6  }
0xf: {  	[smem:$0x3FB0] =	sst s7  }
0x10: {  	[smem:$0x3FB1] =	sst s8  }
0x11: {  	[smem:$0x3FB2] =	sst s9;
	s0 =	simm.s32 @!p0 $0x0  }
0x12: {  	s1 =	sld [smem:$0x3F98];
	s0 =	simm.s32 @p0 $0x1  }
0x13: {  	[smem:$0x3FB3] =	sst s0;
	s0 =	simm.s32 @!p1 $0x0  }
0x14: {  	s2 =	sld [smem:$0x3F97];
	s0 =	simm.s32 @p1 $0x1  }
0x15: {  	[smem:$0x3FB4] =	sst s0;
	s0 =	simm.s32 @!p2 $0x0  }
0x16: {  	s3 =	sld [smem:$0x3FDB];
	s0 =	simm.s32 @p2 $0x1  }
0x17: {  	s4 =	simm.s32 $0x1BF5;
	[smem:$0x3FB6] =	sst s0  }
0x18: {  	s0 =	sld [smem:$0x3F99];
	_ =	swait.ge [sflag:s4], $0x0  }
0x19: {  	s7 =	sld [smem:$0x3F9A]  }
0x1a: {  	s8 =	sadd.s32 $0xFFFFE003, lr  }
0x1b: {  	s9 =	sadd.s32 $0xFFFFFEF7, lr;
	s5 =	simm.s32 $0xFFFFFFFF;
	p2 =	slt.u32 s8, $0xFFFFF086  }
0x1c: {  	p1 =	slt.u32 s9, $0xF7A;
	s5 =	simm.s32 @!p2 $0x0  }
0x1d: {  	s5 =	simm.s32 @p1 $0x1;
	p0 =	seq.s32 s7, s2  }
0x1e: {  	s7 =	smul.u32 @!p0 $0xF7A, s2;
	p2 =	seq.s32 @!p0 s5, $0x0  }
0x1f: {  	s9 =	smul.u32 $0xF7A, s1;
	s8 =	simm.s32 @!p0 $0x1BF5;
	p2 =	por !p2, p0  }
0x20: {  	[sflag:s8] =	ssyncset.s32 @!p0 $0xFFFFF086;
	s6 =	sadd.s32 @!p0 s3, s7;
	s7 =	simm.s32 @!p0 $0x108  }
0x21: {  	s3 =	sadd.s32 s3, s9;
	s6 =	sadd.s32 @!p0 $0x88, s6;
	s7 =	simm.s32 @p2 $0x1082  }
0x22: {  	[simem:s7], [sflag:s8] =	dma.local @!p0 [hbm:s6], $0xF7A  }
0x23: {  	s9 =	sor.u32 $0xD0000000, s2;
	s6 =	simm.s32 $0x108;
	_ =	swait.ge @!p0 [sflag:s8], $0x0  }
0x24: {  	s3 =	sadd.s32 $0x88, s3;
	s6 =	simm.s32 @!p1 $0x1082;
	[sflag:s4] =	ssyncset.s32 $0xFFFFF086  }
0x25: {  	[simem:s6], [sflag:s4] =	dma.local [hbm:s3], $0xF7A  }
0x26: {  	[smem:$0x3F9A] =	sst s1;
	(tag) =	ssettag s2;
	_ =	strace s9  }
0x27: {  	s1 =	sld [smem:$0x3FAA]  }
0x28: {  	s2 =	sld [smem:$0x3FAB]  }
0x29: {  	s4 =	sld [smem:$0x3FAD]  }
0x2a: {  	p0 =	seq.s32 s5, $0x0;
	s5 =	sld [smem:$0x3FAE]  }
0x2b: {  	s6 =	sld [smem:$0x3FAF]  }
0x2c: {  	s7 =	sld [smem:$0x3FB0]  }
0x2d: {  	s3 =	simm.s32 $0x108;
	s8 =	sld [smem:$0x3FB1]  }
0x2e: {  	s3 =	simm.s32 @!p0 $0x1082;
	s9 =	sld [smem:$0x3FB2]  }
0x2f: {  	lr =	sadd.s32 s0, s3;
	s0 =	sld [smem:$0x3FA9]  }
0x30: {  	s3 =	sld [smem:$0x3FAC]  }
0x31: {  	[smem:$0x3FB5] =	sst s10  }
0x32: {  	s10 =	sld [smem:$0x3FB3];
	_ =	sdelay $0x3  }
0x33: {  	p0 =	seq.s32 s10, $0x1;
	s10 =	sld [smem:$0x3FB5];
	_ =	sdelay $0x3  }
0x34: {  	[smem:$0x3FB5] =	sst s10  }
0x35: {  	s10 =	sld [smem:$0x3FB4];
	_ =	sdelay $0x3  }
0x36: {  	p1 =	seq.s32 s10, $0x1;
	s10 =	sld [smem:$0x3FB5];
	_ =	sdelay $0x3  }
0x37: {  	[smem:$0x3FB5] =	sst s10  }
0x38: {  	s10 =	sld [smem:$0x3FB6]  }
0x39: {  	_ = 	snop;
	(pc) =	sbr.ind lr, $3  }
0x3a: {  	_ = 	snop  }
0x3b: {  	_ = 	snop  }
0x3c: {  	p2 =	seq.s32 s10, $0x1;
	s10 =	sld [smem:$0x3FB5]  }
0x3d: {  	_ =	shalt  }
0x3e: {  	_ =	shalt  }
0x3f: {  	_ =	shalt  }
0x40: {  	_ =	shalt  }
0x41: {  	_ =	shalt  }
0x42: {  	_ =	shalt  }
0x43: {  	_ =	shalt  }
0x44: {  	_ =	shalt  }
0x45: {  	_ =	shalt  }
0x46: {  	_ =	shalt  }
0x47: {  	_ =	shalt  }
0x48: {  	_ =	shalt  }
0x49: {  	_ =	shalt  }
0x4a: {  	_ =	shalt  }
0x4b: {  	_ =	shalt  }
0x4c: {  	_ =	shalt  }
0x4d: {  	_ =	shalt  }
0x4e: {  	_ =	shalt  }
0x4f: {  	_ =	shalt  }
0x50: {  	_ =	shalt  }
0x51: {  	_ =	shalt  }
0x52: {  	_ =	shalt  }
0x53: {  	_ =	shalt  }
0x54: {  	_ =	shalt  }
0x55: {  	_ =	shalt  }
0x56: {  	_ =	shalt  }
0x57: {  	_ =	shalt  }
0x58: {  	_ =	shalt  }
0x59: {  	_ =	shalt  }
0x5a: {  	_ =	shalt  }
0x5b: {  	_ =	shalt  }
0x5c: {  	_ =	shalt  }
0x5d: {  	_ =	shalt  }
0x5e: {  	_ =	shalt  }
0x5f: {  	_ =	shalt  }
0x60: {  	_ =	shalt  }
0x61: {  	_ =	shalt  }
0x62: {  	_ =	shalt  }
0x63: {  	_ =	shalt  }
0x64: {  	_ =	shalt  }
0x65: {  	_ =	shalt  }
0x66: {  	_ =	shalt  }
0x67: {  	_ =	shalt  }
0x68: {  	_ =	shalt  }
0x69: {  	_ =	shalt  }
0x6a: {  	_ =	shalt  }
0x6b: {  	_ =	shalt  }
0x6c: {  	_ =	shalt  }
0x6d: {  	_ =	shalt  }
0x6e: {  	_ =	shalt  }
0x6f: {  	_ =	shalt  }
0x70: {  	_ =	shalt  }
0x71: {  	_ =	shalt  }
0x72: {  	_ =	shalt  }
0x73: {  	_ =	shalt  }
0x74: {  	_ =	shalt  }
0x75: {  	_ =	shalt  }
0x76: {  	_ =	shalt  }
0x77: {  	_ =	shalt  }
0x78: {  	_ =	shalt  }
0x79: {  	_ =	shalt  }
0x7a: {  	_ =	shalt  }
0x7b: {  	_ =	shalt  }
0x7c: {  	_ =	shalt  }
0x7d: {  	_ =	shalt  }
0x7e: {  	_ =	shalt  }
0x7f: {  	_ =	shalt  }
0x80: {  	_ =	shalt  }
0x81: {  	_ =	shalt  }
0x82: {  	_ =	shalt  }
0x83: {  	_ =	shalt  }
0x84: {  	_ =	shalt  }
0x85: {  	_ =	shalt  }
0x86: {  	_ =	shalt  }
0x87: {  	_ =	shalt  }
.Lfunc_end0:
.L_simem_size_0:
called_computation.1_lowered:
.L_overlay_start_0:
0x88: {  	s2 =	sld [smem:$0x3FD9]  }
0x89: {  	s3 =	sld [smem:$0x3FFE];
	_ =	sdelay $0x1  }
0x8a: {  	s1 =	srdreg.scid  }
0x8b: {  	s0 =	sand.u32 $0x1, s1  }
0x8c: {  	s16 =	sshll.u32 s0, $0xA;
	s2 =	sadd.s32 s3, s2  }
0x8d: {  	s2 =	sadd.s32 s2, s16  }
0x8e: {  	[smem:$0x3FC1] =	sst s2  }
0x8f: {  	_ = 	snop  }
0x90: {  	(tm) =	ssettm $0x1  }
0x91: {  	s17 =	sld [smem:$0x3FFB];
	_ =	sdelay $0x3  }
0x92: {  	_ =	strace s17  }
0x93: {  	s2 =	sld [smem:$0x3FFC];
	_ =	sdelay $0x3  }
0x94: {  	_ =	strace s2  }
0x95: {  	s2 =	sld [smem:$0x3FFD];
	_ =	sdelay $0x3  }
0x96: {  	_ =	strace s2  }
0x97: {  	_ =	strace $0x8FFFFFFF  }
0x98: {  	s18 =	sld [smem:$0x3FDB];
	_ =	sdelay $0x1  }
0x99: {  	s19 =	simm.s32 $_scs_section_size  }
0x9a: {  	s4 =	simm.s32 $_size__tile_overlayer_lowered;
	s5 =	simm.s32 $_tile_overlayer_lowered  }
0x9b: {  	s22 =	simm.s32 $0x1BFF;
	s21 =	sshll.u32 s5, $0x1;
	s2 =	sadd.s32 s19, s18  }
0x9c: {  	s6 =	simm.s32 $0x0;
	s20 =	sshll.u32 s4, $0x1;
	s4 =	sadd.s32 s21, s2  }
0x9d: {  	[timem:s6], [sflag:s22] =	dma.local [hbm:s4], s20  }
0x9e: {  	_ =	swait.ge [sflag:s22], s20  }
0x9f: {  	s3 =	ssub.s32 $0x0, s20;
	[sflag:s22] =	ssyncset.done $0x0  }
0xa0: {  	[sflag:s22] =	ssyncadd.s32 s3;
	_ =	sdelay $0x1  }
0xa1: {  	s23 =	simm.s32 $0x1B8B  }
0xa2: {  	_ =	swait.ge [sflag:s23], $0x1  }
0xa3: {  	[sflag:s23] =	ssyncset.done $0x0  }
0xa4: {  	s25 =	simm.s32 $0x1B8E;
	s24 =	sld [smem:$0x3FFE];
	[sflag:s23] =	ssyncadd.s32 $0xFFFFFFFF  }
0xa5: {  	s26 =	simm.s32 $execute0_lowered;
	[smem:$0x3FD2] =	sst s25  }
0xa6: {  	s4 =	sshll.u32 s26, $0x1;
	_ =	strace $0x80000049;
	[dreg:$0x1] =	wrdreg $0xFFFFFFFF  }
0xa7: {  	s28 =	simm.s32 $_size_execute0_lowered;
	s2 =	sadd.s32 s2, s4;
	[dreg:$0x0] =	wrdreg $0x0  }
0xa8: {  	s4 =	sshll.u32 s28, $0x1;
	[dreg:$0x2] =	wrdreg s2  }
0xa9: {  	[dreg:$0x3] =	wrdreg s4  }
0xaa: {  	[dreg:$0x4] =	wrdreg $0xC0  }
0xab: {  	_ =	task [dreg:s6], $0x5FFFF  }
0xac: {  	[dreg:$0x1] =	wrdreg $0xFFFFFFFF  }
0xad: {  	[dreg:$0x0] =	wrdreg $0x60  }
0xae: {  	[dreg:$0x2] =	wrdreg s24  }
0xaf: {  	[dreg:$0x3] =	wrdreg $0xA8000  }
0xb0: {  	[dreg:$0x4] =	wrdreg $0x9  }
0xb1: {  	_ =	task.clear_ibuf [dreg:s6], $0x5FFFF;
	_ =	strace $0x90000049  }
0xb2: {  	s29 =	simm.s32 $0x9;
	_ =	strace $0x8000004B  }
0xb3: {  	_ =	swait.ge [sflag:s29], $0x1  }
0xb4: {  	[sflag:s29] =	ssyncadd.s32 $0xFFFFFFFF  }
0xb5: {  	_ =	strace $0x9000004B  }
0xb6: {  	_ =	sfence  }
0xb7: {  	s30 =	sld [smem:$0x0];
	_ =	sdelay $0x2  }
0xb8: {  	s31 =	sshll.u32 s1, $0xD;
	s1 =	sshrl.u32 s1, $0x2  }
0xb9: {  	s3 =	sand.u32 $0x4000, s31;
	s1 =	sadd.s32 s1, s30  }
0xba: {  	s0 =	sor.u32 s3, s0;
	s1 =	sshll.u32 s1, $0x11  }
0xbb: {  	s0 =	sor.u32 s1, s0  }
0xbc: {  	s0 =	sadd.s32 $0x8F2B, s0  }
0xbd: {  	[sflag:s0] =	ssyncadd.remote.s32 $0x1  }
0xbe: {  	_ =	sfence.sel $0xFFFF  }
0xbf: {  	[dreg:$0x0] =	wrdreg $0xFFFFFFFF;
	(pc) =	sbr.abs _section_cstart, $3  }
0xc0: {  	[dreg:$0x1] =	wrdreg $0xFFFFFFFF  }
0xc1: {  	_ =	task.clear_ibuf [dreg:s6], $0x2FFFF;
	_ =	strace $0x9FFFFFFF  }
0xc2: {  	(tm) =	ssettm $0x7FFFFFFF  }
0xc3: {  	_ =	shalt  }
tec
execute0_lowered:
.L_overlay_start_1:
0x0: {  	(tag) =	ssettag $0x1  }
0x1: {  	s0 =	rddreg [dreg:$0x0]  }
0x2: {  	s1 =	rddreg [dreg:$0x1]  }
0x3: {  	s2 =	simm.s32 $0x0;
	s3 =	srdreg.scid;
	s18 =	stileid.u32  }
0x4: {  	s28 =	simm.s32 $0x400;
	s29 =	simm.s32 $0x80;
	s30 =	simm.s32 $0x800  }
0x5: {  	s31 =	simm.s32 $0x480;
	[smem:$0x7FF] =	sst s2;
	s4 =	sadd.s32 $0x17000, s0  }
0x6: {  	s5 =	sadd.s32 $0x3000, s0;
	s3 =	sand.u32 $0x1, s3;
	s7 =	smul.u32 $0x50000, s18  }
0x7: {  	s6 =	sadd.s32 $0xD000, s0;
	s9 =	smul.u32 $0x280, s18;
	s21 =	sadd.s32 $0x8F000, s0  }
0x8: {  	s16 =	smul.u32 $0x14000, s18;
	s17 =	sshll.u32 s18, $0x4;
	s0 =	sadd.s32 $0xB7000, s0  }
0x9: {  	s8 =	ssub.s32 $0x2, s3;
	p0 =	seq.s32 s3, $0x0;
	s3 =	smul.u32 $0x90, s18  }
0xa: {  	_ =	strace $0x8000004A;
	s19 =	sor.u32 $0x900, s17;
	s18 =	smul.u32 $0x2800, s18  }
0xb: {  	s17 =	simm.s32 $0x4800;
	s10 =	sshrl.u32 s8, $0x1;
	s7 =	sshrl.u32 s7, $0x2  }
0xc: {  	s20 =	sadd.s32 $0x100, s9;
	s9 =	sadd.s32 $0x200, s9;
	s26 =	sshrl.u32 s16, $0x3  }
0xd: {  	s0 =	smov.u32 @p0 s21;
	s8 =	ssub.s32 s8, s10;
	s7 =	sadd.s32 s7, s1  }
0xe: {  	s11 =	sshll.u32 s20, $0x7;
	s15 =	sshll.u32 s9, $0x7;
	s19 =	smov.u32 @p0 s3  }
0xf: {  	s3 =	sadd.s32 $0x28000, s26;
	s22 =	sshll.u32 s20, $0x4;
	s9 =	sshll.u32 s9, $0x4  }
0x10: {  	s26 =	simm.s32 $0x2;
	s23 =	sadd.s32 $0x2000, s7;
	s24 =	sadd.s32 $0x4000, s7  }
0x11: {  	s25 =	sadd.s32 $0x6000, s7;
	s11 =	sadd.s32 s11, s1;
	s12 =	sadd.s32 $0xA000, s7  }
0x12: {  	s13 =	sadd.s32 $0xC000, s7;
	s14 =	sadd.s32 $0xE000, s7;
	s15 =	sadd.s32 s15, s1  }
0x13: {  	s16 =	sadd.s32 $0x12000, s7;
	s3 =	smov.u32 @p0 s18;
	[dreg:$0x3] =	wrdreg s23  }
0x14: {  	s18 =	simm.s32 $0x4800;
	s19 =	sshll.u32 s19, $0x7;
	[dreg:$0x4] =	wrdreg s24  }
0x15: {  	s20 =	smax.u32 s8, $0x1;
	s22 =	sadd.s32 s0, s22;
	[dreg:$0x5] =	wrdreg s25  }
0x16: {  	s18 =	simm.s32 @!p0 $0x800;
	s21 =	sadd.s32 s21, s3;
	s23 =	sadd.s32 s0, s9  }
0x17: {  	v0 =	vimm.f32 $0.0e+00;
	s24 =	simm.s32 $0x8800;
	s25 =	simm.s32 $0x1;
	s0 =	simm.s32 $0x0  }
.LBB2_1:
0x18: {  	s3 =	simm.s32 $0x0;
	s8 =	simm.s32 $0x200  }
.LBB2_2:
0x19: {  	p0 =	sne.s32 s8, $0x7E00;
	[tilespmem:s3+$0x8870] =	vst v0  }
0x1a: {  	[tilespmem:s3+$0x8800] =	vst v0  }
0x1b: {  	[tilespmem:s3+$0x8810] =	vst v0  }
.Ltmp0:
0x1c: {  	[tilespmem:s3+$0x8820] =	vst v0;
	(pc) =	sbr.rel @p0 .LBB2_2-.Ltmp0, $4  }
0x1d: {  	[tilespmem:s3+$0x8830] =	vst v0  }
0x1e: {  	[tilespmem:s3+$0x8840] =	vst v0  }
0x1f: {  	[tilespmem:s3+$0x8850] =	vst v0  }
0x20: {  	[tilespmem:s3+$0x8860] =	vst v0;
	s3 =	sshra.s32 s8, $0x2;
	s8 =	sadd.s32 $0x200, s8  }
0x21: {  	[tilespmem:s3+$0x8870] =	vst v0  }
0x22: {  	[tilespmem:s3+$0x8800] =	vst v0  }
0x23: {  	[tilespmem:s3+$0x8810] =	vst v0  }
0x24: {  	[tilespmem:s3+$0x8820] =	vst v0  }
0x25: {  	[tilespmem:s3+$0x8830] =	vst v0  }
0x26: {  	[tilespmem:s3+$0x8840] =	vst v0  }
0x27: {  	[tilespmem:s3+$0x8850] =	vst v0  }
0x28: {  	[tilespmem:s3+$0x8860] =	vst v0  }
0x29: {  	[spmem:s7] =	stream.linear.scatter [tilespmem:s24], [sflag:$0x1], $0x2000, $0x38;
	[tilespmem:$0x1E800] =	vst v63  }
0x2a: {  	s10 =	rddreg [dreg:$0x3]  }
0x2b: {  	[spmem:s10] =	stream.linear.scatter [tilespmem:s24], [sflag:$0x1], $0x2000, $0x38;
	[tilespmem:$0x1E800] =	vst v63  }
0x2c: {  	s8 =	rddreg [dreg:$0x4]  }
0x2d: {  	[spmem:s8] =	stream.linear.scatter [tilespmem:s24], [sflag:$0x1], $0x2000, $0x38;
	[tilespmem:$0x1E800] =	vst v63  }
0x2e: {  	s9 =	rddreg [dreg:$0x5]  }
0x2f: {  	[spmem:s9] =	stream.linear.scatter [tilespmem:s24], [sflag:$0x1], $0x2000, $0x38;
	[tilespmem:$0x1E800] =	vst v63  }
0x30: {  	_ = 	snop  }
0x31: {  	[spmem:s11] =	stream.linear.scatter [tilespmem:s24], [sflag:$0x1], $0x2000, $0x38;
	[tilespmem:$0x1E800] =	vst v63  }
0x32: {  	_ = 	snop  }
0x33: {  	[spmem:s12] =	stream.linear.scatter [tilespmem:s24], [sflag:$0x1], $0x2000, $0x38;
	[tilespmem:$0x1E800] =	vst v63  }
0x34: {  	_ = 	snop  }
0x35: {  	[spmem:s13] =	stream.linear.scatter [tilespmem:s24], [sflag:$0x1], $0x2000, $0x38;
	[tilespmem:$0x1E800] =	vst v63  }
0x36: {  	_ = 	snop  }
0x37: {  	[spmem:s14] =	stream.linear.scatter [tilespmem:s24], [sflag:$0x1], $0x2000, $0x38;
	[tilespmem:$0x1E800] =	vst v63  }
0x38: {  	_ = 	snop  }
0x39: {  	[spmem:s15] =	stream.linear.scatter [tilespmem:s24], [sflag:$0x1], $0x2000, $0x38;
	[tilespmem:$0x1E800] =	vst v63  }
0x3a: {  	_ = 	snop  }
0x3b: {  	[spmem:s16] =	stream.linear.scatter [tilespmem:s24], [sflag:$0x1], $0x2000, $0x38;
	[tilespmem:$0x1E800] =	vst v63  }
0x3c: {  	_ =	swait.ge [sflag:s25], $0x2000  }
0x3d: {  	[sflag:s25] =	ssyncset.done $0x0  }
0x3e: {  	[sflag:s25] =	ssyncadd.s32 $0xFFFFE000  }
0x3f: {  	_ =	swait.ge [sflag:s25], $0x2000  }
0x40: {  	[sflag:s25] =	ssyncset.done $0x0  }
0x41: {  	[sflag:s25] =	ssyncadd.s32 $0xFFFFE000  }
0x42: {  	_ =	swait.ge [sflag:s25], $0x2000  }
0x43: {  	[sflag:s25] =	ssyncset.done $0x0  }
0x44: {  	[sflag:s25] =	ssyncadd.s32 $0xFFFFE000  }
0x45: {  	_ =	swait.ge [sflag:s25], $0x2000  }
0x46: {  	[sflag:s25] =	ssyncset.done $0x0  }
0x47: {  	[sflag:s25] =	ssyncadd.s32 $0xFFFFE000  }
0x48: {  	_ =	swait.ge [sflag:s25], $0x2000  }
0x49: {  	[sflag:s25] =	ssyncset.done $0x0  }
0x4a: {  	[sflag:s25] =	ssyncadd.s32 $0xFFFFE000  }
0x4b: {  	_ =	swait.ge [sflag:s25], $0x2000  }
0x4c: {  	[sflag:s25] =	ssyncset.done $0x0  }
0x4d: {  	[sflag:s25] =	ssyncadd.s32 $0xFFFFE000  }
0x4e: {  	_ =	swait.ge [sflag:s25], $0x2000  }
0x4f: {  	[sflag:s25] =	ssyncset.done $0x0  }
0x50: {  	[sflag:s25] =	ssyncadd.s32 $0xFFFFE000  }
0x51: {  	_ =	swait.ge [sflag:s25], $0x2000  }
0x52: {  	[sflag:s25] =	ssyncset.done $0x0  }
0x53: {  	[sflag:s25] =	ssyncadd.s32 $0xFFFFE000  }
0x54: {  	_ =	swait.ge [sflag:s25], $0x2000  }
0x55: {  	[sflag:s25] =	ssyncset.done $0x0  }
0x56: {  	p1 =	sne.s32 s18, $0x100;
	[sflag:s25] =	ssyncadd.s32 $0xFFFFE000  }
.Ltmp1:
0x57: {  	_ =	swait.ge [sflag:s25], $0x2000;
	(pc) =	sbr.rel @!p1 .LBB2_6-.Ltmp1, $4  }
0x58: {  	[sflag:s25] =	ssyncset.done $0x0  }
0x59: {  	s10 =	simm.s32 $0x0;
	s8 =	sadd.s32 $0x0, s19;
	[sflag:s25] =	ssyncadd.s32 $0xFFFFE000  }
0x5a: {  	s3 =	sand.u32 $0x300, s10;
	s9 =	sand.u32 $0xFFFFFC00, s8;
	[bflag:$0x0] =	sbarrier.arrive $0xFFFF  }
0x5b: {  	p0 =	por $0x0, $0x0;
	s8 =	simm.s32 $0x100;
	s9 =	sor.u32 s3, s9  }
0x5c: {  	s3 =	sshrl.u32 s9, $0x3  }
0x5d: {  	s9 =	sadd.s32 s5, s3  }
0x5e: {  	[tilespmem:s2], [sflag:$0x2] =	stream.linear.gather [hbm4b:s9+s2], $0x100, $0x38;
	[tilespmem:$0x1E800] =	vst v63  }
0x5f: {  	_ =	swait.ge [sflag:s26], $0x100  }
0x60: {  	[sflag:s26] =	ssyncset.done $0x0  }
0x61: {  	s3 =	sadd.s32 s6, s3;
	[sflag:s26] =	ssyncadd.s32 $0xFFFFFF00  }
0x62: {  	[tilespmem:s28], [sflag:$0x2] =	stream.linear.gather [hbm4b:s3+s2], $0x100, $0x38;
	[tilespmem:$0x1E800] =	vst v63  }
0x63: {  	_ =	swait.ge [sflag:s26], $0x100  }
0x64: {  	[sflag:s26] =	ssyncset.done $0x0  }
0x65: {  	[sflag:s26] =	ssyncadd.s32 $0xFFFFFF00  }
0x66: {  	[tilespmem:s30], [sflag:$0x1] =	stream.indirect.gather [hbm4b:s4+s29], $0x80, s2, s29, $0xb8;
	[tilespmem:$0x1E800] =	vst v63  }
0x67: {  	_ = 	snop  }
0x68: {  	[tilespmem:s17], [sflag:$0x1] =	stream.indirect.gather [hbm4b:s4+s29], $0x80, s29, s29, $0xb8;
	[tilespmem:$0x1E800] =	vst v63  }
0x69: {  	_ =	swait.ge [sflag:s25], $0x4000  }
0x6a: {  	[sflag:s25] =	ssyncset.done $0x0  }
0x6b: {  	[sflag:s25] =	ssyncadd.s32 $0xFFFFC000  }
0x6c: {  	_ =	swait.ge [sflag:s25], $0x4000  }
0x6d: {  	[sflag:s25] =	ssyncset.done $0x0  }
0x6e: {  	[sflag:s25] =	ssyncadd.s32 $0xFFFFC000  }
0x6f: {  	[spmem:s1] =	stream.indirect.scatter.add.f32 [tilespmem:s30], [sflag:$0x2], $0x80, s28, s29, $0xb8;
	[tilespmem:$0x1E800] =	vst v63  }
0x70: {  	p1 =	sne.s32 s18, $0x200;
	_ =	swait.ge [sflag:s26], $0x4000  }
.Ltmp2:
0x71: {  	[sflag:s26] =	ssyncset.done $0x0;
	(pc) =	sbr.rel @!p1 .LBB2_6-.Ltmp2, $4  }
0x72: {  	s10 =	sadd.s32 $0x100, s19;
	s8 =	sand.u32 $0x300, s8;
	[sflag:s26] =	ssyncadd.s32 $0xFFFFC000  }
0x73: {  	[spmem:s1] =	stream.indirect.scatter.add.f32 [tilespmem:s17], [sflag:$0x2], $0x80, s31, s29, $0xb8;
	[tilespmem:$0x1E800] =	vst v63  }
0x74: {  	p0 =	por $0x1, $0x1;
	s9 =	sand.u32 $0xFFFFFC00, s10;
	_ =	swait.ge [sflag:s26], $0x4000  }
0x75: {  	s9 =	sor.u32 s8, s9;
	s3 =	simm.s32 $0x200;
	[sflag:s26] =	ssyncset.done $0x0  }
.LBB2_5:
0x76: {  	s8 =	sshrl.u32 s9, $0x3  }
0x77: {  	[sflag:s26] =	ssyncadd.s32 $0xFFFFC000;
	s9 =	smov.u32 s3;
	s3 =	sadd.s32 $0x100, s3  }
0x78: {  	p1 =	sne.s32 s18, s3;
	s10 =	sadd.s32 s5, s8  }
0x79: {  	[tilespmem:s2], [sflag:$0x2] =	stream.linear.gather [hbm4b:s10+s2], $0x100, $0x38;
	[tilespmem:$0x1E800] =	vst v63  }
0x7a: {  	_ =	swait.ge [sflag:s26], $0x100  }
0x7b: {  	[sflag:s26] =	ssyncset.done $0x0  }
0x7c: {  	s8 =	sadd.s32 s6, s8;
	[sflag:s26] =	ssyncadd.s32 $0xFFFFFF00  }
0x7d: {  	[tilespmem:s28], [sflag:$0x2] =	stream.linear.gather [hbm4b:s8+s2], $0x100, $0x38;
	[tilespmem:$0x1E800] =	vst v63  }
0x7e: {  	_ =	swait.ge [sflag:s26], $0x100  }
0x7f: {  	[sflag:s26] =	ssyncset.done $0x0  }
0x80: {  	[sflag:s26] =	ssyncadd.s32 $0xFFFFFF00  }
0x81: {  	[tilespmem:s30], [sflag:$0x1] =	stream.indirect.gather [hbm4b:s4+s29], $0x80, s2, s29, $0xb8;
	[tilespmem:$0x1E800] =	vst v63  }
0x82: {  	_ = 	snop  }
0x83: {  	[tilespmem:s17], [sflag:$0x1] =	stream.indirect.gather [hbm4b:s4+s29], $0x80, s29, s29, $0xb8;
	[tilespmem:$0x1E800] =	vst v63  }
0x84: {  	_ =	swait.ge [sflag:s25], $0x4000  }
0x85: {  	[sflag:s25] =	ssyncset.done $0x0  }
0x86: {  	[sflag:s25] =	ssyncadd.s32 $0xFFFFC000  }
0x87: {  	_ =	swait.ge [sflag:s25], $0x4000  }
0x88: {  	[sflag:s25] =	ssyncset.done $0x0  }
0x89: {  	[sflag:s25] =	ssyncadd.s32 $0xFFFFC000  }
0x8a: {  	[spmem:s1] =	stream.indirect.scatter.add.f32 [tilespmem:s30], [sflag:$0x2], $0x80, s28, s29, $0xb8;
	[tilespmem:$0x1E800] =	vst v63  }
0x8b: {  	_ =	swait.ge [sflag:s26], $0x4000  }
.Ltmp3:
0x8c: {  	[sflag:s26] =	ssyncset.done $0x0;
	(pc) =	sbr.rel @p1 .LBB2_5-.Ltmp3, $4  }
0x8d: {  	s8 =	sadd.s32 s9, s19;
	[sflag:s26] =	ssyncadd.s32 $0xFFFFC000  }
0x8e: {  	[spmem:s1] =	stream.indirect.scatter.add.f32 [tilespmem:s17], [sflag:$0x2], $0x80, s31, s29, $0xb8;
	[tilespmem:$0x1E800] =	vst v63  }
0x8f: {  	s9 =	sand.u32 $0x300, s9;
	s8 =	sand.u32 $0xFFFFFC00, s8;
	_ =	swait.ge [sflag:s26], $0x4000  }
0x90: {  	s9 =	sor.u32 s9, s8;
	[sflag:s26] =	ssyncset.done $0x0  }
.LBB2_6:
0x91: {  	s3 =	sshrl.u32 s9, $0x3  }
0x92: {  	[sflag:s26] =	ssyncadd.s32 @p0 $0xFFFFC000;
	s8 =	sadd.s32 s5, s3  }
0x93: {  	[tilespmem:s2], [sflag:$0x2] =	stream.linear.gather [hbm4b:s8+s2], $0x100, $0x38;
	[tilespmem:$0x1E800] =	vst v63  }
0x94: {  	_ =	swait.ge [sflag:s26], $0x100  }
0x95: {  	[sflag:s26] =	ssyncset.done $0x0  }
0x96: {  	s3 =	sadd.s32 s6, s3;
	[sflag:s26] =	ssyncadd.s32 $0xFFFFFF00  }
0x97: {  	[tilespmem:s28], [sflag:$0x2] =	stream.linear.gather [hbm4b:s3+s2], $0x100, $0x38;
	[tilespmem:$0x1E800] =	vst v63  }
0x98: {  	_ =	swait.ge [sflag:s26], $0x100  }
0x99: {  	[sflag:s26] =	ssyncset.done $0x0  }
0x9a: {  	[sflag:s26] =	ssyncadd.s32 $0xFFFFFF00  }
0x9b: {  	[tilespmem:s30], [sflag:$0x1] =	stream.indirect.gather [hbm4b:s4+s29], $0x80, s2, s29, $0xb8;
	[tilespmem:$0x1E800] =	vst v63  }
0x9c: {  	_ = 	snop  }
0x9d: {  	[tilespmem:s17], [sflag:$0x1] =	stream.indirect.gather [hbm4b:s4+s29], $0x80, s29, s29, $0xb8;
	[tilespmem:$0x1E800] =	vst v63  }
0x9e: {  	_ =	swait.ge [sflag:s25], $0x4000  }
0x9f: {  	[sflag:s25] =	ssyncset.done $0x0  }
0xa0: {  	[sflag:s25] =	ssyncadd.s32 $0xFFFFC000  }
0xa1: {  	_ =	swait.ge [sflag:s25], $0x4000  }
0xa2: {  	[sflag:s25] =	ssyncset.done $0x0  }
0xa3: {  	[sflag:s25] =	ssyncadd.s32 $0xFFFFC000  }
0xa4: {  	[spmem:s1] =	stream.indirect.scatter.add.f32 [tilespmem:s30], [sflag:$0x2], $0x80, s28, s29, $0xb8;
	[tilespmem:$0x1E800] =	vst v63  }
0xa5: {  	_ =	swait.ge [sflag:s26], $0x4000  }
0xa6: {  	[sflag:s26] =	ssyncset.done $0x0  }
0xa7: {  	[sflag:s26] =	ssyncadd.s32 $0xFFFFC000  }
0xa8: {  	[spmem:s1] =	stream.indirect.scatter.add.f32 [tilespmem:s17], [sflag:$0x2], $0x80, s31, s29, $0xb8;
	[tilespmem:$0x1E800] =	vst v63  }
0xa9: {  	_ =	swait.ge [sflag:s26], $0x4000  }
0xaa: {  	[sflag:s26] =	ssyncset.done $0x0  }
0xab: {  	[sflag:s26] =	ssyncadd.s32 $0xFFFFC000  }
0xac: {  	[bflag:$0x0] =	sbarrier.arrive $0xFFFF  }
0xad: {  	[tilespmem:s30], [sflag:$0x2] =	stream.linear.gather [spmem:s7], $0x8000, $0x38;
	[tilespmem:$0x1E800] =	vst v63  }
0xae: {  	_ =	swait.ge [sflag:s26], $0x8000  }
0xaf: {  	[sflag:s26] =	ssyncset.done $0x0  }
0xb0: {  	[sflag:s26] =	ssyncadd.s32 $0xFFFF8000  }
0xb1: {  	[hbm4b:s21+s2] =	stream.linear.scatter [tilespmem:s30], [sflag:$0x2], $0x8000, $0x38;
	[tilespmem:$0x1E800] =	vst v63  }
0xb2: {  	_ =	swait.ge [sflag:s26], $0x8000  }
0xb3: {  	[sflag:s26] =	ssyncset.done $0x0  }
0xb4: {  	[sflag:s26] =	ssyncadd.s32 $0xFFFF8000  }
0xb5: {  	[tilespmem:s30], [sflag:$0x2] =	stream.linear.gather [spmem:s11], $0x8000, $0x38;
	[tilespmem:$0x1E800] =	vst v63  }
0xb6: {  	_ =	swait.ge [sflag:s26], $0x8000  }
0xb7: {  	[sflag:s26] =	ssyncset.done $0x0  }
0xb8: {  	[sflag:s26] =	ssyncadd.s32 $0xFFFF8000  }
0xb9: {  	[hbm4b:s22+s2] =	stream.linear.scatter [tilespmem:s30], [sflag:$0x2], $0x8000, $0x38;
	[tilespmem:$0x1E800] =	vst v63  }
0xba: {  	_ =	swait.ge [sflag:s26], $0x8000  }
0xbb: {  	[sflag:s26] =	ssyncset.done $0x0  }
0xbc: {  	[sflag:s26] =	ssyncadd.s32 $0xFFFF8000  }
0xbd: {  	[tilespmem:s30], [sflag:$0x2] =	stream.linear.gather [spmem:s15], $0x4000, $0x38;
	[tilespmem:$0x1E800] =	vst v63  }
0xbe: {  	s0 =	sadd.s32 $0x1, s0;
	_ =	swait.ge [sflag:s26], $0x4000  }
0xbf: {  	p0 =	sne.s32 s0, s20;
	[sflag:s26] =	ssyncset.done $0x0  }
.Ltmp4:
0xc0: {  	[sflag:s26] =	ssyncadd.s32 $0xFFFFC000;
	(pc) =	sbr.rel @p0 .LBB2_1-.Ltmp4, $4  }
0xc1: {  	[hbm4b:s23+s2] =	stream.linear.scatter [tilespmem:s30], [sflag:$0x2], $0x4000, $0x38;
	[tilespmem:$0x1E800] =	vst v63  }
0xc2: {  	_ =	swait.ge [sflag:s26], $0x4000  }
0xc3: {  	[sflag:s26] =	ssyncset.done $0x0  }
0xc4: {  	[sflag:s26] =	ssyncadd.s32 $0xFFFFC000  }
0xc5: {  	_ =	sfence.sel $0x180000  }
0xc6: {  	[bflag:$0x0] =	sbarrier.arrive $0xFFFF  }
0xc7: {  	_ =	strace $0x9000004A  }
0xc8: {  	s0 =	stileid.u32;
	[bflag:$0x2] =	sbarrier.arrive $0xFFFF  }
0xc9: {  	p0 =	sne.s32 s0, $0x0;
	s0 =	rddreg [dreg:$0x2]  }
0xca: {  	s0 =	sadd.s32 @!p0 $0x100000, s0  }
0xcb: {  	[sflag:s0] =	ssyncadd.tile.s32 @!p0 $0x1;
	_ =	shalt  }
.Lfunc_end2:
_tile_overlayer_lowered:
.L_overlay_start_2:
0xcc: {  	(tag) =	ssettag $0x2  }
0xcd: {  	s0 =	rddreg [dreg:$0x0];
	s2 =	stileid.u32  }
0xce: {  	s1 =	rddreg [dreg:$0x1];
	p0 =	sne.s32 s2, $0x0  }
0xcf: {  	s3 =	rddreg [dreg:$0x2];
	[bflag:$0x3] =	sbarrier.arrive $0xFFFF;
	s2 =	simm.s32 @!p0 $0x1C02  }
0xd0: {  	[timem:s3], [sflag:s2] =	dma.local @!p0 [hbm:s0], s1  }
0xd1: {  	s0 =	simm.s32 @!p0 $0x2  }
0xd2: {  	_ =	swait.ge @!p0 [sflag:s0], s1  }
0xd3: {  	s1 =	ssub.s32 @!p0 $0x0, s1;
	[sflag:s0] =	ssyncset.done @!p0 $0x0  }
0xd4: {  	[sflag:s0] =	ssyncadd.s32 @!p0 s1  }
0xd5: {  	[bflag:$0x3] =	sbarrier.arrive $0xFFFF  }
0xd6: {  	_ =	shalt  }

// kernel: kernel.15.cloned.1.call-start
scs
__scs_entry_jumppad:
0x0: {  	(pc) =	sbr.rel $0x88, $3  }
0x1: {  	(tag) =	ssettag $0x0;
	lr =	simm.s32 $0x1  }
0x2: {  	[smem:$0x3F9A] =	sst lr;
	_ =	strace $0xD0000000  }
0x3: {  	_ = 	snop  }
0x4: {  	_ = 	snop  }
0x5: {  	_ = 	snop  }
0x6: {  	_ = 	snop  }
0x7: {  	_ = 	snop  }
__scs_overlays_trampoline_lowered:
0x8: {  	[smem:$0x3FA9] =	sst s0  }
0x9: {  	[smem:$0x3FAA] =	sst s1  }
0xa: {  	[smem:$0x3FAB] =	sst s2  }
0xb: {  	[smem:$0x3FAC] =	sst s3  }
0xc: {  	[smem:$0x3FAD] =	sst s4  }
0xd: {  	[smem:$0x3FAE] =	sst s5  }
0xe: {  	[smem:$0x3FAF] =	sst s6  }
0xf: {  	[smem:$0x3FB0] =	sst s7  }
0x10: {  	[smem:$0x3FB1] =	sst s8  }
0x11: {  	[smem:$0x3FB2] =	sst s9;
	s0 =	simm.s32 @!p0 $0x0  }
0x12: {  	s1 =	sld [smem:$0x3F98];
	s0 =	simm.s32 @p0 $0x1  }
0x13: {  	[smem:$0x3FB3] =	sst s0;
	s0 =	simm.s32 @!p1 $0x0  }
0x14: {  	s2 =	sld [smem:$0x3F97];
	s0 =	simm.s32 @p1 $0x1  }
0x15: {  	[smem:$0x3FB4] =	sst s0;
	s0 =	simm.s32 @!p2 $0x0  }
0x16: {  	s3 =	sld [smem:$0x3FDB];
	s0 =	simm.s32 @p2 $0x1  }
0x17: {  	s4 =	simm.s32 $0x1BF5;
	[smem:$0x3FB6] =	sst s0  }
0x18: {  	s0 =	sld [smem:$0x3F99];
	_ =	swait.ge [sflag:s4], $0x0  }
0x19: {  	s7 =	sld [smem:$0x3F9A]  }
0x1a: {  	s8 =	sadd.s32 $0xFFFFE003, lr  }
0x1b: {  	s9 =	sadd.s32 $0xFFFFFEF7, lr;
	s5 =	simm.s32 $0xFFFFFFFF;
	p2 =	slt.u32 s8, $0xFFFFF086  }
0x1c: {  	p1 =	slt.u32 s9, $0xF7A;
	s5 =	simm.s32 @!p2 $0x0  }
0x1d: {  	s5 =	simm.s32 @p1 $0x1;
	p0 =	seq.s32 s7, s2  }
0x1e: {  	s7 =	smul.u32 @!p0 $0xF7A, s2;
	p2 =	seq.s32 @!p0 s5, $0x0  }
0x1f: {  	s9 =	smul.u32 $0xF7A, s1;
	s8 =	simm.s32 @!p0 $0x1BF5;
	p2 =	por !p2, p0  }
0x20: {  	[sflag:s8] =	ssyncset.s32 @!p0 $0xFFFFF086;
	s6 =	sadd.s32 @!p0 s3, s7;
	s7 =	simm.s32 @!p0 $0x108  }
0x21: {  	s3 =	sadd.s32 s3, s9;
	s6 =	sadd.s32 @!p0 $0x88, s6;
	s7 =	simm.s32 @p2 $0x1082  }
0x22: {  	[simem:s7], [sflag:s8] =	dma.local @!p0 [hbm:s6], $0xF7A  }
0x23: {  	s9 =	sor.u32 $0xD0000000, s2;
	s6 =	simm.s32 $0x108;
	_ =	swait.ge @!p0 [sflag:s8], $0x0  }
0x24: {  	s3 =	sadd.s32 $0x88, s3;
	s6 =	simm.s32 @!p1 $0x1082;
	[sflag:s4] =	ssyncset.s32 $0xFFFFF086  }
0x25: {  	[simem:s6], [sflag:s4] =	dma.local [hbm:s3], $0xF7A  }
0x26: {  	[smem:$0x3F9A] =	sst s1;
	(tag) =	ssettag s2;
	_ =	strace s9  }
0x27: {  	s1 =	sld [smem:$0x3FAA]  }
0x28: {  	s2 =	sld [smem:$0x3FAB]  }
0x29: {  	s4 =	sld [smem:$0x3FAD]  }
0x2a: {  	p0 =	seq.s32 s5, $0x0;
	s5 =	sld [smem:$0x3FAE]  }
0x2b: {  	s6 =	sld [smem:$0x3FAF]  }
0x2c: {  	s7 =	sld [smem:$0x3FB0]  }
0x2d: {  	s3 =	simm.s32 $0x108;
	s8 =	sld [smem:$0x3FB1]  }
0x2e: {  	s3 =	simm.s32 @!p0 $0x1082;
	s9 =	sld [smem:$0x3FB2]  }
0x2f: {  	lr =	sadd.s32 s0, s3;
	s0 =	sld [smem:$0x3FA9]  }
0x30: {  	s3 =	sld [smem:$0x3FAC]  }
0x31: {  	[smem:$0x3FB5] =	sst s10  }
0x32: {  	s10 =	sld [smem:$0x3FB3];
	_ =	sdelay $0x3  }
0x33: {  	p0 =	seq.s32 s10, $0x1;
	s10 =	sld [smem:$0x3FB5];
	_ =	sdelay $0x3  }
0x34: {  	[smem:$0x3FB5] =	sst s10  }
0x35: {  	s10 =	sld [smem:$0x3FB4];
	_ =	sdelay $0x3  }
0x36: {  	p1 =	seq.s32 s10, $0x1;
	s10 =	sld [smem:$0x3FB5];
	_ =	sdelay $0x3  }
0x37: {  	[smem:$0x3FB5] =	sst s10  }
0x38: {  	s10 =	sld [smem:$0x3FB6]  }
0x39: {  	_ = 	snop;
	(pc) =	sbr.ind lr, $3  }
0x3a: {  	_ = 	snop  }
0x3b: {  	_ = 	snop  }
0x3c: {  	p2 =	seq.s32 s10, $0x1;
	s10 =	sld [smem:$0x3FB5]  }
0x3d: {  	_ =	shalt  }
0x3e: {  	_ =	shalt  }
0x3f: {  	_ =	shalt  }
0x40: {  	_ =	shalt  }
0x41: {  	_ =	shalt  }
0x42: {  	_ =	shalt  }
0x43: {  	_ =	shalt  }
0x44: {  	_ =	shalt  }
0x45: {  	_ =	shalt  }
0x46: {  	_ =	shalt  }
0x47: {  	_ =	shalt  }
0x48: {  	_ =	shalt  }
0x49: {  	_ =	shalt  }
0x4a: {  	_ =	shalt  }
0x4b: {  	_ =	shalt  }
0x4c: {  	_ =	shalt  }
0x4d: {  	_ =	shalt  }
0x4e: {  	_ =	shalt  }
0x4f: {  	_ =	shalt  }
0x50: {  	_ =	shalt  }
0x51: {  	_ =	shalt  }
0x52: {  	_ =	shalt  }
0x53: {  	_ =	shalt  }
0x54: {  	_ =	shalt  }
0x55: {  	_ =	shalt  }
0x56: {  	_ =	shalt  }
0x57: {  	_ =	shalt  }
0x58: {  	_ =	shalt  }
0x59: {  	_ =	shalt  }
0x5a: {  	_ =	shalt  }
0x5b: {  	_ =	shalt  }
0x5c: {  	_ =	shalt  }
0x5d: {  	_ =	shalt  }
0x5e: {  	_ =	shalt  }
0x5f: {  	_ =	shalt  }
0x60: {  	_ =	shalt  }
0x61: {  	_ =	shalt  }
0x62: {  	_ =	shalt  }
0x63: {  	_ =	shalt  }
0x64: {  	_ =	shalt  }
0x65: {  	_ =	shalt  }
0x66: {  	_ =	shalt  }
0x67: {  	_ =	shalt  }
0x68: {  	_ =	shalt  }
0x69: {  	_ =	shalt  }
0x6a: {  	_ =	shalt  }
0x6b: {  	_ =	shalt  }
0x6c: {  	_ =	shalt  }
0x6d: {  	_ =	shalt  }
0x6e: {  	_ =	shalt  }
0x6f: {  	_ =	shalt  }
0x70: {  	_ =	shalt  }
0x71: {  	_ =	shalt  }
0x72: {  	_ =	shalt  }
0x73: {  	_ =	shalt  }
0x74: {  	_ =	shalt  }
0x75: {  	_ =	shalt  }
0x76: {  	_ =	shalt  }
0x77: {  	_ =	shalt  }
0x78: {  	_ =	shalt  }
0x79: {  	_ =	shalt  }
0x7a: {  	_ =	shalt  }
0x7b: {  	_ =	shalt  }
0x7c: {  	_ =	shalt  }
0x7d: {  	_ =	shalt  }
0x7e: {  	_ =	shalt  }
0x7f: {  	_ =	shalt  }
0x80: {  	_ =	shalt  }
0x81: {  	_ =	shalt  }
0x82: {  	_ =	shalt  }
0x83: {  	_ =	shalt  }
0x84: {  	_ =	shalt  }
0x85: {  	_ =	shalt  }
0x86: {  	_ =	shalt  }
0x87: {  	_ =	shalt  }
.Lfunc_end0:
.L_simem_size_0:
called_computation.2_lowered:
.L_overlay_start_0:
0x88: {  	s2 =	sld [smem:$0x3FD9]  }
0x89: {  	s3 =	sld [smem:$0x3FFE];
	_ =	sdelay $0x1  }
0x8a: {  	s1 =	srdreg.scid  }
0x8b: {  	s0 =	sand.u32 $0x1, s1  }
0x8c: {  	s16 =	sshll.u32 s0, $0xA;
	s2 =	sadd.s32 s3, s2  }
0x8d: {  	s2 =	sadd.s32 s2, s16  }
0x8e: {  	[smem:$0x3FC1] =	sst s2  }
0x8f: {  	_ = 	snop  }
0x90: {  	(tm) =	ssettm $0x1  }
0x91: {  	s17 =	sld [smem:$0x3FFB];
	_ =	sdelay $0x3  }
0x92: {  	_ =	strace s17  }
0x93: {  	s2 =	sld [smem:$0x3FFC];
	_ =	sdelay $0x3  }
0x94: {  	_ =	strace s2  }
0x95: {  	s2 =	sld [smem:$0x3FFD];
	_ =	sdelay $0x3  }
0x96: {  	_ =	strace s2  }
0x97: {  	_ =	strace $0x8FFFFFFF  }
0x98: {  	s18 =	sld [smem:$0x3FDB];
	_ =	sdelay $0x1  }
0x99: {  	s19 =	simm.s32 $_scs_section_size  }
0x9a: {  	s4 =	simm.s32 $_size__tile_overlayer_lowered;
	s5 =	simm.s32 $_tile_overlayer_lowered  }
0x9b: {  	s22 =	simm.s32 $0x1BFF;
	s21 =	sshll.u32 s5, $0x1;
	s2 =	sadd.s32 s19, s18  }
0x9c: {  	s6 =	simm.s32 $0x0;
	s20 =	sshll.u32 s4, $0x1;
	s4 =	sadd.s32 s21, s2  }
0x9d: {  	[timem:s6], [sflag:s22] =	dma.local [hbm:s4], s20  }
0x9e: {  	_ =	swait.ge [sflag:s22], s20  }
0x9f: {  	s3 =	ssub.s32 $0x0, s20;
	[sflag:s22] =	ssyncset.done $0x0  }
0xa0: {  	[sflag:s22] =	ssyncadd.s32 s3;
	_ =	sdelay $0x1  }
0xa1: {  	s23 =	simm.s32 $0x1B8B  }
0xa2: {  	_ =	swait.ge [sflag:s23], $0x1  }
0xa3: {  	[sflag:s23] =	ssyncset.done $0x0  }
0xa4: {  	s25 =	simm.s32 $0x1B8E;
	s24 =	sld [smem:$0x3FFE];
	[sflag:s23] =	ssyncadd.s32 $0xFFFFFFFF  }
0xa5: {  	s26 =	simm.s32 $execute0_lowered;
	[smem:$0x3FD2] =	sst s25  }
0xa6: {  	s4 =	sshll.u32 s26, $0x1;
	_ =	strace $0x8000004C;
	[dreg:$0x1] =	wrdreg $0xFFFFFFFF  }
0xa7: {  	s28 =	simm.s32 $_size_execute0_lowered;
	s2 =	sadd.s32 s2, s4;
	[dreg:$0x0] =	wrdreg $0x0  }
0xa8: {  	s4 =	sshll.u32 s28, $0x1;
	[dreg:$0x2] =	wrdreg s2  }
0xa9: {  	[dreg:$0x3] =	wrdreg s4  }
0xaa: {  	[dreg:$0x4] =	wrdreg $0xC0  }
0xab: {  	_ =	task [dreg:s6], $0x5FFFF  }
0xac: {  	[dreg:$0x1] =	wrdreg $0xFFFFFFFF  }
0xad: {  	[dreg:$0x0] =	wrdreg $0x60  }
0xae: {  	[dreg:$0x2] =	wrdreg s24  }
0xaf: {  	[dreg:$0x3] =	wrdreg $0xA8000  }
0xb0: {  	[dreg:$0x4] =	wrdreg $0x9  }
0xb1: {  	_ =	task.clear_ibuf [dreg:s6], $0x5FFFF;
	_ =	strace $0x9000004C  }
0xb2: {  	s29 =	simm.s32 $0x9;
	_ =	strace $0x8000004E  }
0xb3: {  	_ =	swait.ge [sflag:s29], $0x1  }
0xb4: {  	[sflag:s29] =	ssyncadd.s32 $0xFFFFFFFF  }
0xb5: {  	_ =	strace $0x9000004E  }
0xb6: {  	_ =	sfence  }
0xb7: {  	s30 =	sld [smem:$0x0];
	_ =	sdelay $0x2  }
0xb8: {  	s31 =	sshll.u32 s1, $0xD;
	s1 =	sshrl.u32 s1, $0x2  }
0xb9: {  	s3 =	sand.u32 $0x4000, s31;
	s1 =	sadd.s32 s1, s30  }
0xba: {  	s0 =	sor.u32 s3, s0;
	s1 =	sshll.u32 s1, $0x11  }
0xbb: {  	s0 =	sor.u32 s1, s0  }
0xbc: {  	s0 =	sadd.s32 $0x8F2B, s0  }
0xbd: {  	[sflag:s0] =	ssyncadd.remote.s32 $0x1  }
0xbe: {  	_ =	sfence.sel $0xFFFF  }
0xbf: {  	[dreg:$0x0] =	wrdreg $0xFFFFFFFF;
	(pc) =	sbr.abs _section_cstart, $3  }
0xc0: {  	[dreg:$0x1] =	wrdreg $0xFFFFFFFF  }
0xc1: {  	_ =	task.clear_ibuf [dreg:s6], $0x2FFFF;
	_ =	strace $0x9FFFFFFF  }
0xc2: {  	(tm) =	ssettm $0x7FFFFFFF  }
0xc3: {  	_ =	shalt  }
tec
execute0_lowered:
.L_overlay_start_1:
0x0: {  	(tag) =	ssettag $0x1  }
0x1: {  	s0 =	rddreg [dreg:$0x0]  }
0x2: {  	s1 =	rddreg [dreg:$0x1]  }
0x3: {  	s2 =	simm.s32 $0x0;
	s3 =	srdreg.scid;
	s18 =	stileid.u32  }
0x4: {  	s28 =	simm.s32 $0x400;
	s29 =	simm.s32 $0x80;
	s30 =	simm.s32 $0x800  }
0x5: {  	s31 =	simm.s32 $0x480;
	[smem:$0x7FF] =	sst s2;
	s4 =	sadd.s32 $0x17000, s0  }
0x6: {  	s5 =	sadd.s32 $0xD000, s0;
	s3 =	sand.u32 $0x1, s3;
	s7 =	smul.u32 $0x50000, s18  }
0x7: {  	s6 =	sadd.s32 $0x3000, s0;
	s9 =	smul.u32 $0x280, s18;
	s21 =	sadd.s32 $0x8F000, s0  }
0x8: {  	s16 =	smul.u32 $0x14000, s18;
	s17 =	sshll.u32 s18, $0x4;
	s0 =	sadd.s32 $0xB7000, s0  }
0x9: {  	s8 =	ssub.s32 $0x2, s3;
	p0 =	seq.s32 s3, $0x0;
	s3 =	smul.u32 $0x90, s18  }
0xa: {  	_ =	strace $0x8000004D;
	s19 =	sor.u32 $0x900, s17;
	s18 =	smul.u32 $0x2800, s18  }
0xb: {  	s17 =	simm.s32 $0x4800;
	s10 =	sshrl.u32 s8, $0x1;
	s7 =	sshrl.u32 s7, $0x2  }
0xc: {  	s20 =	sadd.s32 $0x100, s9;
	s9 =	sadd.s32 $0x200, s9;
	s26 =	sshrl.u32 s16, $0x3  }
0xd: {  	s0 =	smov.u32 @p0 s21;
	s8 =	ssub.s32 s8, s10;
	s7 =	sadd.s32 s7, s1  }
0xe: {  	s11 =	sshll.u32 s20, $0x7;
	s15 =	sshll.u32 s9, $0x7;
	s19 =	smov.u32 @p0 s3  }
0xf: {  	s3 =	sadd.s32 $0x28000, s26;
	s22 =	sshll.u32 s20, $0x4;
	s9 =	sshll.u32 s9, $0x4  }
0x10: {  	s26 =	simm.s32 $0x2;
	s23 =	sadd.s32 $0x2000, s7;
	s24 =	sadd.s32 $0x4000, s7  }
0x11: {  	s25 =	sadd.s32 $0x6000, s7;
	s11 =	sadd.s32 s11, s1;
	s12 =	sadd.s32 $0xA000, s7  }
0x12: {  	s13 =	sadd.s32 $0xC000, s7;
	s14 =	sadd.s32 $0xE000, s7;
	s15 =	sadd.s32 s15, s1  }
0x13: {  	s16 =	sadd.s32 $0x12000, s7;
	s3 =	smov.u32 @p0 s18;
	[dreg:$0x3] =	wrdreg s23  }
0x14: {  	s18 =	simm.s32 $0x4800;
	s19 =	sshll.u32 s19, $0x7;
	[dreg:$0x4] =	wrdreg s24  }
0x15: {  	s20 =	smax.u32 s8, $0x1;
	s22 =	sadd.s32 s0, s22;
	[dreg:$0x5] =	wrdreg s25  }
0x16: {  	s18 =	simm.s32 @!p0 $0x800;
	s21 =	sadd.s32 s21, s3;
	s23 =	sadd.s32 s0, s9  }
0x17: {  	v0 =	vimm.f32 $0.0e+00;
	s24 =	simm.s32 $0x8800;
	s25 =	simm.s32 $0x1;
	s0 =	simm.s32 $0x0  }
.LBB2_1:
0x18: {  	s3 =	simm.s32 $0x0;
	s8 =	simm.s32 $0x200  }
.LBB2_2:
0x19: {  	p0 =	sne.s32 s8, $0x7E00;
	[tilespmem:s3+$0x8870] =	vst v0  }
0x1a: {  	[tilespmem:s3+$0x8800] =	vst v0  }
0x1b: {  	[tilespmem:s3+$0x8810] =	vst v0  }
.Ltmp0:
0x1c: {  	[tilespmem:s3+$0x8820] =	vst v0;
	(pc) =	sbr.rel @p0 .LBB2_2-.Ltmp0, $4  }
0x1d: {  	[tilespmem:s3+$0x8830] =	vst v0  }
0x1e: {  	[tilespmem:s3+$0x8840] =	vst v0  }
0x1f: {  	[tilespmem:s3+$0x8850] =	vst v0  }
0x20: {  	[tilespmem:s3+$0x8860] =	vst v0;
	s3 =	sshra.s32 s8, $0x2;
	s8 =	sadd.s32 $0x200, s8  }
0x21: {  	[tilespmem:s3+$0x8870] =	vst v0  }
0x22: {  	[tilespmem:s3+$0x8800] =	vst v0  }
0x23: {  	[tilespmem:s3+$0x8810] =	vst v0  }
0x24: {  	[tilespmem:s3+$0x8820] =	vst v0  }
0x25: {  	[tilespmem:s3+$0x8830] =	vst v0  }
0x26: {  	[tilespmem:s3+$0x8840] =	vst v0  }
0x27: {  	[tilespmem:s3+$0x8850] =	vst v0  }
0x28: {  	[tilespmem:s3+$0x8860] =	vst v0  }
0x29: {  	[spmem:s7] =	stream.linear.scatter [tilespmem:s24], [sflag:$0x1], $0x2000, $0x38;
	[tilespmem:$0x1E800] =	vst v63  }
0x2a: {  	s10 =	rddreg [dreg:$0x3]  }
0x2b: {  	[spmem:s10] =	stream.linear.scatter [tilespmem:s24], [sflag:$0x1], $0x2000, $0x38;
	[tilespmem:$0x1E800] =	vst v63  }
0x2c: {  	s8 =	rddreg [dreg:$0x4]  }
0x2d: {  	[spmem:s8] =	stream.linear.scatter [tilespmem:s24], [sflag:$0x1], $0x2000, $0x38;
	[tilespmem:$0x1E800] =	vst v63  }
0x2e: {  	s9 =	rddreg [dreg:$0x5]  }
0x2f: {  	[spmem:s9] =	stream.linear.scatter [tilespmem:s24], [sflag:$0x1], $0x2000, $0x38;
	[tilespmem:$0x1E800] =	vst v63  }
0x30: {  	_ = 	snop  }
0x31: {  	[spmem:s11] =	stream.linear.scatter [tilespmem:s24], [sflag:$0x1], $0x2000, $0x38;
	[tilespmem:$0x1E800] =	vst v63  }
0x32: {  	_ = 	snop  }
0x33: {  	[spmem:s12] =	stream.linear.scatter [tilespmem:s24], [sflag:$0x1], $0x2000, $0x38;
	[tilespmem:$0x1E800] =	vst v63  }
0x34: {  	_ = 	snop  }
0x35: {  	[spmem:s13] =	stream.linear.scatter [tilespmem:s24], [sflag:$0x1], $0x2000, $0x38;
	[tilespmem:$0x1E800] =	vst v63  }
0x36: {  	_ = 	snop  }
0x37: {  	[spmem:s14] =	stream.linear.scatter [tilespmem:s24], [sflag:$0x1], $0x2000, $0x38;
	[tilespmem:$0x1E800] =	vst v63  }
0x38: {  	_ = 	snop  }
0x39: {  	[spmem:s15] =	stream.linear.scatter [tilespmem:s24], [sflag:$0x1], $0x2000, $0x38;
	[tilespmem:$0x1E800] =	vst v63  }
0x3a: {  	_ = 	snop  }
0x3b: {  	[spmem:s16] =	stream.linear.scatter [tilespmem:s24], [sflag:$0x1], $0x2000, $0x38;
	[tilespmem:$0x1E800] =	vst v63  }
0x3c: {  	_ =	swait.ge [sflag:s25], $0x2000  }
0x3d: {  	[sflag:s25] =	ssyncset.done $0x0  }
0x3e: {  	[sflag:s25] =	ssyncadd.s32 $0xFFFFE000  }
0x3f: {  	_ =	swait.ge [sflag:s25], $0x2000  }
0x40: {  	[sflag:s25] =	ssyncset.done $0x0  }
0x41: {  	[sflag:s25] =	ssyncadd.s32 $0xFFFFE000  }
0x42: {  	_ =	swait.ge [sflag:s25], $0x2000  }
0x43: {  	[sflag:s25] =	ssyncset.done $0x0  }
0x44: {  	[sflag:s25] =	ssyncadd.s32 $0xFFFFE000  }
0x45: {  	_ =	swait.ge [sflag:s25], $0x2000  }
0x46: {  	[sflag:s25] =	ssyncset.done $0x0  }
0x47: {  	[sflag:s25] =	ssyncadd.s32 $0xFFFFE000  }
0x48: {  	_ =	swait.ge [sflag:s25], $0x2000  }
0x49: {  	[sflag:s25] =	ssyncset.done $0x0  }
0x4a: {  	[sflag:s25] =	ssyncadd.s32 $0xFFFFE000  }
0x4b: {  	_ =	swait.ge [sflag:s25], $0x2000  }
0x4c: {  	[sflag:s25] =	ssyncset.done $0x0  }
0x4d: {  	[sflag:s25] =	ssyncadd.s32 $0xFFFFE000  }
0x4e: {  	_ =	swait.ge [sflag:s25], $0x2000  }
0x4f: {  	[sflag:s25] =	ssyncset.done $0x0  }
0x50: {  	[sflag:s25] =	ssyncadd.s32 $0xFFFFE000  }
0x51: {  	_ =	swait.ge [sflag:s25], $0x2000  }
0x52: {  	[sflag:s25] =	ssyncset.done $0x0  }
0x53: {  	[sflag:s25] =	ssyncadd.s32 $0xFFFFE000  }
0x54: {  	_ =	swait.ge [sflag:s25], $0x2000  }
0x55: {  	[sflag:s25] =	ssyncset.done $0x0  }
0x56: {  	p1 =	sne.s32 s18, $0x100;
	[sflag:s25] =	ssyncadd.s32 $0xFFFFE000  }
.Ltmp1:
0x57: {  	_ =	swait.ge [sflag:s25], $0x2000;
	(pc) =	sbr.rel @!p1 .LBB2_6-.Ltmp1, $4  }
0x58: {  	[sflag:s25] =	ssyncset.done $0x0  }
0x59: {  	s10 =	simm.s32 $0x0;
	s8 =	sadd.s32 $0x0, s19;
	[sflag:s25] =	ssyncadd.s32 $0xFFFFE000  }
0x5a: {  	s3 =	sand.u32 $0x300, s10;
	s9 =	sand.u32 $0xFFFFFC00, s8;
	[bflag:$0x0] =	sbarrier.arrive $0xFFFF  }
0x5b: {  	p0 =	por $0x0, $0x0;
	s8 =	simm.s32 $0x100;
	s9 =	sor.u32 s3, s9  }
0x5c: {  	s3 =	sshrl.u32 s9, $0x3  }
0x5d: {  	s9 =	sadd.s32 s5, s3  }
0x5e: {  	[tilespmem:s2], [sflag:$0x2] =	stream.linear.gather [hbm4b:s9+s2], $0x100, $0x38;
	[tilespmem:$0x1E800] =	vst v63  }
0x5f: {  	_ =	swait.ge [sflag:s26], $0x100  }
0x60: {  	[sflag:s26] =	ssyncset.done $0x0  }
0x61: {  	s3 =	sadd.s32 s6, s3;
	[sflag:s26] =	ssyncadd.s32 $0xFFFFFF00  }
0x62: {  	[tilespmem:s28], [sflag:$0x2] =	stream.linear.gather [hbm4b:s3+s2], $0x100, $0x38;
	[tilespmem:$0x1E800] =	vst v63  }
0x63: {  	_ =	swait.ge [sflag:s26], $0x100  }
0x64: {  	[sflag:s26] =	ssyncset.done $0x0  }
0x65: {  	[sflag:s26] =	ssyncadd.s32 $0xFFFFFF00  }
0x66: {  	[tilespmem:s30], [sflag:$0x1] =	stream.indirect.gather [hbm4b:s4+s29], $0x80, s2, s29, $0xb8;
	[tilespmem:$0x1E800] =	vst v63  }
0x67: {  	_ = 	snop  }
0x68: {  	[tilespmem:s17], [sflag:$0x1] =	stream.indirect.gather [hbm4b:s4+s29], $0x80, s29, s29, $0xb8;
	[tilespmem:$0x1E800] =	vst v63  }
0x69: {  	_ =	swait.ge [sflag:s25], $0x4000  }
0x6a: {  	[sflag:s25] =	ssyncset.done $0x0  }
0x6b: {  	[sflag:s25] =	ssyncadd.s32 $0xFFFFC000  }
0x6c: {  	_ =	swait.ge [sflag:s25], $0x4000  }
0x6d: {  	[sflag:s25] =	ssyncset.done $0x0  }
0x6e: {  	[sflag:s25] =	ssyncadd.s32 $0xFFFFC000  }
0x6f: {  	[spmem:s1] =	stream.indirect.scatter.add.f32 [tilespmem:s30], [sflag:$0x2], $0x80, s28, s29, $0xb8;
	[tilespmem:$0x1E800] =	vst v63  }
0x70: {  	p1 =	sne.s32 s18, $0x200;
	_ =	swait.ge [sflag:s26], $0x4000  }
.Ltmp2:
0x71: {  	[sflag:s26] =	ssyncset.done $0x0;
	(pc) =	sbr.rel @!p1 .LBB2_6-.Ltmp2, $4  }
0x72: {  	s10 =	sadd.s32 $0x100, s19;
	s8 =	sand.u32 $0x300, s8;
	[sflag:s26] =	ssyncadd.s32 $0xFFFFC000  }
0x73: {  	[spmem:s1] =	stream.indirect.scatter.add.f32 [tilespmem:s17], [sflag:$0x2], $0x80, s31, s29, $0xb8;
	[tilespmem:$0x1E800] =	vst v63  }
0x74: {  	p0 =	por $0x1, $0x1;
	s9 =	sand.u32 $0xFFFFFC00, s10;
	_ =	swait.ge [sflag:s26], $0x4000  }
0x75: {  	s9 =	sor.u32 s8, s9;
	s3 =	simm.s32 $0x200;
	[sflag:s26] =	ssyncset.done $0x0  }
.LBB2_5:
0x76: {  	s8 =	sshrl.u32 s9, $0x3  }
0x77: {  	[sflag:s26] =	ssyncadd.s32 $0xFFFFC000;
	s9 =	smov.u32 s3;
	s3 =	sadd.s32 $0x100, s3  }
0x78: {  	p1 =	sne.s32 s18, s3;
	s10 =	sadd.s32 s5, s8  }
0x79: {  	[tilespmem:s2], [sflag:$0x2] =	stream.linear.gather [hbm4b:s10+s2], $0x100, $0x38;
	[tilespmem:$0x1E800] =	vst v63  }
0x7a: {  	_ =	swait.ge [sflag:s26], $0x100  }
0x7b: {  	[sflag:s26] =	ssyncset.done $0x0  }
0x7c: {  	s8 =	sadd.s32 s6, s8;
	[sflag:s26] =	ssyncadd.s32 $0xFFFFFF00  }
0x7d: {  	[tilespmem:s28], [sflag:$0x2] =	stream.linear.gather [hbm4b:s8+s2], $0x100, $0x38;
	[tilespmem:$0x1E800] =	vst v63  }
0x7e: {  	_ =	swait.ge [sflag:s26], $0x100  }
0x7f: {  	[sflag:s26] =	ssyncset.done $0x0  }
0x80: {  	[sflag:s26] =	ssyncadd.s32 $0xFFFFFF00  }
0x81: {  	[tilespmem:s30], [sflag:$0x1] =	stream.indirect.gather [hbm4b:s4+s29], $0x80, s2, s29, $0xb8;
	[tilespmem:$0x1E800] =	vst v63  }
0x82: {  	_ = 	snop  }
0x83: {  	[tilespmem:s17], [sflag:$0x1] =	stream.indirect.gather [hbm4b:s4+s29], $0x80, s29, s29, $0xb8;
	[tilespmem:$0x1E800] =	vst v63  }
0x84: {  	_ =	swait.ge [sflag:s25], $0x4000  }
0x85: {  	[sflag:s25] =	ssyncset.done $0x0  }
0x86: {  	[sflag:s25] =	ssyncadd.s32 $0xFFFFC000  }
0x87: {  	_ =	swait.ge [sflag:s25], $0x4000  }
0x88: {  	[sflag:s25] =	ssyncset.done $0x0  }
0x89: {  	[sflag:s25] =	ssyncadd.s32 $0xFFFFC000  }
0x8a: {  	[spmem:s1] =	stream.indirect.scatter.add.f32 [tilespmem:s30], [sflag:$0x2], $0x80, s28, s29, $0xb8;
	[tilespmem:$0x1E800] =	vst v63  }
0x8b: {  	_ =	swait.ge [sflag:s26], $0x4000  }
.Ltmp3:
0x8c: {  	[sflag:s26] =	ssyncset.done $0x0;
	(pc) =	sbr.rel @p1 .LBB2_5-.Ltmp3, $4  }
0x8d: {  	s8 =	sadd.s32 s9, s19;
	[sflag:s26] =	ssyncadd.s32 $0xFFFFC000  }
0x8e: {  	[spmem:s1] =	stream.indirect.scatter.add.f32 [tilespmem:s17], [sflag:$0x2], $0x80, s31, s29, $0xb8;
	[tilespmem:$0x1E800] =	vst v63  }
0x8f: {  	s9 =	sand.u32 $0x300, s9;
	s8 =	sand.u32 $0xFFFFFC00, s8;
	_ =	swait.ge [sflag:s26], $0x4000  }
0x90: {  	s9 =	sor.u32 s9, s8;
	[sflag:s26] =	ssyncset.done $0x0  }
.LBB2_6:
0x91: {  	s3 =	sshrl.u32 s9, $0x3  }
0x92: {  	[sflag:s26] =	ssyncadd.s32 @p0 $0xFFFFC000;
	s8 =	sadd.s32 s5, s3  }
0x93: {  	[tilespmem:s2], [sflag:$0x2] =	stream.linear.gather [hbm4b:s8+s2], $0x100, $0x38;
	[tilespmem:$0x1E800] =	vst v63  }
0x94: {  	_ =	swait.ge [sflag:s26], $0x100  }
0x95: {  	[sflag:s26] =	ssyncset.done $0x0  }
0x96: {  	s3 =	sadd.s32 s6, s3;
	[sflag:s26] =	ssyncadd.s32 $0xFFFFFF00  }
0x97: {  	[tilespmem:s28], [sflag:$0x2] =	stream.linear.gather [hbm4b:s3+s2], $0x100, $0x38;
	[tilespmem:$0x1E800] =	vst v63  }
0x98: {  	_ =	swait.ge [sflag:s26], $0x100  }
0x99: {  	[sflag:s26] =	ssyncset.done $0x0  }
0x9a: {  	[sflag:s26] =	ssyncadd.s32 $0xFFFFFF00  }
0x9b: {  	[tilespmem:s30], [sflag:$0x1] =	stream.indirect.gather [hbm4b:s4+s29], $0x80, s2, s29, $0xb8;
	[tilespmem:$0x1E800] =	vst v63  }
0x9c: {  	_ = 	snop  }
0x9d: {  	[tilespmem:s17], [sflag:$0x1] =	stream.indirect.gather [hbm4b:s4+s29], $0x80, s29, s29, $0xb8;
	[tilespmem:$0x1E800] =	vst v63  }
0x9e: {  	_ =	swait.ge [sflag:s25], $0x4000  }
0x9f: {  	[sflag:s25] =	ssyncset.done $0x0  }
0xa0: {  	[sflag:s25] =	ssyncadd.s32 $0xFFFFC000  }
0xa1: {  	_ =	swait.ge [sflag:s25], $0x4000  }
0xa2: {  	[sflag:s25] =	ssyncset.done $0x0  }
0xa3: {  	[sflag:s25] =	ssyncadd.s32 $0xFFFFC000  }
0xa4: {  	[spmem:s1] =	stream.indirect.scatter.add.f32 [tilespmem:s30], [sflag:$0x2], $0x80, s28, s29, $0xb8;
	[tilespmem:$0x1E800] =	vst v63  }
0xa5: {  	_ =	swait.ge [sflag:s26], $0x4000  }
0xa6: {  	[sflag:s26] =	ssyncset.done $0x0  }
0xa7: {  	[sflag:s26] =	ssyncadd.s32 $0xFFFFC000  }
0xa8: {  	[spmem:s1] =	stream.indirect.scatter.add.f32 [tilespmem:s17], [sflag:$0x2], $0x80, s31, s29, $0xb8;
	[tilespmem:$0x1E800] =	vst v63  }
0xa9: {  	_ =	swait.ge [sflag:s26], $0x4000  }
0xaa: {  	[sflag:s26] =	ssyncset.done $0x0  }
0xab: {  	[sflag:s26] =	ssyncadd.s32 $0xFFFFC000  }
0xac: {  	[bflag:$0x0] =	sbarrier.arrive $0xFFFF  }
0xad: {  	[tilespmem:s30], [sflag:$0x2] =	stream.linear.gather [spmem:s7], $0x8000, $0x38;
	[tilespmem:$0x1E800] =	vst v63  }
0xae: {  	_ =	swait.ge [sflag:s26], $0x8000  }
0xaf: {  	[sflag:s26] =	ssyncset.done $0x0  }
0xb0: {  	[sflag:s26] =	ssyncadd.s32 $0xFFFF8000  }
0xb1: {  	[hbm4b:s21+s2] =	stream.linear.scatter [tilespmem:s30], [sflag:$0x2], $0x8000, $0x38;
	[tilespmem:$0x1E800] =	vst v63  }
0xb2: {  	_ =	swait.ge [sflag:s26], $0x8000  }
0xb3: {  	[sflag:s26] =	ssyncset.done $0x0  }
0xb4: {  	[sflag:s26] =	ssyncadd.s32 $0xFFFF8000  }
0xb5: {  	[tilespmem:s30], [sflag:$0x2] =	stream.linear.gather [spmem:s11], $0x8000, $0x38;
	[tilespmem:$0x1E800] =	vst v63  }
0xb6: {  	_ =	swait.ge [sflag:s26], $0x8000  }
0xb7: {  	[sflag:s26] =	ssyncset.done $0x0  }
0xb8: {  	[sflag:s26] =	ssyncadd.s32 $0xFFFF8000  }
0xb9: {  	[hbm4b:s22+s2] =	stream.linear.scatter [tilespmem:s30], [sflag:$0x2], $0x8000, $0x38;
	[tilespmem:$0x1E800] =	vst v63  }
0xba: {  	_ =	swait.ge [sflag:s26], $0x8000  }
0xbb: {  	[sflag:s26] =	ssyncset.done $0x0  }
0xbc: {  	[sflag:s26] =	ssyncadd.s32 $0xFFFF8000  }
0xbd: {  	[tilespmem:s30], [sflag:$0x2] =	stream.linear.gather [spmem:s15], $0x4000, $0x38;
	[tilespmem:$0x1E800] =	vst v63  }
0xbe: {  	s0 =	sadd.s32 $0x1, s0;
	_ =	swait.ge [sflag:s26], $0x4000  }
0xbf: {  	p0 =	sne.s32 s0, s20;
	[sflag:s26] =	ssyncset.done $0x0  }
.Ltmp4:
0xc0: {  	[sflag:s26] =	ssyncadd.s32 $0xFFFFC000;
	(pc) =	sbr.rel @p0 .LBB2_1-.Ltmp4, $4  }
0xc1: {  	[hbm4b:s23+s2] =	stream.linear.scatter [tilespmem:s30], [sflag:$0x2], $0x4000, $0x38;
	[tilespmem:$0x1E800] =	vst v63  }
0xc2: {  	_ =	swait.ge [sflag:s26], $0x4000  }
0xc3: {  	[sflag:s26] =	ssyncset.done $0x0  }
0xc4: {  	[sflag:s26] =	ssyncadd.s32 $0xFFFFC000  }
0xc5: {  	_ =	sfence.sel $0x180000  }
0xc6: {  	[bflag:$0x0] =	sbarrier.arrive $0xFFFF  }
0xc7: {  	_ =	strace $0x9000004D  }
0xc8: {  	s0 =	stileid.u32;
	[bflag:$0x2] =	sbarrier.arrive $0xFFFF  }
0xc9: {  	p0 =	sne.s32 s0, $0x0;
	s0 =	rddreg [dreg:$0x2]  }
0xca: {  	s0 =	sadd.s32 @!p0 $0x100000, s0  }
0xcb: {  	[sflag:s0] =	ssyncadd.tile.s32 @!p0 $0x1;
	_ =	shalt  }
.Lfunc_end2:
_tile_overlayer_lowered:
.L_overlay_start_2:
0xcc: {  	(tag) =	ssettag $0x2  }
0xcd: {  	s0 =	rddreg [dreg:$0x0];
	s2 =	stileid.u32  }
0xce: {  	s1 =	rddreg [dreg:$0x1];
	p0 =	sne.s32 s2, $0x0  }
0xcf: {  	s3 =	rddreg [dreg:$0x2];
	[bflag:$0x3] =	sbarrier.arrive $0xFFFF;
	s2 =	simm.s32 @!p0 $0x1C02  }
0xd0: {  	[timem:s3], [sflag:s2] =	dma.local @!p0 [hbm:s0], s1  }
0xd1: {  	s0 =	simm.s32 @!p0 $0x2  }
0xd2: {  	_ =	swait.ge @!p0 [sflag:s0], s1  }
0xd3: {  	s1 =	ssub.s32 @!p0 $0x0, s1;
	[sflag:s0] =	ssyncset.done @!p0 $0x0  }
0xd4: {  	[sflag:s0] =	ssyncadd.s32 @!p0 s1  }
0xd5: {  	[bflag:$0x3] =	sbarrier.arrive $0xFFFF  }
0xd6: {  	_ =	shalt  }

// kernel: kernel.9.cloned.1.call-start
scs
__scs_entry_jumppad:
0x0: {  	(pc) =	sbr.rel $0x88, $3  }
0x1: {  	(tag) =	ssettag $0x0;
	lr =	simm.s32 $0x1  }
0x2: {  	[smem:$0x3F9A] =	sst lr;
	_ =	strace $0xD0000000  }
0x3: {  	_ = 	snop  }
0x4: {  	_ = 	snop  }
0x5: {  	_ = 	snop  }
0x6: {  	_ = 	snop  }
0x7: {  	_ = 	snop  }
__scs_overlays_trampoline_lowered:
0x8: {  	[smem:$0x3FA9] =	sst s0  }
0x9: {  	[smem:$0x3FAA] =	sst s1  }
0xa: {  	[smem:$0x3FAB] =	sst s2  }
0xb: {  	[smem:$0x3FAC] =	sst s3  }
0xc: {  	[smem:$0x3FAD] =	sst s4  }
0xd: {  	[smem:$0x3FAE] =	sst s5  }
0xe: {  	[smem:$0x3FAF] =	sst s6  }
0xf: {  	[smem:$0x3FB0] =	sst s7  }
0x10: {  	[smem:$0x3FB1] =	sst s8  }
0x11: {  	[smem:$0x3FB2] =	sst s9;
	s0 =	simm.s32 @!p0 $0x0  }
0x12: {  	s1 =	sld [smem:$0x3F98];
	s0 =	simm.s32 @p0 $0x1  }
0x13: {  	[smem:$0x3FB3] =	sst s0;
	s0 =	simm.s32 @!p1 $0x0  }
0x14: {  	s2 =	sld [smem:$0x3F97];
	s0 =	simm.s32 @p1 $0x1  }
0x15: {  	[smem:$0x3FB4] =	sst s0;
	s0 =	simm.s32 @!p2 $0x0  }
0x16: {  	s3 =	sld [smem:$0x3FDB];
	s0 =	simm.s32 @p2 $0x1  }
0x17: {  	s4 =	simm.s32 $0x1BF5;
	[smem:$0x3FB6] =	sst s0  }
0x18: {  	s0 =	sld [smem:$0x3F99];
	_ =	swait.ge [sflag:s4], $0x0  }
0x19: {  	s7 =	sld [smem:$0x3F9A]  }
0x1a: {  	s8 =	sadd.s32 $0xFFFFE003, lr  }
0x1b: {  	s9 =	sadd.s32 $0xFFFFFEF7, lr;
	s5 =	simm.s32 $0xFFFFFFFF;
	p2 =	slt.u32 s8, $0xFFFFF086  }
0x1c: {  	p1 =	slt.u32 s9, $0xF7A;
	s5 =	simm.s32 @!p2 $0x0  }
0x1d: {  	s5 =	simm.s32 @p1 $0x1;
	p0 =	seq.s32 s7, s2  }
0x1e: {  	s7 =	smul.u32 @!p0 $0xF7A, s2;
	p2 =	seq.s32 @!p0 s5, $0x0  }
0x1f: {  	s9 =	smul.u32 $0xF7A, s1;
	s8 =	simm.s32 @!p0 $0x1BF5;
	p2 =	por !p2, p0  }
0x20: {  	[sflag:s8] =	ssyncset.s32 @!p0 $0xFFFFF086;
	s6 =	sadd.s32 @!p0 s3, s7;
	s7 =	simm.s32 @!p0 $0x108  }
0x21: {  	s3 =	sadd.s32 s3, s9;
	s6 =	sadd.s32 @!p0 $0x88, s6;
	s7 =	simm.s32 @p2 $0x1082  }
0x22: {  	[simem:s7], [sflag:s8] =	dma.local @!p0 [hbm:s6], $0xF7A  }
0x23: {  	s9 =	sor.u32 $0xD0000000, s2;
	s6 =	simm.s32 $0x108;
	_ =	swait.ge @!p0 [sflag:s8], $0x0  }
0x24: {  	s3 =	sadd.s32 $0x88, s3;
	s6 =	simm.s32 @!p1 $0x1082;
	[sflag:s4] =	ssyncset.s32 $0xFFFFF086  }
0x25: {  	[simem:s6], [sflag:s4] =	dma.local [hbm:s3], $0xF7A  }
0x26: {  	[smem:$0x3F9A] =	sst s1;
	(tag) =	ssettag s2;
	_ =	strace s9  }
0x27: {  	s1 =	sld [smem:$0x3FAA]  }
0x28: {  	s2 =	sld [smem:$0x3FAB]  }
0x29: {  	s4 =	sld [smem:$0x3FAD]  }
0x2a: {  	p0 =	seq.s32 s5, $0x0;
	s5 =	sld [smem:$0x3FAE]  }
0x2b: {  	s6 =	sld [smem:$0x3FAF]  }
0x2c: {  	s7 =	sld [smem:$0x3FB0]  }
0x2d: {  	s3 =	simm.s32 $0x108;
	s8 =	sld [smem:$0x3FB1]  }
0x2e: {  	s3 =	simm.s32 @!p0 $0x1082;
	s9 =	sld [smem:$0x3FB2]  }
0x2f: {  	lr =	sadd.s32 s0, s3;
	s0 =	sld [smem:$0x3FA9]  }
0x30: {  	s3 =	sld [smem:$0x3FAC]  }
0x31: {  	[smem:$0x3FB5] =	sst s10  }
0x32: {  	s10 =	sld [smem:$0x3FB3];
	_ =	sdelay $0x3  }
0x33: {  	p0 =	seq.s32 s10, $0x1;
	s10 =	sld [smem:$0x3FB5];
	_ =	sdelay $0x3  }
0x34: {  	[smem:$0x3FB5] =	sst s10  }
0x35: {  	s10 =	sld [smem:$0x3FB4];
	_ =	sdelay $0x3  }
0x36: {  	p1 =	seq.s32 s10, $0x1;
	s10 =	sld [smem:$0x3FB5];
	_ =	sdelay $0x3  }
0x37: {  	[smem:$0x3FB5] =	sst s10  }
0x38: {  	s10 =	sld [smem:$0x3FB6]  }
0x39: {  	_ = 	snop;
	(pc) =	sbr.ind lr, $3  }
0x3a: {  	_ = 	snop  }
0x3b: {  	_ = 	snop  }
0x3c: {  	p2 =	seq.s32 s10, $0x1;
	s10 =	sld [smem:$0x3FB5]  }
0x3d: {  	_ =	shalt  }
0x3e: {  	_ =	shalt  }
0x3f: {  	_ =	shalt  }
0x40: {  	_ =	shalt  }
0x41: {  	_ =	shalt  }
0x42: {  	_ =	shalt  }
0x43: {  	_ =	shalt  }
0x44: {  	_ =	shalt  }
0x45: {  	_ =	shalt  }
0x46: {  	_ =	shalt  }
0x47: {  	_ =	shalt  }
0x48: {  	_ =	shalt  }
0x49: {  	_ =	shalt  }
0x4a: {  	_ =	shalt  }
0x4b: {  	_ =	shalt  }
0x4c: {  	_ =	shalt  }
0x4d: {  	_ =	shalt  }
0x4e: {  	_ =	shalt  }
0x4f: {  	_ =	shalt  }
0x50: {  	_ =	shalt  }
0x51: {  	_ =	shalt  }
0x52: {  	_ =	shalt  }
0x53: {  	_ =	shalt  }
0x54: {  	_ =	shalt  }
0x55: {  	_ =	shalt  }
0x56: {  	_ =	shalt  }
0x57: {  	_ =	shalt  }
0x58: {  	_ =	shalt  }
0x59: {  	_ =	shalt  }
0x5a: {  	_ =	shalt  }
0x5b: {  	_ =	shalt  }
0x5c: {  	_ =	shalt  }
0x5d: {  	_ =	shalt  }
0x5e: {  	_ =	shalt  }
0x5f: {  	_ =	shalt  }
0x60: {  	_ =	shalt  }
0x61: {  	_ =	shalt  }
0x62: {  	_ =	shalt  }
0x63: {  	_ =	shalt  }
0x64: {  	_ =	shalt  }
0x65: {  	_ =	shalt  }
0x66: {  	_ =	shalt  }
0x67: {  	_ =	shalt  }
0x68: {  	_ =	shalt  }
0x69: {  	_ =	shalt  }
0x6a: {  	_ =	shalt  }
0x6b: {  	_ =	shalt  }
0x6c: {  	_ =	shalt  }
0x6d: {  	_ =	shalt  }
0x6e: {  	_ =	shalt  }
0x6f: {  	_ =	shalt  }
0x70: {  	_ =	shalt  }
0x71: {  	_ =	shalt  }
0x72: {  	_ =	shalt  }
0x73: {  	_ =	shalt  }
0x74: {  	_ =	shalt  }
0x75: {  	_ =	shalt  }
0x76: {  	_ =	shalt  }
0x77: {  	_ =	shalt  }
0x78: {  	_ =	shalt  }
0x79: {  	_ =	shalt  }
0x7a: {  	_ =	shalt  }
0x7b: {  	_ =	shalt  }
0x7c: {  	_ =	shalt  }
0x7d: {  	_ =	shalt  }
0x7e: {  	_ =	shalt  }
0x7f: {  	_ =	shalt  }
0x80: {  	_ =	shalt  }
0x81: {  	_ =	shalt  }
0x82: {  	_ =	shalt  }
0x83: {  	_ =	shalt  }
0x84: {  	_ =	shalt  }
0x85: {  	_ =	shalt  }
0x86: {  	_ =	shalt  }
0x87: {  	_ =	shalt  }
.Lfunc_end0:
.L_simem_size_0:
called_computation_lowered:
.L_overlay_start_0:
0x88: {  	s2 =	sld [smem:$0x3FD9]  }
0x89: {  	s3 =	sld [smem:$0x3FFE];
	_ =	sdelay $0x1  }
0x8a: {  	s1 =	srdreg.scid  }
0x8b: {  	s0 =	sand.u32 $0x1, s1  }
0x8c: {  	s16 =	sshll.u32 s0, $0xA;
	s2 =	sadd.s32 s3, s2  }
0x8d: {  	s2 =	sadd.s32 s2, s16  }
0x8e: {  	[smem:$0x3FC1] =	sst s2  }
0x8f: {  	_ = 	snop  }
0x90: {  	(tm) =	ssettm $0x1  }
0x91: {  	s17 =	sld [smem:$0x3FFB];
	_ =	sdelay $0x3  }
0x92: {  	_ =	strace s17  }
0x93: {  	s2 =	sld [smem:$0x3FFC];
	_ =	sdelay $0x3  }
0x94: {  	_ =	strace s2  }
0x95: {  	s2 =	sld [smem:$0x3FFD];
	_ =	sdelay $0x3  }
0x96: {  	_ =	strace s2  }
0x97: {  	_ =	strace $0x8FFFFFFF  }
0x98: {  	s18 =	sld [smem:$0x3FDB];
	_ =	sdelay $0x1  }
0x99: {  	s19 =	simm.s32 $_scs_section_size  }
0x9a: {  	s4 =	simm.s32 $_size__tile_overlayer_lowered;
	s5 =	simm.s32 $_tile_overlayer_lowered  }
0x9b: {  	s22 =	simm.s32 $0x1BFF;
	s21 =	sshll.u32 s5, $0x1;
	s2 =	sadd.s32 s19, s18  }
0x9c: {  	s6 =	simm.s32 $0x0;
	s20 =	sshll.u32 s4, $0x1;
	s4 =	sadd.s32 s21, s2  }
0x9d: {  	[timem:s6], [sflag:s22] =	dma.local [hbm:s4], s20  }
0x9e: {  	_ =	swait.ge [sflag:s22], s20  }
0x9f: {  	s3 =	ssub.s32 $0x0, s20;
	[sflag:s22] =	ssyncset.done $0x0  }
0xa0: {  	[sflag:s22] =	ssyncadd.s32 s3;
	_ =	sdelay $0x1  }
0xa1: {  	s23 =	simm.s32 $0x1B8B  }
0xa2: {  	_ =	swait.ge [sflag:s23], $0x1  }
0xa3: {  	[sflag:s23] =	ssyncset.done $0x0  }
0xa4: {  	s25 =	simm.s32 $0x1B8E;
	s24 =	sld [smem:$0x3FFE];
	[sflag:s23] =	ssyncadd.s32 $0xFFFFFFFF  }
0xa5: {  	s26 =	simm.s32 $execute0_lowered;
	[smem:$0x3FD2] =	sst s25  }
0xa6: {  	s4 =	sshll.u32 s26, $0x1;
	_ =	strace $0x80000046;
	[dreg:$0x1] =	wrdreg $0xFFFFFFFF  }
0xa7: {  	s28 =	simm.s32 $_size_execute0_lowered;
	s2 =	sadd.s32 s2, s4;
	[dreg:$0x0] =	wrdreg $0x0  }
0xa8: {  	s4 =	sshll.u32 s28, $0x1;
	[dreg:$0x2] =	wrdreg s2  }
0xa9: {  	[dreg:$0x3] =	wrdreg s4  }
0xaa: {  	[dreg:$0x4] =	wrdreg $0xC0  }
0xab: {  	_ =	task [dreg:s6], $0x5FFFF  }
0xac: {  	[dreg:$0x1] =	wrdreg $0xFFFFFFFF  }
0xad: {  	[dreg:$0x0] =	wrdreg $0x60  }
0xae: {  	[dreg:$0x2] =	wrdreg s24  }
0xaf: {  	[dreg:$0x3] =	wrdreg $0x81000  }
0xb0: {  	[dreg:$0x4] =	wrdreg $0x9  }
0xb1: {  	_ =	task.clear_ibuf [dreg:s6], $0x5FFFF;
	_ =	strace $0x90000046  }
0xb2: {  	s29 =	simm.s32 $0x9;
	_ =	strace $0x80000048  }
0xb3: {  	_ =	swait.ge [sflag:s29], $0x1  }
0xb4: {  	[sflag:s29] =	ssyncadd.s32 $0xFFFFFFFF  }
0xb5: {  	_ =	strace $0x90000048  }
0xb6: {  	_ =	sfence  }
0xb7: {  	s30 =	sld [smem:$0x0];
	_ =	sdelay $0x2  }
0xb8: {  	s31 =	sshll.u32 s1, $0xD;
	s1 =	sshrl.u32 s1, $0x2  }
0xb9: {  	s3 =	sand.u32 $0x4000, s31;
	s1 =	sadd.s32 s1, s30  }
0xba: {  	s0 =	sor.u32 s3, s0;
	s1 =	sshll.u32 s1, $0x11  }
0xbb: {  	s0 =	sor.u32 s1, s0  }
0xbc: {  	s0 =	sadd.s32 $0x8F2B, s0  }
0xbd: {  	[sflag:s0] =	ssyncadd.remote.s32 $0x1  }
0xbe: {  	_ =	sfence.sel $0xFFFF  }
0xbf: {  	[dreg:$0x0] =	wrdreg $0xFFFFFFFF;
	(pc) =	sbr.abs _section_cstart, $3  }
0xc0: {  	[dreg:$0x1] =	wrdreg $0xFFFFFFFF  }
0xc1: {  	_ =	task.clear_ibuf [dreg:s6], $0x2FFFF;
	_ =	strace $0x9FFFFFFF  }
0xc2: {  	(tm) =	ssettm $0x7FFFFFFF  }
0xc3: {  	_ =	shalt  }
tec
execute0_lowered:
.L_overlay_start_1:
0x0: {  	(tag) =	ssettag $0x1  }
0x1: {  	s7 =	rddreg [dreg:$0x0]  }
0x2: {  	s2 =	rddreg [dreg:$0x1]  }
0x3: {  	s0 =	rddreg [dreg:$0x2];
	s1 =	stileid.u32  }
0x4: {  	s3 =	simm.s32 $0x0;
	s4 =	srdreg.scid;
	s8 =	smul.u32 $0x280, s1  }
0x5: {  	[smem:$0x7FF] =	sst s3;
	s6 =	smul.u32 $0x50000, s1  }
0x6: {  	s17 =	sand.u32 $0x1, s4;
	s4 =	sadd.s32 $0xD000, s7;
	s10 =	smul.u32 $0x14000, s1  }
0x7: {  	s15 =	sadd.s32 $0x17000, s7;
	s14 =	smul.u32 $0x2800, s1;
	s19 =	sadd.s32 $0x3F000, s7  }
0x8: {  	_ =	strace $0x80000047;
	s5 =	ssub.s32 $0x2, s17;
	p0 =	seq.s32 s17, $0x0  }
0x9: {  	s9 =	sshrl.u32 s5, $0x1;
	s22 =	sshrl.u32 s6, $0x2;
	s23 =	sshrl.u32 s10, $0x3  }
0xa: {  	s24 =	sadd.s32 $0x80, s8;
	s26 =	sadd.s32 $0x100, s8;
	s29 =	sadd.s32 $0x180, s8  }
0xb: {  	s12 =	sadd.s32 $0x200, s8;
	s19 =	smov.u32 @p0 s15;
	s11 =	ssub.s32 s5, s9  }
0xc: {  	s5 =	sadd.s32 s22, s2;
	s16 =	sadd.s32 $0x28000, s23;
	s25 =	sshll.u32 s24, $0x7  }
0xd: {  	s18 =	sshll.u32 s24, $0x4;
	s28 =	sshll.u32 s26, $0x7;
	s20 =	sshll.u32 s26, $0x4  }
0xe: {  	s30 =	sshll.u32 s29, $0x7;
	s31 =	sshll.u32 s12, $0x7;
	s23 =	smul.u32 $0x5000, s1  }
0xf: {  	s21 =	sshll.u32 s29, $0x4;
	s22 =	sshll.u32 s12, $0x4;
	s24 =	smul.u32 $0x2800, s17  }
0x10: {  	s6 =	sadd.s32 s25, s2;
	s7 =	sadd.s32 s28, s2;
	s8 =	sadd.s32 s30, s2  }
0x11: {  	s9 =	sadd.s32 s31, s2;
	s10 =	smax.u32 s11, $0x1;
	s11 =	sadd.s32 $0x4000, s5  }
0x12: {  	s12 =	sadd.s32 $0x8000, s5;
	s13 =	sadd.s32 $0xC000, s5;
	s16 =	smov.u32 @p0 s14  }
0x13: {  	s14 =	sadd.s32 $0x10000, s5;
	s17 =	sadd.s32 s19, s20;
	s25 =	simm.s32 $0x0  }
0x14: {  	s15 =	sadd.s32 s15, s16;
	s16 =	sadd.s32 s19, s18;
	s18 =	sadd.s32 s19, s21  }
0x15: {  	vm0 =	vcmask $0x300;
	v0 =	vimm.f32 $0.0e+00;
	s19 =	sadd.s32 s19, s22;
	s20 =	sadd.s32 s24, s23;
	s21 =	simm.s32 $0x4100  }
0x16: {  	v1 =	vsel vm0, $0x3F800000, v0;
	s22 =	simm.s32 $0x1;
	s23 =	simm.s32 $0x80;
	s24 =	simm.s32 $0x100  }
.LBB2_1:
0x17: {  	s26 =	simm.s32 $0x200;
	s28 =	simm.s32 $0x0  }
.LBB2_2:
0x18: {  	p0 =	sne.s32 s26, $0xFE00;
	[tilespmem:s28+$0x100] =	vst v1;
	s29 =	smov.u32 s26;
	s26 =	sadd.s32 $0x200, s26  }
.Ltmp0:
0x19: {  	[tilespmem:s28+$0x4100] =	vst v0;
	(pc) =	sbr.rel @p0 .LBB2_2-.Ltmp0, $2  }
0x1a: {  	_ =	sdelay $0x2  }
0x1b: {  	s28 =	sshra.s32 s29, $0x2  }
0x1c: {  	[tilespmem:s28+$0x100] =	vst v1  }
0x1d: {  	[tilespmem:s28+$0x4100] =	vst v0  }
0x1e: {  	[spmem:s5] =	stream.linear.scatter [tilespmem:s21], [sflag:$0x1], $0x4000, $0x38;
	[tilespmem:$0xA900] =	vst v63  }
0x1f: {  	_ =	swait.ge [sflag:s22], $0x4000  }
0x20: {  	[sflag:s22] =	ssyncset.done $0x0  }
0x21: {  	[sflag:s22] =	ssyncadd.s32 $0xFFFFC000  }
0x22: {  	[spmem:s11] =	stream.linear.scatter [tilespmem:s21], [sflag:$0x1], $0x4000, $0x38;
	[tilespmem:$0xA900] =	vst v63  }
0x23: {  	_ =	swait.ge [sflag:s22], $0x4000  }
0x24: {  	[sflag:s22] =	ssyncset.done $0x0  }
0x25: {  	[sflag:s22] =	ssyncadd.s32 $0xFFFFC000  }
0x26: {  	[spmem:s12] =	stream.linear.scatter [tilespmem:s21], [sflag:$0x1], $0x4000, $0x38;
	[tilespmem:$0xA900] =	vst v63  }
0x27: {  	_ =	swait.ge [sflag:s22], $0x4000  }
0x28: {  	[sflag:s22] =	ssyncset.done $0x0  }
0x29: {  	[sflag:s22] =	ssyncadd.s32 $0xFFFFC000  }
0x2a: {  	[spmem:s13] =	stream.linear.scatter [tilespmem:s21], [sflag:$0x1], $0x4000, $0x38;
	[tilespmem:$0xA900] =	vst v63  }
0x2b: {  	_ =	swait.ge [sflag:s22], $0x4000  }
0x2c: {  	[sflag:s22] =	ssyncset.done $0x0  }
0x2d: {  	s26 =	simm.s32 $0x0;
	s28 =	sadd.s32 $0x0, s20;
	[sflag:s22] =	ssyncadd.s32 $0xFFFFC000  }
0x2e: {  	[spmem:s14] =	stream.linear.scatter [tilespmem:s21], [sflag:$0x1], $0x4000, $0x38;
	[tilespmem:$0xA900] =	vst v63  }
0x2f: {  	s28 =	sand.u32 $0xFFC00, s28;
	s26 =	sand.u32 $0x300, s26;
	_ =	swait.ge [sflag:s22], $0x4000  }
0x30: {  	s26 =	sor.u32 s26, s28;
	[sflag:s22] =	ssyncset.done $0x0  }
0x31: {  	s26 =	sshrl.u32 s26, $0x3;
	[sflag:s22] =	ssyncadd.s32 $0xFFFFC000  }
0x32: {  	s26 =	sadd.s32 s4, s26;
	[bflag:$0x0] =	sbarrier.arrive $0xFFFF  }
0x33: {  	[tilespmem:s3], [sflag:$0x1] =	stream.linear.gather [hbm4b:s26+s3], $0x100, $0x38;
	[tilespmem:$0xA900] =	vst v63  }
0x34: {  	_ =	swait.ge [sflag:s22], $0x100  }
0x35: {  	[sflag:s22] =	ssyncset.done $0x0  }
0x36: {  	[sflag:s22] =	ssyncadd.s32 $0xFFFFFF00  }
0x37: {  	[spmem:s2] =	stream.indirect.scatter.add.f32 [tilespmem:s24], [sflag:$0x1], $0x10, s3, s23, $0xb8;
	[tilespmem:$0xA900] =	vst v63  }
0x38: {  	_ =	swait.ge [sflag:s22], $0x800  }
0x39: {  	[sflag:s22] =	ssyncset.done $0x0  }
0x3a: {  	s31 =	simm.s32 $0x100;
	s28 =	sadd.s32 $0x100, s20;
	[sflag:s22] =	ssyncadd.s32 $0xFFFFF800  }
0x3b: {  	[spmem:s2] =	stream.indirect.scatter.add.f32 [tilespmem:s24], [sflag:$0x1], $0x10, s23, s23, $0xb8;
	[tilespmem:$0xA900] =	vst v63  }
0x3c: {  	s29 =	sand.u32 $0x300, s31;
	s28 =	sand.u32 $0xFFC00, s28;
	_ =	swait.ge [sflag:s22], $0x800  }
0x3d: {  	s28 =	sor.u32 s29, s28;
	s26 =	simm.s32 $0x200;
	[sflag:s22] =	ssyncset.done $0x0  }
.LBB2_4:
0x3e: {  	s28 =	sshrl.u32 s28, $0x3  }
0x3f: {  	[sflag:s22] =	ssyncadd.s32 $0xFFFFF800;
	s29 =	smov.u32 s26;
	s30 =	sadd.s32 $0x100, s26  }
0x40: {  	p0 =	sne.s32 s26, $0x2700;
	s26 =	sadd.s32 s4, s28  }
0x41: {  	[tilespmem:s3], [sflag:$0x1] =	stream.linear.gather [hbm4b:s26+s3], $0x100, $0x38;
	[tilespmem:$0xA900] =	vst v63  }
0x42: {  	_ =	swait.ge [sflag:s22], $0x100  }
0x43: {  	[sflag:s22] =	ssyncset.done $0x0  }
0x44: {  	[sflag:s22] =	ssyncadd.s32 $0xFFFFFF00  }
0x45: {  	[spmem:s2] =	stream.indirect.scatter.add.f32 [tilespmem:s24], [sflag:$0x1], $0x10, s3, s23, $0xb8;
	[tilespmem:$0xA900] =	vst v63  }
0x46: {  	_ =	swait.ge [sflag:s22], $0x800  }
.Ltmp1:
0x47: {  	[sflag:s22] =	ssyncset.done $0x0;
	(pc) =	sbr.rel @p0 .LBB2_4-.Ltmp1, $4  }
0x48: {  	s26 =	sadd.s32 s29, s20;
	[sflag:s22] =	ssyncadd.s32 $0xFFFFF800  }
0x49: {  	[spmem:s2] =	stream.indirect.scatter.add.f32 [tilespmem:s24], [sflag:$0x1], $0x10, s23, s23, $0xb8;
	[tilespmem:$0xA900] =	vst v63  }
0x4a: {  	s28 =	sand.u32 $0x300, s29;
	s26 =	sand.u32 $0xFFC00, s26;
	_ =	swait.ge [sflag:s22], $0x800  }
0x4b: {  	s28 =	sor.u32 s28, s26;
	s26 =	smov.u32 s30;
	[sflag:s22] =	ssyncset.done $0x0  }
0x4c: {  	s26 =	sshrl.u32 s28, $0x3  }
0x4d: {  	[sflag:s22] =	ssyncadd.s32 $0xFFFFF800;
	s26 =	sadd.s32 s4, s26  }
0x4e: {  	[tilespmem:s3], [sflag:$0x1] =	stream.linear.gather [hbm4b:s26+s3], $0x100, $0x38;
	[tilespmem:$0xA900] =	vst v63  }
0x4f: {  	_ =	swait.ge [sflag:s22], $0x100  }
0x50: {  	[sflag:s22] =	ssyncset.done $0x0  }
0x51: {  	[sflag:s22] =	ssyncadd.s32 $0xFFFFFF00  }
0x52: {  	[spmem:s2] =	stream.indirect.scatter.add.f32 [tilespmem:s24], [sflag:$0x1], $0x10, s3, s23, $0xb8;
	[tilespmem:$0xA900] =	vst v63  }
0x53: {  	_ =	swait.ge [sflag:s22], $0x800  }
0x54: {  	[sflag:s22] =	ssyncset.done $0x0  }
0x55: {  	[sflag:s22] =	ssyncadd.s32 $0xFFFFF800  }
0x56: {  	[spmem:s2] =	stream.indirect.scatter.add.f32 [tilespmem:s24], [sflag:$0x1], $0x10, s23, s23, $0xb8;
	[tilespmem:$0xA900] =	vst v63  }
0x57: {  	_ =	swait.ge [sflag:s22], $0x800  }
0x58: {  	[sflag:s22] =	ssyncset.done $0x0  }
0x59: {  	[sflag:s22] =	ssyncadd.s32 $0xFFFFF800  }
0x5a: {  	[bflag:$0x0] =	sbarrier.arrive $0xFFFF  }
0x5b: {  	[tilespmem:s21], [sflag:$0x1] =	stream.linear.gather [spmem:s5], $0x4000, $0x38;
	[tilespmem:$0xA900] =	vst v63  }
0x5c: {  	_ =	swait.ge [sflag:s22], $0x4000  }
0x5d: {  	[sflag:s22] =	ssyncset.done $0x0  }
0x5e: {  	[sflag:s22] =	ssyncadd.s32 $0xFFFFC000  }
0x5f: {  	[hbm4b:s15+s3] =	stream.linear.scatter [tilespmem:s21], [sflag:$0x1], $0x4000, $0x38;
	[tilespmem:$0xA900] =	vst v63  }
0x60: {  	_ =	swait.ge [sflag:s22], $0x4000  }
0x61: {  	[sflag:s22] =	ssyncset.done $0x0  }
0x62: {  	[sflag:s22] =	ssyncadd.s32 $0xFFFFC000  }
0x63: {  	[tilespmem:s21], [sflag:$0x1] =	stream.linear.gather [spmem:s6], $0x4000, $0x38;
	[tilespmem:$0xA900] =	vst v63  }
0x64: {  	_ =	swait.ge [sflag:s22], $0x4000  }
0x65: {  	[sflag:s22] =	ssyncset.done $0x0  }
0x66: {  	[sflag:s22] =	ssyncadd.s32 $0xFFFFC000  }
0x67: {  	[hbm4b:s16+s3] =	stream.linear.scatter [tilespmem:s21], [sflag:$0x1], $0x4000, $0x38;
	[tilespmem:$0xA900] =	vst v63  }
0x68: {  	_ =	swait.ge [sflag:s22], $0x4000  }
0x69: {  	[sflag:s22] =	ssyncset.done $0x0  }
0x6a: {  	[sflag:s22] =	ssyncadd.s32 $0xFFFFC000  }
0x6b: {  	[tilespmem:s21], [sflag:$0x1] =	stream.linear.gather [spmem:s7], $0x4000, $0x38;
	[tilespmem:$0xA900] =	vst v63  }
0x6c: {  	_ =	swait.ge [sflag:s22], $0x4000  }
0x6d: {  	[sflag:s22] =	ssyncset.done $0x0  }
0x6e: {  	[sflag:s22] =	ssyncadd.s32 $0xFFFFC000  }
0x6f: {  	[hbm4b:s17+s3] =	stream.linear.scatter [tilespmem:s21], [sflag:$0x1], $0x4000, $0x38;
	[tilespmem:$0xA900] =	vst v63  }
0x70: {  	_ =	swait.ge [sflag:s22], $0x4000  }
0x71: {  	[sflag:s22] =	ssyncset.done $0x0  }
0x72: {  	[sflag:s22] =	ssyncadd.s32 $0xFFFFC000  }
0x73: {  	[tilespmem:s21], [sflag:$0x1] =	stream.linear.gather [spmem:s8], $0x4000, $0x38;
	[tilespmem:$0xA900] =	vst v63  }
0x74: {  	_ =	swait.ge [sflag:s22], $0x4000  }
0x75: {  	[sflag:s22] =	ssyncset.done $0x0  }
0x76: {  	[sflag:s22] =	ssyncadd.s32 $0xFFFFC000  }
0x77: {  	[hbm4b:s18+s3] =	stream.linear.scatter [tilespmem:s21], [sflag:$0x1], $0x4000, $0x38;
	[tilespmem:$0xA900] =	vst v63  }
0x78: {  	_ =	swait.ge [sflag:s22], $0x4000  }
0x79: {  	[sflag:s22] =	ssyncset.done $0x0  }
0x7a: {  	[sflag:s22] =	ssyncadd.s32 $0xFFFFC000  }
0x7b: {  	[tilespmem:s21], [sflag:$0x1] =	stream.linear.gather [spmem:s9], $0x4000, $0x38;
	[tilespmem:$0xA900] =	vst v63  }
0x7c: {  	s25 =	sadd.s32 $0x1, s25;
	_ =	swait.ge [sflag:s22], $0x4000  }
0x7d: {  	p0 =	sne.s32 s25, s10;
	[sflag:s22] =	ssyncset.done $0x0  }
.Ltmp2:
0x7e: {  	[sflag:s22] =	ssyncadd.s32 $0xFFFFC000;
	(pc) =	sbr.rel @p0 .LBB2_1-.Ltmp2, $4  }
0x7f: {  	[hbm4b:s19+s3] =	stream.linear.scatter [tilespmem:s21], [sflag:$0x1], $0x4000, $0x38;
	[tilespmem:$0xA900] =	vst v63  }
0x80: {  	_ =	swait.ge [sflag:s22], $0x4000  }
0x81: {  	[sflag:s22] =	ssyncset.done $0x0  }
0x82: {  	[sflag:s22] =	ssyncadd.s32 $0xFFFFC000  }
0x83: {  	_ =	sfence.sel $0x180000  }
0x84: {  	[bflag:$0x0] =	sbarrier.arrive $0xFFFF  }
0x85: {  	p0 =	sne.s32 s1, $0x0;
	_ =	strace $0x90000047  }
0x86: {  	s0 =	sadd.s32 @!p0 $0x100000, s0;
	[bflag:$0x2] =	sbarrier.arrive $0xFFFF  }
0x87: {  	[sflag:s0] =	ssyncadd.tile.s32 @!p0 $0x1;
	_ =	shalt  }
.Lfunc_end2:
_tile_overlayer_lowered:
.L_overlay_start_2:
0x88: {  	(tag) =	ssettag $0x2  }
0x89: {  	s0 =	rddreg [dreg:$0x0];
	s2 =	stileid.u32  }
0x8a: {  	s1 =	rddreg [dreg:$0x1];
	p0 =	sne.s32 s2, $0x0  }
0x8b: {  	s3 =	rddreg [dreg:$0x2];
	[bflag:$0x3] =	sbarrier.arrive $0xFFFF;
	s2 =	simm.s32 @!p0 $0x1C01  }
0x8c: {  	[timem:s3], [sflag:s2] =	dma.local @!p0 [hbm:s0], s1  }
0x8d: {  	s0 =	simm.s32 @!p0 $0x1  }
0x8e: {  	_ =	swait.ge @!p0 [sflag:s0], s1  }
0x8f: {  	s1 =	ssub.s32 @!p0 $0x0, s1;
	[sflag:s0] =	ssyncset.done @!p0 $0x0  }
0x90: {  	[sflag:s0] =	ssyncadd.s32 @!p0 s1  }
0x91: {  	[bflag:$0x3] =	sbarrier.arrive $0xFFFF  }
0x92: {  	_ =	shalt  }

</sc_bundles>
